<compile_context>
chip_gen: v7x
topology: tpu7x:2x2x1
jax: 0.10.2.dev20260603
libtpu: 0.0.44.dev20260713+nightly
codegen_flags: <defaults>
</compile_context>

<pallas_src>
import jax
import jax.numpy as jnp
from jax import lax
from jax.experimental import pallas as pl
from jax.experimental.pallas import tpu as pltpu
from jax.experimental.pallas import tpu_sc as plsc

H = 16
NB = 33
S = 2048
L = 16
NC = 2
NS = 16
NW = NC * NS
ROWS_PER_W = H * S // NW
UREV = 2 * S
BLK = 8
NBLK = ROWS_PER_W // BLK
PAINT_CH = (2 * BLK + 32) // L + 2
SPLIT = 1


def _rpb_body(table_hbm, out_hbm, table_v, u0, u1, u2, u3, u4, u5, u6, u7,
              stg0, stg1, sem0, sem1):
    urevs = (u0, u1, u2, u3, u4, u5, u6, u7)
    stgs = (stg0, stg1)
    sems = (sem0, sem1)
    cid = lax.axis_index("c")
    sid = lax.axis_index("s")
    wid = sid * NC + cid
    h = wid // 2
    half = wid % 2
    row0 = half * ROWS_PER_W

    pltpu.sync_copy(table_hbm.at[pl.ds(h * NB * L, NB * L)], table_v)
    wv = [table_v[pl.ds(b * L, L)] for b in range(NB)]

    def fill_lo(k, carry):
        for s in range(8):
            urevs[s][pl.ds(k * L, L)] = wv[NB - 1]
        return carry

    lax.fori_loop(0, 125, fill_lo, 0)

    def fill_hi(k, carry):
        for s in range(8):
            urevs[s][pl.ds(k * L, L)] = wv[0]
        return carry

    lax.fori_loop(128, UREV // L, fill_hi, 0)

    lane = lax.iota(jnp.int32, L)
    for k in (125, 126, 127):
        for s in range(8):
            t = k * L + lane
            d = jnp.clip((S - 1) - s - t, 0, NB - 1)
            v = wv[NB - 1]
            for b in range(NB - 1):
                v = jnp.where(d == b, wv[b], v)
            urevs[s][pl.ds(k * L, L)] = v

    s_of = [(7 - r8) % 8 for r8 in range(BLK)]

    def paint_chunk(par, r8, i_t, col):
        stgs[par][r8, pl.ds(col, L)] = urevs[s_of[r8]][
            pl.ds(2040 - i_t + col, L)
        ]

    def paint_full(par, i_t):
        def body(c, carry):
            for r8 in range(BLK):
                paint_chunk(par, r8, i_t, c * L)
            return carry

        lax.fori_loop(0, S // L, body, 0)

    CW = S // SPLIT

    def fire(par, i_t):
        for p in range(SPLIT):
            pltpu.async_copy(
                stgs[par].at[:, pl.ds(p * CW, CW)],
                out_hbm.at[0, h, pl.ds(i_t, BLK), pl.ds(p * CW, CW)],
                sems[par],
            )

    def wait(par):
        for p in range(SPLIT):
            pltpu.make_async_copy(
                stgs[par].at[:, pl.ds(p * CW, CW)],
                out_hbm.at[0, h, pl.ds(row0, BLK), pl.ds(p * CW, CW)],
                sems[par],
            ).wait()

    paint_full(0, row0)
    fire(0, row0)
    paint_full(1, row0 + BLK)
    fire(1, row0 + BLK)

    def pair(bp, carry):
        for par in range(2):
            b = 2 * bp + par
            i_t = row0 + BLK * b
            wait(par)
            for r8 in range(BLK):
                i_r = i_t + r8
                c0 = jnp.clip((i_r - (2 * BLK + 32)) // L, 0,
                              (S - PAINT_CH * L) // L)
                for cc in range(PAINT_CH):
                    paint_chunk(par, r8, i_t, (c0 + cc) * L)
            fire(par, i_t)
        return carry

    lax.fori_loop(1, NBLK // 2, pair, 0)

    wait(0)
    wait(1)


@jax.jit
def _rpb(table):
    mesh = plsc.VectorSubcoreMesh(core_axis_name="c", subcore_axis_name="s")
    out = pl.kernel(
        _rpb_body,
        mesh=mesh,
        out_type=jax.ShapeDtypeStruct((1, H, S, S), jnp.float32),
        scratch_types=[
            pltpu.VMEM((NB * L,), jnp.float32),
            *[pltpu.VMEM((UREV,), jnp.float32) for _ in range(8)],
            pltpu.VMEM((BLK, S), jnp.float32),
            pltpu.VMEM((BLK, S), jnp.float32),
            pltpu.SemaphoreType.DMA,
            pltpu.SemaphoreType.DMA,
        ],
    )(jnp.broadcast_to(table.T[:, :, None], (H, NB, L)).reshape(H * NB * L))
    return out


def kernel(seq_len, table):
    del seq_len
    return _rpb(table.astype(jnp.float32))

# --- scband reference (transcript-rebuilt; emitter-appended) ---
"""Pipeline reference for scband-relative-position-bias-67233418051605 (READ-ONLY COPY).

The authoritative reference and input builder live on the scoring server;
editing this copy changes nothing except your own understanding.
"""

import jax, jax.numpy as jnp
import numpy as np

NUM_HEADS = 16
MAX_DISTANCE = 32
NUM_BUCKETS = MAX_DISTANCE + 1  # unidirectional
SEQ_LEN = 2048


def setup_inputs(seed: int = 0) -> dict:
    key = jax.random.key(seed)
    table = jax.random.normal(key, (NUM_BUCKETS, NUM_HEADS), dtype=jnp.float32) * 0.02
    return {"seq_len": 2048, "table": table}


def reference(seq_len, table):
    positions = jnp.arange(SEQ_LEN) + (seq_len - SEQ_LEN)
    context_position = positions[:, None]
    memory_position = positions[None, :]
    relative_position = memory_position - context_position
    # unidirectional bucket: n = -relative_position, clamp to [0, num_buckets-1]
    n = -relative_position
    n = jnp.maximum(n, jnp.zeros_like(n))
    rp_bucket = jnp.clip(n, 0, NUM_BUCKETS - 1)
    values = jnp.take(table, rp_bucket, axis=0)  # (S, S, H)
    values = jnp.transpose(values, (2, 0, 1))[None, ...]  # (1, H, S, S)
    return values

if __name__ == "__main__":
    import jax
    _d = setup_inputs()
    print(jax.jit(kernel)(*tuple(_d.values())))

</pallas_src>

<mosaic_0001>
#map = affine_map<(d0, d1) -> (0)>
#map1 = affine_map<(d0, d1) -> (0, 0, 0, 0)>
module attributes {stable_mosaic.version = 14 : i64} {
  func.func @_rpb_body(%arg0: i32, %arg1: i32, %arg2: memref<8448xf32, #tpu.memory_space<hbm>>, %arg3: memref<1x16x2048x2048xf32, #tpu.memory_space<hbm>>, %arg4: memref<528xf32, #tpu.memory_space<vmem>>, %arg5: memref<4096xf32, #tpu.memory_space<vmem>>, %arg6: memref<4096xf32, #tpu.memory_space<vmem>>, %arg7: memref<4096xf32, #tpu.memory_space<vmem>>, %arg8: memref<4096xf32, #tpu.memory_space<vmem>>, %arg9: memref<4096xf32, #tpu.memory_space<vmem>>, %arg10: memref<4096xf32, #tpu.memory_space<vmem>>, %arg11: memref<4096xf32, #tpu.memory_space<vmem>>, %arg12: memref<4096xf32, #tpu.memory_space<vmem>>, %arg13: memref<8x2048xf32, #tpu.memory_space<vmem>>, %arg14: memref<8x2048xf32, #tpu.memory_space<vmem>>, %arg15: memref<!tpu.dma_semaphore, #tpu.memory_space<semaphore_mem>>, %arg16: memref<!tpu.dma_semaphore, #tpu.memory_space<semaphore_mem>>) attributes {dimension_semantics = [#tpu.dimension_semantics<core_parallel>, #tpu.dimension_semantics<subcore_parallel>], iteration_bounds = array<i64: 2, 16>, scalar_prefetch = 0 : i64, scratch_operands = 13 : i64, tpu.core_type = #tpu.core_type<sc_vector_subcore>, window_params = [{transform_indices = #map}, {transform_indices = #map1}]} {
    %mul3A = arith.constant 2 : i32
    %mul3A_0 = arith.muli %arg1, %mul3A : i32
    %add3A = arith.addi %mul3A_0, %arg0 : i32
    %jit3A = arith.constant 2 : i32
    %div3A = arith.divsi %add3A, %jit3A : i32
    %sign3A = arith.constant 0 : i32
    %sign3A_1 = arith.cmpi sgt, %add3A, %sign3A : i32
    %sign3A_2 = arith.extui %sign3A_1 : i1 to i32
    %sign3A_3 = arith.constant 0 : i32
    %sign3A_4 = arith.cmpi slt, %add3A, %sign3A_3 : i32
    %sign3A_5 = arith.extui %sign3A_4 : i1 to i32
    %sign3A_6 = arith.subi %sign3A_2, %sign3A_5 : i32
    %sign3A_7 = arith.constant 0 : i32
    %sign3A_8 = arith.cmpi sgt, %jit3A, %sign3A_7 : i32
    %sign3A_9 = arith.extui %sign3A_8 : i1 to i32
    %sign3A_10 = arith.constant 0 : i32
    %sign3A_11 = arith.cmpi slt, %jit3A, %sign3A_10 : i32
    %sign3A_12 = arith.extui %sign3A_11 : i1 to i32
    %sign3A_13 = arith.subi %sign3A_9, %sign3A_12 : i32
    %ne3A = arith.cmpi ne, %sign3A_6, %sign3A_13 : i32
    %rem3A = arith.remsi %add3A, %jit3A : i32
    %ne3A_14 = arith.constant 0 : i32
    %ne3A_15 = arith.cmpi ne, %rem3A, %ne3A_14 : i32
    %and3A = arith.andi %ne3A, %ne3A_15 : i1
    %sub3A = arith.constant 1 : i32
    %sub3A_16 = arith.subi %div3A, %sub3A : i32
    %select_n3A = arith.select %and3A, %sub3A_16, %div3A : i32
    %jit3A_17 = arith.constant 2 : i32
    %eq3A = arith.constant 0 : i32
    %eq3A_18 = arith.cmpi eq, %jit3A_17, %eq3A : i32
    %jit3A_19 = arith.constant 1 : i32
    %select_n3A_20 = arith.select %eq3A_18, %jit3A_19, %jit3A_17 : i32
    %rem3A_21 = arith.remsi %add3A, %select_n3A_20 : i32
    %ne3A_22 = arith.constant 0 : i32
    %ne3A_23 = arith.cmpi ne, %rem3A_21, %ne3A_22 : i32
    %lt3A = arith.constant 0 : i32
    %lt3A_24 = arith.cmpi slt, %rem3A_21, %lt3A : i32
    %lt3A_25 = arith.constant 0 : i32
    %lt3A_26 = arith.cmpi slt, %select_n3A_20, %lt3A_25 : i32
    %ne3A_27 = arith.xori %lt3A_24, %lt3A_26 : i1
    %and3A_28 = arith.andi %ne3A_27, %ne3A_23 : i1
    %add3A_29 = arith.addi %rem3A_21, %select_n3A_20 : i32
    %select_n3A_30 = arith.select %and3A_28, %add3A_29, %rem3A_21 : i32
    %mul3A_31 = arith.constant 1024 : i32
    %mul3A_32 = arith.muli %select_n3A_30, %mul3A_31 : i32
    %mul3A_33 = arith.constant 33 : i32
    %mul3A_34 = arith.muli %select_n3A, %mul3A_33 : i32
    %mul3A_35 = arith.constant 16 : i32
    %mul3A_36 = arith.muli %mul3A_34, %mul3A_35 : i32
    "tpu.region"() ({
      %run_scoped3A = tpu.sem_alloc : memref<!tpu.dma_semaphore, #tpu.memory_space<semaphore_mem>>
      %dma_start3A_3671 = tpu.memref_slice %arg2[%mul3A_36] : memref<8448xf32, #tpu.memory_space<hbm>> -> memref<528xf32, #tpu.memory_space<hbm>>
      %dma_start3A_3672 = tpu.memref_slice %arg2[%mul3A_36] : memref<8448xf32, #tpu.memory_space<hbm>> -> memref<528xf32, #tpu.memory_space<hbm>>
      tpu.enqueue_dma source(%dma_start3A_3672 : memref<528xf32, #tpu.memory_space<hbm>>) target(%arg4 : memref<528xf32, #tpu.memory_space<vmem>>) target_semaphore(%run_scoped3A : memref<!tpu.dma_semaphore, #tpu.memory_space<semaphore_mem>>)
      %dma_wait3A_3673 = tpu.memref_slice %arg2[%mul3A_36] : memref<8448xf32, #tpu.memory_space<hbm>> -> memref<528xf32, #tpu.memory_space<hbm>>
      %dma_wait3A_3674 = tpu.memref_slice %arg2[%mul3A_36] : memref<8448xf32, #tpu.memory_space<hbm>> -> memref<528xf32, #tpu.memory_space<hbm>>
      tpu.wait_dma2 semaphore(%run_scoped3A : memref<!tpu.dma_semaphore, #tpu.memory_space<semaphore_mem>>) src(%dma_wait3A_3674 : memref<528xf32, #tpu.memory_space<hbm>>) dst(%arg4 : memref<528xf32, #tpu.memory_space<vmem>>)
      tpu.yield
    }) : () -> ()
    %get3A = arith.constant 0 : index
    %get3A_37 = tpu.vector_load %arg4[%get3A] {strides = array<i32>} : memref<528xf32, #tpu.memory_space<vmem>>, vector<16xf32>,
    %get3A_38 = vector.shape_cast %get3A_37 : vector<16xf32> to vector<16xf32>
    %get3A_39 = arith.constant 16 : index
    %get3A_40 = tpu.vector_load %arg4[%get3A_39] {strides = array<i32>} : memref<528xf32, #tpu.memory_space<vmem>>, vector<16xf32>,
    %get3A_41 = vector.shape_cast %get3A_40 : vector<16xf32> to vector<16xf32>
    %get3A_42 = arith.constant 32 : index
    %get3A_43 = tpu.vector_load %arg4[%get3A_42] {strides = array<i32>} : memref<528xf32, #tpu.memory_space<vmem>>, vector<16xf32>,
    %get3A_44 = vector.shape_cast %get3A_43 : vector<16xf32> to vector<16xf32>
    %get3A_45 = arith.constant 48 : index
    %get3A_46 = tpu.vector_load %arg4[%get3A_45] {strides = array<i32>} : memref<528xf32, #tpu.memory_space<vmem>>, vector<16xf32>,
    %get3A_47 = vector.shape_cast %get3A_46 : vector<16xf32> to vector<16xf32>
    %get3A_48 = arith.constant 64 : index
    %get3A_49 = tpu.vector_load %arg4[%get3A_48] {strides = array<i32>} : memref<528xf32, #tpu.memory_space<vmem>>, vector<16xf32>,
    %get3A_50 = vector.shape_cast %get3A_49 : vector<16xf32> to vector<16xf32>
    %get3A_51 = arith.constant 80 : index
    %get3A_52 = tpu.vector_load %arg4[%get3A_51] {strides = array<i32>} : memref<528xf32, #tpu.memory_space<vmem>>, vector<16xf32>,
    %get3A_53 = vector.shape_cast %get3A_52 : vector<16xf32> to vector<16xf32>
    %get3A_54 = arith.constant 96 : index
    %get3A_55 = tpu.vector_load %arg4[%get3A_54] {strides = array<i32>} : memref<528xf32, #tpu.memory_space<vmem>>, vector<16xf32>,
    %get3A_56 = vector.shape_cast %get3A_55 : vector<16xf32> to vector<16xf32>
    %get3A_57 = arith.constant 112 : index
    %get3A_58 = tpu.vector_load %arg4[%get3A_57] {strides = array<i32>} : memref<528xf32, #tpu.memory_space<vmem>>, vector<16xf32>,
    %get3A_59 = vector.shape_cast %get3A_58 : vector<16xf32> to vector<16xf32>
    %get3A_60 = arith.constant 128 : index
    %get3A_61 = tpu.vector_load %arg4[%get3A_60] {strides = array<i32>} : memref<528xf32, #tpu.memory_space<vmem>>, vector<16xf32>,
    %get3A_62 = vector.shape_cast %get3A_61 : vector<16xf32> to vector<16xf32>
    %get3A_63 = arith.constant 144 : index
    %get3A_64 = tpu.vector_load %arg4[%get3A_63] {strides = array<i32>} : memref<528xf32, #tpu.memory_space<vmem>>, vector<16xf32>,
    %get3A_65 = vector.shape_cast %get3A_64 : vector<16xf32> to vector<16xf32>
    %get3A_66 = arith.constant 160 : index
    %get3A_67 = tpu.vector_load %arg4[%get3A_66] {strides = array<i32>} : memref<528xf32, #tpu.memory_space<vmem>>, vector<16xf32>,
    %get3A_68 = vector.shape_cast %get3A_67 : vector<16xf32> to vector<16xf32>
    %get3A_69 = arith.constant 176 : index
    %get3A_70 = tpu.vector_load %arg4[%get3A_69] {strides = array<i32>} : memref<528xf32, #tpu.memory_space<vmem>>, vector<16xf32>,
    %get3A_71 = vector.shape_cast %get3A_70 : vector<16xf32> to vector<16xf32>
    %get3A_72 = arith.constant 192 : index
    %get3A_73 = tpu.vector_load %arg4[%get3A_72] {strides = array<i32>} : memref<528xf32, #tpu.memory_space<vmem>>, vector<16xf32>,
    %get3A_74 = vector.shape_cast %get3A_73 : vector<16xf32> to vector<16xf32>
    %get3A_75 = arith.constant 208 : index
    %get3A_76 = tpu.vector_load %arg4[%get3A_75] {strides = array<i32>} : memref<528xf32, #tpu.memory_space<vmem>>, vector<16xf32>,
    %get3A_77 = vector.shape_cast %get3A_76 : vector<16xf32> to vector<16xf32>
    %get3A_78 = arith.constant 224 : index
    %get3A_79 = tpu.vector_load %arg4[%get3A_78] {strides = array<i32>} : memref<528xf32, #tpu.memory_space<vmem>>, vector<16xf32>,
    %get3A_80 = vector.shape_cast %get3A_79 : vector<16xf32> to vector<16xf32>
    %get3A_81 = arith.constant 240 : index
    %get3A_82 = tpu.vector_load %arg4[%get3A_81] {strides = array<i32>} : memref<528xf32, #tpu.memory_space<vmem>>, vector<16xf32>,
    %get3A_83 = vector.shape_cast %get3A_82 : vector<16xf32> to vector<16xf32>
    %get3A_84 = arith.constant 256 : index
    %get3A_85 = tpu.vector_load %arg4[%get3A_84] {strides = array<i32>} : memref<528xf32, #tpu.memory_space<vmem>>, vector<16xf32>,
    %get3A_86 = vector.shape_cast %get3A_85 : vector<16xf32> to vector<16xf32>
    %get3A_87 = arith.constant 272 : index
    %get3A_88 = tpu.vector_load %arg4[%get3A_87] {strides = array<i32>} : memref<528xf32, #tpu.memory_space<vmem>>, vector<16xf32>,
    %get3A_89 = vector.shape_cast %get3A_88 : vector<16xf32> to vector<16xf32>
    %get3A_90 = arith.constant 288 : index
    %get3A_91 = tpu.vector_load %arg4[%get3A_90] {strides = array<i32>} : memref<528xf32, #tpu.memory_space<vmem>>, vector<16xf32>,
    %get3A_92 = vector.shape_cast %get3A_91 : vector<16xf32> to vector<16xf32>
    %get3A_93 = arith.constant 304 : index
    %get3A_94 = tpu.vector_load %arg4[%get3A_93] {strides = array<i32>} : memref<528xf32, #tpu.memory_space<vmem>>, vector<16xf32>,
    %get3A_95 = vector.shape_cast %get3A_94 : vector<16xf32> to vector<16xf32>
    %get3A_96 = arith.constant 320 : index
    %get3A_97 = tpu.vector_load %arg4[%get3A_96] {strides = array<i32>} : memref<528xf32, #tpu.memory_space<vmem>>, vector<16xf32>,
    %get3A_98 = vector.shape_cast %get3A_97 : vector<16xf32> to vector<16xf32>
    %get3A_99 = arith.constant 336 : index
    %get3A_100 = tpu.vector_load %arg4[%get3A_99] {strides = array<i32>} : memref<528xf32, #tpu.memory_space<vmem>>, vector<16xf32>,
    %get3A_101 = vector.shape_cast %get3A_100 : vector<16xf32> to vector<16xf32>
    %get3A_102 = arith.constant 352 : index
    %get3A_103 = tpu.vector_load %arg4[%get3A_102] {strides = array<i32>} : memref<528xf32, #tpu.memory_space<vmem>>, vector<16xf32>,
    %get3A_104 = vector.shape_cast %get3A_103 : vector<16xf32> to vector<16xf32>
    %get3A_105 = arith.constant 368 : index
    %get3A_106 = tpu.vector_load %arg4[%get3A_105] {strides = array<i32>} : memref<528xf32, #tpu.memory_space<vmem>>, vector<16xf32>,
    %get3A_107 = vector.shape_cast %get3A_106 : vector<16xf32> to vector<16xf32>
    %get3A_108 = arith.constant 384 : index
    %get3A_109 = tpu.vector_load %arg4[%get3A_108] {strides = array<i32>} : memref<528xf32, #tpu.memory_space<vmem>>, vector<16xf32>,
    %get3A_110 = vector.shape_cast %get3A_109 : vector<16xf32> to vector<16xf32>
    %get3A_111 = arith.constant 400 : index
    %get3A_112 = tpu.vector_load %arg4[%get3A_111] {strides = array<i32>} : memref<528xf32, #tpu.memory_space<vmem>>, vector<16xf32>,
    %get3A_113 = vector.shape_cast %get3A_112 : vector<16xf32> to vector<16xf32>
    %get3A_114 = arith.constant 416 : index
    %get3A_115 = tpu.vector_load %arg4[%get3A_114] {strides = array<i32>} : memref<528xf32, #tpu.memory_space<vmem>>, vector<16xf32>,
    %get3A_116 = vector.shape_cast %get3A_115 : vector<16xf32> to vector<16xf32>
    %get3A_117 = arith.constant 432 : index
    %get3A_118 = tpu.vector_load %arg4[%get3A_117] {strides = array<i32>} : memref<528xf32, #tpu.memory_space<vmem>>, vector<16xf32>,
    %get3A_119 = vector.shape_cast %get3A_118 : vector<16xf32> to vector<16xf32>
    %get3A_120 = arith.constant 448 : index
    %get3A_121 = tpu.vector_load %arg4[%get3A_120] {strides = array<i32>} : memref<528xf32, #tpu.memory_space<vmem>>, vector<16xf32>,
    %get3A_122 = vector.shape_cast %get3A_121 : vector<16xf32> to vector<16xf32>
    %get3A_123 = arith.constant 464 : index
    %get3A_124 = tpu.vector_load %arg4[%get3A_123] {strides = array<i32>} : memref<528xf32, #tpu.memory_space<vmem>>, vector<16xf32>,
    %get3A_125 = vector.shape_cast %get3A_124 : vector<16xf32> to vector<16xf32>
    %get3A_126 = arith.constant 480 : index
    %get3A_127 = tpu.vector_load %arg4[%get3A_126] {strides = array<i32>} : memref<528xf32, #tpu.memory_space<vmem>>, vector<16xf32>,
    %get3A_128 = vector.shape_cast %get3A_127 : vector<16xf32> to vector<16xf32>
    %get3A_129 = arith.constant 496 : index
    %get3A_130 = tpu.vector_load %arg4[%get3A_129] {strides = array<i32>} : memref<528xf32, #tpu.memory_space<vmem>>, vector<16xf32>,
    %get3A_131 = vector.shape_cast %get3A_130 : vector<16xf32> to vector<16xf32>
    %get3A_132 = arith.constant 512 : index
    %get3A_133 = tpu.vector_load %arg4[%get3A_132] {strides = array<i32>} : memref<528xf32, #tpu.memory_space<vmem>>, vector<16xf32>,
    %get3A_134 = vector.shape_cast %get3A_133 : vector<16xf32> to vector<16xf32>
    %scan3A = arith.constant 0 : i32
    %scan3A_135 = arith.constant 0 : i32
    %scan3A_136 = arith.constant 125 : i32
    %scan3A_137 = arith.addi %scan3A_135, %scan3A_136 : i32
    %scan3A_138 = arith.constant 1 : i32
    scf.for %scan3A_3671 = %scan3A_135 to %scan3A_137 step %scan3A_138  : i32 {
      %mul3A_3672 = arith.constant 16 : i32
      %mul3A_3673 = arith.muli %scan3A_3671, %mul3A_3672 : i32
      %swap3A_3674 = arith.index_cast %mul3A_3673 : i32 to index
      %swap3A_3675 = tpu.vector_load %arg5[%swap3A_3674] {strides = array<i32>} : memref<4096xf32, #tpu.memory_space<vmem>>, vector<16xf32>,
      %swap3A_3676 = vector.shape_cast %swap3A_3675 : vector<16xf32> to vector<16xf32>
      %swap3A_3677 = vector.shape_cast %get3A_134 : vector<16xf32> to vector<16xf32>
      tpu.vector_store %arg5[%swap3A_3674], %swap3A_3677 {strides = array<i32>} : memref<4096xf32, #tpu.memory_space<vmem>>, vector<16xf32>,
      %mul3A_3678 = arith.constant 16 : i32
      %mul3A_3679 = arith.muli %scan3A_3671, %mul3A_3678 : i32
      %swap3A_3680 = arith.index_cast %mul3A_3679 : i32 to index
      %swap3A_3681 = tpu.vector_load %arg6[%swap3A_3680] {strides = array<i32>} : memref<4096xf32, #tpu.memory_space<vmem>>, vector<16xf32>,
      %swap3A_3682 = vector.shape_cast %swap3A_3681 : vector<16xf32> to vector<16xf32>
      %swap3A_3683 = vector.shape_cast %get3A_134 : vector<16xf32> to vector<16xf32>
      tpu.vector_store %arg6[%swap3A_3680], %swap3A_3683 {strides = array<i32>} : memref<4096xf32, #tpu.memory_space<vmem>>, vector<16xf32>,
      %mul3A_3684 = arith.constant 16 : i32
      %mul3A_3685 = arith.muli %scan3A_3671, %mul3A_3684 : i32
      %swap3A_3686 = arith.index_cast %mul3A_3685 : i32 to index
      %swap3A_3687 = tpu.vector_load %arg7[%swap3A_3686] {strides = array<i32>} : memref<4096xf32, #tpu.memory_space<vmem>>, vector<16xf32>,
      %swap3A_3688 = vector.shape_cast %swap3A_3687 : vector<16xf32> to vector<16xf32>
      %swap3A_3689 = vector.shape_cast %get3A_134 : vector<16xf32> to vector<16xf32>
      tpu.vector_store %arg7[%swap3A_3686], %swap3A_3689 {strides = array<i32>} : memref<4096xf32, #tpu.memory_space<vmem>>, vector<16xf32>,
      %mul3A_3690 = arith.constant 16 : i32
      %mul3A_3691 = arith.muli %scan3A_3671, %mul3A_3690 : i32
      %swap3A_3692 = arith.index_cast %mul3A_3691 : i32 to index
      %swap3A_3693 = tpu.vector_load %arg8[%swap3A_3692] {strides = array<i32>} : memref<4096xf32, #tpu.memory_space<vmem>>, vector<16xf32>,
      %swap3A_3694 = vector.shape_cast %swap3A_3693 : vector<16xf32> to vector<16xf32>
      %swap3A_3695 = vector.shape_cast %get3A_134 : vector<16xf32> to vector<16xf32>
      tpu.vector_store %arg8[%swap3A_3692], %swap3A_3695 {strides = array<i32>} : memref<4096xf32, #tpu.memory_space<vmem>>, vector<16xf32>,
      %mul3A_3696 = arith.constant 16 : i32
      %mul3A_3697 = arith.muli %scan3A_3671, %mul3A_3696 : i32
      %swap3A_3698 = arith.index_cast %mul3A_3697 : i32 to index
      %swap3A_3699 = tpu.vector_load %arg9[%swap3A_3698] {strides = array<i32>} : memref<4096xf32, #tpu.memory_space<vmem>>, vector<16xf32>,
      %swap3A_3700 = vector.shape_cast %swap3A_3699 : vector<16xf32> to vector<16xf32>
      %swap3A_3701 = vector.shape_cast %get3A_134 : vector<16xf32> to vector<16xf32>
      tpu.vector_store %arg9[%swap3A_3698], %swap3A_3701 {strides = array<i32>} : memref<4096xf32, #tpu.memory_space<vmem>>, vector<16xf32>,
      %mul3A_3702 = arith.constant 16 : i32
      %mul3A_3703 = arith.muli %scan3A_3671, %mul3A_3702 : i32
      %swap3A_3704 = arith.index_cast %mul3A_3703 : i32 to index
      %swap3A_3705 = tpu.vector_load %arg10[%swap3A_3704] {strides = array<i32>} : memref<4096xf32, #tpu.memory_space<vmem>>, vector<16xf32>,
      %swap3A_3706 = vector.shape_cast %swap3A_3705 : vector<16xf32> to vector<16xf32>
      %swap3A_3707 = vector.shape_cast %get3A_134 : vector<16xf32> to vector<16xf32>
      tpu.vector_store %arg10[%swap3A_3704], %swap3A_3707 {strides = array<i32>} : memref<4096xf32, #tpu.memory_space<vmem>>, vector<16xf32>,
      %mul3A_3708 = arith.constant 16 : i32
      %mul3A_3709 = arith.muli %scan3A_3671, %mul3A_3708 : i32
      %swap3A_3710 = arith.index_cast %mul3A_3709 : i32 to index
      %swap3A_3711 = tpu.vector_load %arg11[%swap3A_3710] {strides = array<i32>} : memref<4096xf32, #tpu.memory_space<vmem>>, vector<16xf32>,
      %swap3A_3712 = vector.shape_cast %swap3A_3711 : vector<16xf32> to vector<16xf32>
      %swap3A_3713 = vector.shape_cast %get3A_134 : vector<16xf32> to vector<16xf32>
      tpu.vector_store %arg11[%swap3A_3710], %swap3A_3713 {strides = array<i32>} : memref<4096xf32, #tpu.memory_space<vmem>>, vector<16xf32>,
      %mul3A_3714 = arith.constant 16 : i32
      %mul3A_3715 = arith.muli %scan3A_3671, %mul3A_3714 : i32
      %swap3A_3716 = arith.index_cast %mul3A_3715 : i32 to index
      %swap3A_3717 = tpu.vector_load %arg12[%swap3A_3716] {strides = array<i32>} : memref<4096xf32, #tpu.memory_space<vmem>>, vector<16xf32>,
      %swap3A_3718 = vector.shape_cast %swap3A_3717 : vector<16xf32> to vector<16xf32>
      %swap3A_3719 = vector.shape_cast %get3A_134 : vector<16xf32> to vector<16xf32>
      tpu.vector_store %arg12[%swap3A_3716], %swap3A_3719 {strides = array<i32>} : memref<4096xf32, #tpu.memory_space<vmem>>, vector<16xf32>,
    }
    %scan3A_139 = arith.constant 125 : i32
    %scan3A_140 = arith.constant 0 : i32
    %scan3A_141 = arith.constant 128 : i32
    %scan3A_142 = arith.constant 128 : i32
    %scan3A_143 = arith.addi %scan3A_141, %scan3A_142 : i32
    %scan3A_144 = arith.constant 1 : i32
    scf.for %scan3A_3671 = %scan3A_141 to %scan3A_143 step %scan3A_144  : i32 {
      %mul3A_3672 = arith.constant 16 : i32
      %mul3A_3673 = arith.muli %scan3A_3671, %mul3A_3672 : i32
      %swap3A_3674 = arith.index_cast %mul3A_3673 : i32 to index
      %swap3A_3675 = tpu.vector_load %arg5[%swap3A_3674] {strides = array<i32>} : memref<4096xf32, #tpu.memory_space<vmem>>, vector<16xf32>,
      %swap3A_3676 = vector.shape_cast %swap3A_3675 : vector<16xf32> to vector<16xf32>
      %swap3A_3677 = vector.shape_cast %get3A_38 : vector<16xf32> to vector<16xf32>
      tpu.vector_store %arg5[%swap3A_3674], %swap3A_3677 {strides = array<i32>} : memref<4096xf32, #tpu.memory_space<vmem>>, vector<16xf32>,
      %mul3A_3678 = arith.constant 16 : i32
      %mul3A_3679 = arith.muli %scan3A_3671, %mul3A_3678 : i32
      %swap3A_3680 = arith.index_cast %mul3A_3679 : i32 to index
      %swap3A_3681 = tpu.vector_load %arg6[%swap3A_3680] {strides = array<i32>} : memref<4096xf32, #tpu.memory_space<vmem>>, vector<16xf32>,
      %swap3A_3682 = vector.shape_cast %swap3A_3681 : vector<16xf32> to vector<16xf32>
      %swap3A_3683 = vector.shape_cast %get3A_38 : vector<16xf32> to vector<16xf32>
      tpu.vector_store %arg6[%swap3A_3680], %swap3A_3683 {strides = array<i32>} : memref<4096xf32, #tpu.memory_space<vmem>>, vector<16xf32>,
      %mul3A_3684 = arith.constant 16 : i32
      %mul3A_3685 = arith.muli %scan3A_3671, %mul3A_3684 : i32
      %swap3A_3686 = arith.index_cast %mul3A_3685 : i32 to index
      %swap3A_3687 = tpu.vector_load %arg7[%swap3A_3686] {strides = array<i32>} : memref<4096xf32, #tpu.memory_space<vmem>>, vector<16xf32>,
      %swap3A_3688 = vector.shape_cast %swap3A_3687 : vector<16xf32> to vector<16xf32>
      %swap3A_3689 = vector.shape_cast %get3A_38 : vector<16xf32> to vector<16xf32>
      tpu.vector_store %arg7[%swap3A_3686], %swap3A_3689 {strides = array<i32>} : memref<4096xf32, #tpu.memory_space<vmem>>, vector<16xf32>,
      %mul3A_3690 = arith.constant 16 : i32
      %mul3A_3691 = arith.muli %scan3A_3671, %mul3A_3690 : i32
      %swap3A_3692 = arith.index_cast %mul3A_3691 : i32 to index
      %swap3A_3693 = tpu.vector_load %arg8[%swap3A_3692] {strides = array<i32>} : memref<4096xf32, #tpu.memory_space<vmem>>, vector<16xf32>,
      %swap3A_3694 = vector.shape_cast %swap3A_3693 : vector<16xf32> to vector<16xf32>
      %swap3A_3695 = vector.shape_cast %get3A_38 : vector<16xf32> to vector<16xf32>
      tpu.vector_store %arg8[%swap3A_3692], %swap3A_3695 {strides = array<i32>} : memref<4096xf32, #tpu.memory_space<vmem>>, vector<16xf32>,
      %mul3A_3696 = arith.constant 16 : i32
      %mul3A_3697 = arith.muli %scan3A_3671, %mul3A_3696 : i32
      %swap3A_3698 = arith.index_cast %mul3A_3697 : i32 to index
      %swap3A_3699 = tpu.vector_load %arg9[%swap3A_3698] {strides = array<i32>} : memref<4096xf32, #tpu.memory_space<vmem>>, vector<16xf32>,
      %swap3A_3700 = vector.shape_cast %swap3A_3699 : vector<16xf32> to vector<16xf32>
      %swap3A_3701 = vector.shape_cast %get3A_38 : vector<16xf32> to vector<16xf32>
      tpu.vector_store %arg9[%swap3A_3698], %swap3A_3701 {strides = array<i32>} : memref<4096xf32, #tpu.memory_space<vmem>>, vector<16xf32>,
      %mul3A_3702 = arith.constant 16 : i32
      %mul3A_3703 = arith.muli %scan3A_3671, %mul3A_3702 : i32
      %swap3A_3704 = arith.index_cast %mul3A_3703 : i32 to index
      %swap3A_3705 = tpu.vector_load %arg10[%swap3A_3704] {strides = array<i32>} : memref<4096xf32, #tpu.memory_space<vmem>>, vector<16xf32>,
      %swap3A_3706 = vector.shape_cast %swap3A_3705 : vector<16xf32> to vector<16xf32>
      %swap3A_3707 = vector.shape_cast %get3A_38 : vector<16xf32> to vector<16xf32>
      tpu.vector_store %arg10[%swap3A_3704], %swap3A_3707 {strides = array<i32>} : memref<4096xf32, #tpu.memory_space<vmem>>, vector<16xf32>,
      %mul3A_3708 = arith.constant 16 : i32
      %mul3A_3709 = arith.muli %scan3A_3671, %mul3A_3708 : i32
      %swap3A_3710 = arith.index_cast %mul3A_3709 : i32 to index
      %swap3A_3711 = tpu.vector_load %arg11[%swap3A_3710] {strides = array<i32>} : memref<4096xf32, #tpu.memory_space<vmem>>, vector<16xf32>,
      %swap3A_3712 = vector.shape_cast %swap3A_3711 : vector<16xf32> to vector<16xf32>
      %swap3A_3713 = vector.shape_cast %get3A_38 : vector<16xf32> to vector<16xf32>
      tpu.vector_store %arg11[%swap3A_3710], %swap3A_3713 {strides = array<i32>} : memref<4096xf32, #tpu.memory_space<vmem>>, vector<16xf32>,
      %mul3A_3714 = arith.constant 16 : i32
      %mul3A_3715 = arith.muli %scan3A_3671, %mul3A_3714 : i32
      %swap3A_3716 = arith.index_cast %mul3A_3715 : i32 to index
      %swap3A_3717 = tpu.vector_load %arg12[%swap3A_3716] {strides = array<i32>} : memref<4096xf32, #tpu.memory_space<vmem>>, vector<16xf32>,
      %swap3A_3718 = vector.shape_cast %swap3A_3717 : vector<16xf32> to vector<16xf32>
      %swap3A_3719 = vector.shape_cast %get3A_38 : vector<16xf32> to vector<16xf32>
      tpu.vector_store %arg12[%swap3A_3716], %swap3A_3719 {strides = array<i32>} : memref<4096xf32, #tpu.memory_space<vmem>>, vector<16xf32>,
    }
    %scan3A_145 = arith.constant 128 : i32
    %iota3A = tpu.iota {dimensions = array<i32: 0>} : vector<16xi32>
    %add3A_146 = arith.constant 2000 : i32
    %add3A_147 = vector.broadcast %add3A_146 : i32 to vector<16xi32>
    %add3A_148 = arith.addi %add3A_147, %iota3A : vector<16xi32>
    %sub3A_149 = arith.constant 2047 : i32
    %sub3A_150 = vector.broadcast %sub3A_149 : i32 to vector<16xi32>
    %sub3A_151 = arith.subi %sub3A_150, %add3A_148 : vector<16xi32>
    %jit3A_152 = arith.constant 0 : i32
    %jit3A_153 = arith.constant 32 : i32
    %max3A = vector.broadcast %jit3A_152 : i32 to vector<16xi32>
    %max3A_154 = arith.maxsi %max3A, %sub3A_151 : vector<16xi32>
    %min3A = vector.broadcast %jit3A_153 : i32 to vector<16xi32>
    %min3A_155 = arith.minsi %min3A, %max3A_154 : vector<16xi32>
    %eq3A_156 = arith.constant 0 : i32
    %eq3A_157 = vector.broadcast %eq3A_156 : i32 to vector<16xi32>
    %eq3A_158 = arith.cmpi eq, %min3A_155, %eq3A_157 : vector<16xi32>
    %select_n3A_159 = arith.select %eq3A_158, %get3A_38, %get3A_134 : vector<16xi1>, vector<16xf32>
    %eq3A_160 = arith.constant 1 : i32
    %eq3A_161 = vector.broadcast %eq3A_160 : i32 to vector<16xi32>
    %eq3A_162 = arith.cmpi eq, %min3A_155, %eq3A_161 : vector<16xi32>
    %select_n3A_163 = arith.select %eq3A_162, %get3A_41, %select_n3A_159 : vector<16xi1>, vector<16xf32>
    %eq3A_164 = arith.constant 2 : i32
    %eq3A_165 = vector.broadcast %eq3A_164 : i32 to vector<16xi32>
    %eq3A_166 = arith.cmpi eq, %min3A_155, %eq3A_165 : vector<16xi32>
    %select_n3A_167 = arith.select %eq3A_166, %get3A_44, %select_n3A_163 : vector<16xi1>, vector<16xf32>
    %eq3A_168 = arith.constant 3 : i32
    %eq3A_169 = vector.broadcast %eq3A_168 : i32 to vector<16xi32>
    %eq3A_170 = arith.cmpi eq, %min3A_155, %eq3A_169 : vector<16xi32>
    %select_n3A_171 = arith.select %eq3A_170, %get3A_47, %select_n3A_167 : vector<16xi1>, vector<16xf32>
    %eq3A_172 = arith.constant 4 : i32
    %eq3A_173 = vector.broadcast %eq3A_172 : i32 to vector<16xi32>
    %eq3A_174 = arith.cmpi eq, %min3A_155, %eq3A_173 : vector<16xi32>
    %select_n3A_175 = arith.select %eq3A_174, %get3A_50, %select_n3A_171 : vector<16xi1>, vector<16xf32>
    %eq3A_176 = arith.constant 5 : i32
    %eq3A_177 = vector.broadcast %eq3A_176 : i32 to vector<16xi32>
    %eq3A_178 = arith.cmpi eq, %min3A_155, %eq3A_177 : vector<16xi32>
    %select_n3A_179 = arith.select %eq3A_178, %get3A_53, %select_n3A_175 : vector<16xi1>, vector<16xf32>
    %eq3A_180 = arith.constant 6 : i32
    %eq3A_181 = vector.broadcast %eq3A_180 : i32 to vector<16xi32>
    %eq3A_182 = arith.cmpi eq, %min3A_155, %eq3A_181 : vector<16xi32>
    %select_n3A_183 = arith.select %eq3A_182, %get3A_56, %select_n3A_179 : vector<16xi1>, vector<16xf32>
    %eq3A_184 = arith.constant 7 : i32
    %eq3A_185 = vector.broadcast %eq3A_184 : i32 to vector<16xi32>
    %eq3A_186 = arith.cmpi eq, %min3A_155, %eq3A_185 : vector<16xi32>
    %select_n3A_187 = arith.select %eq3A_186, %get3A_59, %select_n3A_183 : vector<16xi1>, vector<16xf32>
    %eq3A_188 = arith.constant 8 : i32
    %eq3A_189 = vector.broadcast %eq3A_188 : i32 to vector<16xi32>
    %eq3A_190 = arith.cmpi eq, %min3A_155, %eq3A_189 : vector<16xi32>
    %select_n3A_191 = arith.select %eq3A_190, %get3A_62, %select_n3A_187 : vector<16xi1>, vector<16xf32>
    %eq3A_192 = arith.constant 9 : i32
    %eq3A_193 = vector.broadcast %eq3A_192 : i32 to vector<16xi32>
    %eq3A_194 = arith.cmpi eq, %min3A_155, %eq3A_193 : vector<16xi32>
    %select_n3A_195 = arith.select %eq3A_194, %get3A_65, %select_n3A_191 : vector<16xi1>, vector<16xf32>
    %eq3A_196 = arith.constant 10 : i32
    %eq3A_197 = vector.broadcast %eq3A_196 : i32 to vector<16xi32>
    %eq3A_198 = arith.cmpi eq, %min3A_155, %eq3A_197 : vector<16xi32>
    %select_n3A_199 = arith.select %eq3A_198, %get3A_68, %select_n3A_195 : vector<16xi1>, vector<16xf32>
    %eq3A_200 = arith.constant 11 : i32
    %eq3A_201 = vector.broadcast %eq3A_200 : i32 to vector<16xi32>
    %eq3A_202 = arith.cmpi eq, %min3A_155, %eq3A_201 : vector<16xi32>
    %select_n3A_203 = arith.select %eq3A_202, %get3A_71, %select_n3A_199 : vector<16xi1>, vector<16xf32>
    %eq3A_204 = arith.constant 12 : i32
    %eq3A_205 = vector.broadcast %eq3A_204 : i32 to vector<16xi32>
    %eq3A_206 = arith.cmpi eq, %min3A_155, %eq3A_205 : vector<16xi32>
    %select_n3A_207 = arith.select %eq3A_206, %get3A_74, %select_n3A_203 : vector<16xi1>, vector<16xf32>
    %eq3A_208 = arith.constant 13 : i32
    %eq3A_209 = vector.broadcast %eq3A_208 : i32 to vector<16xi32>
    %eq3A_210 = arith.cmpi eq, %min3A_155, %eq3A_209 : vector<16xi32>
    %select_n3A_211 = arith.select %eq3A_210, %get3A_77, %select_n3A_207 : vector<16xi1>, vector<16xf32>
    %eq3A_212 = arith.constant 14 : i32
    %eq3A_213 = vector.broadcast %eq3A_212 : i32 to vector<16xi32>
    %eq3A_214 = arith.cmpi eq, %min3A_155, %eq3A_213 : vector<16xi32>
    %select_n3A_215 = arith.select %eq3A_214, %get3A_80, %select_n3A_211 : vector<16xi1>, vector<16xf32>
    %eq3A_216 = arith.constant 15 : i32
    %eq3A_217 = vector.broadcast %eq3A_216 : i32 to vector<16xi32>
    %eq3A_218 = arith.cmpi eq, %min3A_155, %eq3A_217 : vector<16xi32>
    %select_n3A_219 = arith.select %eq3A_218, %get3A_83, %select_n3A_215 : vector<16xi1>, vector<16xf32>
    %eq3A_220 = arith.constant 16 : i32
    %eq3A_221 = vector.broadcast %eq3A_220 : i32 to vector<16xi32>
    %eq3A_222 = arith.cmpi eq, %min3A_155, %eq3A_221 : vector<16xi32>
    %select_n3A_223 = arith.select %eq3A_222, %get3A_86, %select_n3A_219 : vector<16xi1>, vector<16xf32>
    %eq3A_224 = arith.constant 17 : i32
    %eq3A_225 = vector.broadcast %eq3A_224 : i32 to vector<16xi32>
    %eq3A_226 = arith.cmpi eq, %min3A_155, %eq3A_225 : vector<16xi32>
    %select_n3A_227 = arith.select %eq3A_226, %get3A_89, %select_n3A_223 : vector<16xi1>, vector<16xf32>
    %eq3A_228 = arith.constant 18 : i32
    %eq3A_229 = vector.broadcast %eq3A_228 : i32 to vector<16xi32>
    %eq3A_230 = arith.cmpi eq, %min3A_155, %eq3A_229 : vector<16xi32>
    %select_n3A_231 = arith.select %eq3A_230, %get3A_92, %select_n3A_227 : vector<16xi1>, vector<16xf32>
    %eq3A_232 = arith.constant 19 : i32
    %eq3A_233 = vector.broadcast %eq3A_232 : i32 to vector<16xi32>
    %eq3A_234 = arith.cmpi eq, %min3A_155, %eq3A_233 : vector<16xi32>
    %select_n3A_235 = arith.select %eq3A_234, %get3A_95, %select_n3A_231 : vector<16xi1>, vector<16xf32>
    %eq3A_236 = arith.constant 20 : i32
    %eq3A_237 = vector.broadcast %eq3A_236 : i32 to vector<16xi32>
    %eq3A_238 = arith.cmpi eq, %min3A_155, %eq3A_237 : vector<16xi32>
    %select_n3A_239 = arith.select %eq3A_238, %get3A_98, %select_n3A_235 : vector<16xi1>, vector<16xf32>
    %eq3A_240 = arith.constant 21 : i32
    %eq3A_241 = vector.broadcast %eq3A_240 : i32 to vector<16xi32>
    %eq3A_242 = arith.cmpi eq, %min3A_155, %eq3A_241 : vector<16xi32>
    %select_n3A_243 = arith.select %eq3A_242, %get3A_101, %select_n3A_239 : vector<16xi1>, vector<16xf32>
    %eq3A_244 = arith.constant 22 : i32
    %eq3A_245 = vector.broadcast %eq3A_244 : i32 to vector<16xi32>
    %eq3A_246 = arith.cmpi eq, %min3A_155, %eq3A_245 : vector<16xi32>
    %select_n3A_247 = arith.select %eq3A_246, %get3A_104, %select_n3A_243 : vector<16xi1>, vector<16xf32>
    %eq3A_248 = arith.constant 23 : i32
    %eq3A_249 = vector.broadcast %eq3A_248 : i32 to vector<16xi32>
    %eq3A_250 = arith.cmpi eq, %min3A_155, %eq3A_249 : vector<16xi32>
    %select_n3A_251 = arith.select %eq3A_250, %get3A_107, %select_n3A_247 : vector<16xi1>, vector<16xf32>
    %eq3A_252 = arith.constant 24 : i32
    %eq3A_253 = vector.broadcast %eq3A_252 : i32 to vector<16xi32>
    %eq3A_254 = arith.cmpi eq, %min3A_155, %eq3A_253 : vector<16xi32>
    %select_n3A_255 = arith.select %eq3A_254, %get3A_110, %select_n3A_251 : vector<16xi1>, vector<16xf32>
    %eq3A_256 = arith.constant 25 : i32
    %eq3A_257 = vector.broadcast %eq3A_256 : i32 to vector<16xi32>
    %eq3A_258 = arith.cmpi eq, %min3A_155, %eq3A_257 : vector<16xi32>
    %select_n3A_259 = arith.select %eq3A_258, %get3A_113, %select_n3A_255 : vector<16xi1>, vector<16xf32>
    %eq3A_260 = arith.constant 26 : i32
    %eq3A_261 = vector.broadcast %eq3A_260 : i32 to vector<16xi32>
    %eq3A_262 = arith.cmpi eq, %min3A_155, %eq3A_261 : vector<16xi32>
    %select_n3A_263 = arith.select %eq3A_262, %get3A_116, %select_n3A_259 : vector<16xi1>, vector<16xf32>
    %eq3A_264 = arith.constant 27 : i32
    %eq3A_265 = vector.broadcast %eq3A_264 : i32 to vector<16xi32>
    %eq3A_266 = arith.cmpi eq, %min3A_155, %eq3A_265 : vector<16xi32>
    %select_n3A_267 = arith.select %eq3A_266, %get3A_119, %select_n3A_263 : vector<16xi1>, vector<16xf32>
    %eq3A_268 = arith.constant 28 : i32
    %eq3A_269 = vector.broadcast %eq3A_268 : i32 to vector<16xi32>
    %eq3A_270 = arith.cmpi eq, %min3A_155, %eq3A_269 : vector<16xi32>
    %select_n3A_271 = arith.select %eq3A_270, %get3A_122, %select_n3A_267 : vector<16xi1>, vector<16xf32>
    %eq3A_272 = arith.constant 29 : i32
    %eq3A_273 = vector.broadcast %eq3A_272 : i32 to vector<16xi32>
    %eq3A_274 = arith.cmpi eq, %min3A_155, %eq3A_273 : vector<16xi32>
    %select_n3A_275 = arith.select %eq3A_274, %get3A_125, %select_n3A_271 : vector<16xi1>, vector<16xf32>
    %eq3A_276 = arith.constant 30 : i32
    %eq3A_277 = vector.broadcast %eq3A_276 : i32 to vector<16xi32>
    %eq3A_278 = arith.cmpi eq, %min3A_155, %eq3A_277 : vector<16xi32>
    %select_n3A_279 = arith.select %eq3A_278, %get3A_128, %select_n3A_275 : vector<16xi1>, vector<16xf32>
    %eq3A_280 = arith.constant 31 : i32
    %eq3A_281 = vector.broadcast %eq3A_280 : i32 to vector<16xi32>
    %eq3A_282 = arith.cmpi eq, %min3A_155, %eq3A_281 : vector<16xi32>
    %select_n3A_283 = arith.select %eq3A_282, %get3A_131, %select_n3A_279 : vector<16xi1>, vector<16xf32>
    %swap3A = arith.constant 2000 : index
    %swap3A_284 = tpu.vector_load %arg5[%swap3A] {strides = array<i32>} : memref<4096xf32, #tpu.memory_space<vmem>>, vector<16xf32>,
    %swap3A_285 = vector.shape_cast %swap3A_284 : vector<16xf32> to vector<16xf32>
    %swap3A_286 = vector.shape_cast %select_n3A_283 : vector<16xf32> to vector<16xf32>
    tpu.vector_store %arg5[%swap3A], %swap3A_286 {strides = array<i32>} : memref<4096xf32, #tpu.memory_space<vmem>>, vector<16xf32>,
    %add3A_287 = arith.constant 2000 : i32
    %add3A_288 = vector.broadcast %add3A_287 : i32 to vector<16xi32>
    %add3A_289 = arith.addi %add3A_288, %iota3A : vector<16xi32>
    %sub3A_290 = arith.constant 2046 : i32
    %sub3A_291 = vector.broadcast %sub3A_290 : i32 to vector<16xi32>
    %sub3A_292 = arith.subi %sub3A_291, %add3A_289 : vector<16xi32>
    %jit3A_293 = arith.constant 0 : i32
    %jit3A_294 = arith.constant 32 : i32
    %max3A_295 = vector.broadcast %jit3A_293 : i32 to vector<16xi32>
    %max3A_296 = arith.maxsi %max3A_295, %sub3A_292 : vector<16xi32>
    %min3A_297 = vector.broadcast %jit3A_294 : i32 to vector<16xi32>
    %min3A_298 = arith.minsi %min3A_297, %max3A_296 : vector<16xi32>
    %eq3A_299 = arith.constant 0 : i32
    %eq3A_300 = vector.broadcast %eq3A_299 : i32 to vector<16xi32>
    %eq3A_301 = arith.cmpi eq, %min3A_298, %eq3A_300 : vector<16xi32>
    %select_n3A_302 = arith.select %eq3A_301, %get3A_38, %get3A_134 : vector<16xi1>, vector<16xf32>
    %eq3A_303 = arith.constant 1 : i32
    %eq3A_304 = vector.broadcast %eq3A_303 : i32 to vector<16xi32>
    %eq3A_305 = arith.cmpi eq, %min3A_298, %eq3A_304 : vector<16xi32>
    %select_n3A_306 = arith.select %eq3A_305, %get3A_41, %select_n3A_302 : vector<16xi1>, vector<16xf32>
    %eq3A_307 = arith.constant 2 : i32
    %eq3A_308 = vector.broadcast %eq3A_307 : i32 to vector<16xi32>
    %eq3A_309 = arith.cmpi eq, %min3A_298, %eq3A_308 : vector<16xi32>
    %select_n3A_310 = arith.select %eq3A_309, %get3A_44, %select_n3A_306 : vector<16xi1>, vector<16xf32>
    %eq3A_311 = arith.constant 3 : i32
    %eq3A_312 = vector.broadcast %eq3A_311 : i32 to vector<16xi32>
    %eq3A_313 = arith.cmpi eq, %min3A_298, %eq3A_312 : vector<16xi32>
    %select_n3A_314 = arith.select %eq3A_313, %get3A_47, %select_n3A_310 : vector<16xi1>, vector<16xf32>
    %eq3A_315 = arith.constant 4 : i32
    %eq3A_316 = vector.broadcast %eq3A_315 : i32 to vector<16xi32>
    %eq3A_317 = arith.cmpi eq, %min3A_298, %eq3A_316 : vector<16xi32>
    %select_n3A_318 = arith.select %eq3A_317, %get3A_50, %select_n3A_314 : vector<16xi1>, vector<16xf32>
    %eq3A_319 = arith.constant 5 : i32
    %eq3A_320 = vector.broadcast %eq3A_319 : i32 to vector<16xi32>
    %eq3A_321 = arith.cmpi eq, %min3A_298, %eq3A_320 : vector<16xi32>
    %select_n3A_322 = arith.select %eq3A_321, %get3A_53, %select_n3A_318 : vector<16xi1>, vector<16xf32>
    %eq3A_323 = arith.constant 6 : i32
    %eq3A_324 = vector.broadcast %eq3A_323 : i32 to vector<16xi32>
    %eq3A_325 = arith.cmpi eq, %min3A_298, %eq3A_324 : vector<16xi32>
    %select_n3A_326 = arith.select %eq3A_325, %get3A_56, %select_n3A_322 : vector<16xi1>, vector<16xf32>
    %eq3A_327 = arith.constant 7 : i32
    %eq3A_328 = vector.broadcast %eq3A_327 : i32 to vector<16xi32>
    %eq3A_329 = arith.cmpi eq, %min3A_298, %eq3A_328 : vector<16xi32>
    %select_n3A_330 = arith.select %eq3A_329, %get3A_59, %select_n3A_326 : vector<16xi1>, vector<16xf32>
    %eq3A_331 = arith.constant 8 : i32
    %eq3A_332 = vector.broadcast %eq3A_331 : i32 to vector<16xi32>
    %eq3A_333 = arith.cmpi eq, %min3A_298, %eq3A_332 : vector<16xi32>
    %select_n3A_334 = arith.select %eq3A_333, %get3A_62, %select_n3A_330 : vector<16xi1>, vector<16xf32>
    %eq3A_335 = arith.constant 9 : i32
    %eq3A_336 = vector.broadcast %eq3A_335 : i32 to vector<16xi32>
    %eq3A_337 = arith.cmpi eq, %min3A_298, %eq3A_336 : vector<16xi32>
    %select_n3A_338 = arith.select %eq3A_337, %get3A_65, %select_n3A_334 : vector<16xi1>, vector<16xf32>
    %eq3A_339 = arith.constant 10 : i32
    %eq3A_340 = vector.broadcast %eq3A_339 : i32 to vector<16xi32>
    %eq3A_341 = arith.cmpi eq, %min3A_298, %eq3A_340 : vector<16xi32>
    %select_n3A_342 = arith.select %eq3A_341, %get3A_68, %select_n3A_338 : vector<16xi1>, vector<16xf32>
    %eq3A_343 = arith.constant 11 : i32
    %eq3A_344 = vector.broadcast %eq3A_343 : i32 to vector<16xi32>
    %eq3A_345 = arith.cmpi eq, %min3A_298, %eq3A_344 : vector<16xi32>
    %select_n3A_346 = arith.select %eq3A_345, %get3A_71, %select_n3A_342 : vector<16xi1>, vector<16xf32>
    %eq3A_347 = arith.constant 12 : i32
    %eq3A_348 = vector.broadcast %eq3A_347 : i32 to vector<16xi32>
    %eq3A_349 = arith.cmpi eq, %min3A_298, %eq3A_348 : vector<16xi32>
    %select_n3A_350 = arith.select %eq3A_349, %get3A_74, %select_n3A_346 : vector<16xi1>, vector<16xf32>
    %eq3A_351 = arith.constant 13 : i32
    %eq3A_352 = vector.broadcast %eq3A_351 : i32 to vector<16xi32>
    %eq3A_353 = arith.cmpi eq, %min3A_298, %eq3A_352 : vector<16xi32>
    %select_n3A_354 = arith.select %eq3A_353, %get3A_77, %select_n3A_350 : vector<16xi1>, vector<16xf32>
    %eq3A_355 = arith.constant 14 : i32
    %eq3A_356 = vector.broadcast %eq3A_355 : i32 to vector<16xi32>
    %eq3A_357 = arith.cmpi eq, %min3A_298, %eq3A_356 : vector<16xi32>
    %select_n3A_358 = arith.select %eq3A_357, %get3A_80, %select_n3A_354 : vector<16xi1>, vector<16xf32>
    %eq3A_359 = arith.constant 15 : i32
    %eq3A_360 = vector.broadcast %eq3A_359 : i32 to vector<16xi32>
    %eq3A_361 = arith.cmpi eq, %min3A_298, %eq3A_360 : vector<16xi32>
    %select_n3A_362 = arith.select %eq3A_361, %get3A_83, %select_n3A_358 : vector<16xi1>, vector<16xf32>
    %eq3A_363 = arith.constant 16 : i32
    %eq3A_364 = vector.broadcast %eq3A_363 : i32 to vector<16xi32>
    %eq3A_365 = arith.cmpi eq, %min3A_298, %eq3A_364 : vector<16xi32>
    %select_n3A_366 = arith.select %eq3A_365, %get3A_86, %select_n3A_362 : vector<16xi1>, vector<16xf32>
    %eq3A_367 = arith.constant 17 : i32
    %eq3A_368 = vector.broadcast %eq3A_367 : i32 to vector<16xi32>
    %eq3A_369 = arith.cmpi eq, %min3A_298, %eq3A_368 : vector<16xi32>
    %select_n3A_370 = arith.select %eq3A_369, %get3A_89, %select_n3A_366 : vector<16xi1>, vector<16xf32>
    %eq3A_371 = arith.constant 18 : i32
    %eq3A_372 = vector.broadcast %eq3A_371 : i32 to vector<16xi32>
    %eq3A_373 = arith.cmpi eq, %min3A_298, %eq3A_372 : vector<16xi32>
    %select_n3A_374 = arith.select %eq3A_373, %get3A_92, %select_n3A_370 : vector<16xi1>, vector<16xf32>
    %eq3A_375 = arith.constant 19 : i32
    %eq3A_376 = vector.broadcast %eq3A_375 : i32 to vector<16xi32>
    %eq3A_377 = arith.cmpi eq, %min3A_298, %eq3A_376 : vector<16xi32>
    %select_n3A_378 = arith.select %eq3A_377, %get3A_95, %select_n3A_374 : vector<16xi1>, vector<16xf32>
    %eq3A_379 = arith.constant 20 : i32
    %eq3A_380 = vector.broadcast %eq3A_379 : i32 to vector<16xi32>
    %eq3A_381 = arith.cmpi eq, %min3A_298, %eq3A_380 : vector<16xi32>
    %select_n3A_382 = arith.select %eq3A_381, %get3A_98, %select_n3A_378 : vector<16xi1>, vector<16xf32>
    %eq3A_383 = arith.constant 21 : i32
    %eq3A_384 = vector.broadcast %eq3A_383 : i32 to vector<16xi32>
    %eq3A_385 = arith.cmpi eq, %min3A_298, %eq3A_384 : vector<16xi32>
    %select_n3A_386 = arith.select %eq3A_385, %get3A_101, %select_n3A_382 : vector<16xi1>, vector<16xf32>
    %eq3A_387 = arith.constant 22 : i32
    %eq3A_388 = vector.broadcast %eq3A_387 : i32 to vector<16xi32>
    %eq3A_389 = arith.cmpi eq, %min3A_298, %eq3A_388 : vector<16xi32>
    %select_n3A_390 = arith.select %eq3A_389, %get3A_104, %select_n3A_386 : vector<16xi1>, vector<16xf32>
    %eq3A_391 = arith.constant 23 : i32
    %eq3A_392 = vector.broadcast %eq3A_391 : i32 to vector<16xi32>
    %eq3A_393 = arith.cmpi eq, %min3A_298, %eq3A_392 : vector<16xi32>
    %select_n3A_394 = arith.select %eq3A_393, %get3A_107, %select_n3A_390 : vector<16xi1>, vector<16xf32>
    %eq3A_395 = arith.constant 24 : i32
    %eq3A_396 = vector.broadcast %eq3A_395 : i32 to vector<16xi32>
    %eq3A_397 = arith.cmpi eq, %min3A_298, %eq3A_396 : vector<16xi32>
    %select_n3A_398 = arith.select %eq3A_397, %get3A_110, %select_n3A_394 : vector<16xi1>, vector<16xf32>
    %eq3A_399 = arith.constant 25 : i32
    %eq3A_400 = vector.broadcast %eq3A_399 : i32 to vector<16xi32>
    %eq3A_401 = arith.cmpi eq, %min3A_298, %eq3A_400 : vector<16xi32>
    %select_n3A_402 = arith.select %eq3A_401, %get3A_113, %select_n3A_398 : vector<16xi1>, vector<16xf32>
    %eq3A_403 = arith.constant 26 : i32
    %eq3A_404 = vector.broadcast %eq3A_403 : i32 to vector<16xi32>
    %eq3A_405 = arith.cmpi eq, %min3A_298, %eq3A_404 : vector<16xi32>
    %select_n3A_406 = arith.select %eq3A_405, %get3A_116, %select_n3A_402 : vector<16xi1>, vector<16xf32>
    %eq3A_407 = arith.constant 27 : i32
    %eq3A_408 = vector.broadcast %eq3A_407 : i32 to vector<16xi32>
    %eq3A_409 = arith.cmpi eq, %min3A_298, %eq3A_408 : vector<16xi32>
    %select_n3A_410 = arith.select %eq3A_409, %get3A_119, %select_n3A_406 : vector<16xi1>, vector<16xf32>
    %eq3A_411 = arith.constant 28 : i32
    %eq3A_412 = vector.broadcast %eq3A_411 : i32 to vector<16xi32>
    %eq3A_413 = arith.cmpi eq, %min3A_298, %eq3A_412 : vector<16xi32>
    %select_n3A_414 = arith.select %eq3A_413, %get3A_122, %select_n3A_410 : vector<16xi1>, vector<16xf32>
    %eq3A_415 = arith.constant 29 : i32
    %eq3A_416 = vector.broadcast %eq3A_415 : i32 to vector<16xi32>
    %eq3A_417 = arith.cmpi eq, %min3A_298, %eq3A_416 : vector<16xi32>
    %select_n3A_418 = arith.select %eq3A_417, %get3A_125, %select_n3A_414 : vector<16xi1>, vector<16xf32>
    %eq3A_419 = arith.constant 30 : i32
    %eq3A_420 = vector.broadcast %eq3A_419 : i32 to vector<16xi32>
    %eq3A_421 = arith.cmpi eq, %min3A_298, %eq3A_420 : vector<16xi32>
    %select_n3A_422 = arith.select %eq3A_421, %get3A_128, %select_n3A_418 : vector<16xi1>, vector<16xf32>
    %eq3A_423 = arith.constant 31 : i32
    %eq3A_424 = vector.broadcast %eq3A_423 : i32 to vector<16xi32>
    %eq3A_425 = arith.cmpi eq, %min3A_298, %eq3A_424 : vector<16xi32>
    %select_n3A_426 = arith.select %eq3A_425, %get3A_131, %select_n3A_422 : vector<16xi1>, vector<16xf32>
    %swap3A_427 = arith.constant 2000 : index
    %swap3A_428 = tpu.vector_load %arg6[%swap3A_427] {strides = array<i32>} : memref<4096xf32, #tpu.memory_space<vmem>>, vector<16xf32>,
    %swap3A_429 = vector.shape_cast %swap3A_428 : vector<16xf32> to vector<16xf32>
    %swap3A_430 = vector.shape_cast %select_n3A_426 : vector<16xf32> to vector<16xf32>
    tpu.vector_store %arg6[%swap3A_427], %swap3A_430 {strides = array<i32>} : memref<4096xf32, #tpu.memory_space<vmem>>, vector<16xf32>,
    %add3A_431 = arith.constant 2000 : i32
    %add3A_432 = vector.broadcast %add3A_431 : i32 to vector<16xi32>
    %add3A_433 = arith.addi %add3A_432, %iota3A : vector<16xi32>
    %sub3A_434 = arith.constant 2045 : i32
    %sub3A_435 = vector.broadcast %sub3A_434 : i32 to vector<16xi32>
    %sub3A_436 = arith.subi %sub3A_435, %add3A_433 : vector<16xi32>
    %jit3A_437 = arith.constant 0 : i32
    %jit3A_438 = arith.constant 32 : i32
    %max3A_439 = vector.broadcast %jit3A_437 : i32 to vector<16xi32>
    %max3A_440 = arith.maxsi %max3A_439, %sub3A_436 : vector<16xi32>
    %min3A_441 = vector.broadcast %jit3A_438 : i32 to vector<16xi32>
    %min3A_442 = arith.minsi %min3A_441, %max3A_440 : vector<16xi32>
    %eq3A_443 = arith.constant 0 : i32
    %eq3A_444 = vector.broadcast %eq3A_443 : i32 to vector<16xi32>
    %eq3A_445 = arith.cmpi eq, %min3A_442, %eq3A_444 : vector<16xi32>
    %select_n3A_446 = arith.select %eq3A_445, %get3A_38, %get3A_134 : vector<16xi1>, vector<16xf32>
    %eq3A_447 = arith.constant 1 : i32
    %eq3A_448 = vector.broadcast %eq3A_447 : i32 to vector<16xi32>
    %eq3A_449 = arith.cmpi eq, %min3A_442, %eq3A_448 : vector<16xi32>
    %select_n3A_450 = arith.select %eq3A_449, %get3A_41, %select_n3A_446 : vector<16xi1>, vector<16xf32>
    %eq3A_451 = arith.constant 2 : i32
    %eq3A_452 = vector.broadcast %eq3A_451 : i32 to vector<16xi32>
    %eq3A_453 = arith.cmpi eq, %min3A_442, %eq3A_452 : vector<16xi32>
    %select_n3A_454 = arith.select %eq3A_453, %get3A_44, %select_n3A_450 : vector<16xi1>, vector<16xf32>
    %eq3A_455 = arith.constant 3 : i32
    %eq3A_456 = vector.broadcast %eq3A_455 : i32 to vector<16xi32>
    %eq3A_457 = arith.cmpi eq, %min3A_442, %eq3A_456 : vector<16xi32>
    %select_n3A_458 = arith.select %eq3A_457, %get3A_47, %select_n3A_454 : vector<16xi1>, vector<16xf32>
    %eq3A_459 = arith.constant 4 : i32
    %eq3A_460 = vector.broadcast %eq3A_459 : i32 to vector<16xi32>
    %eq3A_461 = arith.cmpi eq, %min3A_442, %eq3A_460 : vector<16xi32>
    %select_n3A_462 = arith.select %eq3A_461, %get3A_50, %select_n3A_458 : vector<16xi1>, vector<16xf32>
    %eq3A_463 = arith.constant 5 : i32
    %eq3A_464 = vector.broadcast %eq3A_463 : i32 to vector<16xi32>
    %eq3A_465 = arith.cmpi eq, %min3A_442, %eq3A_464 : vector<16xi32>
    %select_n3A_466 = arith.select %eq3A_465, %get3A_53, %select_n3A_462 : vector<16xi1>, vector<16xf32>
    %eq3A_467 = arith.constant 6 : i32
    %eq3A_468 = vector.broadcast %eq3A_467 : i32 to vector<16xi32>
    %eq3A_469 = arith.cmpi eq, %min3A_442, %eq3A_468 : vector<16xi32>
    %select_n3A_470 = arith.select %eq3A_469, %get3A_56, %select_n3A_466 : vector<16xi1>, vector<16xf32>
    %eq3A_471 = arith.constant 7 : i32
    %eq3A_472 = vector.broadcast %eq3A_471 : i32 to vector<16xi32>
    %eq3A_473 = arith.cmpi eq, %min3A_442, %eq3A_472 : vector<16xi32>
    %select_n3A_474 = arith.select %eq3A_473, %get3A_59, %select_n3A_470 : vector<16xi1>, vector<16xf32>
    %eq3A_475 = arith.constant 8 : i32
    %eq3A_476 = vector.broadcast %eq3A_475 : i32 to vector<16xi32>
    %eq3A_477 = arith.cmpi eq, %min3A_442, %eq3A_476 : vector<16xi32>
    %select_n3A_478 = arith.select %eq3A_477, %get3A_62, %select_n3A_474 : vector<16xi1>, vector<16xf32>
    %eq3A_479 = arith.constant 9 : i32
    %eq3A_480 = vector.broadcast %eq3A_479 : i32 to vector<16xi32>
    %eq3A_481 = arith.cmpi eq, %min3A_442, %eq3A_480 : vector<16xi32>
    %select_n3A_482 = arith.select %eq3A_481, %get3A_65, %select_n3A_478 : vector<16xi1>, vector<16xf32>
    %eq3A_483 = arith.constant 10 : i32
    %eq3A_484 = vector.broadcast %eq3A_483 : i32 to vector<16xi32>
    %eq3A_485 = arith.cmpi eq, %min3A_442, %eq3A_484 : vector<16xi32>
    %select_n3A_486 = arith.select %eq3A_485, %get3A_68, %select_n3A_482 : vector<16xi1>, vector<16xf32>
    %eq3A_487 = arith.constant 11 : i32
    %eq3A_488 = vector.broadcast %eq3A_487 : i32 to vector<16xi32>
    %eq3A_489 = arith.cmpi eq, %min3A_442, %eq3A_488 : vector<16xi32>
    %select_n3A_490 = arith.select %eq3A_489, %get3A_71, %select_n3A_486 : vector<16xi1>, vector<16xf32>
    %eq3A_491 = arith.constant 12 : i32
    %eq3A_492 = vector.broadcast %eq3A_491 : i32 to vector<16xi32>
    %eq3A_493 = arith.cmpi eq, %min3A_442, %eq3A_492 : vector<16xi32>
    %select_n3A_494 = arith.select %eq3A_493, %get3A_74, %select_n3A_490 : vector<16xi1>, vector<16xf32>
    %eq3A_495 = arith.constant 13 : i32
    %eq3A_496 = vector.broadcast %eq3A_495 : i32 to vector<16xi32>
    %eq3A_497 = arith.cmpi eq, %min3A_442, %eq3A_496 : vector<16xi32>
    %select_n3A_498 = arith.select %eq3A_497, %get3A_77, %select_n3A_494 : vector<16xi1>, vector<16xf32>
    %eq3A_499 = arith.constant 14 : i32
    %eq3A_500 = vector.broadcast %eq3A_499 : i32 to vector<16xi32>
    %eq3A_501 = arith.cmpi eq, %min3A_442, %eq3A_500 : vector<16xi32>
    %select_n3A_502 = arith.select %eq3A_501, %get3A_80, %select_n3A_498 : vector<16xi1>, vector<16xf32>
    %eq3A_503 = arith.constant 15 : i32
    %eq3A_504 = vector.broadcast %eq3A_503 : i32 to vector<16xi32>
    %eq3A_505 = arith.cmpi eq, %min3A_442, %eq3A_504 : vector<16xi32>
    %select_n3A_506 = arith.select %eq3A_505, %get3A_83, %select_n3A_502 : vector<16xi1>, vector<16xf32>
    %eq3A_507 = arith.constant 16 : i32
    %eq3A_508 = vector.broadcast %eq3A_507 : i32 to vector<16xi32>
    %eq3A_509 = arith.cmpi eq, %min3A_442, %eq3A_508 : vector<16xi32>
    %select_n3A_510 = arith.select %eq3A_509, %get3A_86, %select_n3A_506 : vector<16xi1>, vector<16xf32>
    %eq3A_511 = arith.constant 17 : i32
    %eq3A_512 = vector.broadcast %eq3A_511 : i32 to vector<16xi32>
    %eq3A_513 = arith.cmpi eq, %min3A_442, %eq3A_512 : vector<16xi32>
    %select_n3A_514 = arith.select %eq3A_513, %get3A_89, %select_n3A_510 : vector<16xi1>, vector<16xf32>
    %eq3A_515 = arith.constant 18 : i32
    %eq3A_516 = vector.broadcast %eq3A_515 : i32 to vector<16xi32>
    %eq3A_517 = arith.cmpi eq, %min3A_442, %eq3A_516 : vector<16xi32>
    %select_n3A_518 = arith.select %eq3A_517, %get3A_92, %select_n3A_514 : vector<16xi1>, vector<16xf32>
    %eq3A_519 = arith.constant 19 : i32
    %eq3A_520 = vector.broadcast %eq3A_519 : i32 to vector<16xi32>
    %eq3A_521 = arith.cmpi eq, %min3A_442, %eq3A_520 : vector<16xi32>
    %select_n3A_522 = arith.select %eq3A_521, %get3A_95, %select_n3A_518 : vector<16xi1>, vector<16xf32>
    %eq3A_523 = arith.constant 20 : i32
    %eq3A_524 = vector.broadcast %eq3A_523 : i32 to vector<16xi32>
    %eq3A_525 = arith.cmpi eq, %min3A_442, %eq3A_524 : vector<16xi32>
    %select_n3A_526 = arith.select %eq3A_525, %get3A_98, %select_n3A_522 : vector<16xi1>, vector<16xf32>
    %eq3A_527 = arith.constant 21 : i32
    %eq3A_528 = vector.broadcast %eq3A_527 : i32 to vector<16xi32>
    %eq3A_529 = arith.cmpi eq, %min3A_442, %eq3A_528 : vector<16xi32>
    %select_n3A_530 = arith.select %eq3A_529, %get3A_101, %select_n3A_526 : vector<16xi1>, vector<16xf32>
    %eq3A_531 = arith.constant 22 : i32
    %eq3A_532 = vector.broadcast %eq3A_531 : i32 to vector<16xi32>
    %eq3A_533 = arith.cmpi eq, %min3A_442, %eq3A_532 : vector<16xi32>
    %select_n3A_534 = arith.select %eq3A_533, %get3A_104, %select_n3A_530 : vector<16xi1>, vector<16xf32>
    %eq3A_535 = arith.constant 23 : i32
    %eq3A_536 = vector.broadcast %eq3A_535 : i32 to vector<16xi32>
    %eq3A_537 = arith.cmpi eq, %min3A_442, %eq3A_536 : vector<16xi32>
    %select_n3A_538 = arith.select %eq3A_537, %get3A_107, %select_n3A_534 : vector<16xi1>, vector<16xf32>
    %eq3A_539 = arith.constant 24 : i32
    %eq3A_540 = vector.broadcast %eq3A_539 : i32 to vector<16xi32>
    %eq3A_541 = arith.cmpi eq, %min3A_442, %eq3A_540 : vector<16xi32>
    %select_n3A_542 = arith.select %eq3A_541, %get3A_110, %select_n3A_538 : vector<16xi1>, vector<16xf32>
    %eq3A_543 = arith.constant 25 : i32
    %eq3A_544 = vector.broadcast %eq3A_543 : i32 to vector<16xi32>
    %eq3A_545 = arith.cmpi eq, %min3A_442, %eq3A_544 : vector<16xi32>
    %select_n3A_546 = arith.select %eq3A_545, %get3A_113, %select_n3A_542 : vector<16xi1>, vector<16xf32>
    %eq3A_547 = arith.constant 26 : i32
    %eq3A_548 = vector.broadcast %eq3A_547 : i32 to vector<16xi32>
    %eq3A_549 = arith.cmpi eq, %min3A_442, %eq3A_548 : vector<16xi32>
    %select_n3A_550 = arith.select %eq3A_549, %get3A_116, %select_n3A_546 : vector<16xi1>, vector<16xf32>
    %eq3A_551 = arith.constant 27 : i32
    %eq3A_552 = vector.broadcast %eq3A_551 : i32 to vector<16xi32>
    %eq3A_553 = arith.cmpi eq, %min3A_442, %eq3A_552 : vector<16xi32>
    %select_n3A_554 = arith.select %eq3A_553, %get3A_119, %select_n3A_550 : vector<16xi1>, vector<16xf32>
    %eq3A_555 = arith.constant 28 : i32
    %eq3A_556 = vector.broadcast %eq3A_555 : i32 to vector<16xi32>
    %eq3A_557 = arith.cmpi eq, %min3A_442, %eq3A_556 : vector<16xi32>
    %select_n3A_558 = arith.select %eq3A_557, %get3A_122, %select_n3A_554 : vector<16xi1>, vector<16xf32>
    %eq3A_559 = arith.constant 29 : i32
    %eq3A_560 = vector.broadcast %eq3A_559 : i32 to vector<16xi32>
    %eq3A_561 = arith.cmpi eq, %min3A_442, %eq3A_560 : vector<16xi32>
    %select_n3A_562 = arith.select %eq3A_561, %get3A_125, %select_n3A_558 : vector<16xi1>, vector<16xf32>
    %eq3A_563 = arith.constant 30 : i32
    %eq3A_564 = vector.broadcast %eq3A_563 : i32 to vector<16xi32>
    %eq3A_565 = arith.cmpi eq, %min3A_442, %eq3A_564 : vector<16xi32>
    %select_n3A_566 = arith.select %eq3A_565, %get3A_128, %select_n3A_562 : vector<16xi1>, vector<16xf32>
    %eq3A_567 = arith.constant 31 : i32
    %eq3A_568 = vector.broadcast %eq3A_567 : i32 to vector<16xi32>
    %eq3A_569 = arith.cmpi eq, %min3A_442, %eq3A_568 : vector<16xi32>
    %select_n3A_570 = arith.select %eq3A_569, %get3A_131, %select_n3A_566 : vector<16xi1>, vector<16xf32>
    %swap3A_571 = arith.constant 2000 : index
    %swap3A_572 = tpu.vector_load %arg7[%swap3A_571] {strides = array<i32>} : memref<4096xf32, #tpu.memory_space<vmem>>, vector<16xf32>,
    %swap3A_573 = vector.shape_cast %swap3A_572 : vector<16xf32> to vector<16xf32>
    %swap3A_574 = vector.shape_cast %select_n3A_570 : vector<16xf32> to vector<16xf32>
    tpu.vector_store %arg7[%swap3A_571], %swap3A_574 {strides = array<i32>} : memref<4096xf32, #tpu.memory_space<vmem>>, vector<16xf32>,
    %add3A_575 = arith.constant 2000 : i32
    %add3A_576 = vector.broadcast %add3A_575 : i32 to vector<16xi32>
    %add3A_577 = arith.addi %add3A_576, %iota3A : vector<16xi32>
    %sub3A_578 = arith.constant 2044 : i32
    %sub3A_579 = vector.broadcast %sub3A_578 : i32 to vector<16xi32>
    %sub3A_580 = arith.subi %sub3A_579, %add3A_577 : vector<16xi32>
    %jit3A_581 = arith.constant 0 : i32
    %jit3A_582 = arith.constant 32 : i32
    %max3A_583 = vector.broadcast %jit3A_581 : i32 to vector<16xi32>
    %max3A_584 = arith.maxsi %max3A_583, %sub3A_580 : vector<16xi32>
    %min3A_585 = vector.broadcast %jit3A_582 : i32 to vector<16xi32>
    %min3A_586 = arith.minsi %min3A_585, %max3A_584 : vector<16xi32>
    %eq3A_587 = arith.constant 0 : i32
    %eq3A_588 = vector.broadcast %eq3A_587 : i32 to vector<16xi32>
    %eq3A_589 = arith.cmpi eq, %min3A_586, %eq3A_588 : vector<16xi32>
    %select_n3A_590 = arith.select %eq3A_589, %get3A_38, %get3A_134 : vector<16xi1>, vector<16xf32>
    %eq3A_591 = arith.constant 1 : i32
    %eq3A_592 = vector.broadcast %eq3A_591 : i32 to vector<16xi32>
    %eq3A_593 = arith.cmpi eq, %min3A_586, %eq3A_592 : vector<16xi32>
    %select_n3A_594 = arith.select %eq3A_593, %get3A_41, %select_n3A_590 : vector<16xi1>, vector<16xf32>
    %eq3A_595 = arith.constant 2 : i32
    %eq3A_596 = vector.broadcast %eq3A_595 : i32 to vector<16xi32>
    %eq3A_597 = arith.cmpi eq, %min3A_586, %eq3A_596 : vector<16xi32>
    %select_n3A_598 = arith.select %eq3A_597, %get3A_44, %select_n3A_594 : vector<16xi1>, vector<16xf32>
    %eq3A_599 = arith.constant 3 : i32
    %eq3A_600 = vector.broadcast %eq3A_599 : i32 to vector<16xi32>
    %eq3A_601 = arith.cmpi eq, %min3A_586, %eq3A_600 : vector<16xi32>
    %select_n3A_602 = arith.select %eq3A_601, %get3A_47, %select_n3A_598 : vector<16xi1>, vector<16xf32>
    %eq3A_603 = arith.constant 4 : i32
    %eq3A_604 = vector.broadcast %eq3A_603 : i32 to vector<16xi32>
    %eq3A_605 = arith.cmpi eq, %min3A_586, %eq3A_604 : vector<16xi32>
    %select_n3A_606 = arith.select %eq3A_605, %get3A_50, %select_n3A_602 : vector<16xi1>, vector<16xf32>
    %eq3A_607 = arith.constant 5 : i32
    %eq3A_608 = vector.broadcast %eq3A_607 : i32 to vector<16xi32>
    %eq3A_609 = arith.cmpi eq, %min3A_586, %eq3A_608 : vector<16xi32>
    %select_n3A_610 = arith.select %eq3A_609, %get3A_53, %select_n3A_606 : vector<16xi1>, vector<16xf32>
    %eq3A_611 = arith.constant 6 : i32
    %eq3A_612 = vector.broadcast %eq3A_611 : i32 to vector<16xi32>
    %eq3A_613 = arith.cmpi eq, %min3A_586, %eq3A_612 : vector<16xi32>
    %select_n3A_614 = arith.select %eq3A_613, %get3A_56, %select_n3A_610 : vector<16xi1>, vector<16xf32>
    %eq3A_615 = arith.constant 7 : i32
    %eq3A_616 = vector.broadcast %eq3A_615 : i32 to vector<16xi32>
    %eq3A_617 = arith.cmpi eq, %min3A_586, %eq3A_616 : vector<16xi32>
    %select_n3A_618 = arith.select %eq3A_617, %get3A_59, %select_n3A_614 : vector<16xi1>, vector<16xf32>
    %eq3A_619 = arith.constant 8 : i32
    %eq3A_620 = vector.broadcast %eq3A_619 : i32 to vector<16xi32>
    %eq3A_621 = arith.cmpi eq, %min3A_586, %eq3A_620 : vector<16xi32>
    %select_n3A_622 = arith.select %eq3A_621, %get3A_62, %select_n3A_618 : vector<16xi1>, vector<16xf32>
    %eq3A_623 = arith.constant 9 : i32
    %eq3A_624 = vector.broadcast %eq3A_623 : i32 to vector<16xi32>
    %eq3A_625 = arith.cmpi eq, %min3A_586, %eq3A_624 : vector<16xi32>
    %select_n3A_626 = arith.select %eq3A_625, %get3A_65, %select_n3A_622 : vector<16xi1>, vector<16xf32>
    %eq3A_627 = arith.constant 10 : i32
    %eq3A_628 = vector.broadcast %eq3A_627 : i32 to vector<16xi32>
    %eq3A_629 = arith.cmpi eq, %min3A_586, %eq3A_628 : vector<16xi32>
    %select_n3A_630 = arith.select %eq3A_629, %get3A_68, %select_n3A_626 : vector<16xi1>, vector<16xf32>
    %eq3A_631 = arith.constant 11 : i32
    %eq3A_632 = vector.broadcast %eq3A_631 : i32 to vector<16xi32>
    %eq3A_633 = arith.cmpi eq, %min3A_586, %eq3A_632 : vector<16xi32>
    %select_n3A_634 = arith.select %eq3A_633, %get3A_71, %select_n3A_630 : vector<16xi1>, vector<16xf32>
    %eq3A_635 = arith.constant 12 : i32
    %eq3A_636 = vector.broadcast %eq3A_635 : i32 to vector<16xi32>
    %eq3A_637 = arith.cmpi eq, %min3A_586, %eq3A_636 : vector<16xi32>
    %select_n3A_638 = arith.select %eq3A_637, %get3A_74, %select_n3A_634 : vector<16xi1>, vector<16xf32>
    %eq3A_639 = arith.constant 13 : i32
    %eq3A_640 = vector.broadcast %eq3A_639 : i32 to vector<16xi32>
    %eq3A_641 = arith.cmpi eq, %min3A_586, %eq3A_640 : vector<16xi32>
    %select_n3A_642 = arith.select %eq3A_641, %get3A_77, %select_n3A_638 : vector<16xi1>, vector<16xf32>
    %eq3A_643 = arith.constant 14 : i32
    %eq3A_644 = vector.broadcast %eq3A_643 : i32 to vector<16xi32>
    %eq3A_645 = arith.cmpi eq, %min3A_586, %eq3A_644 : vector<16xi32>
    %select_n3A_646 = arith.select %eq3A_645, %get3A_80, %select_n3A_642 : vector<16xi1>, vector<16xf32>
    %eq3A_647 = arith.constant 15 : i32
    %eq3A_648 = vector.broadcast %eq3A_647 : i32 to vector<16xi32>
    %eq3A_649 = arith.cmpi eq, %min3A_586, %eq3A_648 : vector<16xi32>
    %select_n3A_650 = arith.select %eq3A_649, %get3A_83, %select_n3A_646 : vector<16xi1>, vector<16xf32>
    %eq3A_651 = arith.constant 16 : i32
    %eq3A_652 = vector.broadcast %eq3A_651 : i32 to vector<16xi32>
    %eq3A_653 = arith.cmpi eq, %min3A_586, %eq3A_652 : vector<16xi32>
    %select_n3A_654 = arith.select %eq3A_653, %get3A_86, %select_n3A_650 : vector<16xi1>, vector<16xf32>
    %eq3A_655 = arith.constant 17 : i32
    %eq3A_656 = vector.broadcast %eq3A_655 : i32 to vector<16xi32>
    %eq3A_657 = arith.cmpi eq, %min3A_586, %eq3A_656 : vector<16xi32>
    %select_n3A_658 = arith.select %eq3A_657, %get3A_89, %select_n3A_654 : vector<16xi1>, vector<16xf32>
    %eq3A_659 = arith.constant 18 : i32
    %eq3A_660 = vector.broadcast %eq3A_659 : i32 to vector<16xi32>
    %eq3A_661 = arith.cmpi eq, %min3A_586, %eq3A_660 : vector<16xi32>
    %select_n3A_662 = arith.select %eq3A_661, %get3A_92, %select_n3A_658 : vector<16xi1>, vector<16xf32>
    %eq3A_663 = arith.constant 19 : i32
    %eq3A_664 = vector.broadcast %eq3A_663 : i32 to vector<16xi32>
    %eq3A_665 = arith.cmpi eq, %min3A_586, %eq3A_664 : vector<16xi32>
    %select_n3A_666 = arith.select %eq3A_665, %get3A_95, %select_n3A_662 : vector<16xi1>, vector<16xf32>
    %eq3A_667 = arith.constant 20 : i32
    %eq3A_668 = vector.broadcast %eq3A_667 : i32 to vector<16xi32>
    %eq3A_669 = arith.cmpi eq, %min3A_586, %eq3A_668 : vector<16xi32>
    %select_n3A_670 = arith.select %eq3A_669, %get3A_98, %select_n3A_666 : vector<16xi1>, vector<16xf32>
    %eq3A_671 = arith.constant 21 : i32
    %eq3A_672 = vector.broadcast %eq3A_671 : i32 to vector<16xi32>
    %eq3A_673 = arith.cmpi eq, %min3A_586, %eq3A_672 : vector<16xi32>
    %select_n3A_674 = arith.select %eq3A_673, %get3A_101, %select_n3A_670 : vector<16xi1>, vector<16xf32>
    %eq3A_675 = arith.constant 22 : i32
    %eq3A_676 = vector.broadcast %eq3A_675 : i32 to vector<16xi32>
    %eq3A_677 = arith.cmpi eq, %min3A_586, %eq3A_676 : vector<16xi32>
    %select_n3A_678 = arith.select %eq3A_677, %get3A_104, %select_n3A_674 : vector<16xi1>, vector<16xf32>
    %eq3A_679 = arith.constant 23 : i32
    %eq3A_680 = vector.broadcast %eq3A_679 : i32 to vector<16xi32>
    %eq3A_681 = arith.cmpi eq, %min3A_586, %eq3A_680 : vector<16xi32>
    %select_n3A_682 = arith.select %eq3A_681, %get3A_107, %select_n3A_678 : vector<16xi1>, vector<16xf32>
    %eq3A_683 = arith.constant 24 : i32
    %eq3A_684 = vector.broadcast %eq3A_683 : i32 to vector<16xi32>
    %eq3A_685 = arith.cmpi eq, %min3A_586, %eq3A_684 : vector<16xi32>
    %select_n3A_686 = arith.select %eq3A_685, %get3A_110, %select_n3A_682 : vector<16xi1>, vector<16xf32>
    %eq3A_687 = arith.constant 25 : i32
    %eq3A_688 = vector.broadcast %eq3A_687 : i32 to vector<16xi32>
    %eq3A_689 = arith.cmpi eq, %min3A_586, %eq3A_688 : vector<16xi32>
    %select_n3A_690 = arith.select %eq3A_689, %get3A_113, %select_n3A_686 : vector<16xi1>, vector<16xf32>
    %eq3A_691 = arith.constant 26 : i32
    %eq3A_692 = vector.broadcast %eq3A_691 : i32 to vector<16xi32>
    %eq3A_693 = arith.cmpi eq, %min3A_586, %eq3A_692 : vector<16xi32>
    %select_n3A_694 = arith.select %eq3A_693, %get3A_116, %select_n3A_690 : vector<16xi1>, vector<16xf32>
    %eq3A_695 = arith.constant 27 : i32
    %eq3A_696 = vector.broadcast %eq3A_695 : i32 to vector<16xi32>
    %eq3A_697 = arith.cmpi eq, %min3A_586, %eq3A_696 : vector<16xi32>
    %select_n3A_698 = arith.select %eq3A_697, %get3A_119, %select_n3A_694 : vector<16xi1>, vector<16xf32>
    %eq3A_699 = arith.constant 28 : i32
    %eq3A_700 = vector.broadcast %eq3A_699 : i32 to vector<16xi32>
    %eq3A_701 = arith.cmpi eq, %min3A_586, %eq3A_700 : vector<16xi32>
    %select_n3A_702 = arith.select %eq3A_701, %get3A_122, %select_n3A_698 : vector<16xi1>, vector<16xf32>
    %eq3A_703 = arith.constant 29 : i32
    %eq3A_704 = vector.broadcast %eq3A_703 : i32 to vector<16xi32>
    %eq3A_705 = arith.cmpi eq, %min3A_586, %eq3A_704 : vector<16xi32>
    %select_n3A_706 = arith.select %eq3A_705, %get3A_125, %select_n3A_702 : vector<16xi1>, vector<16xf32>
    %eq3A_707 = arith.constant 30 : i32
    %eq3A_708 = vector.broadcast %eq3A_707 : i32 to vector<16xi32>
    %eq3A_709 = arith.cmpi eq, %min3A_586, %eq3A_708 : vector<16xi32>
    %select_n3A_710 = arith.select %eq3A_709, %get3A_128, %select_n3A_706 : vector<16xi1>, vector<16xf32>
    %eq3A_711 = arith.constant 31 : i32
    %eq3A_712 = vector.broadcast %eq3A_711 : i32 to vector<16xi32>
    %eq3A_713 = arith.cmpi eq, %min3A_586, %eq3A_712 : vector<16xi32>
    %select_n3A_714 = arith.select %eq3A_713, %get3A_131, %select_n3A_710 : vector<16xi1>, vector<16xf32>
    %swap3A_715 = arith.constant 2000 : index
    %swap3A_716 = tpu.vector_load %arg8[%swap3A_715] {strides = array<i32>} : memref<4096xf32, #tpu.memory_space<vmem>>, vector<16xf32>,
    %swap3A_717 = vector.shape_cast %swap3A_716 : vector<16xf32> to vector<16xf32>
    %swap3A_718 = vector.shape_cast %select_n3A_714 : vector<16xf32> to vector<16xf32>
    tpu.vector_store %arg8[%swap3A_715], %swap3A_718 {strides = array<i32>} : memref<4096xf32, #tpu.memory_space<vmem>>, vector<16xf32>,
    %add3A_719 = arith.constant 2000 : i32
    %add3A_720 = vector.broadcast %add3A_719 : i32 to vector<16xi32>
    %add3A_721 = arith.addi %add3A_720, %iota3A : vector<16xi32>
    %sub3A_722 = arith.constant 2043 : i32
    %sub3A_723 = vector.broadcast %sub3A_722 : i32 to vector<16xi32>
    %sub3A_724 = arith.subi %sub3A_723, %add3A_721 : vector<16xi32>
    %jit3A_725 = arith.constant 0 : i32
    %jit3A_726 = arith.constant 32 : i32
    %max3A_727 = vector.broadcast %jit3A_725 : i32 to vector<16xi32>
    %max3A_728 = arith.maxsi %max3A_727, %sub3A_724 : vector<16xi32>
    %min3A_729 = vector.broadcast %jit3A_726 : i32 to vector<16xi32>
    %min3A_730 = arith.minsi %min3A_729, %max3A_728 : vector<16xi32>
    %eq3A_731 = arith.constant 0 : i32
    %eq3A_732 = vector.broadcast %eq3A_731 : i32 to vector<16xi32>
    %eq3A_733 = arith.cmpi eq, %min3A_730, %eq3A_732 : vector<16xi32>
    %select_n3A_734 = arith.select %eq3A_733, %get3A_38, %get3A_134 : vector<16xi1>, vector<16xf32>
    %eq3A_735 = arith.constant 1 : i32
    %eq3A_736 = vector.broadcast %eq3A_735 : i32 to vector<16xi32>
    %eq3A_737 = arith.cmpi eq, %min3A_730, %eq3A_736 : vector<16xi32>
    %select_n3A_738 = arith.select %eq3A_737, %get3A_41, %select_n3A_734 : vector<16xi1>, vector<16xf32>
    %eq3A_739 = arith.constant 2 : i32
    %eq3A_740 = vector.broadcast %eq3A_739 : i32 to vector<16xi32>
    %eq3A_741 = arith.cmpi eq, %min3A_730, %eq3A_740 : vector<16xi32>
    %select_n3A_742 = arith.select %eq3A_741, %get3A_44, %select_n3A_738 : vector<16xi1>, vector<16xf32>
    %eq3A_743 = arith.constant 3 : i32
    %eq3A_744 = vector.broadcast %eq3A_743 : i32 to vector<16xi32>
    %eq3A_745 = arith.cmpi eq, %min3A_730, %eq3A_744 : vector<16xi32>
    %select_n3A_746 = arith.select %eq3A_745, %get3A_47, %select_n3A_742 : vector<16xi1>, vector<16xf32>
    %eq3A_747 = arith.constant 4 : i32
    %eq3A_748 = vector.broadcast %eq3A_747 : i32 to vector<16xi32>
    %eq3A_749 = arith.cmpi eq, %min3A_730, %eq3A_748 : vector<16xi32>
    %select_n3A_750 = arith.select %eq3A_749, %get3A_50, %select_n3A_746 : vector<16xi1>, vector<16xf32>
    %eq3A_751 = arith.constant 5 : i32
    %eq3A_752 = vector.broadcast %eq3A_751 : i32 to vector<16xi32>
    %eq3A_753 = arith.cmpi eq, %min3A_730, %eq3A_752 : vector<16xi32>
    %select_n3A_754 = arith.select %eq3A_753, %get3A_53, %select_n3A_750 : vector<16xi1>, vector<16xf32>
    %eq3A_755 = arith.constant 6 : i32
    %eq3A_756 = vector.broadcast %eq3A_755 : i32 to vector<16xi32>
    %eq3A_757 = arith.cmpi eq, %min3A_730, %eq3A_756 : vector<16xi32>
    %select_n3A_758 = arith.select %eq3A_757, %get3A_56, %select_n3A_754 : vector<16xi1>, vector<16xf32>
    %eq3A_759 = arith.constant 7 : i32
    %eq3A_760 = vector.broadcast %eq3A_759 : i32 to vector<16xi32>
    %eq3A_761 = arith.cmpi eq, %min3A_730, %eq3A_760 : vector<16xi32>
    %select_n3A_762 = arith.select %eq3A_761, %get3A_59, %select_n3A_758 : vector<16xi1>, vector<16xf32>
    %eq3A_763 = arith.constant 8 : i32
    %eq3A_764 = vector.broadcast %eq3A_763 : i32 to vector<16xi32>
    %eq3A_765 = arith.cmpi eq, %min3A_730, %eq3A_764 : vector<16xi32>
    %select_n3A_766 = arith.select %eq3A_765, %get3A_62, %select_n3A_762 : vector<16xi1>, vector<16xf32>
    %eq3A_767 = arith.constant 9 : i32
    %eq3A_768 = vector.broadcast %eq3A_767 : i32 to vector<16xi32>
    %eq3A_769 = arith.cmpi eq, %min3A_730, %eq3A_768 : vector<16xi32>
    %select_n3A_770 = arith.select %eq3A_769, %get3A_65, %select_n3A_766 : vector<16xi1>, vector<16xf32>
    %eq3A_771 = arith.constant 10 : i32
    %eq3A_772 = vector.broadcast %eq3A_771 : i32 to vector<16xi32>
    %eq3A_773 = arith.cmpi eq, %min3A_730, %eq3A_772 : vector<16xi32>
    %select_n3A_774 = arith.select %eq3A_773, %get3A_68, %select_n3A_770 : vector<16xi1>, vector<16xf32>
    %eq3A_775 = arith.constant 11 : i32
    %eq3A_776 = vector.broadcast %eq3A_775 : i32 to vector<16xi32>
    %eq3A_777 = arith.cmpi eq, %min3A_730, %eq3A_776 : vector<16xi32>
    %select_n3A_778 = arith.select %eq3A_777, %get3A_71, %select_n3A_774 : vector<16xi1>, vector<16xf32>
    %eq3A_779 = arith.constant 12 : i32
    %eq3A_780 = vector.broadcast %eq3A_779 : i32 to vector<16xi32>
    %eq3A_781 = arith.cmpi eq, %min3A_730, %eq3A_780 : vector<16xi32>
    %select_n3A_782 = arith.select %eq3A_781, %get3A_74, %select_n3A_778 : vector<16xi1>, vector<16xf32>
    %eq3A_783 = arith.constant 13 : i32
    %eq3A_784 = vector.broadcast %eq3A_783 : i32 to vector<16xi32>
    %eq3A_785 = arith.cmpi eq, %min3A_730, %eq3A_784 : vector<16xi32>
    %select_n3A_786 = arith.select %eq3A_785, %get3A_77, %select_n3A_782 : vector<16xi1>, vector<16xf32>
    %eq3A_787 = arith.constant 14 : i32
    %eq3A_788 = vector.broadcast %eq3A_787 : i32 to vector<16xi32>
    %eq3A_789 = arith.cmpi eq, %min3A_730, %eq3A_788 : vector<16xi32>
    %select_n3A_790 = arith.select %eq3A_789, %get3A_80, %select_n3A_786 : vector<16xi1>, vector<16xf32>
    %eq3A_791 = arith.constant 15 : i32
    %eq3A_792 = vector.broadcast %eq3A_791 : i32 to vector<16xi32>
    %eq3A_793 = arith.cmpi eq, %min3A_730, %eq3A_792 : vector<16xi32>
    %select_n3A_794 = arith.select %eq3A_793, %get3A_83, %select_n3A_790 : vector<16xi1>, vector<16xf32>
    %eq3A_795 = arith.constant 16 : i32
    %eq3A_796 = vector.broadcast %eq3A_795 : i32 to vector<16xi32>
    %eq3A_797 = arith.cmpi eq, %min3A_730, %eq3A_796 : vector<16xi32>
    %select_n3A_798 = arith.select %eq3A_797, %get3A_86, %select_n3A_794 : vector<16xi1>, vector<16xf32>
    %eq3A_799 = arith.constant 17 : i32
    %eq3A_800 = vector.broadcast %eq3A_799 : i32 to vector<16xi32>
    %eq3A_801 = arith.cmpi eq, %min3A_730, %eq3A_800 : vector<16xi32>
    %select_n3A_802 = arith.select %eq3A_801, %get3A_89, %select_n3A_798 : vector<16xi1>, vector<16xf32>
    %eq3A_803 = arith.constant 18 : i32
    %eq3A_804 = vector.broadcast %eq3A_803 : i32 to vector<16xi32>
    %eq3A_805 = arith.cmpi eq, %min3A_730, %eq3A_804 : vector<16xi32>
    %select_n3A_806 = arith.select %eq3A_805, %get3A_92, %select_n3A_802 : vector<16xi1>, vector<16xf32>
    %eq3A_807 = arith.constant 19 : i32
    %eq3A_808 = vector.broadcast %eq3A_807 : i32 to vector<16xi32>
    %eq3A_809 = arith.cmpi eq, %min3A_730, %eq3A_808 : vector<16xi32>
    %select_n3A_810 = arith.select %eq3A_809, %get3A_95, %select_n3A_806 : vector<16xi1>, vector<16xf32>
    %eq3A_811 = arith.constant 20 : i32
    %eq3A_812 = vector.broadcast %eq3A_811 : i32 to vector<16xi32>
    %eq3A_813 = arith.cmpi eq, %min3A_730, %eq3A_812 : vector<16xi32>
    %select_n3A_814 = arith.select %eq3A_813, %get3A_98, %select_n3A_810 : vector<16xi1>, vector<16xf32>
    %eq3A_815 = arith.constant 21 : i32
    %eq3A_816 = vector.broadcast %eq3A_815 : i32 to vector<16xi32>
    %eq3A_817 = arith.cmpi eq, %min3A_730, %eq3A_816 : vector<16xi32>
    %select_n3A_818 = arith.select %eq3A_817, %get3A_101, %select_n3A_814 : vector<16xi1>, vector<16xf32>
    %eq3A_819 = arith.constant 22 : i32
    %eq3A_820 = vector.broadcast %eq3A_819 : i32 to vector<16xi32>
    %eq3A_821 = arith.cmpi eq, %min3A_730, %eq3A_820 : vector<16xi32>
    %select_n3A_822 = arith.select %eq3A_821, %get3A_104, %select_n3A_818 : vector<16xi1>, vector<16xf32>
    %eq3A_823 = arith.constant 23 : i32
    %eq3A_824 = vector.broadcast %eq3A_823 : i32 to vector<16xi32>
    %eq3A_825 = arith.cmpi eq, %min3A_730, %eq3A_824 : vector<16xi32>
    %select_n3A_826 = arith.select %eq3A_825, %get3A_107, %select_n3A_822 : vector<16xi1>, vector<16xf32>
    %eq3A_827 = arith.constant 24 : i32
    %eq3A_828 = vector.broadcast %eq3A_827 : i32 to vector<16xi32>
    %eq3A_829 = arith.cmpi eq, %min3A_730, %eq3A_828 : vector<16xi32>
    %select_n3A_830 = arith.select %eq3A_829, %get3A_110, %select_n3A_826 : vector<16xi1>, vector<16xf32>
    %eq3A_831 = arith.constant 25 : i32
    %eq3A_832 = vector.broadcast %eq3A_831 : i32 to vector<16xi32>
    %eq3A_833 = arith.cmpi eq, %min3A_730, %eq3A_832 : vector<16xi32>
    %select_n3A_834 = arith.select %eq3A_833, %get3A_113, %select_n3A_830 : vector<16xi1>, vector<16xf32>
    %eq3A_835 = arith.constant 26 : i32
    %eq3A_836 = vector.broadcast %eq3A_835 : i32 to vector<16xi32>
    %eq3A_837 = arith.cmpi eq, %min3A_730, %eq3A_836 : vector<16xi32>
    %select_n3A_838 = arith.select %eq3A_837, %get3A_116, %select_n3A_834 : vector<16xi1>, vector<16xf32>
    %eq3A_839 = arith.constant 27 : i32
    %eq3A_840 = vector.broadcast %eq3A_839 : i32 to vector<16xi32>
    %eq3A_841 = arith.cmpi eq, %min3A_730, %eq3A_840 : vector<16xi32>
    %select_n3A_842 = arith.select %eq3A_841, %get3A_119, %select_n3A_838 : vector<16xi1>, vector<16xf32>
    %eq3A_843 = arith.constant 28 : i32
    %eq3A_844 = vector.broadcast %eq3A_843 : i32 to vector<16xi32>
    %eq3A_845 = arith.cmpi eq, %min3A_730, %eq3A_844 : vector<16xi32>
    %select_n3A_846 = arith.select %eq3A_845, %get3A_122, %select_n3A_842 : vector<16xi1>, vector<16xf32>
    %eq3A_847 = arith.constant 29 : i32
    %eq3A_848 = vector.broadcast %eq3A_847 : i32 to vector<16xi32>
    %eq3A_849 = arith.cmpi eq, %min3A_730, %eq3A_848 : vector<16xi32>
    %select_n3A_850 = arith.select %eq3A_849, %get3A_125, %select_n3A_846 : vector<16xi1>, vector<16xf32>
    %eq3A_851 = arith.constant 30 : i32
    %eq3A_852 = vector.broadcast %eq3A_851 : i32 to vector<16xi32>
    %eq3A_853 = arith.cmpi eq, %min3A_730, %eq3A_852 : vector<16xi32>
    %select_n3A_854 = arith.select %eq3A_853, %get3A_128, %select_n3A_850 : vector<16xi1>, vector<16xf32>
    %eq3A_855 = arith.constant 31 : i32
    %eq3A_856 = vector.broadcast %eq3A_855 : i32 to vector<16xi32>
    %eq3A_857 = arith.cmpi eq, %min3A_730, %eq3A_856 : vector<16xi32>
    %select_n3A_858 = arith.select %eq3A_857, %get3A_131, %select_n3A_854 : vector<16xi1>, vector<16xf32>
    %swap3A_859 = arith.constant 2000 : index
    %swap3A_860 = tpu.vector_load %arg9[%swap3A_859] {strides = array<i32>} : memref<4096xf32, #tpu.memory_space<vmem>>, vector<16xf32>,
    %swap3A_861 = vector.shape_cast %swap3A_860 : vector<16xf32> to vector<16xf32>
    %swap3A_862 = vector.shape_cast %select_n3A_858 : vector<16xf32> to vector<16xf32>
    tpu.vector_store %arg9[%swap3A_859], %swap3A_862 {strides = array<i32>} : memref<4096xf32, #tpu.memory_space<vmem>>, vector<16xf32>,
    %add3A_863 = arith.constant 2000 : i32
    %add3A_864 = vector.broadcast %add3A_863 : i32 to vector<16xi32>
    %add3A_865 = arith.addi %add3A_864, %iota3A : vector<16xi32>
    %sub3A_866 = arith.constant 2042 : i32
    %sub3A_867 = vector.broadcast %sub3A_866 : i32 to vector<16xi32>
    %sub3A_868 = arith.subi %sub3A_867, %add3A_865 : vector<16xi32>
    %jit3A_869 = arith.constant 0 : i32
    %jit3A_870 = arith.constant 32 : i32
    %max3A_871 = vector.broadcast %jit3A_869 : i32 to vector<16xi32>
    %max3A_872 = arith.maxsi %max3A_871, %sub3A_868 : vector<16xi32>
    %min3A_873 = vector.broadcast %jit3A_870 : i32 to vector<16xi32>
    %min3A_874 = arith.minsi %min3A_873, %max3A_872 : vector<16xi32>
    %eq3A_875 = arith.constant 0 : i32
    %eq3A_876 = vector.broadcast %eq3A_875 : i32 to vector<16xi32>
    %eq3A_877 = arith.cmpi eq, %min3A_874, %eq3A_876 : vector<16xi32>
    %select_n3A_878 = arith.select %eq3A_877, %get3A_38, %get3A_134 : vector<16xi1>, vector<16xf32>
    %eq3A_879 = arith.constant 1 : i32
    %eq3A_880 = vector.broadcast %eq3A_879 : i32 to vector<16xi32>
    %eq3A_881 = arith.cmpi eq, %min3A_874, %eq3A_880 : vector<16xi32>
    %select_n3A_882 = arith.select %eq3A_881, %get3A_41, %select_n3A_878 : vector<16xi1>, vector<16xf32>
    %eq3A_883 = arith.constant 2 : i32
    %eq3A_884 = vector.broadcast %eq3A_883 : i32 to vector<16xi32>
    %eq3A_885 = arith.cmpi eq, %min3A_874, %eq3A_884 : vector<16xi32>
    %select_n3A_886 = arith.select %eq3A_885, %get3A_44, %select_n3A_882 : vector<16xi1>, vector<16xf32>
    %eq3A_887 = arith.constant 3 : i32
    %eq3A_888 = vector.broadcast %eq3A_887 : i32 to vector<16xi32>
    %eq3A_889 = arith.cmpi eq, %min3A_874, %eq3A_888 : vector<16xi32>
    %select_n3A_890 = arith.select %eq3A_889, %get3A_47, %select_n3A_886 : vector<16xi1>, vector<16xf32>
    %eq3A_891 = arith.constant 4 : i32
    %eq3A_892 = vector.broadcast %eq3A_891 : i32 to vector<16xi32>
    %eq3A_893 = arith.cmpi eq, %min3A_874, %eq3A_892 : vector<16xi32>
    %select_n3A_894 = arith.select %eq3A_893, %get3A_50, %select_n3A_890 : vector<16xi1>, vector<16xf32>
    %eq3A_895 = arith.constant 5 : i32
    %eq3A_896 = vector.broadcast %eq3A_895 : i32 to vector<16xi32>
    %eq3A_897 = arith.cmpi eq, %min3A_874, %eq3A_896 : vector<16xi32>
    %select_n3A_898 = arith.select %eq3A_897, %get3A_53, %select_n3A_894 : vector<16xi1>, vector<16xf32>
    %eq3A_899 = arith.constant 6 : i32
    %eq3A_900 = vector.broadcast %eq3A_899 : i32 to vector<16xi32>
    %eq3A_901 = arith.cmpi eq, %min3A_874, %eq3A_900 : vector<16xi32>
    %select_n3A_902 = arith.select %eq3A_901, %get3A_56, %select_n3A_898 : vector<16xi1>, vector<16xf32>
    %eq3A_903 = arith.constant 7 : i32
    %eq3A_904 = vector.broadcast %eq3A_903 : i32 to vector<16xi32>
    %eq3A_905 = arith.cmpi eq, %min3A_874, %eq3A_904 : vector<16xi32>
    %select_n3A_906 = arith.select %eq3A_905, %get3A_59, %select_n3A_902 : vector<16xi1>, vector<16xf32>
    %eq3A_907 = arith.constant 8 : i32
    %eq3A_908 = vector.broadcast %eq3A_907 : i32 to vector<16xi32>
    %eq3A_909 = arith.cmpi eq, %min3A_874, %eq3A_908 : vector<16xi32>
    %select_n3A_910 = arith.select %eq3A_909, %get3A_62, %select_n3A_906 : vector<16xi1>, vector<16xf32>
    %eq3A_911 = arith.constant 9 : i32
    %eq3A_912 = vector.broadcast %eq3A_911 : i32 to vector<16xi32>
    %eq3A_913 = arith.cmpi eq, %min3A_874, %eq3A_912 : vector<16xi32>
    %select_n3A_914 = arith.select %eq3A_913, %get3A_65, %select_n3A_910 : vector<16xi1>, vector<16xf32>
    %eq3A_915 = arith.constant 10 : i32
    %eq3A_916 = vector.broadcast %eq3A_915 : i32 to vector<16xi32>
    %eq3A_917 = arith.cmpi eq, %min3A_874, %eq3A_916 : vector<16xi32>
    %select_n3A_918 = arith.select %eq3A_917, %get3A_68, %select_n3A_914 : vector<16xi1>, vector<16xf32>
    %eq3A_919 = arith.constant 11 : i32
    %eq3A_920 = vector.broadcast %eq3A_919 : i32 to vector<16xi32>
    %eq3A_921 = arith.cmpi eq, %min3A_874, %eq3A_920 : vector<16xi32>
    %select_n3A_922 = arith.select %eq3A_921, %get3A_71, %select_n3A_918 : vector<16xi1>, vector<16xf32>
    %eq3A_923 = arith.constant 12 : i32
    %eq3A_924 = vector.broadcast %eq3A_923 : i32 to vector<16xi32>
    %eq3A_925 = arith.cmpi eq, %min3A_874, %eq3A_924 : vector<16xi32>
    %select_n3A_926 = arith.select %eq3A_925, %get3A_74, %select_n3A_922 : vector<16xi1>, vector<16xf32>
    %eq3A_927 = arith.constant 13 : i32
    %eq3A_928 = vector.broadcast %eq3A_927 : i32 to vector<16xi32>
    %eq3A_929 = arith.cmpi eq, %min3A_874, %eq3A_928 : vector<16xi32>
    %select_n3A_930 = arith.select %eq3A_929, %get3A_77, %select_n3A_926 : vector<16xi1>, vector<16xf32>
    %eq3A_931 = arith.constant 14 : i32
    %eq3A_932 = vector.broadcast %eq3A_931 : i32 to vector<16xi32>
    %eq3A_933 = arith.cmpi eq, %min3A_874, %eq3A_932 : vector<16xi32>
    %select_n3A_934 = arith.select %eq3A_933, %get3A_80, %select_n3A_930 : vector<16xi1>, vector<16xf32>
    %eq3A_935 = arith.constant 15 : i32
    %eq3A_936 = vector.broadcast %eq3A_935 : i32 to vector<16xi32>
    %eq3A_937 = arith.cmpi eq, %min3A_874, %eq3A_936 : vector<16xi32>
    %select_n3A_938 = arith.select %eq3A_937, %get3A_83, %select_n3A_934 : vector<16xi1>, vector<16xf32>
    %eq3A_939 = arith.constant 16 : i32
    %eq3A_940 = vector.broadcast %eq3A_939 : i32 to vector<16xi32>
    %eq3A_941 = arith.cmpi eq, %min3A_874, %eq3A_940 : vector<16xi32>
    %select_n3A_942 = arith.select %eq3A_941, %get3A_86, %select_n3A_938 : vector<16xi1>, vector<16xf32>
    %eq3A_943 = arith.constant 17 : i32
    %eq3A_944 = vector.broadcast %eq3A_943 : i32 to vector<16xi32>
    %eq3A_945 = arith.cmpi eq, %min3A_874, %eq3A_944 : vector<16xi32>
    %select_n3A_946 = arith.select %eq3A_945, %get3A_89, %select_n3A_942 : vector<16xi1>, vector<16xf32>
    %eq3A_947 = arith.constant 18 : i32
    %eq3A_948 = vector.broadcast %eq3A_947 : i32 to vector<16xi32>
    %eq3A_949 = arith.cmpi eq, %min3A_874, %eq3A_948 : vector<16xi32>
    %select_n3A_950 = arith.select %eq3A_949, %get3A_92, %select_n3A_946 : vector<16xi1>, vector<16xf32>
    %eq3A_951 = arith.constant 19 : i32
    %eq3A_952 = vector.broadcast %eq3A_951 : i32 to vector<16xi32>
    %eq3A_953 = arith.cmpi eq, %min3A_874, %eq3A_952 : vector<16xi32>
    %select_n3A_954 = arith.select %eq3A_953, %get3A_95, %select_n3A_950 : vector<16xi1>, vector<16xf32>
    %eq3A_955 = arith.constant 20 : i32
    %eq3A_956 = vector.broadcast %eq3A_955 : i32 to vector<16xi32>
    %eq3A_957 = arith.cmpi eq, %min3A_874, %eq3A_956 : vector<16xi32>
    %select_n3A_958 = arith.select %eq3A_957, %get3A_98, %select_n3A_954 : vector<16xi1>, vector<16xf32>
    %eq3A_959 = arith.constant 21 : i32
    %eq3A_960 = vector.broadcast %eq3A_959 : i32 to vector<16xi32>
    %eq3A_961 = arith.cmpi eq, %min3A_874, %eq3A_960 : vector<16xi32>
    %select_n3A_962 = arith.select %eq3A_961, %get3A_101, %select_n3A_958 : vector<16xi1>, vector<16xf32>
    %eq3A_963 = arith.constant 22 : i32
    %eq3A_964 = vector.broadcast %eq3A_963 : i32 to vector<16xi32>
    %eq3A_965 = arith.cmpi eq, %min3A_874, %eq3A_964 : vector<16xi32>
    %select_n3A_966 = arith.select %eq3A_965, %get3A_104, %select_n3A_962 : vector<16xi1>, vector<16xf32>
    %eq3A_967 = arith.constant 23 : i32
    %eq3A_968 = vector.broadcast %eq3A_967 : i32 to vector<16xi32>
    %eq3A_969 = arith.cmpi eq, %min3A_874, %eq3A_968 : vector<16xi32>
    %select_n3A_970 = arith.select %eq3A_969, %get3A_107, %select_n3A_966 : vector<16xi1>, vector<16xf32>
    %eq3A_971 = arith.constant 24 : i32
    %eq3A_972 = vector.broadcast %eq3A_971 : i32 to vector<16xi32>
    %eq3A_973 = arith.cmpi eq, %min3A_874, %eq3A_972 : vector<16xi32>
    %select_n3A_974 = arith.select %eq3A_973, %get3A_110, %select_n3A_970 : vector<16xi1>, vector<16xf32>
    %eq3A_975 = arith.constant 25 : i32
    %eq3A_976 = vector.broadcast %eq3A_975 : i32 to vector<16xi32>
    %eq3A_977 = arith.cmpi eq, %min3A_874, %eq3A_976 : vector<16xi32>
    %select_n3A_978 = arith.select %eq3A_977, %get3A_113, %select_n3A_974 : vector<16xi1>, vector<16xf32>
    %eq3A_979 = arith.constant 26 : i32
    %eq3A_980 = vector.broadcast %eq3A_979 : i32 to vector<16xi32>
    %eq3A_981 = arith.cmpi eq, %min3A_874, %eq3A_980 : vector<16xi32>
    %select_n3A_982 = arith.select %eq3A_981, %get3A_116, %select_n3A_978 : vector<16xi1>, vector<16xf32>
    %eq3A_983 = arith.constant 27 : i32
    %eq3A_984 = vector.broadcast %eq3A_983 : i32 to vector<16xi32>
    %eq3A_985 = arith.cmpi eq, %min3A_874, %eq3A_984 : vector<16xi32>
    %select_n3A_986 = arith.select %eq3A_985, %get3A_119, %select_n3A_982 : vector<16xi1>, vector<16xf32>
    %eq3A_987 = arith.constant 28 : i32
    %eq3A_988 = vector.broadcast %eq3A_987 : i32 to vector<16xi32>
    %eq3A_989 = arith.cmpi eq, %min3A_874, %eq3A_988 : vector<16xi32>
    %select_n3A_990 = arith.select %eq3A_989, %get3A_122, %select_n3A_986 : vector<16xi1>, vector<16xf32>
    %eq3A_991 = arith.constant 29 : i32
    %eq3A_992 = vector.broadcast %eq3A_991 : i32 to vector<16xi32>
    %eq3A_993 = arith.cmpi eq, %min3A_874, %eq3A_992 : vector<16xi32>
    %select_n3A_994 = arith.select %eq3A_993, %get3A_125, %select_n3A_990 : vector<16xi1>, vector<16xf32>
    %eq3A_995 = arith.constant 30 : i32
    %eq3A_996 = vector.broadcast %eq3A_995 : i32 to vector<16xi32>
    %eq3A_997 = arith.cmpi eq, %min3A_874, %eq3A_996 : vector<16xi32>
    %select_n3A_998 = arith.select %eq3A_997, %get3A_128, %select_n3A_994 : vector<16xi1>, vector<16xf32>
    %eq3A_999 = arith.constant 31 : i32
    %eq3A_1000 = vector.broadcast %eq3A_999 : i32 to vector<16xi32>
    %eq3A_1001 = arith.cmpi eq, %min3A_874, %eq3A_1000 : vector<16xi32>
    %select_n3A_1002 = arith.select %eq3A_1001, %get3A_131, %select_n3A_998 : vector<16xi1>, vector<16xf32>
    %swap3A_1003 = arith.constant 2000 : index
    %swap3A_1004 = tpu.vector_load %arg10[%swap3A_1003] {strides = array<i32>} : memref<4096xf32, #tpu.memory_space<vmem>>, vector<16xf32>,
    %swap3A_1005 = vector.shape_cast %swap3A_1004 : vector<16xf32> to vector<16xf32>
    %swap3A_1006 = vector.shape_cast %select_n3A_1002 : vector<16xf32> to vector<16xf32>
    tpu.vector_store %arg10[%swap3A_1003], %swap3A_1006 {strides = array<i32>} : memref<4096xf32, #tpu.memory_space<vmem>>, vector<16xf32>,
    %add3A_1007 = arith.constant 2000 : i32
    %add3A_1008 = vector.broadcast %add3A_1007 : i32 to vector<16xi32>
    %add3A_1009 = arith.addi %add3A_1008, %iota3A : vector<16xi32>
    %sub3A_1010 = arith.constant 2041 : i32
    %sub3A_1011 = vector.broadcast %sub3A_1010 : i32 to vector<16xi32>
    %sub3A_1012 = arith.subi %sub3A_1011, %add3A_1009 : vector<16xi32>
    %jit3A_1013 = arith.constant 0 : i32
    %jit3A_1014 = arith.constant 32 : i32
    %max3A_1015 = vector.broadcast %jit3A_1013 : i32 to vector<16xi32>
    %max3A_1016 = arith.maxsi %max3A_1015, %sub3A_1012 : vector<16xi32>
    %min3A_1017 = vector.broadcast %jit3A_1014 : i32 to vector<16xi32>
    %min3A_1018 = arith.minsi %min3A_1017, %max3A_1016 : vector<16xi32>
    %eq3A_1019 = arith.constant 0 : i32
    %eq3A_1020 = vector.broadcast %eq3A_1019 : i32 to vector<16xi32>
    %eq3A_1021 = arith.cmpi eq, %min3A_1018, %eq3A_1020 : vector<16xi32>
    %select_n3A_1022 = arith.select %eq3A_1021, %get3A_38, %get3A_134 : vector<16xi1>, vector<16xf32>
    %eq3A_1023 = arith.constant 1 : i32
    %eq3A_1024 = vector.broadcast %eq3A_1023 : i32 to vector<16xi32>
    %eq3A_1025 = arith.cmpi eq, %min3A_1018, %eq3A_1024 : vector<16xi32>
    %select_n3A_1026 = arith.select %eq3A_1025, %get3A_41, %select_n3A_1022 : vector<16xi1>, vector<16xf32>
    %eq3A_1027 = arith.constant 2 : i32
    %eq3A_1028 = vector.broadcast %eq3A_1027 : i32 to vector<16xi32>
    %eq3A_1029 = arith.cmpi eq, %min3A_1018, %eq3A_1028 : vector<16xi32>
    %select_n3A_1030 = arith.select %eq3A_1029, %get3A_44, %select_n3A_1026 : vector<16xi1>, vector<16xf32>
    %eq3A_1031 = arith.constant 3 : i32
    %eq3A_1032 = vector.broadcast %eq3A_1031 : i32 to vector<16xi32>
    %eq3A_1033 = arith.cmpi eq, %min3A_1018, %eq3A_1032 : vector<16xi32>
    %select_n3A_1034 = arith.select %eq3A_1033, %get3A_47, %select_n3A_1030 : vector<16xi1>, vector<16xf32>
    %eq3A_1035 = arith.constant 4 : i32
    %eq3A_1036 = vector.broadcast %eq3A_1035 : i32 to vector<16xi32>
    %eq3A_1037 = arith.cmpi eq, %min3A_1018, %eq3A_1036 : vector<16xi32>
    %select_n3A_1038 = arith.select %eq3A_1037, %get3A_50, %select_n3A_1034 : vector<16xi1>, vector<16xf32>
    %eq3A_1039 = arith.constant 5 : i32
    %eq3A_1040 = vector.broadcast %eq3A_1039 : i32 to vector<16xi32>
    %eq3A_1041 = arith.cmpi eq, %min3A_1018, %eq3A_1040 : vector<16xi32>
    %select_n3A_1042 = arith.select %eq3A_1041, %get3A_53, %select_n3A_1038 : vector<16xi1>, vector<16xf32>
    %eq3A_1043 = arith.constant 6 : i32
    %eq3A_1044 = vector.broadcast %eq3A_1043 : i32 to vector<16xi32>
    %eq3A_1045 = arith.cmpi eq, %min3A_1018, %eq3A_1044 : vector<16xi32>
    %select_n3A_1046 = arith.select %eq3A_1045, %get3A_56, %select_n3A_1042 : vector<16xi1>, vector<16xf32>
    %eq3A_1047 = arith.constant 7 : i32
    %eq3A_1048 = vector.broadcast %eq3A_1047 : i32 to vector<16xi32>
    %eq3A_1049 = arith.cmpi eq, %min3A_1018, %eq3A_1048 : vector<16xi32>
    %select_n3A_1050 = arith.select %eq3A_1049, %get3A_59, %select_n3A_1046 : vector<16xi1>, vector<16xf32>
    %eq3A_1051 = arith.constant 8 : i32
    %eq3A_1052 = vector.broadcast %eq3A_1051 : i32 to vector<16xi32>
    %eq3A_1053 = arith.cmpi eq, %min3A_1018, %eq3A_1052 : vector<16xi32>
    %select_n3A_1054 = arith.select %eq3A_1053, %get3A_62, %select_n3A_1050 : vector<16xi1>, vector<16xf32>
    %eq3A_1055 = arith.constant 9 : i32
    %eq3A_1056 = vector.broadcast %eq3A_1055 : i32 to vector<16xi32>
    %eq3A_1057 = arith.cmpi eq, %min3A_1018, %eq3A_1056 : vector<16xi32>
    %select_n3A_1058 = arith.select %eq3A_1057, %get3A_65, %select_n3A_1054 : vector<16xi1>, vector<16xf32>
    %eq3A_1059 = arith.constant 10 : i32
    %eq3A_1060 = vector.broadcast %eq3A_1059 : i32 to vector<16xi32>
    %eq3A_1061 = arith.cmpi eq, %min3A_1018, %eq3A_1060 : vector<16xi32>
    %select_n3A_1062 = arith.select %eq3A_1061, %get3A_68, %select_n3A_1058 : vector<16xi1>, vector<16xf32>
    %eq3A_1063 = arith.constant 11 : i32
    %eq3A_1064 = vector.broadcast %eq3A_1063 : i32 to vector<16xi32>
    %eq3A_1065 = arith.cmpi eq, %min3A_1018, %eq3A_1064 : vector<16xi32>
    %select_n3A_1066 = arith.select %eq3A_1065, %get3A_71, %select_n3A_1062 : vector<16xi1>, vector<16xf32>
    %eq3A_1067 = arith.constant 12 : i32
    %eq3A_1068 = vector.broadcast %eq3A_1067 : i32 to vector<16xi32>
    %eq3A_1069 = arith.cmpi eq, %min3A_1018, %eq3A_1068 : vector<16xi32>
    %select_n3A_1070 = arith.select %eq3A_1069, %get3A_74, %select_n3A_1066 : vector<16xi1>, vector<16xf32>
    %eq3A_1071 = arith.constant 13 : i32
    %eq3A_1072 = vector.broadcast %eq3A_1071 : i32 to vector<16xi32>
    %eq3A_1073 = arith.cmpi eq, %min3A_1018, %eq3A_1072 : vector<16xi32>
    %select_n3A_1074 = arith.select %eq3A_1073, %get3A_77, %select_n3A_1070 : vector<16xi1>, vector<16xf32>
    %eq3A_1075 = arith.constant 14 : i32
    %eq3A_1076 = vector.broadcast %eq3A_1075 : i32 to vector<16xi32>
    %eq3A_1077 = arith.cmpi eq, %min3A_1018, %eq3A_1076 : vector<16xi32>
    %select_n3A_1078 = arith.select %eq3A_1077, %get3A_80, %select_n3A_1074 : vector<16xi1>, vector<16xf32>
    %eq3A_1079 = arith.constant 15 : i32
    %eq3A_1080 = vector.broadcast %eq3A_1079 : i32 to vector<16xi32>
    %eq3A_1081 = arith.cmpi eq, %min3A_1018, %eq3A_1080 : vector<16xi32>
    %select_n3A_1082 = arith.select %eq3A_1081, %get3A_83, %select_n3A_1078 : vector<16xi1>, vector<16xf32>
    %eq3A_1083 = arith.constant 16 : i32
    %eq3A_1084 = vector.broadcast %eq3A_1083 : i32 to vector<16xi32>
    %eq3A_1085 = arith.cmpi eq, %min3A_1018, %eq3A_1084 : vector<16xi32>
    %select_n3A_1086 = arith.select %eq3A_1085, %get3A_86, %select_n3A_1082 : vector<16xi1>, vector<16xf32>
    %eq3A_1087 = arith.constant 17 : i32
    %eq3A_1088 = vector.broadcast %eq3A_1087 : i32 to vector<16xi32>
    %eq3A_1089 = arith.cmpi eq, %min3A_1018, %eq3A_1088 : vector<16xi32>
    %select_n3A_1090 = arith.select %eq3A_1089, %get3A_89, %select_n3A_1086 : vector<16xi1>, vector<16xf32>
    %eq3A_1091 = arith.constant 18 : i32
    %eq3A_1092 = vector.broadcast %eq3A_1091 : i32 to vector<16xi32>
    %eq3A_1093 = arith.cmpi eq, %min3A_1018, %eq3A_1092 : vector<16xi32>
    %select_n3A_1094 = arith.select %eq3A_1093, %get3A_92, %select_n3A_1090 : vector<16xi1>, vector<16xf32>
    %eq3A_1095 = arith.constant 19 : i32
    %eq3A_1096 = vector.broadcast %eq3A_1095 : i32 to vector<16xi32>
    %eq3A_1097 = arith.cmpi eq, %min3A_1018, %eq3A_1096 : vector<16xi32>
    %select_n3A_1098 = arith.select %eq3A_1097, %get3A_95, %select_n3A_1094 : vector<16xi1>, vector<16xf32>
    %eq3A_1099 = arith.constant 20 : i32
    %eq3A_1100 = vector.broadcast %eq3A_1099 : i32 to vector<16xi32>
    %eq3A_1101 = arith.cmpi eq, %min3A_1018, %eq3A_1100 : vector<16xi32>
    %select_n3A_1102 = arith.select %eq3A_1101, %get3A_98, %select_n3A_1098 : vector<16xi1>, vector<16xf32>
    %eq3A_1103 = arith.constant 21 : i32
    %eq3A_1104 = vector.broadcast %eq3A_1103 : i32 to vector<16xi32>
    %eq3A_1105 = arith.cmpi eq, %min3A_1018, %eq3A_1104 : vector<16xi32>
    %select_n3A_1106 = arith.select %eq3A_1105, %get3A_101, %select_n3A_1102 : vector<16xi1>, vector<16xf32>
    %eq3A_1107 = arith.constant 22 : i32
    %eq3A_1108 = vector.broadcast %eq3A_1107 : i32 to vector<16xi32>
    %eq3A_1109 = arith.cmpi eq, %min3A_1018, %eq3A_1108 : vector<16xi32>
    %select_n3A_1110 = arith.select %eq3A_1109, %get3A_104, %select_n3A_1106 : vector<16xi1>, vector<16xf32>
    %eq3A_1111 = arith.constant 23 : i32
    %eq3A_1112 = vector.broadcast %eq3A_1111 : i32 to vector<16xi32>
    %eq3A_1113 = arith.cmpi eq, %min3A_1018, %eq3A_1112 : vector<16xi32>
    %select_n3A_1114 = arith.select %eq3A_1113, %get3A_107, %select_n3A_1110 : vector<16xi1>, vector<16xf32>
    %eq3A_1115 = arith.constant 24 : i32
    %eq3A_1116 = vector.broadcast %eq3A_1115 : i32 to vector<16xi32>
    %eq3A_1117 = arith.cmpi eq, %min3A_1018, %eq3A_1116 : vector<16xi32>
    %select_n3A_1118 = arith.select %eq3A_1117, %get3A_110, %select_n3A_1114 : vector<16xi1>, vector<16xf32>
    %eq3A_1119 = arith.constant 25 : i32
    %eq3A_1120 = vector.broadcast %eq3A_1119 : i32 to vector<16xi32>
    %eq3A_1121 = arith.cmpi eq, %min3A_1018, %eq3A_1120 : vector<16xi32>
    %select_n3A_1122 = arith.select %eq3A_1121, %get3A_113, %select_n3A_1118 : vector<16xi1>, vector<16xf32>
    %eq3A_1123 = arith.constant 26 : i32
    %eq3A_1124 = vector.broadcast %eq3A_1123 : i32 to vector<16xi32>
    %eq3A_1125 = arith.cmpi eq, %min3A_1018, %eq3A_1124 : vector<16xi32>
    %select_n3A_1126 = arith.select %eq3A_1125, %get3A_116, %select_n3A_1122 : vector<16xi1>, vector<16xf32>
    %eq3A_1127 = arith.constant 27 : i32
    %eq3A_1128 = vector.broadcast %eq3A_1127 : i32 to vector<16xi32>
    %eq3A_1129 = arith.cmpi eq, %min3A_1018, %eq3A_1128 : vector<16xi32>
    %select_n3A_1130 = arith.select %eq3A_1129, %get3A_119, %select_n3A_1126 : vector<16xi1>, vector<16xf32>
    %eq3A_1131 = arith.constant 28 : i32
    %eq3A_1132 = vector.broadcast %eq3A_1131 : i32 to vector<16xi32>
    %eq3A_1133 = arith.cmpi eq, %min3A_1018, %eq3A_1132 : vector<16xi32>
    %select_n3A_1134 = arith.select %eq3A_1133, %get3A_122, %select_n3A_1130 : vector<16xi1>, vector<16xf32>
    %eq3A_1135 = arith.constant 29 : i32
    %eq3A_1136 = vector.broadcast %eq3A_1135 : i32 to vector<16xi32>
    %eq3A_1137 = arith.cmpi eq, %min3A_1018, %eq3A_1136 : vector<16xi32>
    %select_n3A_1138 = arith.select %eq3A_1137, %get3A_125, %select_n3A_1134 : vector<16xi1>, vector<16xf32>
    %eq3A_1139 = arith.constant 30 : i32
    %eq3A_1140 = vector.broadcast %eq3A_1139 : i32 to vector<16xi32>
    %eq3A_1141 = arith.cmpi eq, %min3A_1018, %eq3A_1140 : vector<16xi32>
    %select_n3A_1142 = arith.select %eq3A_1141, %get3A_128, %select_n3A_1138 : vector<16xi1>, vector<16xf32>
    %eq3A_1143 = arith.constant 31 : i32
    %eq3A_1144 = vector.broadcast %eq3A_1143 : i32 to vector<16xi32>
    %eq3A_1145 = arith.cmpi eq, %min3A_1018, %eq3A_1144 : vector<16xi32>
    %select_n3A_1146 = arith.select %eq3A_1145, %get3A_131, %select_n3A_1142 : vector<16xi1>, vector<16xf32>
    %swap3A_1147 = arith.constant 2000 : index
    %swap3A_1148 = tpu.vector_load %arg11[%swap3A_1147] {strides = array<i32>} : memref<4096xf32, #tpu.memory_space<vmem>>, vector<16xf32>,
    %swap3A_1149 = vector.shape_cast %swap3A_1148 : vector<16xf32> to vector<16xf32>
    %swap3A_1150 = vector.shape_cast %select_n3A_1146 : vector<16xf32> to vector<16xf32>
    tpu.vector_store %arg11[%swap3A_1147], %swap3A_1150 {strides = array<i32>} : memref<4096xf32, #tpu.memory_space<vmem>>, vector<16xf32>,
    %add3A_1151 = arith.constant 2000 : i32
    %add3A_1152 = vector.broadcast %add3A_1151 : i32 to vector<16xi32>
    %add3A_1153 = arith.addi %add3A_1152, %iota3A : vector<16xi32>
    %sub3A_1154 = arith.constant 2040 : i32
    %sub3A_1155 = vector.broadcast %sub3A_1154 : i32 to vector<16xi32>
    %sub3A_1156 = arith.subi %sub3A_1155, %add3A_1153 : vector<16xi32>
    %jit3A_1157 = arith.constant 0 : i32
    %jit3A_1158 = arith.constant 32 : i32
    %max3A_1159 = vector.broadcast %jit3A_1157 : i32 to vector<16xi32>
    %max3A_1160 = arith.maxsi %max3A_1159, %sub3A_1156 : vector<16xi32>
    %min3A_1161 = vector.broadcast %jit3A_1158 : i32 to vector<16xi32>
    %min3A_1162 = arith.minsi %min3A_1161, %max3A_1160 : vector<16xi32>
    %eq3A_1163 = arith.constant 0 : i32
    %eq3A_1164 = vector.broadcast %eq3A_1163 : i32 to vector<16xi32>
    %eq3A_1165 = arith.cmpi eq, %min3A_1162, %eq3A_1164 : vector<16xi32>
    %select_n3A_1166 = arith.select %eq3A_1165, %get3A_38, %get3A_134 : vector<16xi1>, vector<16xf32>
    %eq3A_1167 = arith.constant 1 : i32
    %eq3A_1168 = vector.broadcast %eq3A_1167 : i32 to vector<16xi32>
    %eq3A_1169 = arith.cmpi eq, %min3A_1162, %eq3A_1168 : vector<16xi32>
    %select_n3A_1170 = arith.select %eq3A_1169, %get3A_41, %select_n3A_1166 : vector<16xi1>, vector<16xf32>
    %eq3A_1171 = arith.constant 2 : i32
    %eq3A_1172 = vector.broadcast %eq3A_1171 : i32 to vector<16xi32>
    %eq3A_1173 = arith.cmpi eq, %min3A_1162, %eq3A_1172 : vector<16xi32>
    %select_n3A_1174 = arith.select %eq3A_1173, %get3A_44, %select_n3A_1170 : vector<16xi1>, vector<16xf32>
    %eq3A_1175 = arith.constant 3 : i32
    %eq3A_1176 = vector.broadcast %eq3A_1175 : i32 to vector<16xi32>
    %eq3A_1177 = arith.cmpi eq, %min3A_1162, %eq3A_1176 : vector<16xi32>
    %select_n3A_1178 = arith.select %eq3A_1177, %get3A_47, %select_n3A_1174 : vector<16xi1>, vector<16xf32>
    %eq3A_1179 = arith.constant 4 : i32
    %eq3A_1180 = vector.broadcast %eq3A_1179 : i32 to vector<16xi32>
    %eq3A_1181 = arith.cmpi eq, %min3A_1162, %eq3A_1180 : vector<16xi32>
    %select_n3A_1182 = arith.select %eq3A_1181, %get3A_50, %select_n3A_1178 : vector<16xi1>, vector<16xf32>
    %eq3A_1183 = arith.constant 5 : i32
    %eq3A_1184 = vector.broadcast %eq3A_1183 : i32 to vector<16xi32>
    %eq3A_1185 = arith.cmpi eq, %min3A_1162, %eq3A_1184 : vector<16xi32>
    %select_n3A_1186 = arith.select %eq3A_1185, %get3A_53, %select_n3A_1182 : vector<16xi1>, vector<16xf32>
    %eq3A_1187 = arith.constant 6 : i32
    %eq3A_1188 = vector.broadcast %eq3A_1187 : i32 to vector<16xi32>
    %eq3A_1189 = arith.cmpi eq, %min3A_1162, %eq3A_1188 : vector<16xi32>
    %select_n3A_1190 = arith.select %eq3A_1189, %get3A_56, %select_n3A_1186 : vector<16xi1>, vector<16xf32>
    %eq3A_1191 = arith.constant 7 : i32
    %eq3A_1192 = vector.broadcast %eq3A_1191 : i32 to vector<16xi32>
    %eq3A_1193 = arith.cmpi eq, %min3A_1162, %eq3A_1192 : vector<16xi32>
    %select_n3A_1194 = arith.select %eq3A_1193, %get3A_59, %select_n3A_1190 : vector<16xi1>, vector<16xf32>
    %eq3A_1195 = arith.constant 8 : i32
    %eq3A_1196 = vector.broadcast %eq3A_1195 : i32 to vector<16xi32>
    %eq3A_1197 = arith.cmpi eq, %min3A_1162, %eq3A_1196 : vector<16xi32>
    %select_n3A_1198 = arith.select %eq3A_1197, %get3A_62, %select_n3A_1194 : vector<16xi1>, vector<16xf32>
    %eq3A_1199 = arith.constant 9 : i32
    %eq3A_1200 = vector.broadcast %eq3A_1199 : i32 to vector<16xi32>
    %eq3A_1201 = arith.cmpi eq, %min3A_1162, %eq3A_1200 : vector<16xi32>
    %select_n3A_1202 = arith.select %eq3A_1201, %get3A_65, %select_n3A_1198 : vector<16xi1>, vector<16xf32>
    %eq3A_1203 = arith.constant 10 : i32
    %eq3A_1204 = vector.broadcast %eq3A_1203 : i32 to vector<16xi32>
    %eq3A_1205 = arith.cmpi eq, %min3A_1162, %eq3A_1204 : vector<16xi32>
    %select_n3A_1206 = arith.select %eq3A_1205, %get3A_68, %select_n3A_1202 : vector<16xi1>, vector<16xf32>
    %eq3A_1207 = arith.constant 11 : i32
    %eq3A_1208 = vector.broadcast %eq3A_1207 : i32 to vector<16xi32>
    %eq3A_1209 = arith.cmpi eq, %min3A_1162, %eq3A_1208 : vector<16xi32>
    %select_n3A_1210 = arith.select %eq3A_1209, %get3A_71, %select_n3A_1206 : vector<16xi1>, vector<16xf32>
    %eq3A_1211 = arith.constant 12 : i32
    %eq3A_1212 = vector.broadcast %eq3A_1211 : i32 to vector<16xi32>
    %eq3A_1213 = arith.cmpi eq, %min3A_1162, %eq3A_1212 : vector<16xi32>
    %select_n3A_1214 = arith.select %eq3A_1213, %get3A_74, %select_n3A_1210 : vector<16xi1>, vector<16xf32>
    %eq3A_1215 = arith.constant 13 : i32
    %eq3A_1216 = vector.broadcast %eq3A_1215 : i32 to vector<16xi32>
    %eq3A_1217 = arith.cmpi eq, %min3A_1162, %eq3A_1216 : vector<16xi32>
    %select_n3A_1218 = arith.select %eq3A_1217, %get3A_77, %select_n3A_1214 : vector<16xi1>, vector<16xf32>
    %eq3A_1219 = arith.constant 14 : i32
    %eq3A_1220 = vector.broadcast %eq3A_1219 : i32 to vector<16xi32>
    %eq3A_1221 = arith.cmpi eq, %min3A_1162, %eq3A_1220 : vector<16xi32>
    %select_n3A_1222 = arith.select %eq3A_1221, %get3A_80, %select_n3A_1218 : vector<16xi1>, vector<16xf32>
    %eq3A_1223 = arith.constant 15 : i32
    %eq3A_1224 = vector.broadcast %eq3A_1223 : i32 to vector<16xi32>
    %eq3A_1225 = arith.cmpi eq, %min3A_1162, %eq3A_1224 : vector<16xi32>
    %select_n3A_1226 = arith.select %eq3A_1225, %get3A_83, %select_n3A_1222 : vector<16xi1>, vector<16xf32>
    %eq3A_1227 = arith.constant 16 : i32
    %eq3A_1228 = vector.broadcast %eq3A_1227 : i32 to vector<16xi32>
    %eq3A_1229 = arith.cmpi eq, %min3A_1162, %eq3A_1228 : vector<16xi32>
    %select_n3A_1230 = arith.select %eq3A_1229, %get3A_86, %select_n3A_1226 : vector<16xi1>, vector<16xf32>
    %eq3A_1231 = arith.constant 17 : i32
    %eq3A_1232 = vector.broadcast %eq3A_1231 : i32 to vector<16xi32>
    %eq3A_1233 = arith.cmpi eq, %min3A_1162, %eq3A_1232 : vector<16xi32>
    %select_n3A_1234 = arith.select %eq3A_1233, %get3A_89, %select_n3A_1230 : vector<16xi1>, vector<16xf32>
    %eq3A_1235 = arith.constant 18 : i32
    %eq3A_1236 = vector.broadcast %eq3A_1235 : i32 to vector<16xi32>
    %eq3A_1237 = arith.cmpi eq, %min3A_1162, %eq3A_1236 : vector<16xi32>
    %select_n3A_1238 = arith.select %eq3A_1237, %get3A_92, %select_n3A_1234 : vector<16xi1>, vector<16xf32>
    %eq3A_1239 = arith.constant 19 : i32
    %eq3A_1240 = vector.broadcast %eq3A_1239 : i32 to vector<16xi32>
    %eq3A_1241 = arith.cmpi eq, %min3A_1162, %eq3A_1240 : vector<16xi32>
    %select_n3A_1242 = arith.select %eq3A_1241, %get3A_95, %select_n3A_1238 : vector<16xi1>, vector<16xf32>
    %eq3A_1243 = arith.constant 20 : i32
    %eq3A_1244 = vector.broadcast %eq3A_1243 : i32 to vector<16xi32>
    %eq3A_1245 = arith.cmpi eq, %min3A_1162, %eq3A_1244 : vector<16xi32>
    %select_n3A_1246 = arith.select %eq3A_1245, %get3A_98, %select_n3A_1242 : vector<16xi1>, vector<16xf32>
    %eq3A_1247 = arith.constant 21 : i32
    %eq3A_1248 = vector.broadcast %eq3A_1247 : i32 to vector<16xi32>
    %eq3A_1249 = arith.cmpi eq, %min3A_1162, %eq3A_1248 : vector<16xi32>
    %select_n3A_1250 = arith.select %eq3A_1249, %get3A_101, %select_n3A_1246 : vector<16xi1>, vector<16xf32>
    %eq3A_1251 = arith.constant 22 : i32
    %eq3A_1252 = vector.broadcast %eq3A_1251 : i32 to vector<16xi32>
    %eq3A_1253 = arith.cmpi eq, %min3A_1162, %eq3A_1252 : vector<16xi32>
    %select_n3A_1254 = arith.select %eq3A_1253, %get3A_104, %select_n3A_1250 : vector<16xi1>, vector<16xf32>
    %eq3A_1255 = arith.constant 23 : i32
    %eq3A_1256 = vector.broadcast %eq3A_1255 : i32 to vector<16xi32>
    %eq3A_1257 = arith.cmpi eq, %min3A_1162, %eq3A_1256 : vector<16xi32>
    %select_n3A_1258 = arith.select %eq3A_1257, %get3A_107, %select_n3A_1254 : vector<16xi1>, vector<16xf32>
    %eq3A_1259 = arith.constant 24 : i32
    %eq3A_1260 = vector.broadcast %eq3A_1259 : i32 to vector<16xi32>
    %eq3A_1261 = arith.cmpi eq, %min3A_1162, %eq3A_1260 : vector<16xi32>
    %select_n3A_1262 = arith.select %eq3A_1261, %get3A_110, %select_n3A_1258 : vector<16xi1>, vector<16xf32>
    %eq3A_1263 = arith.constant 25 : i32
    %eq3A_1264 = vector.broadcast %eq3A_1263 : i32 to vector<16xi32>
    %eq3A_1265 = arith.cmpi eq, %min3A_1162, %eq3A_1264 : vector<16xi32>
    %select_n3A_1266 = arith.select %eq3A_1265, %get3A_113, %select_n3A_1262 : vector<16xi1>, vector<16xf32>
    %eq3A_1267 = arith.constant 26 : i32
    %eq3A_1268 = vector.broadcast %eq3A_1267 : i32 to vector<16xi32>
    %eq3A_1269 = arith.cmpi eq, %min3A_1162, %eq3A_1268 : vector<16xi32>
    %select_n3A_1270 = arith.select %eq3A_1269, %get3A_116, %select_n3A_1266 : vector<16xi1>, vector<16xf32>
    %eq3A_1271 = arith.constant 27 : i32
    %eq3A_1272 = vector.broadcast %eq3A_1271 : i32 to vector<16xi32>
    %eq3A_1273 = arith.cmpi eq, %min3A_1162, %eq3A_1272 : vector<16xi32>
    %select_n3A_1274 = arith.select %eq3A_1273, %get3A_119, %select_n3A_1270 : vector<16xi1>, vector<16xf32>
    %eq3A_1275 = arith.constant 28 : i32
    %eq3A_1276 = vector.broadcast %eq3A_1275 : i32 to vector<16xi32>
    %eq3A_1277 = arith.cmpi eq, %min3A_1162, %eq3A_1276 : vector<16xi32>
    %select_n3A_1278 = arith.select %eq3A_1277, %get3A_122, %select_n3A_1274 : vector<16xi1>, vector<16xf32>
    %eq3A_1279 = arith.constant 29 : i32
    %eq3A_1280 = vector.broadcast %eq3A_1279 : i32 to vector<16xi32>
    %eq3A_1281 = arith.cmpi eq, %min3A_1162, %eq3A_1280 : vector<16xi32>
    %select_n3A_1282 = arith.select %eq3A_1281, %get3A_125, %select_n3A_1278 : vector<16xi1>, vector<16xf32>
    %eq3A_1283 = arith.constant 30 : i32
    %eq3A_1284 = vector.broadcast %eq3A_1283 : i32 to vector<16xi32>
    %eq3A_1285 = arith.cmpi eq, %min3A_1162, %eq3A_1284 : vector<16xi32>
    %select_n3A_1286 = arith.select %eq3A_1285, %get3A_128, %select_n3A_1282 : vector<16xi1>, vector<16xf32>
    %eq3A_1287 = arith.constant 31 : i32
    %eq3A_1288 = vector.broadcast %eq3A_1287 : i32 to vector<16xi32>
    %eq3A_1289 = arith.cmpi eq, %min3A_1162, %eq3A_1288 : vector<16xi32>
    %select_n3A_1290 = arith.select %eq3A_1289, %get3A_131, %select_n3A_1286 : vector<16xi1>, vector<16xf32>
    %swap3A_1291 = arith.constant 2000 : index
    %swap3A_1292 = tpu.vector_load %arg12[%swap3A_1291] {strides = array<i32>} : memref<4096xf32, #tpu.memory_space<vmem>>, vector<16xf32>,
    %swap3A_1293 = vector.shape_cast %swap3A_1292 : vector<16xf32> to vector<16xf32>
    %swap3A_1294 = vector.shape_cast %select_n3A_1290 : vector<16xf32> to vector<16xf32>
    tpu.vector_store %arg12[%swap3A_1291], %swap3A_1294 {strides = array<i32>} : memref<4096xf32, #tpu.memory_space<vmem>>, vector<16xf32>,
    %add3A_1295 = arith.constant 2016 : i32
    %add3A_1296 = vector.broadcast %add3A_1295 : i32 to vector<16xi32>
    %add3A_1297 = arith.addi %add3A_1296, %iota3A : vector<16xi32>
    %sub3A_1298 = arith.constant 2047 : i32
    %sub3A_1299 = vector.broadcast %sub3A_1298 : i32 to vector<16xi32>
    %sub3A_1300 = arith.subi %sub3A_1299, %add3A_1297 : vector<16xi32>
    %jit3A_1301 = arith.constant 0 : i32
    %jit3A_1302 = arith.constant 32 : i32
    %max3A_1303 = vector.broadcast %jit3A_1301 : i32 to vector<16xi32>
    %max3A_1304 = arith.maxsi %max3A_1303, %sub3A_1300 : vector<16xi32>
    %min3A_1305 = vector.broadcast %jit3A_1302 : i32 to vector<16xi32>
    %min3A_1306 = arith.minsi %min3A_1305, %max3A_1304 : vector<16xi32>
    %eq3A_1307 = arith.constant 0 : i32
    %eq3A_1308 = vector.broadcast %eq3A_1307 : i32 to vector<16xi32>
    %eq3A_1309 = arith.cmpi eq, %min3A_1306, %eq3A_1308 : vector<16xi32>
    %select_n3A_1310 = arith.select %eq3A_1309, %get3A_38, %get3A_134 : vector<16xi1>, vector<16xf32>
    %eq3A_1311 = arith.constant 1 : i32
    %eq3A_1312 = vector.broadcast %eq3A_1311 : i32 to vector<16xi32>
    %eq3A_1313 = arith.cmpi eq, %min3A_1306, %eq3A_1312 : vector<16xi32>
    %select_n3A_1314 = arith.select %eq3A_1313, %get3A_41, %select_n3A_1310 : vector<16xi1>, vector<16xf32>
    %eq3A_1315 = arith.constant 2 : i32
    %eq3A_1316 = vector.broadcast %eq3A_1315 : i32 to vector<16xi32>
    %eq3A_1317 = arith.cmpi eq, %min3A_1306, %eq3A_1316 : vector<16xi32>
    %select_n3A_1318 = arith.select %eq3A_1317, %get3A_44, %select_n3A_1314 : vector<16xi1>, vector<16xf32>
    %eq3A_1319 = arith.constant 3 : i32
    %eq3A_1320 = vector.broadcast %eq3A_1319 : i32 to vector<16xi32>
    %eq3A_1321 = arith.cmpi eq, %min3A_1306, %eq3A_1320 : vector<16xi32>
    %select_n3A_1322 = arith.select %eq3A_1321, %get3A_47, %select_n3A_1318 : vector<16xi1>, vector<16xf32>
    %eq3A_1323 = arith.constant 4 : i32
    %eq3A_1324 = vector.broadcast %eq3A_1323 : i32 to vector<16xi32>
    %eq3A_1325 = arith.cmpi eq, %min3A_1306, %eq3A_1324 : vector<16xi32>
    %select_n3A_1326 = arith.select %eq3A_1325, %get3A_50, %select_n3A_1322 : vector<16xi1>, vector<16xf32>
    %eq3A_1327 = arith.constant 5 : i32
    %eq3A_1328 = vector.broadcast %eq3A_1327 : i32 to vector<16xi32>
    %eq3A_1329 = arith.cmpi eq, %min3A_1306, %eq3A_1328 : vector<16xi32>
    %select_n3A_1330 = arith.select %eq3A_1329, %get3A_53, %select_n3A_1326 : vector<16xi1>, vector<16xf32>
    %eq3A_1331 = arith.constant 6 : i32
    %eq3A_1332 = vector.broadcast %eq3A_1331 : i32 to vector<16xi32>
    %eq3A_1333 = arith.cmpi eq, %min3A_1306, %eq3A_1332 : vector<16xi32>
    %select_n3A_1334 = arith.select %eq3A_1333, %get3A_56, %select_n3A_1330 : vector<16xi1>, vector<16xf32>
    %eq3A_1335 = arith.constant 7 : i32
    %eq3A_1336 = vector.broadcast %eq3A_1335 : i32 to vector<16xi32>
    %eq3A_1337 = arith.cmpi eq, %min3A_1306, %eq3A_1336 : vector<16xi32>
    %select_n3A_1338 = arith.select %eq3A_1337, %get3A_59, %select_n3A_1334 : vector<16xi1>, vector<16xf32>
    %eq3A_1339 = arith.constant 8 : i32
    %eq3A_1340 = vector.broadcast %eq3A_1339 : i32 to vector<16xi32>
    %eq3A_1341 = arith.cmpi eq, %min3A_1306, %eq3A_1340 : vector<16xi32>
    %select_n3A_1342 = arith.select %eq3A_1341, %get3A_62, %select_n3A_1338 : vector<16xi1>, vector<16xf32>
    %eq3A_1343 = arith.constant 9 : i32
    %eq3A_1344 = vector.broadcast %eq3A_1343 : i32 to vector<16xi32>
    %eq3A_1345 = arith.cmpi eq, %min3A_1306, %eq3A_1344 : vector<16xi32>
    %select_n3A_1346 = arith.select %eq3A_1345, %get3A_65, %select_n3A_1342 : vector<16xi1>, vector<16xf32>
    %eq3A_1347 = arith.constant 10 : i32
    %eq3A_1348 = vector.broadcast %eq3A_1347 : i32 to vector<16xi32>
    %eq3A_1349 = arith.cmpi eq, %min3A_1306, %eq3A_1348 : vector<16xi32>
    %select_n3A_1350 = arith.select %eq3A_1349, %get3A_68, %select_n3A_1346 : vector<16xi1>, vector<16xf32>
    %eq3A_1351 = arith.constant 11 : i32
    %eq3A_1352 = vector.broadcast %eq3A_1351 : i32 to vector<16xi32>
    %eq3A_1353 = arith.cmpi eq, %min3A_1306, %eq3A_1352 : vector<16xi32>
    %select_n3A_1354 = arith.select %eq3A_1353, %get3A_71, %select_n3A_1350 : vector<16xi1>, vector<16xf32>
    %eq3A_1355 = arith.constant 12 : i32
    %eq3A_1356 = vector.broadcast %eq3A_1355 : i32 to vector<16xi32>
    %eq3A_1357 = arith.cmpi eq, %min3A_1306, %eq3A_1356 : vector<16xi32>
    %select_n3A_1358 = arith.select %eq3A_1357, %get3A_74, %select_n3A_1354 : vector<16xi1>, vector<16xf32>
    %eq3A_1359 = arith.constant 13 : i32
    %eq3A_1360 = vector.broadcast %eq3A_1359 : i32 to vector<16xi32>
    %eq3A_1361 = arith.cmpi eq, %min3A_1306, %eq3A_1360 : vector<16xi32>
    %select_n3A_1362 = arith.select %eq3A_1361, %get3A_77, %select_n3A_1358 : vector<16xi1>, vector<16xf32>
    %eq3A_1363 = arith.constant 14 : i32
    %eq3A_1364 = vector.broadcast %eq3A_1363 : i32 to vector<16xi32>
    %eq3A_1365 = arith.cmpi eq, %min3A_1306, %eq3A_1364 : vector<16xi32>
    %select_n3A_1366 = arith.select %eq3A_1365, %get3A_80, %select_n3A_1362 : vector<16xi1>, vector<16xf32>
    %eq3A_1367 = arith.constant 15 : i32
    %eq3A_1368 = vector.broadcast %eq3A_1367 : i32 to vector<16xi32>
    %eq3A_1369 = arith.cmpi eq, %min3A_1306, %eq3A_1368 : vector<16xi32>
    %select_n3A_1370 = arith.select %eq3A_1369, %get3A_83, %select_n3A_1366 : vector<16xi1>, vector<16xf32>
    %eq3A_1371 = arith.constant 16 : i32
    %eq3A_1372 = vector.broadcast %eq3A_1371 : i32 to vector<16xi32>
    %eq3A_1373 = arith.cmpi eq, %min3A_1306, %eq3A_1372 : vector<16xi32>
    %select_n3A_1374 = arith.select %eq3A_1373, %get3A_86, %select_n3A_1370 : vector<16xi1>, vector<16xf32>
    %eq3A_1375 = arith.constant 17 : i32
    %eq3A_1376 = vector.broadcast %eq3A_1375 : i32 to vector<16xi32>
    %eq3A_1377 = arith.cmpi eq, %min3A_1306, %eq3A_1376 : vector<16xi32>
    %select_n3A_1378 = arith.select %eq3A_1377, %get3A_89, %select_n3A_1374 : vector<16xi1>, vector<16xf32>
    %eq3A_1379 = arith.constant 18 : i32
    %eq3A_1380 = vector.broadcast %eq3A_1379 : i32 to vector<16xi32>
    %eq3A_1381 = arith.cmpi eq, %min3A_1306, %eq3A_1380 : vector<16xi32>
    %select_n3A_1382 = arith.select %eq3A_1381, %get3A_92, %select_n3A_1378 : vector<16xi1>, vector<16xf32>
    %eq3A_1383 = arith.constant 19 : i32
    %eq3A_1384 = vector.broadcast %eq3A_1383 : i32 to vector<16xi32>
    %eq3A_1385 = arith.cmpi eq, %min3A_1306, %eq3A_1384 : vector<16xi32>
    %select_n3A_1386 = arith.select %eq3A_1385, %get3A_95, %select_n3A_1382 : vector<16xi1>, vector<16xf32>
    %eq3A_1387 = arith.constant 20 : i32
    %eq3A_1388 = vector.broadcast %eq3A_1387 : i32 to vector<16xi32>
    %eq3A_1389 = arith.cmpi eq, %min3A_1306, %eq3A_1388 : vector<16xi32>
    %select_n3A_1390 = arith.select %eq3A_1389, %get3A_98, %select_n3A_1386 : vector<16xi1>, vector<16xf32>
    %eq3A_1391 = arith.constant 21 : i32
    %eq3A_1392 = vector.broadcast %eq3A_1391 : i32 to vector<16xi32>
    %eq3A_1393 = arith.cmpi eq, %min3A_1306, %eq3A_1392 : vector<16xi32>
    %select_n3A_1394 = arith.select %eq3A_1393, %get3A_101, %select_n3A_1390 : vector<16xi1>, vector<16xf32>
    %eq3A_1395 = arith.constant 22 : i32
    %eq3A_1396 = vector.broadcast %eq3A_1395 : i32 to vector<16xi32>
    %eq3A_1397 = arith.cmpi eq, %min3A_1306, %eq3A_1396 : vector<16xi32>
    %select_n3A_1398 = arith.select %eq3A_1397, %get3A_104, %select_n3A_1394 : vector<16xi1>, vector<16xf32>
    %eq3A_1399 = arith.constant 23 : i32
    %eq3A_1400 = vector.broadcast %eq3A_1399 : i32 to vector<16xi32>
    %eq3A_1401 = arith.cmpi eq, %min3A_1306, %eq3A_1400 : vector<16xi32>
    %select_n3A_1402 = arith.select %eq3A_1401, %get3A_107, %select_n3A_1398 : vector<16xi1>, vector<16xf32>
    %eq3A_1403 = arith.constant 24 : i32
    %eq3A_1404 = vector.broadcast %eq3A_1403 : i32 to vector<16xi32>
    %eq3A_1405 = arith.cmpi eq, %min3A_1306, %eq3A_1404 : vector<16xi32>
    %select_n3A_1406 = arith.select %eq3A_1405, %get3A_110, %select_n3A_1402 : vector<16xi1>, vector<16xf32>
    %eq3A_1407 = arith.constant 25 : i32
    %eq3A_1408 = vector.broadcast %eq3A_1407 : i32 to vector<16xi32>
    %eq3A_1409 = arith.cmpi eq, %min3A_1306, %eq3A_1408 : vector<16xi32>
    %select_n3A_1410 = arith.select %eq3A_1409, %get3A_113, %select_n3A_1406 : vector<16xi1>, vector<16xf32>
    %eq3A_1411 = arith.constant 26 : i32
    %eq3A_1412 = vector.broadcast %eq3A_1411 : i32 to vector<16xi32>
    %eq3A_1413 = arith.cmpi eq, %min3A_1306, %eq3A_1412 : vector<16xi32>
    %select_n3A_1414 = arith.select %eq3A_1413, %get3A_116, %select_n3A_1410 : vector<16xi1>, vector<16xf32>
    %eq3A_1415 = arith.constant 27 : i32
    %eq3A_1416 = vector.broadcast %eq3A_1415 : i32 to vector<16xi32>
    %eq3A_1417 = arith.cmpi eq, %min3A_1306, %eq3A_1416 : vector<16xi32>
    %select_n3A_1418 = arith.select %eq3A_1417, %get3A_119, %select_n3A_1414 : vector<16xi1>, vector<16xf32>
    %eq3A_1419 = arith.constant 28 : i32
    %eq3A_1420 = vector.broadcast %eq3A_1419 : i32 to vector<16xi32>
    %eq3A_1421 = arith.cmpi eq, %min3A_1306, %eq3A_1420 : vector<16xi32>
    %select_n3A_1422 = arith.select %eq3A_1421, %get3A_122, %select_n3A_1418 : vector<16xi1>, vector<16xf32>
    %eq3A_1423 = arith.constant 29 : i32
    %eq3A_1424 = vector.broadcast %eq3A_1423 : i32 to vector<16xi32>
    %eq3A_1425 = arith.cmpi eq, %min3A_1306, %eq3A_1424 : vector<16xi32>
    %select_n3A_1426 = arith.select %eq3A_1425, %get3A_125, %select_n3A_1422 : vector<16xi1>, vector<16xf32>
    %eq3A_1427 = arith.constant 30 : i32
    %eq3A_1428 = vector.broadcast %eq3A_1427 : i32 to vector<16xi32>
    %eq3A_1429 = arith.cmpi eq, %min3A_1306, %eq3A_1428 : vector<16xi32>
    %select_n3A_1430 = arith.select %eq3A_1429, %get3A_128, %select_n3A_1426 : vector<16xi1>, vector<16xf32>
    %eq3A_1431 = arith.constant 31 : i32
    %eq3A_1432 = vector.broadcast %eq3A_1431 : i32 to vector<16xi32>
    %eq3A_1433 = arith.cmpi eq, %min3A_1306, %eq3A_1432 : vector<16xi32>
    %select_n3A_1434 = arith.select %eq3A_1433, %get3A_131, %select_n3A_1430 : vector<16xi1>, vector<16xf32>
    %swap3A_1435 = arith.constant 2016 : index
    %swap3A_1436 = tpu.vector_load %arg5[%swap3A_1435] {strides = array<i32>} : memref<4096xf32, #tpu.memory_space<vmem>>, vector<16xf32>,
    %swap3A_1437 = vector.shape_cast %swap3A_1436 : vector<16xf32> to vector<16xf32>
    %swap3A_1438 = vector.shape_cast %select_n3A_1434 : vector<16xf32> to vector<16xf32>
    tpu.vector_store %arg5[%swap3A_1435], %swap3A_1438 {strides = array<i32>} : memref<4096xf32, #tpu.memory_space<vmem>>, vector<16xf32>,
    %add3A_1439 = arith.constant 2016 : i32
    %add3A_1440 = vector.broadcast %add3A_1439 : i32 to vector<16xi32>
    %add3A_1441 = arith.addi %add3A_1440, %iota3A : vector<16xi32>
    %sub3A_1442 = arith.constant 2046 : i32
    %sub3A_1443 = vector.broadcast %sub3A_1442 : i32 to vector<16xi32>
    %sub3A_1444 = arith.subi %sub3A_1443, %add3A_1441 : vector<16xi32>
    %jit3A_1445 = arith.constant 0 : i32
    %jit3A_1446 = arith.constant 32 : i32
    %max3A_1447 = vector.broadcast %jit3A_1445 : i32 to vector<16xi32>
    %max3A_1448 = arith.maxsi %max3A_1447, %sub3A_1444 : vector<16xi32>
    %min3A_1449 = vector.broadcast %jit3A_1446 : i32 to vector<16xi32>
    %min3A_1450 = arith.minsi %min3A_1449, %max3A_1448 : vector<16xi32>
    %eq3A_1451 = arith.constant 0 : i32
    %eq3A_1452 = vector.broadcast %eq3A_1451 : i32 to vector<16xi32>
    %eq3A_1453 = arith.cmpi eq, %min3A_1450, %eq3A_1452 : vector<16xi32>
    %select_n3A_1454 = arith.select %eq3A_1453, %get3A_38, %get3A_134 : vector<16xi1>, vector<16xf32>
    %eq3A_1455 = arith.constant 1 : i32
    %eq3A_1456 = vector.broadcast %eq3A_1455 : i32 to vector<16xi32>
    %eq3A_1457 = arith.cmpi eq, %min3A_1450, %eq3A_1456 : vector<16xi32>
    %select_n3A_1458 = arith.select %eq3A_1457, %get3A_41, %select_n3A_1454 : vector<16xi1>, vector<16xf32>
    %eq3A_1459 = arith.constant 2 : i32
    %eq3A_1460 = vector.broadcast %eq3A_1459 : i32 to vector<16xi32>
    %eq3A_1461 = arith.cmpi eq, %min3A_1450, %eq3A_1460 : vector<16xi32>
    %select_n3A_1462 = arith.select %eq3A_1461, %get3A_44, %select_n3A_1458 : vector<16xi1>, vector<16xf32>
    %eq3A_1463 = arith.constant 3 : i32
    %eq3A_1464 = vector.broadcast %eq3A_1463 : i32 to vector<16xi32>
    %eq3A_1465 = arith.cmpi eq, %min3A_1450, %eq3A_1464 : vector<16xi32>
    %select_n3A_1466 = arith.select %eq3A_1465, %get3A_47, %select_n3A_1462 : vector<16xi1>, vector<16xf32>
    %eq3A_1467 = arith.constant 4 : i32
    %eq3A_1468 = vector.broadcast %eq3A_1467 : i32 to vector<16xi32>
    %eq3A_1469 = arith.cmpi eq, %min3A_1450, %eq3A_1468 : vector<16xi32>
    %select_n3A_1470 = arith.select %eq3A_1469, %get3A_50, %select_n3A_1466 : vector<16xi1>, vector<16xf32>
    %eq3A_1471 = arith.constant 5 : i32
    %eq3A_1472 = vector.broadcast %eq3A_1471 : i32 to vector<16xi32>
    %eq3A_1473 = arith.cmpi eq, %min3A_1450, %eq3A_1472 : vector<16xi32>
    %select_n3A_1474 = arith.select %eq3A_1473, %get3A_53, %select_n3A_1470 : vector<16xi1>, vector<16xf32>
    %eq3A_1475 = arith.constant 6 : i32
    %eq3A_1476 = vector.broadcast %eq3A_1475 : i32 to vector<16xi32>
    %eq3A_1477 = arith.cmpi eq, %min3A_1450, %eq3A_1476 : vector<16xi32>
    %select_n3A_1478 = arith.select %eq3A_1477, %get3A_56, %select_n3A_1474 : vector<16xi1>, vector<16xf32>
    %eq3A_1479 = arith.constant 7 : i32
    %eq3A_1480 = vector.broadcast %eq3A_1479 : i32 to vector<16xi32>
    %eq3A_1481 = arith.cmpi eq, %min3A_1450, %eq3A_1480 : vector<16xi32>
    %select_n3A_1482 = arith.select %eq3A_1481, %get3A_59, %select_n3A_1478 : vector<16xi1>, vector<16xf32>
    %eq3A_1483 = arith.constant 8 : i32
    %eq3A_1484 = vector.broadcast %eq3A_1483 : i32 to vector<16xi32>
    %eq3A_1485 = arith.cmpi eq, %min3A_1450, %eq3A_1484 : vector<16xi32>
    %select_n3A_1486 = arith.select %eq3A_1485, %get3A_62, %select_n3A_1482 : vector<16xi1>, vector<16xf32>
    %eq3A_1487 = arith.constant 9 : i32
    %eq3A_1488 = vector.broadcast %eq3A_1487 : i32 to vector<16xi32>
    %eq3A_1489 = arith.cmpi eq, %min3A_1450, %eq3A_1488 : vector<16xi32>
    %select_n3A_1490 = arith.select %eq3A_1489, %get3A_65, %select_n3A_1486 : vector<16xi1>, vector<16xf32>
    %eq3A_1491 = arith.constant 10 : i32
    %eq3A_1492 = vector.broadcast %eq3A_1491 : i32 to vector<16xi32>
    %eq3A_1493 = arith.cmpi eq, %min3A_1450, %eq3A_1492 : vector<16xi32>
    %select_n3A_1494 = arith.select %eq3A_1493, %get3A_68, %select_n3A_1490 : vector<16xi1>, vector<16xf32>
    %eq3A_1495 = arith.constant 11 : i32
    %eq3A_1496 = vector.broadcast %eq3A_1495 : i32 to vector<16xi32>
    %eq3A_1497 = arith.cmpi eq, %min3A_1450, %eq3A_1496 : vector<16xi32>
    %select_n3A_1498 = arith.select %eq3A_1497, %get3A_71, %select_n3A_1494 : vector<16xi1>, vector<16xf32>
    %eq3A_1499 = arith.constant 12 : i32
    %eq3A_1500 = vector.broadcast %eq3A_1499 : i32 to vector<16xi32>
    %eq3A_1501 = arith.cmpi eq, %min3A_1450, %eq3A_1500 : vector<16xi32>
    %select_n3A_1502 = arith.select %eq3A_1501, %get3A_74, %select_n3A_1498 : vector<16xi1>, vector<16xf32>
    %eq3A_1503 = arith.constant 13 : i32
    %eq3A_1504 = vector.broadcast %eq3A_1503 : i32 to vector<16xi32>
    %eq3A_1505 = arith.cmpi eq, %min3A_1450, %eq3A_1504 : vector<16xi32>
    %select_n3A_1506 = arith.select %eq3A_1505, %get3A_77, %select_n3A_1502 : vector<16xi1>, vector<16xf32>
    %eq3A_1507 = arith.constant 14 : i32
    %eq3A_1508 = vector.broadcast %eq3A_1507 : i32 to vector<16xi32>
    %eq3A_1509 = arith.cmpi eq, %min3A_1450, %eq3A_1508 : vector<16xi32>
    %select_n3A_1510 = arith.select %eq3A_1509, %get3A_80, %select_n3A_1506 : vector<16xi1>, vector<16xf32>
    %eq3A_1511 = arith.constant 15 : i32
    %eq3A_1512 = vector.broadcast %eq3A_1511 : i32 to vector<16xi32>
    %eq3A_1513 = arith.cmpi eq, %min3A_1450, %eq3A_1512 : vector<16xi32>
    %select_n3A_1514 = arith.select %eq3A_1513, %get3A_83, %select_n3A_1510 : vector<16xi1>, vector<16xf32>
    %eq3A_1515 = arith.constant 16 : i32
    %eq3A_1516 = vector.broadcast %eq3A_1515 : i32 to vector<16xi32>
    %eq3A_1517 = arith.cmpi eq, %min3A_1450, %eq3A_1516 : vector<16xi32>
    %select_n3A_1518 = arith.select %eq3A_1517, %get3A_86, %select_n3A_1514 : vector<16xi1>, vector<16xf32>
    %eq3A_1519 = arith.constant 17 : i32
    %eq3A_1520 = vector.broadcast %eq3A_1519 : i32 to vector<16xi32>
    %eq3A_1521 = arith.cmpi eq, %min3A_1450, %eq3A_1520 : vector<16xi32>
    %select_n3A_1522 = arith.select %eq3A_1521, %get3A_89, %select_n3A_1518 : vector<16xi1>, vector<16xf32>
    %eq3A_1523 = arith.constant 18 : i32
    %eq3A_1524 = vector.broadcast %eq3A_1523 : i32 to vector<16xi32>
    %eq3A_1525 = arith.cmpi eq, %min3A_1450, %eq3A_1524 : vector<16xi32>
    %select_n3A_1526 = arith.select %eq3A_1525, %get3A_92, %select_n3A_1522 : vector<16xi1>, vector<16xf32>
    %eq3A_1527 = arith.constant 19 : i32
    %eq3A_1528 = vector.broadcast %eq3A_1527 : i32 to vector<16xi32>
    %eq3A_1529 = arith.cmpi eq, %min3A_1450, %eq3A_1528 : vector<16xi32>
    %select_n3A_1530 = arith.select %eq3A_1529, %get3A_95, %select_n3A_1526 : vector<16xi1>, vector<16xf32>
    %eq3A_1531 = arith.constant 20 : i32
    %eq3A_1532 = vector.broadcast %eq3A_1531 : i32 to vector<16xi32>
    %eq3A_1533 = arith.cmpi eq, %min3A_1450, %eq3A_1532 : vector<16xi32>
    %select_n3A_1534 = arith.select %eq3A_1533, %get3A_98, %select_n3A_1530 : vector<16xi1>, vector<16xf32>
    %eq3A_1535 = arith.constant 21 : i32
    %eq3A_1536 = vector.broadcast %eq3A_1535 : i32 to vector<16xi32>
    %eq3A_1537 = arith.cmpi eq, %min3A_1450, %eq3A_1536 : vector<16xi32>
    %select_n3A_1538 = arith.select %eq3A_1537, %get3A_101, %select_n3A_1534 : vector<16xi1>, vector<16xf32>
    %eq3A_1539 = arith.constant 22 : i32
    %eq3A_1540 = vector.broadcast %eq3A_1539 : i32 to vector<16xi32>
    %eq3A_1541 = arith.cmpi eq, %min3A_1450, %eq3A_1540 : vector<16xi32>
    %select_n3A_1542 = arith.select %eq3A_1541, %get3A_104, %select_n3A_1538 : vector<16xi1>, vector<16xf32>
    %eq3A_1543 = arith.constant 23 : i32
    %eq3A_1544 = vector.broadcast %eq3A_1543 : i32 to vector<16xi32>
    %eq3A_1545 = arith.cmpi eq, %min3A_1450, %eq3A_1544 : vector<16xi32>
    %select_n3A_1546 = arith.select %eq3A_1545, %get3A_107, %select_n3A_1542 : vector<16xi1>, vector<16xf32>
    %eq3A_1547 = arith.constant 24 : i32
    %eq3A_1548 = vector.broadcast %eq3A_1547 : i32 to vector<16xi32>
    %eq3A_1549 = arith.cmpi eq, %min3A_1450, %eq3A_1548 : vector<16xi32>
    %select_n3A_1550 = arith.select %eq3A_1549, %get3A_110, %select_n3A_1546 : vector<16xi1>, vector<16xf32>
    %eq3A_1551 = arith.constant 25 : i32
    %eq3A_1552 = vector.broadcast %eq3A_1551 : i32 to vector<16xi32>
    %eq3A_1553 = arith.cmpi eq, %min3A_1450, %eq3A_1552 : vector<16xi32>
    %select_n3A_1554 = arith.select %eq3A_1553, %get3A_113, %select_n3A_1550 : vector<16xi1>, vector<16xf32>
    %eq3A_1555 = arith.constant 26 : i32
    %eq3A_1556 = vector.broadcast %eq3A_1555 : i32 to vector<16xi32>
    %eq3A_1557 = arith.cmpi eq, %min3A_1450, %eq3A_1556 : vector<16xi32>
    %select_n3A_1558 = arith.select %eq3A_1557, %get3A_116, %select_n3A_1554 : vector<16xi1>, vector<16xf32>
    %eq3A_1559 = arith.constant 27 : i32
    %eq3A_1560 = vector.broadcast %eq3A_1559 : i32 to vector<16xi32>
    %eq3A_1561 = arith.cmpi eq, %min3A_1450, %eq3A_1560 : vector<16xi32>
    %select_n3A_1562 = arith.select %eq3A_1561, %get3A_119, %select_n3A_1558 : vector<16xi1>, vector<16xf32>
    %eq3A_1563 = arith.constant 28 : i32
    %eq3A_1564 = vector.broadcast %eq3A_1563 : i32 to vector<16xi32>
    %eq3A_1565 = arith.cmpi eq, %min3A_1450, %eq3A_1564 : vector<16xi32>
    %select_n3A_1566 = arith.select %eq3A_1565, %get3A_122, %select_n3A_1562 : vector<16xi1>, vector<16xf32>
    %eq3A_1567 = arith.constant 29 : i32
    %eq3A_1568 = vector.broadcast %eq3A_1567 : i32 to vector<16xi32>
    %eq3A_1569 = arith.cmpi eq, %min3A_1450, %eq3A_1568 : vector<16xi32>
    %select_n3A_1570 = arith.select %eq3A_1569, %get3A_125, %select_n3A_1566 : vector<16xi1>, vector<16xf32>
    %eq3A_1571 = arith.constant 30 : i32
    %eq3A_1572 = vector.broadcast %eq3A_1571 : i32 to vector<16xi32>
    %eq3A_1573 = arith.cmpi eq, %min3A_1450, %eq3A_1572 : vector<16xi32>
    %select_n3A_1574 = arith.select %eq3A_1573, %get3A_128, %select_n3A_1570 : vector<16xi1>, vector<16xf32>
    %eq3A_1575 = arith.constant 31 : i32
    %eq3A_1576 = vector.broadcast %eq3A_1575 : i32 to vector<16xi32>
    %eq3A_1577 = arith.cmpi eq, %min3A_1450, %eq3A_1576 : vector<16xi32>
    %select_n3A_1578 = arith.select %eq3A_1577, %get3A_131, %select_n3A_1574 : vector<16xi1>, vector<16xf32>
    %swap3A_1579 = arith.constant 2016 : index
    %swap3A_1580 = tpu.vector_load %arg6[%swap3A_1579] {strides = array<i32>} : memref<4096xf32, #tpu.memory_space<vmem>>, vector<16xf32>,
    %swap3A_1581 = vector.shape_cast %swap3A_1580 : vector<16xf32> to vector<16xf32>
    %swap3A_1582 = vector.shape_cast %select_n3A_1578 : vector<16xf32> to vector<16xf32>
    tpu.vector_store %arg6[%swap3A_1579], %swap3A_1582 {strides = array<i32>} : memref<4096xf32, #tpu.memory_space<vmem>>, vector<16xf32>,
    %add3A_1583 = arith.constant 2016 : i32
    %add3A_1584 = vector.broadcast %add3A_1583 : i32 to vector<16xi32>
    %add3A_1585 = arith.addi %add3A_1584, %iota3A : vector<16xi32>
    %sub3A_1586 = arith.constant 2045 : i32
    %sub3A_1587 = vector.broadcast %sub3A_1586 : i32 to vector<16xi32>
    %sub3A_1588 = arith.subi %sub3A_1587, %add3A_1585 : vector<16xi32>
    %jit3A_1589 = arith.constant 0 : i32
    %jit3A_1590 = arith.constant 32 : i32
    %max3A_1591 = vector.broadcast %jit3A_1589 : i32 to vector<16xi32>
    %max3A_1592 = arith.maxsi %max3A_1591, %sub3A_1588 : vector<16xi32>
    %min3A_1593 = vector.broadcast %jit3A_1590 : i32 to vector<16xi32>
    %min3A_1594 = arith.minsi %min3A_1593, %max3A_1592 : vector<16xi32>
    %eq3A_1595 = arith.constant 0 : i32
    %eq3A_1596 = vector.broadcast %eq3A_1595 : i32 to vector<16xi32>
    %eq3A_1597 = arith.cmpi eq, %min3A_1594, %eq3A_1596 : vector<16xi32>
    %select_n3A_1598 = arith.select %eq3A_1597, %get3A_38, %get3A_134 : vector<16xi1>, vector<16xf32>
    %eq3A_1599 = arith.constant 1 : i32
    %eq3A_1600 = vector.broadcast %eq3A_1599 : i32 to vector<16xi32>
    %eq3A_1601 = arith.cmpi eq, %min3A_1594, %eq3A_1600 : vector<16xi32>
    %select_n3A_1602 = arith.select %eq3A_1601, %get3A_41, %select_n3A_1598 : vector<16xi1>, vector<16xf32>
    %eq3A_1603 = arith.constant 2 : i32
    %eq3A_1604 = vector.broadcast %eq3A_1603 : i32 to vector<16xi32>
    %eq3A_1605 = arith.cmpi eq, %min3A_1594, %eq3A_1604 : vector<16xi32>
    %select_n3A_1606 = arith.select %eq3A_1605, %get3A_44, %select_n3A_1602 : vector<16xi1>, vector<16xf32>
    %eq3A_1607 = arith.constant 3 : i32
    %eq3A_1608 = vector.broadcast %eq3A_1607 : i32 to vector<16xi32>
    %eq3A_1609 = arith.cmpi eq, %min3A_1594, %eq3A_1608 : vector<16xi32>
    %select_n3A_1610 = arith.select %eq3A_1609, %get3A_47, %select_n3A_1606 : vector<16xi1>, vector<16xf32>
    %eq3A_1611 = arith.constant 4 : i32
    %eq3A_1612 = vector.broadcast %eq3A_1611 : i32 to vector<16xi32>
    %eq3A_1613 = arith.cmpi eq, %min3A_1594, %eq3A_1612 : vector<16xi32>
    %select_n3A_1614 = arith.select %eq3A_1613, %get3A_50, %select_n3A_1610 : vector<16xi1>, vector<16xf32>
    %eq3A_1615 = arith.constant 5 : i32
    %eq3A_1616 = vector.broadcast %eq3A_1615 : i32 to vector<16xi32>
    %eq3A_1617 = arith.cmpi eq, %min3A_1594, %eq3A_1616 : vector<16xi32>
    %select_n3A_1618 = arith.select %eq3A_1617, %get3A_53, %select_n3A_1614 : vector<16xi1>, vector<16xf32>
    %eq3A_1619 = arith.constant 6 : i32
    %eq3A_1620 = vector.broadcast %eq3A_1619 : i32 to vector<16xi32>
    %eq3A_1621 = arith.cmpi eq, %min3A_1594, %eq3A_1620 : vector<16xi32>
    %select_n3A_1622 = arith.select %eq3A_1621, %get3A_56, %select_n3A_1618 : vector<16xi1>, vector<16xf32>
    %eq3A_1623 = arith.constant 7 : i32
    %eq3A_1624 = vector.broadcast %eq3A_1623 : i32 to vector<16xi32>
    %eq3A_1625 = arith.cmpi eq, %min3A_1594, %eq3A_1624 : vector<16xi32>
    %select_n3A_1626 = arith.select %eq3A_1625, %get3A_59, %select_n3A_1622 : vector<16xi1>, vector<16xf32>
    %eq3A_1627 = arith.constant 8 : i32
    %eq3A_1628 = vector.broadcast %eq3A_1627 : i32 to vector<16xi32>
    %eq3A_1629 = arith.cmpi eq, %min3A_1594, %eq3A_1628 : vector<16xi32>
    %select_n3A_1630 = arith.select %eq3A_1629, %get3A_62, %select_n3A_1626 : vector<16xi1>, vector<16xf32>
    %eq3A_1631 = arith.constant 9 : i32
    %eq3A_1632 = vector.broadcast %eq3A_1631 : i32 to vector<16xi32>
    %eq3A_1633 = arith.cmpi eq, %min3A_1594, %eq3A_1632 : vector<16xi32>
    %select_n3A_1634 = arith.select %eq3A_1633, %get3A_65, %select_n3A_1630 : vector<16xi1>, vector<16xf32>
    %eq3A_1635 = arith.constant 10 : i32
    %eq3A_1636 = vector.broadcast %eq3A_1635 : i32 to vector<16xi32>
    %eq3A_1637 = arith.cmpi eq, %min3A_1594, %eq3A_1636 : vector<16xi32>
    %select_n3A_1638 = arith.select %eq3A_1637, %get3A_68, %select_n3A_1634 : vector<16xi1>, vector<16xf32>
    %eq3A_1639 = arith.constant 11 : i32
    %eq3A_1640 = vector.broadcast %eq3A_1639 : i32 to vector<16xi32>
    %eq3A_1641 = arith.cmpi eq, %min3A_1594, %eq3A_1640 : vector<16xi32>
    %select_n3A_1642 = arith.select %eq3A_1641, %get3A_71, %select_n3A_1638 : vector<16xi1>, vector<16xf32>
    %eq3A_1643 = arith.constant 12 : i32
    %eq3A_1644 = vector.broadcast %eq3A_1643 : i32 to vector<16xi32>
    %eq3A_1645 = arith.cmpi eq, %min3A_1594, %eq3A_1644 : vector<16xi32>
    %select_n3A_1646 = arith.select %eq3A_1645, %get3A_74, %select_n3A_1642 : vector<16xi1>, vector<16xf32>
    %eq3A_1647 = arith.constant 13 : i32
    %eq3A_1648 = vector.broadcast %eq3A_1647 : i32 to vector<16xi32>
    %eq3A_1649 = arith.cmpi eq, %min3A_1594, %eq3A_1648 : vector<16xi32>
    %select_n3A_1650 = arith.select %eq3A_1649, %get3A_77, %select_n3A_1646 : vector<16xi1>, vector<16xf32>
    %eq3A_1651 = arith.constant 14 : i32
    %eq3A_1652 = vector.broadcast %eq3A_1651 : i32 to vector<16xi32>
    %eq3A_1653 = arith.cmpi eq, %min3A_1594, %eq3A_1652 : vector<16xi32>
    %select_n3A_1654 = arith.select %eq3A_1653, %get3A_80, %select_n3A_1650 : vector<16xi1>, vector<16xf32>
    %eq3A_1655 = arith.constant 15 : i32
    %eq3A_1656 = vector.broadcast %eq3A_1655 : i32 to vector<16xi32>
    %eq3A_1657 = arith.cmpi eq, %min3A_1594, %eq3A_1656 : vector<16xi32>
    %select_n3A_1658 = arith.select %eq3A_1657, %get3A_83, %select_n3A_1654 : vector<16xi1>, vector<16xf32>
    %eq3A_1659 = arith.constant 16 : i32
    %eq3A_1660 = vector.broadcast %eq3A_1659 : i32 to vector<16xi32>
    %eq3A_1661 = arith.cmpi eq, %min3A_1594, %eq3A_1660 : vector<16xi32>
    %select_n3A_1662 = arith.select %eq3A_1661, %get3A_86, %select_n3A_1658 : vector<16xi1>, vector<16xf32>
    %eq3A_1663 = arith.constant 17 : i32
    %eq3A_1664 = vector.broadcast %eq3A_1663 : i32 to vector<16xi32>
    %eq3A_1665 = arith.cmpi eq, %min3A_1594, %eq3A_1664 : vector<16xi32>
    %select_n3A_1666 = arith.select %eq3A_1665, %get3A_89, %select_n3A_1662 : vector<16xi1>, vector<16xf32>
    %eq3A_1667 = arith.constant 18 : i32
    %eq3A_1668 = vector.broadcast %eq3A_1667 : i32 to vector<16xi32>
    %eq3A_1669 = arith.cmpi eq, %min3A_1594, %eq3A_1668 : vector<16xi32>
    %select_n3A_1670 = arith.select %eq3A_1669, %get3A_92, %select_n3A_1666 : vector<16xi1>, vector<16xf32>
    %eq3A_1671 = arith.constant 19 : i32
    %eq3A_1672 = vector.broadcast %eq3A_1671 : i32 to vector<16xi32>
    %eq3A_1673 = arith.cmpi eq, %min3A_1594, %eq3A_1672 : vector<16xi32>
    %select_n3A_1674 = arith.select %eq3A_1673, %get3A_95, %select_n3A_1670 : vector<16xi1>, vector<16xf32>
    %eq3A_1675 = arith.constant 20 : i32
    %eq3A_1676 = vector.broadcast %eq3A_1675 : i32 to vector<16xi32>
    %eq3A_1677 = arith.cmpi eq, %min3A_1594, %eq3A_1676 : vector<16xi32>
    %select_n3A_1678 = arith.select %eq3A_1677, %get3A_98, %select_n3A_1674 : vector<16xi1>, vector<16xf32>
    %eq3A_1679 = arith.constant 21 : i32
    %eq3A_1680 = vector.broadcast %eq3A_1679 : i32 to vector<16xi32>
    %eq3A_1681 = arith.cmpi eq, %min3A_1594, %eq3A_1680 : vector<16xi32>
    %select_n3A_1682 = arith.select %eq3A_1681, %get3A_101, %select_n3A_1678 : vector<16xi1>, vector<16xf32>
    %eq3A_1683 = arith.constant 22 : i32
    %eq3A_1684 = vector.broadcast %eq3A_1683 : i32 to vector<16xi32>
    %eq3A_1685 = arith.cmpi eq, %min3A_1594, %eq3A_1684 : vector<16xi32>
    %select_n3A_1686 = arith.select %eq3A_1685, %get3A_104, %select_n3A_1682 : vector<16xi1>, vector<16xf32>
    %eq3A_1687 = arith.constant 23 : i32
    %eq3A_1688 = vector.broadcast %eq3A_1687 : i32 to vector<16xi32>
    %eq3A_1689 = arith.cmpi eq, %min3A_1594, %eq3A_1688 : vector<16xi32>
    %select_n3A_1690 = arith.select %eq3A_1689, %get3A_107, %select_n3A_1686 : vector<16xi1>, vector<16xf32>
    %eq3A_1691 = arith.constant 24 : i32
    %eq3A_1692 = vector.broadcast %eq3A_1691 : i32 to vector<16xi32>
    %eq3A_1693 = arith.cmpi eq, %min3A_1594, %eq3A_1692 : vector<16xi32>
    %select_n3A_1694 = arith.select %eq3A_1693, %get3A_110, %select_n3A_1690 : vector<16xi1>, vector<16xf32>
    %eq3A_1695 = arith.constant 25 : i32
    %eq3A_1696 = vector.broadcast %eq3A_1695 : i32 to vector<16xi32>
    %eq3A_1697 = arith.cmpi eq, %min3A_1594, %eq3A_1696 : vector<16xi32>
    %select_n3A_1698 = arith.select %eq3A_1697, %get3A_113, %select_n3A_1694 : vector<16xi1>, vector<16xf32>
    %eq3A_1699 = arith.constant 26 : i32
    %eq3A_1700 = vector.broadcast %eq3A_1699 : i32 to vector<16xi32>
    %eq3A_1701 = arith.cmpi eq, %min3A_1594, %eq3A_1700 : vector<16xi32>
    %select_n3A_1702 = arith.select %eq3A_1701, %get3A_116, %select_n3A_1698 : vector<16xi1>, vector<16xf32>
    %eq3A_1703 = arith.constant 27 : i32
    %eq3A_1704 = vector.broadcast %eq3A_1703 : i32 to vector<16xi32>
    %eq3A_1705 = arith.cmpi eq, %min3A_1594, %eq3A_1704 : vector<16xi32>
    %select_n3A_1706 = arith.select %eq3A_1705, %get3A_119, %select_n3A_1702 : vector<16xi1>, vector<16xf32>
    %eq3A_1707 = arith.constant 28 : i32
    %eq3A_1708 = vector.broadcast %eq3A_1707 : i32 to vector<16xi32>
    %eq3A_1709 = arith.cmpi eq, %min3A_1594, %eq3A_1708 : vector<16xi32>
    %select_n3A_1710 = arith.select %eq3A_1709, %get3A_122, %select_n3A_1706 : vector<16xi1>, vector<16xf32>
    %eq3A_1711 = arith.constant 29 : i32
    %eq3A_1712 = vector.broadcast %eq3A_1711 : i32 to vector<16xi32>
    %eq3A_1713 = arith.cmpi eq, %min3A_1594, %eq3A_1712 : vector<16xi32>
    %select_n3A_1714 = arith.select %eq3A_1713, %get3A_125, %select_n3A_1710 : vector<16xi1>, vector<16xf32>
    %eq3A_1715 = arith.constant 30 : i32
    %eq3A_1716 = vector.broadcast %eq3A_1715 : i32 to vector<16xi32>
    %eq3A_1717 = arith.cmpi eq, %min3A_1594, %eq3A_1716 : vector<16xi32>
    %select_n3A_1718 = arith.select %eq3A_1717, %get3A_128, %select_n3A_1714 : vector<16xi1>, vector<16xf32>
    %eq3A_1719 = arith.constant 31 : i32
    %eq3A_1720 = vector.broadcast %eq3A_1719 : i32 to vector<16xi32>
    %eq3A_1721 = arith.cmpi eq, %min3A_1594, %eq3A_1720 : vector<16xi32>
    %select_n3A_1722 = arith.select %eq3A_1721, %get3A_131, %select_n3A_1718 : vector<16xi1>, vector<16xf32>
    %swap3A_1723 = arith.constant 2016 : index
    %swap3A_1724 = tpu.vector_load %arg7[%swap3A_1723] {strides = array<i32>} : memref<4096xf32, #tpu.memory_space<vmem>>, vector<16xf32>,
    %swap3A_1725 = vector.shape_cast %swap3A_1724 : vector<16xf32> to vector<16xf32>
    %swap3A_1726 = vector.shape_cast %select_n3A_1722 : vector<16xf32> to vector<16xf32>
    tpu.vector_store %arg7[%swap3A_1723], %swap3A_1726 {strides = array<i32>} : memref<4096xf32, #tpu.memory_space<vmem>>, vector<16xf32>,
    %add3A_1727 = arith.constant 2016 : i32
    %add3A_1728 = vector.broadcast %add3A_1727 : i32 to vector<16xi32>
    %add3A_1729 = arith.addi %add3A_1728, %iota3A : vector<16xi32>
    %sub3A_1730 = arith.constant 2044 : i32
    %sub3A_1731 = vector.broadcast %sub3A_1730 : i32 to vector<16xi32>
    %sub3A_1732 = arith.subi %sub3A_1731, %add3A_1729 : vector<16xi32>
    %jit3A_1733 = arith.constant 0 : i32
    %jit3A_1734 = arith.constant 32 : i32
    %max3A_1735 = vector.broadcast %jit3A_1733 : i32 to vector<16xi32>
    %max3A_1736 = arith.maxsi %max3A_1735, %sub3A_1732 : vector<16xi32>
    %min3A_1737 = vector.broadcast %jit3A_1734 : i32 to vector<16xi32>
    %min3A_1738 = arith.minsi %min3A_1737, %max3A_1736 : vector<16xi32>
    %eq3A_1739 = arith.constant 0 : i32
    %eq3A_1740 = vector.broadcast %eq3A_1739 : i32 to vector<16xi32>
    %eq3A_1741 = arith.cmpi eq, %min3A_1738, %eq3A_1740 : vector<16xi32>
    %select_n3A_1742 = arith.select %eq3A_1741, %get3A_38, %get3A_134 : vector<16xi1>, vector<16xf32>
    %eq3A_1743 = arith.constant 1 : i32
    %eq3A_1744 = vector.broadcast %eq3A_1743 : i32 to vector<16xi32>
    %eq3A_1745 = arith.cmpi eq, %min3A_1738, %eq3A_1744 : vector<16xi32>
    %select_n3A_1746 = arith.select %eq3A_1745, %get3A_41, %select_n3A_1742 : vector<16xi1>, vector<16xf32>
    %eq3A_1747 = arith.constant 2 : i32
    %eq3A_1748 = vector.broadcast %eq3A_1747 : i32 to vector<16xi32>
    %eq3A_1749 = arith.cmpi eq, %min3A_1738, %eq3A_1748 : vector<16xi32>
    %select_n3A_1750 = arith.select %eq3A_1749, %get3A_44, %select_n3A_1746 : vector<16xi1>, vector<16xf32>
    %eq3A_1751 = arith.constant 3 : i32
    %eq3A_1752 = vector.broadcast %eq3A_1751 : i32 to vector<16xi32>
    %eq3A_1753 = arith.cmpi eq, %min3A_1738, %eq3A_1752 : vector<16xi32>
    %select_n3A_1754 = arith.select %eq3A_1753, %get3A_47, %select_n3A_1750 : vector<16xi1>, vector<16xf32>
    %eq3A_1755 = arith.constant 4 : i32
    %eq3A_1756 = vector.broadcast %eq3A_1755 : i32 to vector<16xi32>
    %eq3A_1757 = arith.cmpi eq, %min3A_1738, %eq3A_1756 : vector<16xi32>
    %select_n3A_1758 = arith.select %eq3A_1757, %get3A_50, %select_n3A_1754 : vector<16xi1>, vector<16xf32>
    %eq3A_1759 = arith.constant 5 : i32
    %eq3A_1760 = vector.broadcast %eq3A_1759 : i32 to vector<16xi32>
    %eq3A_1761 = arith.cmpi eq, %min3A_1738, %eq3A_1760 : vector<16xi32>
    %select_n3A_1762 = arith.select %eq3A_1761, %get3A_53, %select_n3A_1758 : vector<16xi1>, vector<16xf32>
    %eq3A_1763 = arith.constant 6 : i32
    %eq3A_1764 = vector.broadcast %eq3A_1763 : i32 to vector<16xi32>
    %eq3A_1765 = arith.cmpi eq, %min3A_1738, %eq3A_1764 : vector<16xi32>
    %select_n3A_1766 = arith.select %eq3A_1765, %get3A_56, %select_n3A_1762 : vector<16xi1>, vector<16xf32>
    %eq3A_1767 = arith.constant 7 : i32
    %eq3A_1768 = vector.broadcast %eq3A_1767 : i32 to vector<16xi32>
    %eq3A_1769 = arith.cmpi eq, %min3A_1738, %eq3A_1768 : vector<16xi32>
    %select_n3A_1770 = arith.select %eq3A_1769, %get3A_59, %select_n3A_1766 : vector<16xi1>, vector<16xf32>
    %eq3A_1771 = arith.constant 8 : i32
    %eq3A_1772 = vector.broadcast %eq3A_1771 : i32 to vector<16xi32>
    %eq3A_1773 = arith.cmpi eq, %min3A_1738, %eq3A_1772 : vector<16xi32>
    %select_n3A_1774 = arith.select %eq3A_1773, %get3A_62, %select_n3A_1770 : vector<16xi1>, vector<16xf32>
    %eq3A_1775 = arith.constant 9 : i32
    %eq3A_1776 = vector.broadcast %eq3A_1775 : i32 to vector<16xi32>
    %eq3A_1777 = arith.cmpi eq, %min3A_1738, %eq3A_1776 : vector<16xi32>
    %select_n3A_1778 = arith.select %eq3A_1777, %get3A_65, %select_n3A_1774 : vector<16xi1>, vector<16xf32>
    %eq3A_1779 = arith.constant 10 : i32
    %eq3A_1780 = vector.broadcast %eq3A_1779 : i32 to vector<16xi32>
    %eq3A_1781 = arith.cmpi eq, %min3A_1738, %eq3A_1780 : vector<16xi32>
    %select_n3A_1782 = arith.select %eq3A_1781, %get3A_68, %select_n3A_1778 : vector<16xi1>, vector<16xf32>
    %eq3A_1783 = arith.constant 11 : i32
    %eq3A_1784 = vector.broadcast %eq3A_1783 : i32 to vector<16xi32>
    %eq3A_1785 = arith.cmpi eq, %min3A_1738, %eq3A_1784 : vector<16xi32>
    %select_n3A_1786 = arith.select %eq3A_1785, %get3A_71, %select_n3A_1782 : vector<16xi1>, vector<16xf32>
    %eq3A_1787 = arith.constant 12 : i32
    %eq3A_1788 = vector.broadcast %eq3A_1787 : i32 to vector<16xi32>
    %eq3A_1789 = arith.cmpi eq, %min3A_1738, %eq3A_1788 : vector<16xi32>
    %select_n3A_1790 = arith.select %eq3A_1789, %get3A_74, %select_n3A_1786 : vector<16xi1>, vector<16xf32>
    %eq3A_1791 = arith.constant 13 : i32
    %eq3A_1792 = vector.broadcast %eq3A_1791 : i32 to vector<16xi32>
    %eq3A_1793 = arith.cmpi eq, %min3A_1738, %eq3A_1792 : vector<16xi32>
    %select_n3A_1794 = arith.select %eq3A_1793, %get3A_77, %select_n3A_1790 : vector<16xi1>, vector<16xf32>
    %eq3A_1795 = arith.constant 14 : i32
    %eq3A_1796 = vector.broadcast %eq3A_1795 : i32 to vector<16xi32>
    %eq3A_1797 = arith.cmpi eq, %min3A_1738, %eq3A_1796 : vector<16xi32>
    %select_n3A_1798 = arith.select %eq3A_1797, %get3A_80, %select_n3A_1794 : vector<16xi1>, vector<16xf32>
    %eq3A_1799 = arith.constant 15 : i32
    %eq3A_1800 = vector.broadcast %eq3A_1799 : i32 to vector<16xi32>
    %eq3A_1801 = arith.cmpi eq, %min3A_1738, %eq3A_1800 : vector<16xi32>
    %select_n3A_1802 = arith.select %eq3A_1801, %get3A_83, %select_n3A_1798 : vector<16xi1>, vector<16xf32>
    %eq3A_1803 = arith.constant 16 : i32
    %eq3A_1804 = vector.broadcast %eq3A_1803 : i32 to vector<16xi32>
    %eq3A_1805 = arith.cmpi eq, %min3A_1738, %eq3A_1804 : vector<16xi32>
    %select_n3A_1806 = arith.select %eq3A_1805, %get3A_86, %select_n3A_1802 : vector<16xi1>, vector<16xf32>
    %eq3A_1807 = arith.constant 17 : i32
    %eq3A_1808 = vector.broadcast %eq3A_1807 : i32 to vector<16xi32>
    %eq3A_1809 = arith.cmpi eq, %min3A_1738, %eq3A_1808 : vector<16xi32>
    %select_n3A_1810 = arith.select %eq3A_1809, %get3A_89, %select_n3A_1806 : vector<16xi1>, vector<16xf32>
    %eq3A_1811 = arith.constant 18 : i32
    %eq3A_1812 = vector.broadcast %eq3A_1811 : i32 to vector<16xi32>
    %eq3A_1813 = arith.cmpi eq, %min3A_1738, %eq3A_1812 : vector<16xi32>
    %select_n3A_1814 = arith.select %eq3A_1813, %get3A_92, %select_n3A_1810 : vector<16xi1>, vector<16xf32>
    %eq3A_1815 = arith.constant 19 : i32
    %eq3A_1816 = vector.broadcast %eq3A_1815 : i32 to vector<16xi32>
    %eq3A_1817 = arith.cmpi eq, %min3A_1738, %eq3A_1816 : vector<16xi32>
    %select_n3A_1818 = arith.select %eq3A_1817, %get3A_95, %select_n3A_1814 : vector<16xi1>, vector<16xf32>
    %eq3A_1819 = arith.constant 20 : i32
    %eq3A_1820 = vector.broadcast %eq3A_1819 : i32 to vector<16xi32>
    %eq3A_1821 = arith.cmpi eq, %min3A_1738, %eq3A_1820 : vector<16xi32>
    %select_n3A_1822 = arith.select %eq3A_1821, %get3A_98, %select_n3A_1818 : vector<16xi1>, vector<16xf32>
    %eq3A_1823 = arith.constant 21 : i32
    %eq3A_1824 = vector.broadcast %eq3A_1823 : i32 to vector<16xi32>
    %eq3A_1825 = arith.cmpi eq, %min3A_1738, %eq3A_1824 : vector<16xi32>
    %select_n3A_1826 = arith.select %eq3A_1825, %get3A_101, %select_n3A_1822 : vector<16xi1>, vector<16xf32>
    %eq3A_1827 = arith.constant 22 : i32
    %eq3A_1828 = vector.broadcast %eq3A_1827 : i32 to vector<16xi32>
    %eq3A_1829 = arith.cmpi eq, %min3A_1738, %eq3A_1828 : vector<16xi32>
    %select_n3A_1830 = arith.select %eq3A_1829, %get3A_104, %select_n3A_1826 : vector<16xi1>, vector<16xf32>
    %eq3A_1831 = arith.constant 23 : i32
    %eq3A_1832 = vector.broadcast %eq3A_1831 : i32 to vector<16xi32>
    %eq3A_1833 = arith.cmpi eq, %min3A_1738, %eq3A_1832 : vector<16xi32>
    %select_n3A_1834 = arith.select %eq3A_1833, %get3A_107, %select_n3A_1830 : vector<16xi1>, vector<16xf32>
    %eq3A_1835 = arith.constant 24 : i32
    %eq3A_1836 = vector.broadcast %eq3A_1835 : i32 to vector<16xi32>
    %eq3A_1837 = arith.cmpi eq, %min3A_1738, %eq3A_1836 : vector<16xi32>
    %select_n3A_1838 = arith.select %eq3A_1837, %get3A_110, %select_n3A_1834 : vector<16xi1>, vector<16xf32>
    %eq3A_1839 = arith.constant 25 : i32
    %eq3A_1840 = vector.broadcast %eq3A_1839 : i32 to vector<16xi32>
    %eq3A_1841 = arith.cmpi eq, %min3A_1738, %eq3A_1840 : vector<16xi32>
    %select_n3A_1842 = arith.select %eq3A_1841, %get3A_113, %select_n3A_1838 : vector<16xi1>, vector<16xf32>
    %eq3A_1843 = arith.constant 26 : i32
    %eq3A_1844 = vector.broadcast %eq3A_1843 : i32 to vector<16xi32>
    %eq3A_1845 = arith.cmpi eq, %min3A_1738, %eq3A_1844 : vector<16xi32>
    %select_n3A_1846 = arith.select %eq3A_1845, %get3A_116, %select_n3A_1842 : vector<16xi1>, vector<16xf32>
    %eq3A_1847 = arith.constant 27 : i32
    %eq3A_1848 = vector.broadcast %eq3A_1847 : i32 to vector<16xi32>
    %eq3A_1849 = arith.cmpi eq, %min3A_1738, %eq3A_1848 : vector<16xi32>
    %select_n3A_1850 = arith.select %eq3A_1849, %get3A_119, %select_n3A_1846 : vector<16xi1>, vector<16xf32>
    %eq3A_1851 = arith.constant 28 : i32
    %eq3A_1852 = vector.broadcast %eq3A_1851 : i32 to vector<16xi32>
    %eq3A_1853 = arith.cmpi eq, %min3A_1738, %eq3A_1852 : vector<16xi32>
    %select_n3A_1854 = arith.select %eq3A_1853, %get3A_122, %select_n3A_1850 : vector<16xi1>, vector<16xf32>
    %eq3A_1855 = arith.constant 29 : i32
    %eq3A_1856 = vector.broadcast %eq3A_1855 : i32 to vector<16xi32>
    %eq3A_1857 = arith.cmpi eq, %min3A_1738, %eq3A_1856 : vector<16xi32>
    %select_n3A_1858 = arith.select %eq3A_1857, %get3A_125, %select_n3A_1854 : vector<16xi1>, vector<16xf32>
    %eq3A_1859 = arith.constant 30 : i32
    %eq3A_1860 = vector.broadcast %eq3A_1859 : i32 to vector<16xi32>
    %eq3A_1861 = arith.cmpi eq, %min3A_1738, %eq3A_1860 : vector<16xi32>
    %select_n3A_1862 = arith.select %eq3A_1861, %get3A_128, %select_n3A_1858 : vector<16xi1>, vector<16xf32>
    %eq3A_1863 = arith.constant 31 : i32
    %eq3A_1864 = vector.broadcast %eq3A_1863 : i32 to vector<16xi32>
    %eq3A_1865 = arith.cmpi eq, %min3A_1738, %eq3A_1864 : vector<16xi32>
    %select_n3A_1866 = arith.select %eq3A_1865, %get3A_131, %select_n3A_1862 : vector<16xi1>, vector<16xf32>
    %swap3A_1867 = arith.constant 2016 : index
    %swap3A_1868 = tpu.vector_load %arg8[%swap3A_1867] {strides = array<i32>} : memref<4096xf32, #tpu.memory_space<vmem>>, vector<16xf32>,
    %swap3A_1869 = vector.shape_cast %swap3A_1868 : vector<16xf32> to vector<16xf32>
    %swap3A_1870 = vector.shape_cast %select_n3A_1866 : vector<16xf32> to vector<16xf32>
    tpu.vector_store %arg8[%swap3A_1867], %swap3A_1870 {strides = array<i32>} : memref<4096xf32, #tpu.memory_space<vmem>>, vector<16xf32>,
    %add3A_1871 = arith.constant 2016 : i32
    %add3A_1872 = vector.broadcast %add3A_1871 : i32 to vector<16xi32>
    %add3A_1873 = arith.addi %add3A_1872, %iota3A : vector<16xi32>
    %sub3A_1874 = arith.constant 2043 : i32
    %sub3A_1875 = vector.broadcast %sub3A_1874 : i32 to vector<16xi32>
    %sub3A_1876 = arith.subi %sub3A_1875, %add3A_1873 : vector<16xi32>
    %jit3A_1877 = arith.constant 0 : i32
    %jit3A_1878 = arith.constant 32 : i32
    %max3A_1879 = vector.broadcast %jit3A_1877 : i32 to vector<16xi32>
    %max3A_1880 = arith.maxsi %max3A_1879, %sub3A_1876 : vector<16xi32>
    %min3A_1881 = vector.broadcast %jit3A_1878 : i32 to vector<16xi32>
    %min3A_1882 = arith.minsi %min3A_1881, %max3A_1880 : vector<16xi32>
    %eq3A_1883 = arith.constant 0 : i32
    %eq3A_1884 = vector.broadcast %eq3A_1883 : i32 to vector<16xi32>
    %eq3A_1885 = arith.cmpi eq, %min3A_1882, %eq3A_1884 : vector<16xi32>
    %select_n3A_1886 = arith.select %eq3A_1885, %get3A_38, %get3A_134 : vector<16xi1>, vector<16xf32>
    %eq3A_1887 = arith.constant 1 : i32
    %eq3A_1888 = vector.broadcast %eq3A_1887 : i32 to vector<16xi32>
    %eq3A_1889 = arith.cmpi eq, %min3A_1882, %eq3A_1888 : vector<16xi32>
    %select_n3A_1890 = arith.select %eq3A_1889, %get3A_41, %select_n3A_1886 : vector<16xi1>, vector<16xf32>
    %eq3A_1891 = arith.constant 2 : i32
    %eq3A_1892 = vector.broadcast %eq3A_1891 : i32 to vector<16xi32>
    %eq3A_1893 = arith.cmpi eq, %min3A_1882, %eq3A_1892 : vector<16xi32>
    %select_n3A_1894 = arith.select %eq3A_1893, %get3A_44, %select_n3A_1890 : vector<16xi1>, vector<16xf32>
    %eq3A_1895 = arith.constant 3 : i32
    %eq3A_1896 = vector.broadcast %eq3A_1895 : i32 to vector<16xi32>
    %eq3A_1897 = arith.cmpi eq, %min3A_1882, %eq3A_1896 : vector<16xi32>
    %select_n3A_1898 = arith.select %eq3A_1897, %get3A_47, %select_n3A_1894 : vector<16xi1>, vector<16xf32>
    %eq3A_1899 = arith.constant 4 : i32
    %eq3A_1900 = vector.broadcast %eq3A_1899 : i32 to vector<16xi32>
    %eq3A_1901 = arith.cmpi eq, %min3A_1882, %eq3A_1900 : vector<16xi32>
    %select_n3A_1902 = arith.select %eq3A_1901, %get3A_50, %select_n3A_1898 : vector<16xi1>, vector<16xf32>
    %eq3A_1903 = arith.constant 5 : i32
    %eq3A_1904 = vector.broadcast %eq3A_1903 : i32 to vector<16xi32>
    %eq3A_1905 = arith.cmpi eq, %min3A_1882, %eq3A_1904 : vector<16xi32>
    %select_n3A_1906 = arith.select %eq3A_1905, %get3A_53, %select_n3A_1902 : vector<16xi1>, vector<16xf32>
    %eq3A_1907 = arith.constant 6 : i32
    %eq3A_1908 = vector.broadcast %eq3A_1907 : i32 to vector<16xi32>
    %eq3A_1909 = arith.cmpi eq, %min3A_1882, %eq3A_1908 : vector<16xi32>
    %select_n3A_1910 = arith.select %eq3A_1909, %get3A_56, %select_n3A_1906 : vector<16xi1>, vector<16xf32>
    %eq3A_1911 = arith.constant 7 : i32
    %eq3A_1912 = vector.broadcast %eq3A_1911 : i32 to vector<16xi32>
    %eq3A_1913 = arith.cmpi eq, %min3A_1882, %eq3A_1912 : vector<16xi32>
    %select_n3A_1914 = arith.select %eq3A_1913, %get3A_59, %select_n3A_1910 : vector<16xi1>, vector<16xf32>
    %eq3A_1915 = arith.constant 8 : i32
    %eq3A_1916 = vector.broadcast %eq3A_1915 : i32 to vector<16xi32>
    %eq3A_1917 = arith.cmpi eq, %min3A_1882, %eq3A_1916 : vector<16xi32>
    %select_n3A_1918 = arith.select %eq3A_1917, %get3A_62, %select_n3A_1914 : vector<16xi1>, vector<16xf32>
    %eq3A_1919 = arith.constant 9 : i32
    %eq3A_1920 = vector.broadcast %eq3A_1919 : i32 to vector<16xi32>
    %eq3A_1921 = arith.cmpi eq, %min3A_1882, %eq3A_1920 : vector<16xi32>
    %select_n3A_1922 = arith.select %eq3A_1921, %get3A_65, %select_n3A_1918 : vector<16xi1>, vector<16xf32>
    %eq3A_1923 = arith.constant 10 : i32
    %eq3A_1924 = vector.broadcast %eq3A_1923 : i32 to vector<16xi32>
    %eq3A_1925 = arith.cmpi eq, %min3A_1882, %eq3A_1924 : vector<16xi32>
    %select_n3A_1926 = arith.select %eq3A_1925, %get3A_68, %select_n3A_1922 : vector<16xi1>, vector<16xf32>
    %eq3A_1927 = arith.constant 11 : i32
    %eq3A_1928 = vector.broadcast %eq3A_1927 : i32 to vector<16xi32>
    %eq3A_1929 = arith.cmpi eq, %min3A_1882, %eq3A_1928 : vector<16xi32>
    %select_n3A_1930 = arith.select %eq3A_1929, %get3A_71, %select_n3A_1926 : vector<16xi1>, vector<16xf32>
    %eq3A_1931 = arith.constant 12 : i32
    %eq3A_1932 = vector.broadcast %eq3A_1931 : i32 to vector<16xi32>
    %eq3A_1933 = arith.cmpi eq, %min3A_1882, %eq3A_1932 : vector<16xi32>
    %select_n3A_1934 = arith.select %eq3A_1933, %get3A_74, %select_n3A_1930 : vector<16xi1>, vector<16xf32>
    %eq3A_1935 = arith.constant 13 : i32
    %eq3A_1936 = vector.broadcast %eq3A_1935 : i32 to vector<16xi32>
    %eq3A_1937 = arith.cmpi eq, %min3A_1882, %eq3A_1936 : vector<16xi32>
    %select_n3A_1938 = arith.select %eq3A_1937, %get3A_77, %select_n3A_1934 : vector<16xi1>, vector<16xf32>
    %eq3A_1939 = arith.constant 14 : i32
    %eq3A_1940 = vector.broadcast %eq3A_1939 : i32 to vector<16xi32>
    %eq3A_1941 = arith.cmpi eq, %min3A_1882, %eq3A_1940 : vector<16xi32>
    %select_n3A_1942 = arith.select %eq3A_1941, %get3A_80, %select_n3A_1938 : vector<16xi1>, vector<16xf32>
    %eq3A_1943 = arith.constant 15 : i32
    %eq3A_1944 = vector.broadcast %eq3A_1943 : i32 to vector<16xi32>
    %eq3A_1945 = arith.cmpi eq, %min3A_1882, %eq3A_1944 : vector<16xi32>
    %select_n3A_1946 = arith.select %eq3A_1945, %get3A_83, %select_n3A_1942 : vector<16xi1>, vector<16xf32>
    %eq3A_1947 = arith.constant 16 : i32
    %eq3A_1948 = vector.broadcast %eq3A_1947 : i32 to vector<16xi32>
    %eq3A_1949 = arith.cmpi eq, %min3A_1882, %eq3A_1948 : vector<16xi32>
    %select_n3A_1950 = arith.select %eq3A_1949, %get3A_86, %select_n3A_1946 : vector<16xi1>, vector<16xf32>
    %eq3A_1951 = arith.constant 17 : i32
    %eq3A_1952 = vector.broadcast %eq3A_1951 : i32 to vector<16xi32>
    %eq3A_1953 = arith.cmpi eq, %min3A_1882, %eq3A_1952 : vector<16xi32>
    %select_n3A_1954 = arith.select %eq3A_1953, %get3A_89, %select_n3A_1950 : vector<16xi1>, vector<16xf32>
    %eq3A_1955 = arith.constant 18 : i32
    %eq3A_1956 = vector.broadcast %eq3A_1955 : i32 to vector<16xi32>
    %eq3A_1957 = arith.cmpi eq, %min3A_1882, %eq3A_1956 : vector<16xi32>
    %select_n3A_1958 = arith.select %eq3A_1957, %get3A_92, %select_n3A_1954 : vector<16xi1>, vector<16xf32>
    %eq3A_1959 = arith.constant 19 : i32
    %eq3A_1960 = vector.broadcast %eq3A_1959 : i32 to vector<16xi32>
    %eq3A_1961 = arith.cmpi eq, %min3A_1882, %eq3A_1960 : vector<16xi32>
    %select_n3A_1962 = arith.select %eq3A_1961, %get3A_95, %select_n3A_1958 : vector<16xi1>, vector<16xf32>
    %eq3A_1963 = arith.constant 20 : i32
    %eq3A_1964 = vector.broadcast %eq3A_1963 : i32 to vector<16xi32>
    %eq3A_1965 = arith.cmpi eq, %min3A_1882, %eq3A_1964 : vector<16xi32>
    %select_n3A_1966 = arith.select %eq3A_1965, %get3A_98, %select_n3A_1962 : vector<16xi1>, vector<16xf32>
    %eq3A_1967 = arith.constant 21 : i32
    %eq3A_1968 = vector.broadcast %eq3A_1967 : i32 to vector<16xi32>
    %eq3A_1969 = arith.cmpi eq, %min3A_1882, %eq3A_1968 : vector<16xi32>
    %select_n3A_1970 = arith.select %eq3A_1969, %get3A_101, %select_n3A_1966 : vector<16xi1>, vector<16xf32>
    %eq3A_1971 = arith.constant 22 : i32
    %eq3A_1972 = vector.broadcast %eq3A_1971 : i32 to vector<16xi32>
    %eq3A_1973 = arith.cmpi eq, %min3A_1882, %eq3A_1972 : vector<16xi32>
    %select_n3A_1974 = arith.select %eq3A_1973, %get3A_104, %select_n3A_1970 : vector<16xi1>, vector<16xf32>
    %eq3A_1975 = arith.constant 23 : i32
    %eq3A_1976 = vector.broadcast %eq3A_1975 : i32 to vector<16xi32>
    %eq3A_1977 = arith.cmpi eq, %min3A_1882, %eq3A_1976 : vector<16xi32>
    %select_n3A_1978 = arith.select %eq3A_1977, %get3A_107, %select_n3A_1974 : vector<16xi1>, vector<16xf32>
    %eq3A_1979 = arith.constant 24 : i32
    %eq3A_1980 = vector.broadcast %eq3A_1979 : i32 to vector<16xi32>
    %eq3A_1981 = arith.cmpi eq, %min3A_1882, %eq3A_1980 : vector<16xi32>
    %select_n3A_1982 = arith.select %eq3A_1981, %get3A_110, %select_n3A_1978 : vector<16xi1>, vector<16xf32>
    %eq3A_1983 = arith.constant 25 : i32
    %eq3A_1984 = vector.broadcast %eq3A_1983 : i32 to vector<16xi32>
    %eq3A_1985 = arith.cmpi eq, %min3A_1882, %eq3A_1984 : vector<16xi32>
    %select_n3A_1986 = arith.select %eq3A_1985, %get3A_113, %select_n3A_1982 : vector<16xi1>, vector<16xf32>
    %eq3A_1987 = arith.constant 26 : i32
    %eq3A_1988 = vector.broadcast %eq3A_1987 : i32 to vector<16xi32>
    %eq3A_1989 = arith.cmpi eq, %min3A_1882, %eq3A_1988 : vector<16xi32>
    %select_n3A_1990 = arith.select %eq3A_1989, %get3A_116, %select_n3A_1986 : vector<16xi1>, vector<16xf32>
    %eq3A_1991 = arith.constant 27 : i32
    %eq3A_1992 = vector.broadcast %eq3A_1991 : i32 to vector<16xi32>
    %eq3A_1993 = arith.cmpi eq, %min3A_1882, %eq3A_1992 : vector<16xi32>
    %select_n3A_1994 = arith.select %eq3A_1993, %get3A_119, %select_n3A_1990 : vector<16xi1>, vector<16xf32>
    %eq3A_1995 = arith.constant 28 : i32
    %eq3A_1996 = vector.broadcast %eq3A_1995 : i32 to vector<16xi32>
    %eq3A_1997 = arith.cmpi eq, %min3A_1882, %eq3A_1996 : vector<16xi32>
    %select_n3A_1998 = arith.select %eq3A_1997, %get3A_122, %select_n3A_1994 : vector<16xi1>, vector<16xf32>
    %eq3A_1999 = arith.constant 29 : i32
    %eq3A_2000 = vector.broadcast %eq3A_1999 : i32 to vector<16xi32>
    %eq3A_2001 = arith.cmpi eq, %min3A_1882, %eq3A_2000 : vector<16xi32>
    %select_n3A_2002 = arith.select %eq3A_2001, %get3A_125, %select_n3A_1998 : vector<16xi1>, vector<16xf32>
    %eq3A_2003 = arith.constant 30 : i32
    %eq3A_2004 = vector.broadcast %eq3A_2003 : i32 to vector<16xi32>
    %eq3A_2005 = arith.cmpi eq, %min3A_1882, %eq3A_2004 : vector<16xi32>
    %select_n3A_2006 = arith.select %eq3A_2005, %get3A_128, %select_n3A_2002 : vector<16xi1>, vector<16xf32>
    %eq3A_2007 = arith.constant 31 : i32
    %eq3A_2008 = vector.broadcast %eq3A_2007 : i32 to vector<16xi32>
    %eq3A_2009 = arith.cmpi eq, %min3A_1882, %eq3A_2008 : vector<16xi32>
    %select_n3A_2010 = arith.select %eq3A_2009, %get3A_131, %select_n3A_2006 : vector<16xi1>, vector<16xf32>
    %swap3A_2011 = arith.constant 2016 : index
    %swap3A_2012 = tpu.vector_load %arg9[%swap3A_2011] {strides = array<i32>} : memref<4096xf32, #tpu.memory_space<vmem>>, vector<16xf32>,
    %swap3A_2013 = vector.shape_cast %swap3A_2012 : vector<16xf32> to vector<16xf32>
    %swap3A_2014 = vector.shape_cast %select_n3A_2010 : vector<16xf32> to vector<16xf32>
    tpu.vector_store %arg9[%swap3A_2011], %swap3A_2014 {strides = array<i32>} : memref<4096xf32, #tpu.memory_space<vmem>>, vector<16xf32>,
    %add3A_2015 = arith.constant 2016 : i32
    %add3A_2016 = vector.broadcast %add3A_2015 : i32 to vector<16xi32>
    %add3A_2017 = arith.addi %add3A_2016, %iota3A : vector<16xi32>
    %sub3A_2018 = arith.constant 2042 : i32
    %sub3A_2019 = vector.broadcast %sub3A_2018 : i32 to vector<16xi32>
    %sub3A_2020 = arith.subi %sub3A_2019, %add3A_2017 : vector<16xi32>
    %jit3A_2021 = arith.constant 0 : i32
    %jit3A_2022 = arith.constant 32 : i32
    %max3A_2023 = vector.broadcast %jit3A_2021 : i32 to vector<16xi32>
    %max3A_2024 = arith.maxsi %max3A_2023, %sub3A_2020 : vector<16xi32>
    %min3A_2025 = vector.broadcast %jit3A_2022 : i32 to vector<16xi32>
    %min3A_2026 = arith.minsi %min3A_2025, %max3A_2024 : vector<16xi32>
    %eq3A_2027 = arith.constant 0 : i32
    %eq3A_2028 = vector.broadcast %eq3A_2027 : i32 to vector<16xi32>
    %eq3A_2029 = arith.cmpi eq, %min3A_2026, %eq3A_2028 : vector<16xi32>
    %select_n3A_2030 = arith.select %eq3A_2029, %get3A_38, %get3A_134 : vector<16xi1>, vector<16xf32>
    %eq3A_2031 = arith.constant 1 : i32
    %eq3A_2032 = vector.broadcast %eq3A_2031 : i32 to vector<16xi32>
    %eq3A_2033 = arith.cmpi eq, %min3A_2026, %eq3A_2032 : vector<16xi32>
    %select_n3A_2034 = arith.select %eq3A_2033, %get3A_41, %select_n3A_2030 : vector<16xi1>, vector<16xf32>
    %eq3A_2035 = arith.constant 2 : i32
    %eq3A_2036 = vector.broadcast %eq3A_2035 : i32 to vector<16xi32>
    %eq3A_2037 = arith.cmpi eq, %min3A_2026, %eq3A_2036 : vector<16xi32>
    %select_n3A_2038 = arith.select %eq3A_2037, %get3A_44, %select_n3A_2034 : vector<16xi1>, vector<16xf32>
    %eq3A_2039 = arith.constant 3 : i32
    %eq3A_2040 = vector.broadcast %eq3A_2039 : i32 to vector<16xi32>
    %eq3A_2041 = arith.cmpi eq, %min3A_2026, %eq3A_2040 : vector<16xi32>
    %select_n3A_2042 = arith.select %eq3A_2041, %get3A_47, %select_n3A_2038 : vector<16xi1>, vector<16xf32>
    %eq3A_2043 = arith.constant 4 : i32
    %eq3A_2044 = vector.broadcast %eq3A_2043 : i32 to vector<16xi32>
    %eq3A_2045 = arith.cmpi eq, %min3A_2026, %eq3A_2044 : vector<16xi32>
    %select_n3A_2046 = arith.select %eq3A_2045, %get3A_50, %select_n3A_2042 : vector<16xi1>, vector<16xf32>
    %eq3A_2047 = arith.constant 5 : i32
    %eq3A_2048 = vector.broadcast %eq3A_2047 : i32 to vector<16xi32>
    %eq3A_2049 = arith.cmpi eq, %min3A_2026, %eq3A_2048 : vector<16xi32>
    %select_n3A_2050 = arith.select %eq3A_2049, %get3A_53, %select_n3A_2046 : vector<16xi1>, vector<16xf32>
    %eq3A_2051 = arith.constant 6 : i32
    %eq3A_2052 = vector.broadcast %eq3A_2051 : i32 to vector<16xi32>
    %eq3A_2053 = arith.cmpi eq, %min3A_2026, %eq3A_2052 : vector<16xi32>
    %select_n3A_2054 = arith.select %eq3A_2053, %get3A_56, %select_n3A_2050 : vector<16xi1>, vector<16xf32>
    %eq3A_2055 = arith.constant 7 : i32
    %eq3A_2056 = vector.broadcast %eq3A_2055 : i32 to vector<16xi32>
    %eq3A_2057 = arith.cmpi eq, %min3A_2026, %eq3A_2056 : vector<16xi32>
    %select_n3A_2058 = arith.select %eq3A_2057, %get3A_59, %select_n3A_2054 : vector<16xi1>, vector<16xf32>
    %eq3A_2059 = arith.constant 8 : i32
    %eq3A_2060 = vector.broadcast %eq3A_2059 : i32 to vector<16xi32>
    %eq3A_2061 = arith.cmpi eq, %min3A_2026, %eq3A_2060 : vector<16xi32>
    %select_n3A_2062 = arith.select %eq3A_2061, %get3A_62, %select_n3A_2058 : vector<16xi1>, vector<16xf32>
    %eq3A_2063 = arith.constant 9 : i32
    %eq3A_2064 = vector.broadcast %eq3A_2063 : i32 to vector<16xi32>
    %eq3A_2065 = arith.cmpi eq, %min3A_2026, %eq3A_2064 : vector<16xi32>
    %select_n3A_2066 = arith.select %eq3A_2065, %get3A_65, %select_n3A_2062 : vector<16xi1>, vector<16xf32>
    %eq3A_2067 = arith.constant 10 : i32
    %eq3A_2068 = vector.broadcast %eq3A_2067 : i32 to vector<16xi32>
    %eq3A_2069 = arith.cmpi eq, %min3A_2026, %eq3A_2068 : vector<16xi32>
    %select_n3A_2070 = arith.select %eq3A_2069, %get3A_68, %select_n3A_2066 : vector<16xi1>, vector<16xf32>
    %eq3A_2071 = arith.constant 11 : i32
    %eq3A_2072 = vector.broadcast %eq3A_2071 : i32 to vector<16xi32>
    %eq3A_2073 = arith.cmpi eq, %min3A_2026, %eq3A_2072 : vector<16xi32>
    %select_n3A_2074 = arith.select %eq3A_2073, %get3A_71, %select_n3A_2070 : vector<16xi1>, vector<16xf32>
    %eq3A_2075 = arith.constant 12 : i32
    %eq3A_2076 = vector.broadcast %eq3A_2075 : i32 to vector<16xi32>
    %eq3A_2077 = arith.cmpi eq, %min3A_2026, %eq3A_2076 : vector<16xi32>
    %select_n3A_2078 = arith.select %eq3A_2077, %get3A_74, %select_n3A_2074 : vector<16xi1>, vector<16xf32>
    %eq3A_2079 = arith.constant 13 : i32
    %eq3A_2080 = vector.broadcast %eq3A_2079 : i32 to vector<16xi32>
    %eq3A_2081 = arith.cmpi eq, %min3A_2026, %eq3A_2080 : vector<16xi32>
    %select_n3A_2082 = arith.select %eq3A_2081, %get3A_77, %select_n3A_2078 : vector<16xi1>, vector<16xf32>
    %eq3A_2083 = arith.constant 14 : i32
    %eq3A_2084 = vector.broadcast %eq3A_2083 : i32 to vector<16xi32>
    %eq3A_2085 = arith.cmpi eq, %min3A_2026, %eq3A_2084 : vector<16xi32>
    %select_n3A_2086 = arith.select %eq3A_2085, %get3A_80, %select_n3A_2082 : vector<16xi1>, vector<16xf32>
    %eq3A_2087 = arith.constant 15 : i32
    %eq3A_2088 = vector.broadcast %eq3A_2087 : i32 to vector<16xi32>
    %eq3A_2089 = arith.cmpi eq, %min3A_2026, %eq3A_2088 : vector<16xi32>
    %select_n3A_2090 = arith.select %eq3A_2089, %get3A_83, %select_n3A_2086 : vector<16xi1>, vector<16xf32>
    %eq3A_2091 = arith.constant 16 : i32
    %eq3A_2092 = vector.broadcast %eq3A_2091 : i32 to vector<16xi32>
    %eq3A_2093 = arith.cmpi eq, %min3A_2026, %eq3A_2092 : vector<16xi32>
    %select_n3A_2094 = arith.select %eq3A_2093, %get3A_86, %select_n3A_2090 : vector<16xi1>, vector<16xf32>
    %eq3A_2095 = arith.constant 17 : i32
    %eq3A_2096 = vector.broadcast %eq3A_2095 : i32 to vector<16xi32>
    %eq3A_2097 = arith.cmpi eq, %min3A_2026, %eq3A_2096 : vector<16xi32>
    %select_n3A_2098 = arith.select %eq3A_2097, %get3A_89, %select_n3A_2094 : vector<16xi1>, vector<16xf32>
    %eq3A_2099 = arith.constant 18 : i32
    %eq3A_2100 = vector.broadcast %eq3A_2099 : i32 to vector<16xi32>
    %eq3A_2101 = arith.cmpi eq, %min3A_2026, %eq3A_2100 : vector<16xi32>
    %select_n3A_2102 = arith.select %eq3A_2101, %get3A_92, %select_n3A_2098 : vector<16xi1>, vector<16xf32>
    %eq3A_2103 = arith.constant 19 : i32
    %eq3A_2104 = vector.broadcast %eq3A_2103 : i32 to vector<16xi32>
    %eq3A_2105 = arith.cmpi eq, %min3A_2026, %eq3A_2104 : vector<16xi32>
    %select_n3A_2106 = arith.select %eq3A_2105, %get3A_95, %select_n3A_2102 : vector<16xi1>, vector<16xf32>
    %eq3A_2107 = arith.constant 20 : i32
    %eq3A_2108 = vector.broadcast %eq3A_2107 : i32 to vector<16xi32>
    %eq3A_2109 = arith.cmpi eq, %min3A_2026, %eq3A_2108 : vector<16xi32>
    %select_n3A_2110 = arith.select %eq3A_2109, %get3A_98, %select_n3A_2106 : vector<16xi1>, vector<16xf32>
    %eq3A_2111 = arith.constant 21 : i32
    %eq3A_2112 = vector.broadcast %eq3A_2111 : i32 to vector<16xi32>
    %eq3A_2113 = arith.cmpi eq, %min3A_2026, %eq3A_2112 : vector<16xi32>
    %select_n3A_2114 = arith.select %eq3A_2113, %get3A_101, %select_n3A_2110 : vector<16xi1>, vector<16xf32>
    %eq3A_2115 = arith.constant 22 : i32
    %eq3A_2116 = vector.broadcast %eq3A_2115 : i32 to vector<16xi32>
    %eq3A_2117 = arith.cmpi eq, %min3A_2026, %eq3A_2116 : vector<16xi32>
    %select_n3A_2118 = arith.select %eq3A_2117, %get3A_104, %select_n3A_2114 : vector<16xi1>, vector<16xf32>
    %eq3A_2119 = arith.constant 23 : i32
    %eq3A_2120 = vector.broadcast %eq3A_2119 : i32 to vector<16xi32>
    %eq3A_2121 = arith.cmpi eq, %min3A_2026, %eq3A_2120 : vector<16xi32>
    %select_n3A_2122 = arith.select %eq3A_2121, %get3A_107, %select_n3A_2118 : vector<16xi1>, vector<16xf32>
    %eq3A_2123 = arith.constant 24 : i32
    %eq3A_2124 = vector.broadcast %eq3A_2123 : i32 to vector<16xi32>
    %eq3A_2125 = arith.cmpi eq, %min3A_2026, %eq3A_2124 : vector<16xi32>
    %select_n3A_2126 = arith.select %eq3A_2125, %get3A_110, %select_n3A_2122 : vector<16xi1>, vector<16xf32>
    %eq3A_2127 = arith.constant 25 : i32
    %eq3A_2128 = vector.broadcast %eq3A_2127 : i32 to vector<16xi32>
    %eq3A_2129 = arith.cmpi eq, %min3A_2026, %eq3A_2128 : vector<16xi32>
    %select_n3A_2130 = arith.select %eq3A_2129, %get3A_113, %select_n3A_2126 : vector<16xi1>, vector<16xf32>
    %eq3A_2131 = arith.constant 26 : i32
    %eq3A_2132 = vector.broadcast %eq3A_2131 : i32 to vector<16xi32>
    %eq3A_2133 = arith.cmpi eq, %min3A_2026, %eq3A_2132 : vector<16xi32>
    %select_n3A_2134 = arith.select %eq3A_2133, %get3A_116, %select_n3A_2130 : vector<16xi1>, vector<16xf32>
    %eq3A_2135 = arith.constant 27 : i32
    %eq3A_2136 = vector.broadcast %eq3A_2135 : i32 to vector<16xi32>
    %eq3A_2137 = arith.cmpi eq, %min3A_2026, %eq3A_2136 : vector<16xi32>
    %select_n3A_2138 = arith.select %eq3A_2137, %get3A_119, %select_n3A_2134 : vector<16xi1>, vector<16xf32>
    %eq3A_2139 = arith.constant 28 : i32
    %eq3A_2140 = vector.broadcast %eq3A_2139 : i32 to vector<16xi32>
    %eq3A_2141 = arith.cmpi eq, %min3A_2026, %eq3A_2140 : vector<16xi32>
    %select_n3A_2142 = arith.select %eq3A_2141, %get3A_122, %select_n3A_2138 : vector<16xi1>, vector<16xf32>
    %eq3A_2143 = arith.constant 29 : i32
    %eq3A_2144 = vector.broadcast %eq3A_2143 : i32 to vector<16xi32>
    %eq3A_2145 = arith.cmpi eq, %min3A_2026, %eq3A_2144 : vector<16xi32>
    %select_n3A_2146 = arith.select %eq3A_2145, %get3A_125, %select_n3A_2142 : vector<16xi1>, vector<16xf32>
    %eq3A_2147 = arith.constant 30 : i32
    %eq3A_2148 = vector.broadcast %eq3A_2147 : i32 to vector<16xi32>
    %eq3A_2149 = arith.cmpi eq, %min3A_2026, %eq3A_2148 : vector<16xi32>
    %select_n3A_2150 = arith.select %eq3A_2149, %get3A_128, %select_n3A_2146 : vector<16xi1>, vector<16xf32>
    %eq3A_2151 = arith.constant 31 : i32
    %eq3A_2152 = vector.broadcast %eq3A_2151 : i32 to vector<16xi32>
    %eq3A_2153 = arith.cmpi eq, %min3A_2026, %eq3A_2152 : vector<16xi32>
    %select_n3A_2154 = arith.select %eq3A_2153, %get3A_131, %select_n3A_2150 : vector<16xi1>, vector<16xf32>
    %swap3A_2155 = arith.constant 2016 : index
    %swap3A_2156 = tpu.vector_load %arg10[%swap3A_2155] {strides = array<i32>} : memref<4096xf32, #tpu.memory_space<vmem>>, vector<16xf32>,
    %swap3A_2157 = vector.shape_cast %swap3A_2156 : vector<16xf32> to vector<16xf32>
    %swap3A_2158 = vector.shape_cast %select_n3A_2154 : vector<16xf32> to vector<16xf32>
    tpu.vector_store %arg10[%swap3A_2155], %swap3A_2158 {strides = array<i32>} : memref<4096xf32, #tpu.memory_space<vmem>>, vector<16xf32>,
    %add3A_2159 = arith.constant 2016 : i32
    %add3A_2160 = vector.broadcast %add3A_2159 : i32 to vector<16xi32>
    %add3A_2161 = arith.addi %add3A_2160, %iota3A : vector<16xi32>
    %sub3A_2162 = arith.constant 2041 : i32
    %sub3A_2163 = vector.broadcast %sub3A_2162 : i32 to vector<16xi32>
    %sub3A_2164 = arith.subi %sub3A_2163, %add3A_2161 : vector<16xi32>
    %jit3A_2165 = arith.constant 0 : i32
    %jit3A_2166 = arith.constant 32 : i32
    %max3A_2167 = vector.broadcast %jit3A_2165 : i32 to vector<16xi32>
    %max3A_2168 = arith.maxsi %max3A_2167, %sub3A_2164 : vector<16xi32>
    %min3A_2169 = vector.broadcast %jit3A_2166 : i32 to vector<16xi32>
    %min3A_2170 = arith.minsi %min3A_2169, %max3A_2168 : vector<16xi32>
    %eq3A_2171 = arith.constant 0 : i32
    %eq3A_2172 = vector.broadcast %eq3A_2171 : i32 to vector<16xi32>
    %eq3A_2173 = arith.cmpi eq, %min3A_2170, %eq3A_2172 : vector<16xi32>
    %select_n3A_2174 = arith.select %eq3A_2173, %get3A_38, %get3A_134 : vector<16xi1>, vector<16xf32>
    %eq3A_2175 = arith.constant 1 : i32
    %eq3A_2176 = vector.broadcast %eq3A_2175 : i32 to vector<16xi32>
    %eq3A_2177 = arith.cmpi eq, %min3A_2170, %eq3A_2176 : vector<16xi32>
    %select_n3A_2178 = arith.select %eq3A_2177, %get3A_41, %select_n3A_2174 : vector<16xi1>, vector<16xf32>
    %eq3A_2179 = arith.constant 2 : i32
    %eq3A_2180 = vector.broadcast %eq3A_2179 : i32 to vector<16xi32>
    %eq3A_2181 = arith.cmpi eq, %min3A_2170, %eq3A_2180 : vector<16xi32>
    %select_n3A_2182 = arith.select %eq3A_2181, %get3A_44, %select_n3A_2178 : vector<16xi1>, vector<16xf32>
    %eq3A_2183 = arith.constant 3 : i32
    %eq3A_2184 = vector.broadcast %eq3A_2183 : i32 to vector<16xi32>
    %eq3A_2185 = arith.cmpi eq, %min3A_2170, %eq3A_2184 : vector<16xi32>
    %select_n3A_2186 = arith.select %eq3A_2185, %get3A_47, %select_n3A_2182 : vector<16xi1>, vector<16xf32>
    %eq3A_2187 = arith.constant 4 : i32
    %eq3A_2188 = vector.broadcast %eq3A_2187 : i32 to vector<16xi32>
    %eq3A_2189 = arith.cmpi eq, %min3A_2170, %eq3A_2188 : vector<16xi32>
    %select_n3A_2190 = arith.select %eq3A_2189, %get3A_50, %select_n3A_2186 : vector<16xi1>, vector<16xf32>
    %eq3A_2191 = arith.constant 5 : i32
    %eq3A_2192 = vector.broadcast %eq3A_2191 : i32 to vector<16xi32>
    %eq3A_2193 = arith.cmpi eq, %min3A_2170, %eq3A_2192 : vector<16xi32>
    %select_n3A_2194 = arith.select %eq3A_2193, %get3A_53, %select_n3A_2190 : vector<16xi1>, vector<16xf32>
    %eq3A_2195 = arith.constant 6 : i32
    %eq3A_2196 = vector.broadcast %eq3A_2195 : i32 to vector<16xi32>
    %eq3A_2197 = arith.cmpi eq, %min3A_2170, %eq3A_2196 : vector<16xi32>
    %select_n3A_2198 = arith.select %eq3A_2197, %get3A_56, %select_n3A_2194 : vector<16xi1>, vector<16xf32>
    %eq3A_2199 = arith.constant 7 : i32
    %eq3A_2200 = vector.broadcast %eq3A_2199 : i32 to vector<16xi32>
    %eq3A_2201 = arith.cmpi eq, %min3A_2170, %eq3A_2200 : vector<16xi32>
    %select_n3A_2202 = arith.select %eq3A_2201, %get3A_59, %select_n3A_2198 : vector<16xi1>, vector<16xf32>
    %eq3A_2203 = arith.constant 8 : i32
    %eq3A_2204 = vector.broadcast %eq3A_2203 : i32 to vector<16xi32>
    %eq3A_2205 = arith.cmpi eq, %min3A_2170, %eq3A_2204 : vector<16xi32>
    %select_n3A_2206 = arith.select %eq3A_2205, %get3A_62, %select_n3A_2202 : vector<16xi1>, vector<16xf32>
    %eq3A_2207 = arith.constant 9 : i32
    %eq3A_2208 = vector.broadcast %eq3A_2207 : i32 to vector<16xi32>
    %eq3A_2209 = arith.cmpi eq, %min3A_2170, %eq3A_2208 : vector<16xi32>
    %select_n3A_2210 = arith.select %eq3A_2209, %get3A_65, %select_n3A_2206 : vector<16xi1>, vector<16xf32>
    %eq3A_2211 = arith.constant 10 : i32
    %eq3A_2212 = vector.broadcast %eq3A_2211 : i32 to vector<16xi32>
    %eq3A_2213 = arith.cmpi eq, %min3A_2170, %eq3A_2212 : vector<16xi32>
    %select_n3A_2214 = arith.select %eq3A_2213, %get3A_68, %select_n3A_2210 : vector<16xi1>, vector<16xf32>
    %eq3A_2215 = arith.constant 11 : i32
    %eq3A_2216 = vector.broadcast %eq3A_2215 : i32 to vector<16xi32>
    %eq3A_2217 = arith.cmpi eq, %min3A_2170, %eq3A_2216 : vector<16xi32>
    %select_n3A_2218 = arith.select %eq3A_2217, %get3A_71, %select_n3A_2214 : vector<16xi1>, vector<16xf32>
    %eq3A_2219 = arith.constant 12 : i32
    %eq3A_2220 = vector.broadcast %eq3A_2219 : i32 to vector<16xi32>
    %eq3A_2221 = arith.cmpi eq, %min3A_2170, %eq3A_2220 : vector<16xi32>
    %select_n3A_2222 = arith.select %eq3A_2221, %get3A_74, %select_n3A_2218 : vector<16xi1>, vector<16xf32>
    %eq3A_2223 = arith.constant 13 : i32
    %eq3A_2224 = vector.broadcast %eq3A_2223 : i32 to vector<16xi32>
    %eq3A_2225 = arith.cmpi eq, %min3A_2170, %eq3A_2224 : vector<16xi32>
    %select_n3A_2226 = arith.select %eq3A_2225, %get3A_77, %select_n3A_2222 : vector<16xi1>, vector<16xf32>
    %eq3A_2227 = arith.constant 14 : i32
    %eq3A_2228 = vector.broadcast %eq3A_2227 : i32 to vector<16xi32>
    %eq3A_2229 = arith.cmpi eq, %min3A_2170, %eq3A_2228 : vector<16xi32>
    %select_n3A_2230 = arith.select %eq3A_2229, %get3A_80, %select_n3A_2226 : vector<16xi1>, vector<16xf32>
    %eq3A_2231 = arith.constant 15 : i32
    %eq3A_2232 = vector.broadcast %eq3A_2231 : i32 to vector<16xi32>
    %eq3A_2233 = arith.cmpi eq, %min3A_2170, %eq3A_2232 : vector<16xi32>
    %select_n3A_2234 = arith.select %eq3A_2233, %get3A_83, %select_n3A_2230 : vector<16xi1>, vector<16xf32>
    %eq3A_2235 = arith.constant 16 : i32
    %eq3A_2236 = vector.broadcast %eq3A_2235 : i32 to vector<16xi32>
    %eq3A_2237 = arith.cmpi eq, %min3A_2170, %eq3A_2236 : vector<16xi32>
    %select_n3A_2238 = arith.select %eq3A_2237, %get3A_86, %select_n3A_2234 : vector<16xi1>, vector<16xf32>
    %eq3A_2239 = arith.constant 17 : i32
    %eq3A_2240 = vector.broadcast %eq3A_2239 : i32 to vector<16xi32>
    %eq3A_2241 = arith.cmpi eq, %min3A_2170, %eq3A_2240 : vector<16xi32>
    %select_n3A_2242 = arith.select %eq3A_2241, %get3A_89, %select_n3A_2238 : vector<16xi1>, vector<16xf32>
    %eq3A_2243 = arith.constant 18 : i32
    %eq3A_2244 = vector.broadcast %eq3A_2243 : i32 to vector<16xi32>
    %eq3A_2245 = arith.cmpi eq, %min3A_2170, %eq3A_2244 : vector<16xi32>
    %select_n3A_2246 = arith.select %eq3A_2245, %get3A_92, %select_n3A_2242 : vector<16xi1>, vector<16xf32>
    %eq3A_2247 = arith.constant 19 : i32
    %eq3A_2248 = vector.broadcast %eq3A_2247 : i32 to vector<16xi32>
    %eq3A_2249 = arith.cmpi eq, %min3A_2170, %eq3A_2248 : vector<16xi32>
    %select_n3A_2250 = arith.select %eq3A_2249, %get3A_95, %select_n3A_2246 : vector<16xi1>, vector<16xf32>
    %eq3A_2251 = arith.constant 20 : i32
    %eq3A_2252 = vector.broadcast %eq3A_2251 : i32 to vector<16xi32>
    %eq3A_2253 = arith.cmpi eq, %min3A_2170, %eq3A_2252 : vector<16xi32>
    %select_n3A_2254 = arith.select %eq3A_2253, %get3A_98, %select_n3A_2250 : vector<16xi1>, vector<16xf32>
    %eq3A_2255 = arith.constant 21 : i32
    %eq3A_2256 = vector.broadcast %eq3A_2255 : i32 to vector<16xi32>
    %eq3A_2257 = arith.cmpi eq, %min3A_2170, %eq3A_2256 : vector<16xi32>
    %select_n3A_2258 = arith.select %eq3A_2257, %get3A_101, %select_n3A_2254 : vector<16xi1>, vector<16xf32>
    %eq3A_2259 = arith.constant 22 : i32
    %eq3A_2260 = vector.broadcast %eq3A_2259 : i32 to vector<16xi32>
    %eq3A_2261 = arith.cmpi eq, %min3A_2170, %eq3A_2260 : vector<16xi32>
    %select_n3A_2262 = arith.select %eq3A_2261, %get3A_104, %select_n3A_2258 : vector<16xi1>, vector<16xf32>
    %eq3A_2263 = arith.constant 23 : i32
    %eq3A_2264 = vector.broadcast %eq3A_2263 : i32 to vector<16xi32>
    %eq3A_2265 = arith.cmpi eq, %min3A_2170, %eq3A_2264 : vector<16xi32>
    %select_n3A_2266 = arith.select %eq3A_2265, %get3A_107, %select_n3A_2262 : vector<16xi1>, vector<16xf32>
    %eq3A_2267 = arith.constant 24 : i32
    %eq3A_2268 = vector.broadcast %eq3A_2267 : i32 to vector<16xi32>
    %eq3A_2269 = arith.cmpi eq, %min3A_2170, %eq3A_2268 : vector<16xi32>
    %select_n3A_2270 = arith.select %eq3A_2269, %get3A_110, %select_n3A_2266 : vector<16xi1>, vector<16xf32>
    %eq3A_2271 = arith.constant 25 : i32
    %eq3A_2272 = vector.broadcast %eq3A_2271 : i32 to vector<16xi32>
    %eq3A_2273 = arith.cmpi eq, %min3A_2170, %eq3A_2272 : vector<16xi32>
    %select_n3A_2274 = arith.select %eq3A_2273, %get3A_113, %select_n3A_2270 : vector<16xi1>, vector<16xf32>
    %eq3A_2275 = arith.constant 26 : i32
    %eq3A_2276 = vector.broadcast %eq3A_2275 : i32 to vector<16xi32>
    %eq3A_2277 = arith.cmpi eq, %min3A_2170, %eq3A_2276 : vector<16xi32>
    %select_n3A_2278 = arith.select %eq3A_2277, %get3A_116, %select_n3A_2274 : vector<16xi1>, vector<16xf32>
    %eq3A_2279 = arith.constant 27 : i32
    %eq3A_2280 = vector.broadcast %eq3A_2279 : i32 to vector<16xi32>
    %eq3A_2281 = arith.cmpi eq, %min3A_2170, %eq3A_2280 : vector<16xi32>
    %select_n3A_2282 = arith.select %eq3A_2281, %get3A_119, %select_n3A_2278 : vector<16xi1>, vector<16xf32>
    %eq3A_2283 = arith.constant 28 : i32
    %eq3A_2284 = vector.broadcast %eq3A_2283 : i32 to vector<16xi32>
    %eq3A_2285 = arith.cmpi eq, %min3A_2170, %eq3A_2284 : vector<16xi32>
    %select_n3A_2286 = arith.select %eq3A_2285, %get3A_122, %select_n3A_2282 : vector<16xi1>, vector<16xf32>
    %eq3A_2287 = arith.constant 29 : i32
    %eq3A_2288 = vector.broadcast %eq3A_2287 : i32 to vector<16xi32>
    %eq3A_2289 = arith.cmpi eq, %min3A_2170, %eq3A_2288 : vector<16xi32>
    %select_n3A_2290 = arith.select %eq3A_2289, %get3A_125, %select_n3A_2286 : vector<16xi1>, vector<16xf32>
    %eq3A_2291 = arith.constant 30 : i32
    %eq3A_2292 = vector.broadcast %eq3A_2291 : i32 to vector<16xi32>
    %eq3A_2293 = arith.cmpi eq, %min3A_2170, %eq3A_2292 : vector<16xi32>
    %select_n3A_2294 = arith.select %eq3A_2293, %get3A_128, %select_n3A_2290 : vector<16xi1>, vector<16xf32>
    %eq3A_2295 = arith.constant 31 : i32
    %eq3A_2296 = vector.broadcast %eq3A_2295 : i32 to vector<16xi32>
    %eq3A_2297 = arith.cmpi eq, %min3A_2170, %eq3A_2296 : vector<16xi32>
    %select_n3A_2298 = arith.select %eq3A_2297, %get3A_131, %select_n3A_2294 : vector<16xi1>, vector<16xf32>
    %swap3A_2299 = arith.constant 2016 : index
    %swap3A_2300 = tpu.vector_load %arg11[%swap3A_2299] {strides = array<i32>} : memref<4096xf32, #tpu.memory_space<vmem>>, vector<16xf32>,
    %swap3A_2301 = vector.shape_cast %swap3A_2300 : vector<16xf32> to vector<16xf32>
    %swap3A_2302 = vector.shape_cast %select_n3A_2298 : vector<16xf32> to vector<16xf32>
    tpu.vector_store %arg11[%swap3A_2299], %swap3A_2302 {strides = array<i32>} : memref<4096xf32, #tpu.memory_space<vmem>>, vector<16xf32>,
    %add3A_2303 = arith.constant 2016 : i32
    %add3A_2304 = vector.broadcast %add3A_2303 : i32 to vector<16xi32>
    %add3A_2305 = arith.addi %add3A_2304, %iota3A : vector<16xi32>
    %sub3A_2306 = arith.constant 2040 : i32
    %sub3A_2307 = vector.broadcast %sub3A_2306 : i32 to vector<16xi32>
    %sub3A_2308 = arith.subi %sub3A_2307, %add3A_2305 : vector<16xi32>
    %jit3A_2309 = arith.constant 0 : i32
    %jit3A_2310 = arith.constant 32 : i32
    %max3A_2311 = vector.broadcast %jit3A_2309 : i32 to vector<16xi32>
    %max3A_2312 = arith.maxsi %max3A_2311, %sub3A_2308 : vector<16xi32>
    %min3A_2313 = vector.broadcast %jit3A_2310 : i32 to vector<16xi32>
    %min3A_2314 = arith.minsi %min3A_2313, %max3A_2312 : vector<16xi32>
    %eq3A_2315 = arith.constant 0 : i32
    %eq3A_2316 = vector.broadcast %eq3A_2315 : i32 to vector<16xi32>
    %eq3A_2317 = arith.cmpi eq, %min3A_2314, %eq3A_2316 : vector<16xi32>
    %select_n3A_2318 = arith.select %eq3A_2317, %get3A_38, %get3A_134 : vector<16xi1>, vector<16xf32>
    %eq3A_2319 = arith.constant 1 : i32
    %eq3A_2320 = vector.broadcast %eq3A_2319 : i32 to vector<16xi32>
    %eq3A_2321 = arith.cmpi eq, %min3A_2314, %eq3A_2320 : vector<16xi32>
    %select_n3A_2322 = arith.select %eq3A_2321, %get3A_41, %select_n3A_2318 : vector<16xi1>, vector<16xf32>
    %eq3A_2323 = arith.constant 2 : i32
    %eq3A_2324 = vector.broadcast %eq3A_2323 : i32 to vector<16xi32>
    %eq3A_2325 = arith.cmpi eq, %min3A_2314, %eq3A_2324 : vector<16xi32>
    %select_n3A_2326 = arith.select %eq3A_2325, %get3A_44, %select_n3A_2322 : vector<16xi1>, vector<16xf32>
    %eq3A_2327 = arith.constant 3 : i32
    %eq3A_2328 = vector.broadcast %eq3A_2327 : i32 to vector<16xi32>
    %eq3A_2329 = arith.cmpi eq, %min3A_2314, %eq3A_2328 : vector<16xi32>
    %select_n3A_2330 = arith.select %eq3A_2329, %get3A_47, %select_n3A_2326 : vector<16xi1>, vector<16xf32>
    %eq3A_2331 = arith.constant 4 : i32
    %eq3A_2332 = vector.broadcast %eq3A_2331 : i32 to vector<16xi32>
    %eq3A_2333 = arith.cmpi eq, %min3A_2314, %eq3A_2332 : vector<16xi32>
    %select_n3A_2334 = arith.select %eq3A_2333, %get3A_50, %select_n3A_2330 : vector<16xi1>, vector<16xf32>
    %eq3A_2335 = arith.constant 5 : i32
    %eq3A_2336 = vector.broadcast %eq3A_2335 : i32 to vector<16xi32>
    %eq3A_2337 = arith.cmpi eq, %min3A_2314, %eq3A_2336 : vector<16xi32>
    %select_n3A_2338 = arith.select %eq3A_2337, %get3A_53, %select_n3A_2334 : vector<16xi1>, vector<16xf32>
    %eq3A_2339 = arith.constant 6 : i32
    %eq3A_2340 = vector.broadcast %eq3A_2339 : i32 to vector<16xi32>
    %eq3A_2341 = arith.cmpi eq, %min3A_2314, %eq3A_2340 : vector<16xi32>
    %select_n3A_2342 = arith.select %eq3A_2341, %get3A_56, %select_n3A_2338 : vector<16xi1>, vector<16xf32>
    %eq3A_2343 = arith.constant 7 : i32
    %eq3A_2344 = vector.broadcast %eq3A_2343 : i32 to vector<16xi32>
    %eq3A_2345 = arith.cmpi eq, %min3A_2314, %eq3A_2344 : vector<16xi32>
    %select_n3A_2346 = arith.select %eq3A_2345, %get3A_59, %select_n3A_2342 : vector<16xi1>, vector<16xf32>
    %eq3A_2347 = arith.constant 8 : i32
    %eq3A_2348 = vector.broadcast %eq3A_2347 : i32 to vector<16xi32>
    %eq3A_2349 = arith.cmpi eq, %min3A_2314, %eq3A_2348 : vector<16xi32>
    %select_n3A_2350 = arith.select %eq3A_2349, %get3A_62, %select_n3A_2346 : vector<16xi1>, vector<16xf32>
    %eq3A_2351 = arith.constant 9 : i32
    %eq3A_2352 = vector.broadcast %eq3A_2351 : i32 to vector<16xi32>
    %eq3A_2353 = arith.cmpi eq, %min3A_2314, %eq3A_2352 : vector<16xi32>
    %select_n3A_2354 = arith.select %eq3A_2353, %get3A_65, %select_n3A_2350 : vector<16xi1>, vector<16xf32>
    %eq3A_2355 = arith.constant 10 : i32
    %eq3A_2356 = vector.broadcast %eq3A_2355 : i32 to vector<16xi32>
    %eq3A_2357 = arith.cmpi eq, %min3A_2314, %eq3A_2356 : vector<16xi32>
    %select_n3A_2358 = arith.select %eq3A_2357, %get3A_68, %select_n3A_2354 : vector<16xi1>, vector<16xf32>
    %eq3A_2359 = arith.constant 11 : i32
    %eq3A_2360 = vector.broadcast %eq3A_2359 : i32 to vector<16xi32>
    %eq3A_2361 = arith.cmpi eq, %min3A_2314, %eq3A_2360 : vector<16xi32>
    %select_n3A_2362 = arith.select %eq3A_2361, %get3A_71, %select_n3A_2358 : vector<16xi1>, vector<16xf32>
    %eq3A_2363 = arith.constant 12 : i32
    %eq3A_2364 = vector.broadcast %eq3A_2363 : i32 to vector<16xi32>
    %eq3A_2365 = arith.cmpi eq, %min3A_2314, %eq3A_2364 : vector<16xi32>
    %select_n3A_2366 = arith.select %eq3A_2365, %get3A_74, %select_n3A_2362 : vector<16xi1>, vector<16xf32>
    %eq3A_2367 = arith.constant 13 : i32
    %eq3A_2368 = vector.broadcast %eq3A_2367 : i32 to vector<16xi32>
    %eq3A_2369 = arith.cmpi eq, %min3A_2314, %eq3A_2368 : vector<16xi32>
    %select_n3A_2370 = arith.select %eq3A_2369, %get3A_77, %select_n3A_2366 : vector<16xi1>, vector<16xf32>
    %eq3A_2371 = arith.constant 14 : i32
    %eq3A_2372 = vector.broadcast %eq3A_2371 : i32 to vector<16xi32>
    %eq3A_2373 = arith.cmpi eq, %min3A_2314, %eq3A_2372 : vector<16xi32>
    %select_n3A_2374 = arith.select %eq3A_2373, %get3A_80, %select_n3A_2370 : vector<16xi1>, vector<16xf32>
    %eq3A_2375 = arith.constant 15 : i32
    %eq3A_2376 = vector.broadcast %eq3A_2375 : i32 to vector<16xi32>
    %eq3A_2377 = arith.cmpi eq, %min3A_2314, %eq3A_2376 : vector<16xi32>
    %select_n3A_2378 = arith.select %eq3A_2377, %get3A_83, %select_n3A_2374 : vector<16xi1>, vector<16xf32>
    %eq3A_2379 = arith.constant 16 : i32
    %eq3A_2380 = vector.broadcast %eq3A_2379 : i32 to vector<16xi32>
    %eq3A_2381 = arith.cmpi eq, %min3A_2314, %eq3A_2380 : vector<16xi32>
    %select_n3A_2382 = arith.select %eq3A_2381, %get3A_86, %select_n3A_2378 : vector<16xi1>, vector<16xf32>
    %eq3A_2383 = arith.constant 17 : i32
    %eq3A_2384 = vector.broadcast %eq3A_2383 : i32 to vector<16xi32>
    %eq3A_2385 = arith.cmpi eq, %min3A_2314, %eq3A_2384 : vector<16xi32>
    %select_n3A_2386 = arith.select %eq3A_2385, %get3A_89, %select_n3A_2382 : vector<16xi1>, vector<16xf32>
    %eq3A_2387 = arith.constant 18 : i32
    %eq3A_2388 = vector.broadcast %eq3A_2387 : i32 to vector<16xi32>
    %eq3A_2389 = arith.cmpi eq, %min3A_2314, %eq3A_2388 : vector<16xi32>
    %select_n3A_2390 = arith.select %eq3A_2389, %get3A_92, %select_n3A_2386 : vector<16xi1>, vector<16xf32>
    %eq3A_2391 = arith.constant 19 : i32
    %eq3A_2392 = vector.broadcast %eq3A_2391 : i32 to vector<16xi32>
    %eq3A_2393 = arith.cmpi eq, %min3A_2314, %eq3A_2392 : vector<16xi32>
    %select_n3A_2394 = arith.select %eq3A_2393, %get3A_95, %select_n3A_2390 : vector<16xi1>, vector<16xf32>
    %eq3A_2395 = arith.constant 20 : i32
    %eq3A_2396 = vector.broadcast %eq3A_2395 : i32 to vector<16xi32>
    %eq3A_2397 = arith.cmpi eq, %min3A_2314, %eq3A_2396 : vector<16xi32>
    %select_n3A_2398 = arith.select %eq3A_2397, %get3A_98, %select_n3A_2394 : vector<16xi1>, vector<16xf32>
    %eq3A_2399 = arith.constant 21 : i32
    %eq3A_2400 = vector.broadcast %eq3A_2399 : i32 to vector<16xi32>
    %eq3A_2401 = arith.cmpi eq, %min3A_2314, %eq3A_2400 : vector<16xi32>
    %select_n3A_2402 = arith.select %eq3A_2401, %get3A_101, %select_n3A_2398 : vector<16xi1>, vector<16xf32>
    %eq3A_2403 = arith.constant 22 : i32
    %eq3A_2404 = vector.broadcast %eq3A_2403 : i32 to vector<16xi32>
    %eq3A_2405 = arith.cmpi eq, %min3A_2314, %eq3A_2404 : vector<16xi32>
    %select_n3A_2406 = arith.select %eq3A_2405, %get3A_104, %select_n3A_2402 : vector<16xi1>, vector<16xf32>
    %eq3A_2407 = arith.constant 23 : i32
    %eq3A_2408 = vector.broadcast %eq3A_2407 : i32 to vector<16xi32>
    %eq3A_2409 = arith.cmpi eq, %min3A_2314, %eq3A_2408 : vector<16xi32>
    %select_n3A_2410 = arith.select %eq3A_2409, %get3A_107, %select_n3A_2406 : vector<16xi1>, vector<16xf32>
    %eq3A_2411 = arith.constant 24 : i32
    %eq3A_2412 = vector.broadcast %eq3A_2411 : i32 to vector<16xi32>
    %eq3A_2413 = arith.cmpi eq, %min3A_2314, %eq3A_2412 : vector<16xi32>
    %select_n3A_2414 = arith.select %eq3A_2413, %get3A_110, %select_n3A_2410 : vector<16xi1>, vector<16xf32>
    %eq3A_2415 = arith.constant 25 : i32
    %eq3A_2416 = vector.broadcast %eq3A_2415 : i32 to vector<16xi32>
    %eq3A_2417 = arith.cmpi eq, %min3A_2314, %eq3A_2416 : vector<16xi32>
    %select_n3A_2418 = arith.select %eq3A_2417, %get3A_113, %select_n3A_2414 : vector<16xi1>, vector<16xf32>
    %eq3A_2419 = arith.constant 26 : i32
    %eq3A_2420 = vector.broadcast %eq3A_2419 : i32 to vector<16xi32>
    %eq3A_2421 = arith.cmpi eq, %min3A_2314, %eq3A_2420 : vector<16xi32>
    %select_n3A_2422 = arith.select %eq3A_2421, %get3A_116, %select_n3A_2418 : vector<16xi1>, vector<16xf32>
    %eq3A_2423 = arith.constant 27 : i32
    %eq3A_2424 = vector.broadcast %eq3A_2423 : i32 to vector<16xi32>
    %eq3A_2425 = arith.cmpi eq, %min3A_2314, %eq3A_2424 : vector<16xi32>
    %select_n3A_2426 = arith.select %eq3A_2425, %get3A_119, %select_n3A_2422 : vector<16xi1>, vector<16xf32>
    %eq3A_2427 = arith.constant 28 : i32
    %eq3A_2428 = vector.broadcast %eq3A_2427 : i32 to vector<16xi32>
    %eq3A_2429 = arith.cmpi eq, %min3A_2314, %eq3A_2428 : vector<16xi32>
    %select_n3A_2430 = arith.select %eq3A_2429, %get3A_122, %select_n3A_2426 : vector<16xi1>, vector<16xf32>
    %eq3A_2431 = arith.constant 29 : i32
    %eq3A_2432 = vector.broadcast %eq3A_2431 : i32 to vector<16xi32>
    %eq3A_2433 = arith.cmpi eq, %min3A_2314, %eq3A_2432 : vector<16xi32>
    %select_n3A_2434 = arith.select %eq3A_2433, %get3A_125, %select_n3A_2430 : vector<16xi1>, vector<16xf32>
    %eq3A_2435 = arith.constant 30 : i32
    %eq3A_2436 = vector.broadcast %eq3A_2435 : i32 to vector<16xi32>
    %eq3A_2437 = arith.cmpi eq, %min3A_2314, %eq3A_2436 : vector<16xi32>
    %select_n3A_2438 = arith.select %eq3A_2437, %get3A_128, %select_n3A_2434 : vector<16xi1>, vector<16xf32>
    %eq3A_2439 = arith.constant 31 : i32
    %eq3A_2440 = vector.broadcast %eq3A_2439 : i32 to vector<16xi32>
    %eq3A_2441 = arith.cmpi eq, %min3A_2314, %eq3A_2440 : vector<16xi32>
    %select_n3A_2442 = arith.select %eq3A_2441, %get3A_131, %select_n3A_2438 : vector<16xi1>, vector<16xf32>
    %swap3A_2443 = arith.constant 2016 : index
    %swap3A_2444 = tpu.vector_load %arg12[%swap3A_2443] {strides = array<i32>} : memref<4096xf32, #tpu.memory_space<vmem>>, vector<16xf32>,
    %swap3A_2445 = vector.shape_cast %swap3A_2444 : vector<16xf32> to vector<16xf32>
    %swap3A_2446 = vector.shape_cast %select_n3A_2442 : vector<16xf32> to vector<16xf32>
    tpu.vector_store %arg12[%swap3A_2443], %swap3A_2446 {strides = array<i32>} : memref<4096xf32, #tpu.memory_space<vmem>>, vector<16xf32>,
    %add3A_2447 = arith.constant 2032 : i32
    %add3A_2448 = vector.broadcast %add3A_2447 : i32 to vector<16xi32>
    %add3A_2449 = arith.addi %add3A_2448, %iota3A : vector<16xi32>
    %sub3A_2450 = arith.constant 2047 : i32
    %sub3A_2451 = vector.broadcast %sub3A_2450 : i32 to vector<16xi32>
    %sub3A_2452 = arith.subi %sub3A_2451, %add3A_2449 : vector<16xi32>
    %jit3A_2453 = arith.constant 0 : i32
    %jit3A_2454 = arith.constant 32 : i32
    %max3A_2455 = vector.broadcast %jit3A_2453 : i32 to vector<16xi32>
    %max3A_2456 = arith.maxsi %max3A_2455, %sub3A_2452 : vector<16xi32>
    %min3A_2457 = vector.broadcast %jit3A_2454 : i32 to vector<16xi32>
    %min3A_2458 = arith.minsi %min3A_2457, %max3A_2456 : vector<16xi32>
    %eq3A_2459 = arith.constant 0 : i32
    %eq3A_2460 = vector.broadcast %eq3A_2459 : i32 to vector<16xi32>
    %eq3A_2461 = arith.cmpi eq, %min3A_2458, %eq3A_2460 : vector<16xi32>
    %select_n3A_2462 = arith.select %eq3A_2461, %get3A_38, %get3A_134 : vector<16xi1>, vector<16xf32>
    %eq3A_2463 = arith.constant 1 : i32
    %eq3A_2464 = vector.broadcast %eq3A_2463 : i32 to vector<16xi32>
    %eq3A_2465 = arith.cmpi eq, %min3A_2458, %eq3A_2464 : vector<16xi32>
    %select_n3A_2466 = arith.select %eq3A_2465, %get3A_41, %select_n3A_2462 : vector<16xi1>, vector<16xf32>
    %eq3A_2467 = arith.constant 2 : i32
    %eq3A_2468 = vector.broadcast %eq3A_2467 : i32 to vector<16xi32>
    %eq3A_2469 = arith.cmpi eq, %min3A_2458, %eq3A_2468 : vector<16xi32>
    %select_n3A_2470 = arith.select %eq3A_2469, %get3A_44, %select_n3A_2466 : vector<16xi1>, vector<16xf32>
    %eq3A_2471 = arith.constant 3 : i32
    %eq3A_2472 = vector.broadcast %eq3A_2471 : i32 to vector<16xi32>
    %eq3A_2473 = arith.cmpi eq, %min3A_2458, %eq3A_2472 : vector<16xi32>
    %select_n3A_2474 = arith.select %eq3A_2473, %get3A_47, %select_n3A_2470 : vector<16xi1>, vector<16xf32>
    %eq3A_2475 = arith.constant 4 : i32
    %eq3A_2476 = vector.broadcast %eq3A_2475 : i32 to vector<16xi32>
    %eq3A_2477 = arith.cmpi eq, %min3A_2458, %eq3A_2476 : vector<16xi32>
    %select_n3A_2478 = arith.select %eq3A_2477, %get3A_50, %select_n3A_2474 : vector<16xi1>, vector<16xf32>
    %eq3A_2479 = arith.constant 5 : i32
    %eq3A_2480 = vector.broadcast %eq3A_2479 : i32 to vector<16xi32>
    %eq3A_2481 = arith.cmpi eq, %min3A_2458, %eq3A_2480 : vector<16xi32>
    %select_n3A_2482 = arith.select %eq3A_2481, %get3A_53, %select_n3A_2478 : vector<16xi1>, vector<16xf32>
    %eq3A_2483 = arith.constant 6 : i32
    %eq3A_2484 = vector.broadcast %eq3A_2483 : i32 to vector<16xi32>
    %eq3A_2485 = arith.cmpi eq, %min3A_2458, %eq3A_2484 : vector<16xi32>
    %select_n3A_2486 = arith.select %eq3A_2485, %get3A_56, %select_n3A_2482 : vector<16xi1>, vector<16xf32>
    %eq3A_2487 = arith.constant 7 : i32
    %eq3A_2488 = vector.broadcast %eq3A_2487 : i32 to vector<16xi32>
    %eq3A_2489 = arith.cmpi eq, %min3A_2458, %eq3A_2488 : vector<16xi32>
    %select_n3A_2490 = arith.select %eq3A_2489, %get3A_59, %select_n3A_2486 : vector<16xi1>, vector<16xf32>
    %eq3A_2491 = arith.constant 8 : i32
    %eq3A_2492 = vector.broadcast %eq3A_2491 : i32 to vector<16xi32>
    %eq3A_2493 = arith.cmpi eq, %min3A_2458, %eq3A_2492 : vector<16xi32>
    %select_n3A_2494 = arith.select %eq3A_2493, %get3A_62, %select_n3A_2490 : vector<16xi1>, vector<16xf32>
    %eq3A_2495 = arith.constant 9 : i32
    %eq3A_2496 = vector.broadcast %eq3A_2495 : i32 to vector<16xi32>
    %eq3A_2497 = arith.cmpi eq, %min3A_2458, %eq3A_2496 : vector<16xi32>
    %select_n3A_2498 = arith.select %eq3A_2497, %get3A_65, %select_n3A_2494 : vector<16xi1>, vector<16xf32>
    %eq3A_2499 = arith.constant 10 : i32
    %eq3A_2500 = vector.broadcast %eq3A_2499 : i32 to vector<16xi32>
    %eq3A_2501 = arith.cmpi eq, %min3A_2458, %eq3A_2500 : vector<16xi32>
    %select_n3A_2502 = arith.select %eq3A_2501, %get3A_68, %select_n3A_2498 : vector<16xi1>, vector<16xf32>
    %eq3A_2503 = arith.constant 11 : i32
    %eq3A_2504 = vector.broadcast %eq3A_2503 : i32 to vector<16xi32>
    %eq3A_2505 = arith.cmpi eq, %min3A_2458, %eq3A_2504 : vector<16xi32>
    %select_n3A_2506 = arith.select %eq3A_2505, %get3A_71, %select_n3A_2502 : vector<16xi1>, vector<16xf32>
    %eq3A_2507 = arith.constant 12 : i32
    %eq3A_2508 = vector.broadcast %eq3A_2507 : i32 to vector<16xi32>
    %eq3A_2509 = arith.cmpi eq, %min3A_2458, %eq3A_2508 : vector<16xi32>
    %select_n3A_2510 = arith.select %eq3A_2509, %get3A_74, %select_n3A_2506 : vector<16xi1>, vector<16xf32>
    %eq3A_2511 = arith.constant 13 : i32
    %eq3A_2512 = vector.broadcast %eq3A_2511 : i32 to vector<16xi32>
    %eq3A_2513 = arith.cmpi eq, %min3A_2458, %eq3A_2512 : vector<16xi32>
    %select_n3A_2514 = arith.select %eq3A_2513, %get3A_77, %select_n3A_2510 : vector<16xi1>, vector<16xf32>
    %eq3A_2515 = arith.constant 14 : i32
    %eq3A_2516 = vector.broadcast %eq3A_2515 : i32 to vector<16xi32>
    %eq3A_2517 = arith.cmpi eq, %min3A_2458, %eq3A_2516 : vector<16xi32>
    %select_n3A_2518 = arith.select %eq3A_2517, %get3A_80, %select_n3A_2514 : vector<16xi1>, vector<16xf32>
    %eq3A_2519 = arith.constant 15 : i32
    %eq3A_2520 = vector.broadcast %eq3A_2519 : i32 to vector<16xi32>
    %eq3A_2521 = arith.cmpi eq, %min3A_2458, %eq3A_2520 : vector<16xi32>
    %select_n3A_2522 = arith.select %eq3A_2521, %get3A_83, %select_n3A_2518 : vector<16xi1>, vector<16xf32>
    %eq3A_2523 = arith.constant 16 : i32
    %eq3A_2524 = vector.broadcast %eq3A_2523 : i32 to vector<16xi32>
    %eq3A_2525 = arith.cmpi eq, %min3A_2458, %eq3A_2524 : vector<16xi32>
    %select_n3A_2526 = arith.select %eq3A_2525, %get3A_86, %select_n3A_2522 : vector<16xi1>, vector<16xf32>
    %eq3A_2527 = arith.constant 17 : i32
    %eq3A_2528 = vector.broadcast %eq3A_2527 : i32 to vector<16xi32>
    %eq3A_2529 = arith.cmpi eq, %min3A_2458, %eq3A_2528 : vector<16xi32>
    %select_n3A_2530 = arith.select %eq3A_2529, %get3A_89, %select_n3A_2526 : vector<16xi1>, vector<16xf32>
    %eq3A_2531 = arith.constant 18 : i32
    %eq3A_2532 = vector.broadcast %eq3A_2531 : i32 to vector<16xi32>
    %eq3A_2533 = arith.cmpi eq, %min3A_2458, %eq3A_2532 : vector<16xi32>
    %select_n3A_2534 = arith.select %eq3A_2533, %get3A_92, %select_n3A_2530 : vector<16xi1>, vector<16xf32>
    %eq3A_2535 = arith.constant 19 : i32
    %eq3A_2536 = vector.broadcast %eq3A_2535 : i32 to vector<16xi32>
    %eq3A_2537 = arith.cmpi eq, %min3A_2458, %eq3A_2536 : vector<16xi32>
    %select_n3A_2538 = arith.select %eq3A_2537, %get3A_95, %select_n3A_2534 : vector<16xi1>, vector<16xf32>
    %eq3A_2539 = arith.constant 20 : i32
    %eq3A_2540 = vector.broadcast %eq3A_2539 : i32 to vector<16xi32>
    %eq3A_2541 = arith.cmpi eq, %min3A_2458, %eq3A_2540 : vector<16xi32>
    %select_n3A_2542 = arith.select %eq3A_2541, %get3A_98, %select_n3A_2538 : vector<16xi1>, vector<16xf32>
    %eq3A_2543 = arith.constant 21 : i32
    %eq3A_2544 = vector.broadcast %eq3A_2543 : i32 to vector<16xi32>
    %eq3A_2545 = arith.cmpi eq, %min3A_2458, %eq3A_2544 : vector<16xi32>
    %select_n3A_2546 = arith.select %eq3A_2545, %get3A_101, %select_n3A_2542 : vector<16xi1>, vector<16xf32>
    %eq3A_2547 = arith.constant 22 : i32
    %eq3A_2548 = vector.broadcast %eq3A_2547 : i32 to vector<16xi32>
    %eq3A_2549 = arith.cmpi eq, %min3A_2458, %eq3A_2548 : vector<16xi32>
    %select_n3A_2550 = arith.select %eq3A_2549, %get3A_104, %select_n3A_2546 : vector<16xi1>, vector<16xf32>
    %eq3A_2551 = arith.constant 23 : i32
    %eq3A_2552 = vector.broadcast %eq3A_2551 : i32 to vector<16xi32>
    %eq3A_2553 = arith.cmpi eq, %min3A_2458, %eq3A_2552 : vector<16xi32>
    %select_n3A_2554 = arith.select %eq3A_2553, %get3A_107, %select_n3A_2550 : vector<16xi1>, vector<16xf32>
    %eq3A_2555 = arith.constant 24 : i32
    %eq3A_2556 = vector.broadcast %eq3A_2555 : i32 to vector<16xi32>
    %eq3A_2557 = arith.cmpi eq, %min3A_2458, %eq3A_2556 : vector<16xi32>
    %select_n3A_2558 = arith.select %eq3A_2557, %get3A_110, %select_n3A_2554 : vector<16xi1>, vector<16xf32>
    %eq3A_2559 = arith.constant 25 : i32
    %eq3A_2560 = vector.broadcast %eq3A_2559 : i32 to vector<16xi32>
    %eq3A_2561 = arith.cmpi eq, %min3A_2458, %eq3A_2560 : vector<16xi32>
    %select_n3A_2562 = arith.select %eq3A_2561, %get3A_113, %select_n3A_2558 : vector<16xi1>, vector<16xf32>
    %eq3A_2563 = arith.constant 26 : i32
    %eq3A_2564 = vector.broadcast %eq3A_2563 : i32 to vector<16xi32>
    %eq3A_2565 = arith.cmpi eq, %min3A_2458, %eq3A_2564 : vector<16xi32>
    %select_n3A_2566 = arith.select %eq3A_2565, %get3A_116, %select_n3A_2562 : vector<16xi1>, vector<16xf32>
    %eq3A_2567 = arith.constant 27 : i32
    %eq3A_2568 = vector.broadcast %eq3A_2567 : i32 to vector<16xi32>
    %eq3A_2569 = arith.cmpi eq, %min3A_2458, %eq3A_2568 : vector<16xi32>
    %select_n3A_2570 = arith.select %eq3A_2569, %get3A_119, %select_n3A_2566 : vector<16xi1>, vector<16xf32>
    %eq3A_2571 = arith.constant 28 : i32
    %eq3A_2572 = vector.broadcast %eq3A_2571 : i32 to vector<16xi32>
    %eq3A_2573 = arith.cmpi eq, %min3A_2458, %eq3A_2572 : vector<16xi32>
    %select_n3A_2574 = arith.select %eq3A_2573, %get3A_122, %select_n3A_2570 : vector<16xi1>, vector<16xf32>
    %eq3A_2575 = arith.constant 29 : i32
    %eq3A_2576 = vector.broadcast %eq3A_2575 : i32 to vector<16xi32>
    %eq3A_2577 = arith.cmpi eq, %min3A_2458, %eq3A_2576 : vector<16xi32>
    %select_n3A_2578 = arith.select %eq3A_2577, %get3A_125, %select_n3A_2574 : vector<16xi1>, vector<16xf32>
    %eq3A_2579 = arith.constant 30 : i32
    %eq3A_2580 = vector.broadcast %eq3A_2579 : i32 to vector<16xi32>
    %eq3A_2581 = arith.cmpi eq, %min3A_2458, %eq3A_2580 : vector<16xi32>
    %select_n3A_2582 = arith.select %eq3A_2581, %get3A_128, %select_n3A_2578 : vector<16xi1>, vector<16xf32>
    %eq3A_2583 = arith.constant 31 : i32
    %eq3A_2584 = vector.broadcast %eq3A_2583 : i32 to vector<16xi32>
    %eq3A_2585 = arith.cmpi eq, %min3A_2458, %eq3A_2584 : vector<16xi32>
    %select_n3A_2586 = arith.select %eq3A_2585, %get3A_131, %select_n3A_2582 : vector<16xi1>, vector<16xf32>
    %swap3A_2587 = arith.constant 2032 : index
    %swap3A_2588 = tpu.vector_load %arg5[%swap3A_2587] {strides = array<i32>} : memref<4096xf32, #tpu.memory_space<vmem>>, vector<16xf32>,
    %swap3A_2589 = vector.shape_cast %swap3A_2588 : vector<16xf32> to vector<16xf32>
    %swap3A_2590 = vector.shape_cast %select_n3A_2586 : vector<16xf32> to vector<16xf32>
    tpu.vector_store %arg5[%swap3A_2587], %swap3A_2590 {strides = array<i32>} : memref<4096xf32, #tpu.memory_space<vmem>>, vector<16xf32>,
    %add3A_2591 = arith.constant 2032 : i32
    %add3A_2592 = vector.broadcast %add3A_2591 : i32 to vector<16xi32>
    %add3A_2593 = arith.addi %add3A_2592, %iota3A : vector<16xi32>
    %sub3A_2594 = arith.constant 2046 : i32
    %sub3A_2595 = vector.broadcast %sub3A_2594 : i32 to vector<16xi32>
    %sub3A_2596 = arith.subi %sub3A_2595, %add3A_2593 : vector<16xi32>
    %jit3A_2597 = arith.constant 0 : i32
    %jit3A_2598 = arith.constant 32 : i32
    %max3A_2599 = vector.broadcast %jit3A_2597 : i32 to vector<16xi32>
    %max3A_2600 = arith.maxsi %max3A_2599, %sub3A_2596 : vector<16xi32>
    %min3A_2601 = vector.broadcast %jit3A_2598 : i32 to vector<16xi32>
    %min3A_2602 = arith.minsi %min3A_2601, %max3A_2600 : vector<16xi32>
    %eq3A_2603 = arith.constant 0 : i32
    %eq3A_2604 = vector.broadcast %eq3A_2603 : i32 to vector<16xi32>
    %eq3A_2605 = arith.cmpi eq, %min3A_2602, %eq3A_2604 : vector<16xi32>
    %select_n3A_2606 = arith.select %eq3A_2605, %get3A_38, %get3A_134 : vector<16xi1>, vector<16xf32>
    %eq3A_2607 = arith.constant 1 : i32
    %eq3A_2608 = vector.broadcast %eq3A_2607 : i32 to vector<16xi32>
    %eq3A_2609 = arith.cmpi eq, %min3A_2602, %eq3A_2608 : vector<16xi32>
    %select_n3A_2610 = arith.select %eq3A_2609, %get3A_41, %select_n3A_2606 : vector<16xi1>, vector<16xf32>
    %eq3A_2611 = arith.constant 2 : i32
    %eq3A_2612 = vector.broadcast %eq3A_2611 : i32 to vector<16xi32>
    %eq3A_2613 = arith.cmpi eq, %min3A_2602, %eq3A_2612 : vector<16xi32>
    %select_n3A_2614 = arith.select %eq3A_2613, %get3A_44, %select_n3A_2610 : vector<16xi1>, vector<16xf32>
    %eq3A_2615 = arith.constant 3 : i32
    %eq3A_2616 = vector.broadcast %eq3A_2615 : i32 to vector<16xi32>
    %eq3A_2617 = arith.cmpi eq, %min3A_2602, %eq3A_2616 : vector<16xi32>
    %select_n3A_2618 = arith.select %eq3A_2617, %get3A_47, %select_n3A_2614 : vector<16xi1>, vector<16xf32>
    %eq3A_2619 = arith.constant 4 : i32
    %eq3A_2620 = vector.broadcast %eq3A_2619 : i32 to vector<16xi32>
    %eq3A_2621 = arith.cmpi eq, %min3A_2602, %eq3A_2620 : vector<16xi32>
    %select_n3A_2622 = arith.select %eq3A_2621, %get3A_50, %select_n3A_2618 : vector<16xi1>, vector<16xf32>
    %eq3A_2623 = arith.constant 5 : i32
    %eq3A_2624 = vector.broadcast %eq3A_2623 : i32 to vector<16xi32>
    %eq3A_2625 = arith.cmpi eq, %min3A_2602, %eq3A_2624 : vector<16xi32>
    %select_n3A_2626 = arith.select %eq3A_2625, %get3A_53, %select_n3A_2622 : vector<16xi1>, vector<16xf32>
    %eq3A_2627 = arith.constant 6 : i32
    %eq3A_2628 = vector.broadcast %eq3A_2627 : i32 to vector<16xi32>
    %eq3A_2629 = arith.cmpi eq, %min3A_2602, %eq3A_2628 : vector<16xi32>
    %select_n3A_2630 = arith.select %eq3A_2629, %get3A_56, %select_n3A_2626 : vector<16xi1>, vector<16xf32>
    %eq3A_2631 = arith.constant 7 : i32
    %eq3A_2632 = vector.broadcast %eq3A_2631 : i32 to vector<16xi32>
    %eq3A_2633 = arith.cmpi eq, %min3A_2602, %eq3A_2632 : vector<16xi32>
    %select_n3A_2634 = arith.select %eq3A_2633, %get3A_59, %select_n3A_2630 : vector<16xi1>, vector<16xf32>
    %eq3A_2635 = arith.constant 8 : i32
    %eq3A_2636 = vector.broadcast %eq3A_2635 : i32 to vector<16xi32>
    %eq3A_2637 = arith.cmpi eq, %min3A_2602, %eq3A_2636 : vector<16xi32>
    %select_n3A_2638 = arith.select %eq3A_2637, %get3A_62, %select_n3A_2634 : vector<16xi1>, vector<16xf32>
    %eq3A_2639 = arith.constant 9 : i32
    %eq3A_2640 = vector.broadcast %eq3A_2639 : i32 to vector<16xi32>
    %eq3A_2641 = arith.cmpi eq, %min3A_2602, %eq3A_2640 : vector<16xi32>
    %select_n3A_2642 = arith.select %eq3A_2641, %get3A_65, %select_n3A_2638 : vector<16xi1>, vector<16xf32>
    %eq3A_2643 = arith.constant 10 : i32
    %eq3A_2644 = vector.broadcast %eq3A_2643 : i32 to vector<16xi32>
    %eq3A_2645 = arith.cmpi eq, %min3A_2602, %eq3A_2644 : vector<16xi32>
    %select_n3A_2646 = arith.select %eq3A_2645, %get3A_68, %select_n3A_2642 : vector<16xi1>, vector<16xf32>
    %eq3A_2647 = arith.constant 11 : i32
    %eq3A_2648 = vector.broadcast %eq3A_2647 : i32 to vector<16xi32>
    %eq3A_2649 = arith.cmpi eq, %min3A_2602, %eq3A_2648 : vector<16xi32>
    %select_n3A_2650 = arith.select %eq3A_2649, %get3A_71, %select_n3A_2646 : vector<16xi1>, vector<16xf32>
    %eq3A_2651 = arith.constant 12 : i32
    %eq3A_2652 = vector.broadcast %eq3A_2651 : i32 to vector<16xi32>
    %eq3A_2653 = arith.cmpi eq, %min3A_2602, %eq3A_2652 : vector<16xi32>
    %select_n3A_2654 = arith.select %eq3A_2653, %get3A_74, %select_n3A_2650 : vector<16xi1>, vector<16xf32>
    %eq3A_2655 = arith.constant 13 : i32
    %eq3A_2656 = vector.broadcast %eq3A_2655 : i32 to vector<16xi32>
    %eq3A_2657 = arith.cmpi eq, %min3A_2602, %eq3A_2656 : vector<16xi32>
    %select_n3A_2658 = arith.select %eq3A_2657, %get3A_77, %select_n3A_2654 : vector<16xi1>, vector<16xf32>
    %eq3A_2659 = arith.constant 14 : i32
    %eq3A_2660 = vector.broadcast %eq3A_2659 : i32 to vector<16xi32>
    %eq3A_2661 = arith.cmpi eq, %min3A_2602, %eq3A_2660 : vector<16xi32>
    %select_n3A_2662 = arith.select %eq3A_2661, %get3A_80, %select_n3A_2658 : vector<16xi1>, vector<16xf32>
    %eq3A_2663 = arith.constant 15 : i32
    %eq3A_2664 = vector.broadcast %eq3A_2663 : i32 to vector<16xi32>
    %eq3A_2665 = arith.cmpi eq, %min3A_2602, %eq3A_2664 : vector<16xi32>
    %select_n3A_2666 = arith.select %eq3A_2665, %get3A_83, %select_n3A_2662 : vector<16xi1>, vector<16xf32>
    %eq3A_2667 = arith.constant 16 : i32
    %eq3A_2668 = vector.broadcast %eq3A_2667 : i32 to vector<16xi32>
    %eq3A_2669 = arith.cmpi eq, %min3A_2602, %eq3A_2668 : vector<16xi32>
    %select_n3A_2670 = arith.select %eq3A_2669, %get3A_86, %select_n3A_2666 : vector<16xi1>, vector<16xf32>
    %eq3A_2671 = arith.constant 17 : i32
    %eq3A_2672 = vector.broadcast %eq3A_2671 : i32 to vector<16xi32>
    %eq3A_2673 = arith.cmpi eq, %min3A_2602, %eq3A_2672 : vector<16xi32>
    %select_n3A_2674 = arith.select %eq3A_2673, %get3A_89, %select_n3A_2670 : vector<16xi1>, vector<16xf32>
    %eq3A_2675 = arith.constant 18 : i32
    %eq3A_2676 = vector.broadcast %eq3A_2675 : i32 to vector<16xi32>
    %eq3A_2677 = arith.cmpi eq, %min3A_2602, %eq3A_2676 : vector<16xi32>
    %select_n3A_2678 = arith.select %eq3A_2677, %get3A_92, %select_n3A_2674 : vector<16xi1>, vector<16xf32>
    %eq3A_2679 = arith.constant 19 : i32
    %eq3A_2680 = vector.broadcast %eq3A_2679 : i32 to vector<16xi32>
    %eq3A_2681 = arith.cmpi eq, %min3A_2602, %eq3A_2680 : vector<16xi32>
    %select_n3A_2682 = arith.select %eq3A_2681, %get3A_95, %select_n3A_2678 : vector<16xi1>, vector<16xf32>
    %eq3A_2683 = arith.constant 20 : i32
    %eq3A_2684 = vector.broadcast %eq3A_2683 : i32 to vector<16xi32>
    %eq3A_2685 = arith.cmpi eq, %min3A_2602, %eq3A_2684 : vector<16xi32>
    %select_n3A_2686 = arith.select %eq3A_2685, %get3A_98, %select_n3A_2682 : vector<16xi1>, vector<16xf32>
    %eq3A_2687 = arith.constant 21 : i32
    %eq3A_2688 = vector.broadcast %eq3A_2687 : i32 to vector<16xi32>
    %eq3A_2689 = arith.cmpi eq, %min3A_2602, %eq3A_2688 : vector<16xi32>
    %select_n3A_2690 = arith.select %eq3A_2689, %get3A_101, %select_n3A_2686 : vector<16xi1>, vector<16xf32>
    %eq3A_2691 = arith.constant 22 : i32
    %eq3A_2692 = vector.broadcast %eq3A_2691 : i32 to vector<16xi32>
    %eq3A_2693 = arith.cmpi eq, %min3A_2602, %eq3A_2692 : vector<16xi32>
    %select_n3A_2694 = arith.select %eq3A_2693, %get3A_104, %select_n3A_2690 : vector<16xi1>, vector<16xf32>
    %eq3A_2695 = arith.constant 23 : i32
    %eq3A_2696 = vector.broadcast %eq3A_2695 : i32 to vector<16xi32>
    %eq3A_2697 = arith.cmpi eq, %min3A_2602, %eq3A_2696 : vector<16xi32>
    %select_n3A_2698 = arith.select %eq3A_2697, %get3A_107, %select_n3A_2694 : vector<16xi1>, vector<16xf32>
    %eq3A_2699 = arith.constant 24 : i32
    %eq3A_2700 = vector.broadcast %eq3A_2699 : i32 to vector<16xi32>
    %eq3A_2701 = arith.cmpi eq, %min3A_2602, %eq3A_2700 : vector<16xi32>
    %select_n3A_2702 = arith.select %eq3A_2701, %get3A_110, %select_n3A_2698 : vector<16xi1>, vector<16xf32>
    %eq3A_2703 = arith.constant 25 : i32
    %eq3A_2704 = vector.broadcast %eq3A_2703 : i32 to vector<16xi32>
    %eq3A_2705 = arith.cmpi eq, %min3A_2602, %eq3A_2704 : vector<16xi32>
    %select_n3A_2706 = arith.select %eq3A_2705, %get3A_113, %select_n3A_2702 : vector<16xi1>, vector<16xf32>
    %eq3A_2707 = arith.constant 26 : i32
    %eq3A_2708 = vector.broadcast %eq3A_2707 : i32 to vector<16xi32>
    %eq3A_2709 = arith.cmpi eq, %min3A_2602, %eq3A_2708 : vector<16xi32>
    %select_n3A_2710 = arith.select %eq3A_2709, %get3A_116, %select_n3A_2706 : vector<16xi1>, vector<16xf32>
    %eq3A_2711 = arith.constant 27 : i32
    %eq3A_2712 = vector.broadcast %eq3A_2711 : i32 to vector<16xi32>
    %eq3A_2713 = arith.cmpi eq, %min3A_2602, %eq3A_2712 : vector<16xi32>
    %select_n3A_2714 = arith.select %eq3A_2713, %get3A_119, %select_n3A_2710 : vector<16xi1>, vector<16xf32>
    %eq3A_2715 = arith.constant 28 : i32
    %eq3A_2716 = vector.broadcast %eq3A_2715 : i32 to vector<16xi32>
    %eq3A_2717 = arith.cmpi eq, %min3A_2602, %eq3A_2716 : vector<16xi32>
    %select_n3A_2718 = arith.select %eq3A_2717, %get3A_122, %select_n3A_2714 : vector<16xi1>, vector<16xf32>
    %eq3A_2719 = arith.constant 29 : i32
    %eq3A_2720 = vector.broadcast %eq3A_2719 : i32 to vector<16xi32>
    %eq3A_2721 = arith.cmpi eq, %min3A_2602, %eq3A_2720 : vector<16xi32>
    %select_n3A_2722 = arith.select %eq3A_2721, %get3A_125, %select_n3A_2718 : vector<16xi1>, vector<16xf32>
    %eq3A_2723 = arith.constant 30 : i32
    %eq3A_2724 = vector.broadcast %eq3A_2723 : i32 to vector<16xi32>
    %eq3A_2725 = arith.cmpi eq, %min3A_2602, %eq3A_2724 : vector<16xi32>
    %select_n3A_2726 = arith.select %eq3A_2725, %get3A_128, %select_n3A_2722 : vector<16xi1>, vector<16xf32>
    %eq3A_2727 = arith.constant 31 : i32
    %eq3A_2728 = vector.broadcast %eq3A_2727 : i32 to vector<16xi32>
    %eq3A_2729 = arith.cmpi eq, %min3A_2602, %eq3A_2728 : vector<16xi32>
    %select_n3A_2730 = arith.select %eq3A_2729, %get3A_131, %select_n3A_2726 : vector<16xi1>, vector<16xf32>
    %swap3A_2731 = arith.constant 2032 : index
    %swap3A_2732 = tpu.vector_load %arg6[%swap3A_2731] {strides = array<i32>} : memref<4096xf32, #tpu.memory_space<vmem>>, vector<16xf32>,
    %swap3A_2733 = vector.shape_cast %swap3A_2732 : vector<16xf32> to vector<16xf32>
    %swap3A_2734 = vector.shape_cast %select_n3A_2730 : vector<16xf32> to vector<16xf32>
    tpu.vector_store %arg6[%swap3A_2731], %swap3A_2734 {strides = array<i32>} : memref<4096xf32, #tpu.memory_space<vmem>>, vector<16xf32>,
    %add3A_2735 = arith.constant 2032 : i32
    %add3A_2736 = vector.broadcast %add3A_2735 : i32 to vector<16xi32>
    %add3A_2737 = arith.addi %add3A_2736, %iota3A : vector<16xi32>
    %sub3A_2738 = arith.constant 2045 : i32
    %sub3A_2739 = vector.broadcast %sub3A_2738 : i32 to vector<16xi32>
    %sub3A_2740 = arith.subi %sub3A_2739, %add3A_2737 : vector<16xi32>
    %jit3A_2741 = arith.constant 0 : i32
    %jit3A_2742 = arith.constant 32 : i32
    %max3A_2743 = vector.broadcast %jit3A_2741 : i32 to vector<16xi32>
    %max3A_2744 = arith.maxsi %max3A_2743, %sub3A_2740 : vector<16xi32>
    %min3A_2745 = vector.broadcast %jit3A_2742 : i32 to vector<16xi32>
    %min3A_2746 = arith.minsi %min3A_2745, %max3A_2744 : vector<16xi32>
    %eq3A_2747 = arith.constant 0 : i32
    %eq3A_2748 = vector.broadcast %eq3A_2747 : i32 to vector<16xi32>
    %eq3A_2749 = arith.cmpi eq, %min3A_2746, %eq3A_2748 : vector<16xi32>
    %select_n3A_2750 = arith.select %eq3A_2749, %get3A_38, %get3A_134 : vector<16xi1>, vector<16xf32>
    %eq3A_2751 = arith.constant 1 : i32
    %eq3A_2752 = vector.broadcast %eq3A_2751 : i32 to vector<16xi32>
    %eq3A_2753 = arith.cmpi eq, %min3A_2746, %eq3A_2752 : vector<16xi32>
    %select_n3A_2754 = arith.select %eq3A_2753, %get3A_41, %select_n3A_2750 : vector<16xi1>, vector<16xf32>
    %eq3A_2755 = arith.constant 2 : i32
    %eq3A_2756 = vector.broadcast %eq3A_2755 : i32 to vector<16xi32>
    %eq3A_2757 = arith.cmpi eq, %min3A_2746, %eq3A_2756 : vector<16xi32>
    %select_n3A_2758 = arith.select %eq3A_2757, %get3A_44, %select_n3A_2754 : vector<16xi1>, vector<16xf32>
    %eq3A_2759 = arith.constant 3 : i32
    %eq3A_2760 = vector.broadcast %eq3A_2759 : i32 to vector<16xi32>
    %eq3A_2761 = arith.cmpi eq, %min3A_2746, %eq3A_2760 : vector<16xi32>
    %select_n3A_2762 = arith.select %eq3A_2761, %get3A_47, %select_n3A_2758 : vector<16xi1>, vector<16xf32>
    %eq3A_2763 = arith.constant 4 : i32
    %eq3A_2764 = vector.broadcast %eq3A_2763 : i32 to vector<16xi32>
    %eq3A_2765 = arith.cmpi eq, %min3A_2746, %eq3A_2764 : vector<16xi32>
    %select_n3A_2766 = arith.select %eq3A_2765, %get3A_50, %select_n3A_2762 : vector<16xi1>, vector<16xf32>
    %eq3A_2767 = arith.constant 5 : i32
    %eq3A_2768 = vector.broadcast %eq3A_2767 : i32 to vector<16xi32>
    %eq3A_2769 = arith.cmpi eq, %min3A_2746, %eq3A_2768 : vector<16xi32>
    %select_n3A_2770 = arith.select %eq3A_2769, %get3A_53, %select_n3A_2766 : vector<16xi1>, vector<16xf32>
    %eq3A_2771 = arith.constant 6 : i32
    %eq3A_2772 = vector.broadcast %eq3A_2771 : i32 to vector<16xi32>
    %eq3A_2773 = arith.cmpi eq, %min3A_2746, %eq3A_2772 : vector<16xi32>
    %select_n3A_2774 = arith.select %eq3A_2773, %get3A_56, %select_n3A_2770 : vector<16xi1>, vector<16xf32>
    %eq3A_2775 = arith.constant 7 : i32
    %eq3A_2776 = vector.broadcast %eq3A_2775 : i32 to vector<16xi32>
    %eq3A_2777 = arith.cmpi eq, %min3A_2746, %eq3A_2776 : vector<16xi32>
    %select_n3A_2778 = arith.select %eq3A_2777, %get3A_59, %select_n3A_2774 : vector<16xi1>, vector<16xf32>
    %eq3A_2779 = arith.constant 8 : i32
    %eq3A_2780 = vector.broadcast %eq3A_2779 : i32 to vector<16xi32>
    %eq3A_2781 = arith.cmpi eq, %min3A_2746, %eq3A_2780 : vector<16xi32>
    %select_n3A_2782 = arith.select %eq3A_2781, %get3A_62, %select_n3A_2778 : vector<16xi1>, vector<16xf32>
    %eq3A_2783 = arith.constant 9 : i32
    %eq3A_2784 = vector.broadcast %eq3A_2783 : i32 to vector<16xi32>
    %eq3A_2785 = arith.cmpi eq, %min3A_2746, %eq3A_2784 : vector<16xi32>
    %select_n3A_2786 = arith.select %eq3A_2785, %get3A_65, %select_n3A_2782 : vector<16xi1>, vector<16xf32>
    %eq3A_2787 = arith.constant 10 : i32
    %eq3A_2788 = vector.broadcast %eq3A_2787 : i32 to vector<16xi32>
    %eq3A_2789 = arith.cmpi eq, %min3A_2746, %eq3A_2788 : vector<16xi32>
    %select_n3A_2790 = arith.select %eq3A_2789, %get3A_68, %select_n3A_2786 : vector<16xi1>, vector<16xf32>
    %eq3A_2791 = arith.constant 11 : i32
    %eq3A_2792 = vector.broadcast %eq3A_2791 : i32 to vector<16xi32>
    %eq3A_2793 = arith.cmpi eq, %min3A_2746, %eq3A_2792 : vector<16xi32>
    %select_n3A_2794 = arith.select %eq3A_2793, %get3A_71, %select_n3A_2790 : vector<16xi1>, vector<16xf32>
    %eq3A_2795 = arith.constant 12 : i32
    %eq3A_2796 = vector.broadcast %eq3A_2795 : i32 to vector<16xi32>
    %eq3A_2797 = arith.cmpi eq, %min3A_2746, %eq3A_2796 : vector<16xi32>
    %select_n3A_2798 = arith.select %eq3A_2797, %get3A_74, %select_n3A_2794 : vector<16xi1>, vector<16xf32>
    %eq3A_2799 = arith.constant 13 : i32
    %eq3A_2800 = vector.broadcast %eq3A_2799 : i32 to vector<16xi32>
    %eq3A_2801 = arith.cmpi eq, %min3A_2746, %eq3A_2800 : vector<16xi32>
    %select_n3A_2802 = arith.select %eq3A_2801, %get3A_77, %select_n3A_2798 : vector<16xi1>, vector<16xf32>
    %eq3A_2803 = arith.constant 14 : i32
    %eq3A_2804 = vector.broadcast %eq3A_2803 : i32 to vector<16xi32>
    %eq3A_2805 = arith.cmpi eq, %min3A_2746, %eq3A_2804 : vector<16xi32>
    %select_n3A_2806 = arith.select %eq3A_2805, %get3A_80, %select_n3A_2802 : vector<16xi1>, vector<16xf32>
    %eq3A_2807 = arith.constant 15 : i32
    %eq3A_2808 = vector.broadcast %eq3A_2807 : i32 to vector<16xi32>
    %eq3A_2809 = arith.cmpi eq, %min3A_2746, %eq3A_2808 : vector<16xi32>
    %select_n3A_2810 = arith.select %eq3A_2809, %get3A_83, %select_n3A_2806 : vector<16xi1>, vector<16xf32>
    %eq3A_2811 = arith.constant 16 : i32
    %eq3A_2812 = vector.broadcast %eq3A_2811 : i32 to vector<16xi32>
    %eq3A_2813 = arith.cmpi eq, %min3A_2746, %eq3A_2812 : vector<16xi32>
    %select_n3A_2814 = arith.select %eq3A_2813, %get3A_86, %select_n3A_2810 : vector<16xi1>, vector<16xf32>
    %eq3A_2815 = arith.constant 17 : i32
    %eq3A_2816 = vector.broadcast %eq3A_2815 : i32 to vector<16xi32>
    %eq3A_2817 = arith.cmpi eq, %min3A_2746, %eq3A_2816 : vector<16xi32>
    %select_n3A_2818 = arith.select %eq3A_2817, %get3A_89, %select_n3A_2814 : vector<16xi1>, vector<16xf32>
    %eq3A_2819 = arith.constant 18 : i32
    %eq3A_2820 = vector.broadcast %eq3A_2819 : i32 to vector<16xi32>
    %eq3A_2821 = arith.cmpi eq, %min3A_2746, %eq3A_2820 : vector<16xi32>
    %select_n3A_2822 = arith.select %eq3A_2821, %get3A_92, %select_n3A_2818 : vector<16xi1>, vector<16xf32>
    %eq3A_2823 = arith.constant 19 : i32
    %eq3A_2824 = vector.broadcast %eq3A_2823 : i32 to vector<16xi32>
    %eq3A_2825 = arith.cmpi eq, %min3A_2746, %eq3A_2824 : vector<16xi32>
    %select_n3A_2826 = arith.select %eq3A_2825, %get3A_95, %select_n3A_2822 : vector<16xi1>, vector<16xf32>
    %eq3A_2827 = arith.constant 20 : i32
    %eq3A_2828 = vector.broadcast %eq3A_2827 : i32 to vector<16xi32>
    %eq3A_2829 = arith.cmpi eq, %min3A_2746, %eq3A_2828 : vector<16xi32>
    %select_n3A_2830 = arith.select %eq3A_2829, %get3A_98, %select_n3A_2826 : vector<16xi1>, vector<16xf32>
    %eq3A_2831 = arith.constant 21 : i32
    %eq3A_2832 = vector.broadcast %eq3A_2831 : i32 to vector<16xi32>
    %eq3A_2833 = arith.cmpi eq, %min3A_2746, %eq3A_2832 : vector<16xi32>
    %select_n3A_2834 = arith.select %eq3A_2833, %get3A_101, %select_n3A_2830 : vector<16xi1>, vector<16xf32>
    %eq3A_2835 = arith.constant 22 : i32
    %eq3A_2836 = vector.broadcast %eq3A_2835 : i32 to vector<16xi32>
    %eq3A_2837 = arith.cmpi eq, %min3A_2746, %eq3A_2836 : vector<16xi32>
    %select_n3A_2838 = arith.select %eq3A_2837, %get3A_104, %select_n3A_2834 : vector<16xi1>, vector<16xf32>
    %eq3A_2839 = arith.constant 23 : i32
    %eq3A_2840 = vector.broadcast %eq3A_2839 : i32 to vector<16xi32>
    %eq3A_2841 = arith.cmpi eq, %min3A_2746, %eq3A_2840 : vector<16xi32>
    %select_n3A_2842 = arith.select %eq3A_2841, %get3A_107, %select_n3A_2838 : vector<16xi1>, vector<16xf32>
    %eq3A_2843 = arith.constant 24 : i32
    %eq3A_2844 = vector.broadcast %eq3A_2843 : i32 to vector<16xi32>
    %eq3A_2845 = arith.cmpi eq, %min3A_2746, %eq3A_2844 : vector<16xi32>
    %select_n3A_2846 = arith.select %eq3A_2845, %get3A_110, %select_n3A_2842 : vector<16xi1>, vector<16xf32>
    %eq3A_2847 = arith.constant 25 : i32
    %eq3A_2848 = vector.broadcast %eq3A_2847 : i32 to vector<16xi32>
    %eq3A_2849 = arith.cmpi eq, %min3A_2746, %eq3A_2848 : vector<16xi32>
    %select_n3A_2850 = arith.select %eq3A_2849, %get3A_113, %select_n3A_2846 : vector<16xi1>, vector<16xf32>
    %eq3A_2851 = arith.constant 26 : i32
    %eq3A_2852 = vector.broadcast %eq3A_2851 : i32 to vector<16xi32>
    %eq3A_2853 = arith.cmpi eq, %min3A_2746, %eq3A_2852 : vector<16xi32>
    %select_n3A_2854 = arith.select %eq3A_2853, %get3A_116, %select_n3A_2850 : vector<16xi1>, vector<16xf32>
    %eq3A_2855 = arith.constant 27 : i32
    %eq3A_2856 = vector.broadcast %eq3A_2855 : i32 to vector<16xi32>
    %eq3A_2857 = arith.cmpi eq, %min3A_2746, %eq3A_2856 : vector<16xi32>
    %select_n3A_2858 = arith.select %eq3A_2857, %get3A_119, %select_n3A_2854 : vector<16xi1>, vector<16xf32>
    %eq3A_2859 = arith.constant 28 : i32
    %eq3A_2860 = vector.broadcast %eq3A_2859 : i32 to vector<16xi32>
    %eq3A_2861 = arith.cmpi eq, %min3A_2746, %eq3A_2860 : vector<16xi32>
    %select_n3A_2862 = arith.select %eq3A_2861, %get3A_122, %select_n3A_2858 : vector<16xi1>, vector<16xf32>
    %eq3A_2863 = arith.constant 29 : i32
    %eq3A_2864 = vector.broadcast %eq3A_2863 : i32 to vector<16xi32>
    %eq3A_2865 = arith.cmpi eq, %min3A_2746, %eq3A_2864 : vector<16xi32>
    %select_n3A_2866 = arith.select %eq3A_2865, %get3A_125, %select_n3A_2862 : vector<16xi1>, vector<16xf32>
    %eq3A_2867 = arith.constant 30 : i32
    %eq3A_2868 = vector.broadcast %eq3A_2867 : i32 to vector<16xi32>
    %eq3A_2869 = arith.cmpi eq, %min3A_2746, %eq3A_2868 : vector<16xi32>
    %select_n3A_2870 = arith.select %eq3A_2869, %get3A_128, %select_n3A_2866 : vector<16xi1>, vector<16xf32>
    %eq3A_2871 = arith.constant 31 : i32
    %eq3A_2872 = vector.broadcast %eq3A_2871 : i32 to vector<16xi32>
    %eq3A_2873 = arith.cmpi eq, %min3A_2746, %eq3A_2872 : vector<16xi32>
    %select_n3A_2874 = arith.select %eq3A_2873, %get3A_131, %select_n3A_2870 : vector<16xi1>, vector<16xf32>
    %swap3A_2875 = arith.constant 2032 : index
    %swap3A_2876 = tpu.vector_load %arg7[%swap3A_2875] {strides = array<i32>} : memref<4096xf32, #tpu.memory_space<vmem>>, vector<16xf32>,
    %swap3A_2877 = vector.shape_cast %swap3A_2876 : vector<16xf32> to vector<16xf32>
    %swap3A_2878 = vector.shape_cast %select_n3A_2874 : vector<16xf32> to vector<16xf32>
    tpu.vector_store %arg7[%swap3A_2875], %swap3A_2878 {strides = array<i32>} : memref<4096xf32, #tpu.memory_space<vmem>>, vector<16xf32>,
    %add3A_2879 = arith.constant 2032 : i32
    %add3A_2880 = vector.broadcast %add3A_2879 : i32 to vector<16xi32>
    %add3A_2881 = arith.addi %add3A_2880, %iota3A : vector<16xi32>
    %sub3A_2882 = arith.constant 2044 : i32
    %sub3A_2883 = vector.broadcast %sub3A_2882 : i32 to vector<16xi32>
    %sub3A_2884 = arith.subi %sub3A_2883, %add3A_2881 : vector<16xi32>
    %jit3A_2885 = arith.constant 0 : i32
    %jit3A_2886 = arith.constant 32 : i32
    %max3A_2887 = vector.broadcast %jit3A_2885 : i32 to vector<16xi32>
    %max3A_2888 = arith.maxsi %max3A_2887, %sub3A_2884 : vector<16xi32>
    %min3A_2889 = vector.broadcast %jit3A_2886 : i32 to vector<16xi32>
    %min3A_2890 = arith.minsi %min3A_2889, %max3A_2888 : vector<16xi32>
    %eq3A_2891 = arith.constant 0 : i32
    %eq3A_2892 = vector.broadcast %eq3A_2891 : i32 to vector<16xi32>
    %eq3A_2893 = arith.cmpi eq, %min3A_2890, %eq3A_2892 : vector<16xi32>
    %select_n3A_2894 = arith.select %eq3A_2893, %get3A_38, %get3A_134 : vector<16xi1>, vector<16xf32>
    %eq3A_2895 = arith.constant 1 : i32
    %eq3A_2896 = vector.broadcast %eq3A_2895 : i32 to vector<16xi32>
    %eq3A_2897 = arith.cmpi eq, %min3A_2890, %eq3A_2896 : vector<16xi32>
    %select_n3A_2898 = arith.select %eq3A_2897, %get3A_41, %select_n3A_2894 : vector<16xi1>, vector<16xf32>
    %eq3A_2899 = arith.constant 2 : i32
    %eq3A_2900 = vector.broadcast %eq3A_2899 : i32 to vector<16xi32>
    %eq3A_2901 = arith.cmpi eq, %min3A_2890, %eq3A_2900 : vector<16xi32>
    %select_n3A_2902 = arith.select %eq3A_2901, %get3A_44, %select_n3A_2898 : vector<16xi1>, vector<16xf32>
    %eq3A_2903 = arith.constant 3 : i32
    %eq3A_2904 = vector.broadcast %eq3A_2903 : i32 to vector<16xi32>
    %eq3A_2905 = arith.cmpi eq, %min3A_2890, %eq3A_2904 : vector<16xi32>
    %select_n3A_2906 = arith.select %eq3A_2905, %get3A_47, %select_n3A_2902 : vector<16xi1>, vector<16xf32>
    %eq3A_2907 = arith.constant 4 : i32
    %eq3A_2908 = vector.broadcast %eq3A_2907 : i32 to vector<16xi32>
    %eq3A_2909 = arith.cmpi eq, %min3A_2890, %eq3A_2908 : vector<16xi32>
    %select_n3A_2910 = arith.select %eq3A_2909, %get3A_50, %select_n3A_2906 : vector<16xi1>, vector<16xf32>
    %eq3A_2911 = arith.constant 5 : i32
    %eq3A_2912 = vector.broadcast %eq3A_2911 : i32 to vector<16xi32>
    %eq3A_2913 = arith.cmpi eq, %min3A_2890, %eq3A_2912 : vector<16xi32>
    %select_n3A_2914 = arith.select %eq3A_2913, %get3A_53, %select_n3A_2910 : vector<16xi1>, vector<16xf32>
    %eq3A_2915 = arith.constant 6 : i32
    %eq3A_2916 = vector.broadcast %eq3A_2915 : i32 to vector<16xi32>
    %eq3A_2917 = arith.cmpi eq, %min3A_2890, %eq3A_2916 : vector<16xi32>
    %select_n3A_2918 = arith.select %eq3A_2917, %get3A_56, %select_n3A_2914 : vector<16xi1>, vector<16xf32>
    %eq3A_2919 = arith.constant 7 : i32
    %eq3A_2920 = vector.broadcast %eq3A_2919 : i32 to vector<16xi32>
    %eq3A_2921 = arith.cmpi eq, %min3A_2890, %eq3A_2920 : vector<16xi32>
    %select_n3A_2922 = arith.select %eq3A_2921, %get3A_59, %select_n3A_2918 : vector<16xi1>, vector<16xf32>
    %eq3A_2923 = arith.constant 8 : i32
    %eq3A_2924 = vector.broadcast %eq3A_2923 : i32 to vector<16xi32>
    %eq3A_2925 = arith.cmpi eq, %min3A_2890, %eq3A_2924 : vector<16xi32>
    %select_n3A_2926 = arith.select %eq3A_2925, %get3A_62, %select_n3A_2922 : vector<16xi1>, vector<16xf32>
    %eq3A_2927 = arith.constant 9 : i32
    %eq3A_2928 = vector.broadcast %eq3A_2927 : i32 to vector<16xi32>
    %eq3A_2929 = arith.cmpi eq, %min3A_2890, %eq3A_2928 : vector<16xi32>
    %select_n3A_2930 = arith.select %eq3A_2929, %get3A_65, %select_n3A_2926 : vector<16xi1>, vector<16xf32>
    %eq3A_2931 = arith.constant 10 : i32
    %eq3A_2932 = vector.broadcast %eq3A_2931 : i32 to vector<16xi32>
    %eq3A_2933 = arith.cmpi eq, %min3A_2890, %eq3A_2932 : vector<16xi32>
    %select_n3A_2934 = arith.select %eq3A_2933, %get3A_68, %select_n3A_2930 : vector<16xi1>, vector<16xf32>
    %eq3A_2935 = arith.constant 11 : i32
    %eq3A_2936 = vector.broadcast %eq3A_2935 : i32 to vector<16xi32>
    %eq3A_2937 = arith.cmpi eq, %min3A_2890, %eq3A_2936 : vector<16xi32>
    %select_n3A_2938 = arith.select %eq3A_2937, %get3A_71, %select_n3A_2934 : vector<16xi1>, vector<16xf32>
    %eq3A_2939 = arith.constant 12 : i32
    %eq3A_2940 = vector.broadcast %eq3A_2939 : i32 to vector<16xi32>
    %eq3A_2941 = arith.cmpi eq, %min3A_2890, %eq3A_2940 : vector<16xi32>
    %select_n3A_2942 = arith.select %eq3A_2941, %get3A_74, %select_n3A_2938 : vector<16xi1>, vector<16xf32>
    %eq3A_2943 = arith.constant 13 : i32
    %eq3A_2944 = vector.broadcast %eq3A_2943 : i32 to vector<16xi32>
    %eq3A_2945 = arith.cmpi eq, %min3A_2890, %eq3A_2944 : vector<16xi32>
    %select_n3A_2946 = arith.select %eq3A_2945, %get3A_77, %select_n3A_2942 : vector<16xi1>, vector<16xf32>
    %eq3A_2947 = arith.constant 14 : i32
    %eq3A_2948 = vector.broadcast %eq3A_2947 : i32 to vector<16xi32>
    %eq3A_2949 = arith.cmpi eq, %min3A_2890, %eq3A_2948 : vector<16xi32>
    %select_n3A_2950 = arith.select %eq3A_2949, %get3A_80, %select_n3A_2946 : vector<16xi1>, vector<16xf32>
    %eq3A_2951 = arith.constant 15 : i32
    %eq3A_2952 = vector.broadcast %eq3A_2951 : i32 to vector<16xi32>
    %eq3A_2953 = arith.cmpi eq, %min3A_2890, %eq3A_2952 : vector<16xi32>
    %select_n3A_2954 = arith.select %eq3A_2953, %get3A_83, %select_n3A_2950 : vector<16xi1>, vector<16xf32>
    %eq3A_2955 = arith.constant 16 : i32
    %eq3A_2956 = vector.broadcast %eq3A_2955 : i32 to vector<16xi32>
    %eq3A_2957 = arith.cmpi eq, %min3A_2890, %eq3A_2956 : vector<16xi32>
    %select_n3A_2958 = arith.select %eq3A_2957, %get3A_86, %select_n3A_2954 : vector<16xi1>, vector<16xf32>
    %eq3A_2959 = arith.constant 17 : i32
    %eq3A_2960 = vector.broadcast %eq3A_2959 : i32 to vector<16xi32>
    %eq3A_2961 = arith.cmpi eq, %min3A_2890, %eq3A_2960 : vector<16xi32>
    %select_n3A_2962 = arith.select %eq3A_2961, %get3A_89, %select_n3A_2958 : vector<16xi1>, vector<16xf32>
    %eq3A_2963 = arith.constant 18 : i32
    %eq3A_2964 = vector.broadcast %eq3A_2963 : i32 to vector<16xi32>
    %eq3A_2965 = arith.cmpi eq, %min3A_2890, %eq3A_2964 : vector<16xi32>
    %select_n3A_2966 = arith.select %eq3A_2965, %get3A_92, %select_n3A_2962 : vector<16xi1>, vector<16xf32>
    %eq3A_2967 = arith.constant 19 : i32
    %eq3A_2968 = vector.broadcast %eq3A_2967 : i32 to vector<16xi32>
    %eq3A_2969 = arith.cmpi eq, %min3A_2890, %eq3A_2968 : vector<16xi32>
    %select_n3A_2970 = arith.select %eq3A_2969, %get3A_95, %select_n3A_2966 : vector<16xi1>, vector<16xf32>
    %eq3A_2971 = arith.constant 20 : i32
    %eq3A_2972 = vector.broadcast %eq3A_2971 : i32 to vector<16xi32>
    %eq3A_2973 = arith.cmpi eq, %min3A_2890, %eq3A_2972 : vector<16xi32>
    %select_n3A_2974 = arith.select %eq3A_2973, %get3A_98, %select_n3A_2970 : vector<16xi1>, vector<16xf32>
    %eq3A_2975 = arith.constant 21 : i32
    %eq3A_2976 = vector.broadcast %eq3A_2975 : i32 to vector<16xi32>
    %eq3A_2977 = arith.cmpi eq, %min3A_2890, %eq3A_2976 : vector<16xi32>
    %select_n3A_2978 = arith.select %eq3A_2977, %get3A_101, %select_n3A_2974 : vector<16xi1>, vector<16xf32>
    %eq3A_2979 = arith.constant 22 : i32
    %eq3A_2980 = vector.broadcast %eq3A_2979 : i32 to vector<16xi32>
    %eq3A_2981 = arith.cmpi eq, %min3A_2890, %eq3A_2980 : vector<16xi32>
    %select_n3A_2982 = arith.select %eq3A_2981, %get3A_104, %select_n3A_2978 : vector<16xi1>, vector<16xf32>
    %eq3A_2983 = arith.constant 23 : i32
    %eq3A_2984 = vector.broadcast %eq3A_2983 : i32 to vector<16xi32>
    %eq3A_2985 = arith.cmpi eq, %min3A_2890, %eq3A_2984 : vector<16xi32>
    %select_n3A_2986 = arith.select %eq3A_2985, %get3A_107, %select_n3A_2982 : vector<16xi1>, vector<16xf32>
    %eq3A_2987 = arith.constant 24 : i32
    %eq3A_2988 = vector.broadcast %eq3A_2987 : i32 to vector<16xi32>
    %eq3A_2989 = arith.cmpi eq, %min3A_2890, %eq3A_2988 : vector<16xi32>
    %select_n3A_2990 = arith.select %eq3A_2989, %get3A_110, %select_n3A_2986 : vector<16xi1>, vector<16xf32>
    %eq3A_2991 = arith.constant 25 : i32
    %eq3A_2992 = vector.broadcast %eq3A_2991 : i32 to vector<16xi32>
    %eq3A_2993 = arith.cmpi eq, %min3A_2890, %eq3A_2992 : vector<16xi32>
    %select_n3A_2994 = arith.select %eq3A_2993, %get3A_113, %select_n3A_2990 : vector<16xi1>, vector<16xf32>
    %eq3A_2995 = arith.constant 26 : i32
    %eq3A_2996 = vector.broadcast %eq3A_2995 : i32 to vector<16xi32>
    %eq3A_2997 = arith.cmpi eq, %min3A_2890, %eq3A_2996 : vector<16xi32>
    %select_n3A_2998 = arith.select %eq3A_2997, %get3A_116, %select_n3A_2994 : vector<16xi1>, vector<16xf32>
    %eq3A_2999 = arith.constant 27 : i32
    %eq3A_3000 = vector.broadcast %eq3A_2999 : i32 to vector<16xi32>
    %eq3A_3001 = arith.cmpi eq, %min3A_2890, %eq3A_3000 : vector<16xi32>
    %select_n3A_3002 = arith.select %eq3A_3001, %get3A_119, %select_n3A_2998 : vector<16xi1>, vector<16xf32>
    %eq3A_3003 = arith.constant 28 : i32
    %eq3A_3004 = vector.broadcast %eq3A_3003 : i32 to vector<16xi32>
    %eq3A_3005 = arith.cmpi eq, %min3A_2890, %eq3A_3004 : vector<16xi32>
    %select_n3A_3006 = arith.select %eq3A_3005, %get3A_122, %select_n3A_3002 : vector<16xi1>, vector<16xf32>
    %eq3A_3007 = arith.constant 29 : i32
    %eq3A_3008 = vector.broadcast %eq3A_3007 : i32 to vector<16xi32>
    %eq3A_3009 = arith.cmpi eq, %min3A_2890, %eq3A_3008 : vector<16xi32>
    %select_n3A_3010 = arith.select %eq3A_3009, %get3A_125, %select_n3A_3006 : vector<16xi1>, vector<16xf32>
    %eq3A_3011 = arith.constant 30 : i32
    %eq3A_3012 = vector.broadcast %eq3A_3011 : i32 to vector<16xi32>
    %eq3A_3013 = arith.cmpi eq, %min3A_2890, %eq3A_3012 : vector<16xi32>
    %select_n3A_3014 = arith.select %eq3A_3013, %get3A_128, %select_n3A_3010 : vector<16xi1>, vector<16xf32>
    %eq3A_3015 = arith.constant 31 : i32
    %eq3A_3016 = vector.broadcast %eq3A_3015 : i32 to vector<16xi32>
    %eq3A_3017 = arith.cmpi eq, %min3A_2890, %eq3A_3016 : vector<16xi32>
    %select_n3A_3018 = arith.select %eq3A_3017, %get3A_131, %select_n3A_3014 : vector<16xi1>, vector<16xf32>
    %swap3A_3019 = arith.constant 2032 : index
    %swap3A_3020 = tpu.vector_load %arg8[%swap3A_3019] {strides = array<i32>} : memref<4096xf32, #tpu.memory_space<vmem>>, vector<16xf32>,
    %swap3A_3021 = vector.shape_cast %swap3A_3020 : vector<16xf32> to vector<16xf32>
    %swap3A_3022 = vector.shape_cast %select_n3A_3018 : vector<16xf32> to vector<16xf32>
    tpu.vector_store %arg8[%swap3A_3019], %swap3A_3022 {strides = array<i32>} : memref<4096xf32, #tpu.memory_space<vmem>>, vector<16xf32>,
    %add3A_3023 = arith.constant 2032 : i32
    %add3A_3024 = vector.broadcast %add3A_3023 : i32 to vector<16xi32>
    %add3A_3025 = arith.addi %add3A_3024, %iota3A : vector<16xi32>
    %sub3A_3026 = arith.constant 2043 : i32
    %sub3A_3027 = vector.broadcast %sub3A_3026 : i32 to vector<16xi32>
    %sub3A_3028 = arith.subi %sub3A_3027, %add3A_3025 : vector<16xi32>
    %jit3A_3029 = arith.constant 0 : i32
    %jit3A_3030 = arith.constant 32 : i32
    %max3A_3031 = vector.broadcast %jit3A_3029 : i32 to vector<16xi32>
    %max3A_3032 = arith.maxsi %max3A_3031, %sub3A_3028 : vector<16xi32>
    %min3A_3033 = vector.broadcast %jit3A_3030 : i32 to vector<16xi32>
    %min3A_3034 = arith.minsi %min3A_3033, %max3A_3032 : vector<16xi32>
    %eq3A_3035 = arith.constant 0 : i32
    %eq3A_3036 = vector.broadcast %eq3A_3035 : i32 to vector<16xi32>
    %eq3A_3037 = arith.cmpi eq, %min3A_3034, %eq3A_3036 : vector<16xi32>
    %select_n3A_3038 = arith.select %eq3A_3037, %get3A_38, %get3A_134 : vector<16xi1>, vector<16xf32>
    %eq3A_3039 = arith.constant 1 : i32
    %eq3A_3040 = vector.broadcast %eq3A_3039 : i32 to vector<16xi32>
    %eq3A_3041 = arith.cmpi eq, %min3A_3034, %eq3A_3040 : vector<16xi32>
    %select_n3A_3042 = arith.select %eq3A_3041, %get3A_41, %select_n3A_3038 : vector<16xi1>, vector<16xf32>
    %eq3A_3043 = arith.constant 2 : i32
    %eq3A_3044 = vector.broadcast %eq3A_3043 : i32 to vector<16xi32>
    %eq3A_3045 = arith.cmpi eq, %min3A_3034, %eq3A_3044 : vector<16xi32>
    %select_n3A_3046 = arith.select %eq3A_3045, %get3A_44, %select_n3A_3042 : vector<16xi1>, vector<16xf32>
    %eq3A_3047 = arith.constant 3 : i32
    %eq3A_3048 = vector.broadcast %eq3A_3047 : i32 to vector<16xi32>
    %eq3A_3049 = arith.cmpi eq, %min3A_3034, %eq3A_3048 : vector<16xi32>
    %select_n3A_3050 = arith.select %eq3A_3049, %get3A_47, %select_n3A_3046 : vector<16xi1>, vector<16xf32>
    %eq3A_3051 = arith.constant 4 : i32
    %eq3A_3052 = vector.broadcast %eq3A_3051 : i32 to vector<16xi32>
    %eq3A_3053 = arith.cmpi eq, %min3A_3034, %eq3A_3052 : vector<16xi32>
    %select_n3A_3054 = arith.select %eq3A_3053, %get3A_50, %select_n3A_3050 : vector<16xi1>, vector<16xf32>
    %eq3A_3055 = arith.constant 5 : i32
    %eq3A_3056 = vector.broadcast %eq3A_3055 : i32 to vector<16xi32>
    %eq3A_3057 = arith.cmpi eq, %min3A_3034, %eq3A_3056 : vector<16xi32>
    %select_n3A_3058 = arith.select %eq3A_3057, %get3A_53, %select_n3A_3054 : vector<16xi1>, vector<16xf32>
    %eq3A_3059 = arith.constant 6 : i32
    %eq3A_3060 = vector.broadcast %eq3A_3059 : i32 to vector<16xi32>
    %eq3A_3061 = arith.cmpi eq, %min3A_3034, %eq3A_3060 : vector<16xi32>
    %select_n3A_3062 = arith.select %eq3A_3061, %get3A_56, %select_n3A_3058 : vector<16xi1>, vector<16xf32>
    %eq3A_3063 = arith.constant 7 : i32
    %eq3A_3064 = vector.broadcast %eq3A_3063 : i32 to vector<16xi32>
    %eq3A_3065 = arith.cmpi eq, %min3A_3034, %eq3A_3064 : vector<16xi32>
    %select_n3A_3066 = arith.select %eq3A_3065, %get3A_59, %select_n3A_3062 : vector<16xi1>, vector<16xf32>
    %eq3A_3067 = arith.constant 8 : i32
    %eq3A_3068 = vector.broadcast %eq3A_3067 : i32 to vector<16xi32>
    %eq3A_3069 = arith.cmpi eq, %min3A_3034, %eq3A_3068 : vector<16xi32>
    %select_n3A_3070 = arith.select %eq3A_3069, %get3A_62, %select_n3A_3066 : vector<16xi1>, vector<16xf32>
    %eq3A_3071 = arith.constant 9 : i32
    %eq3A_3072 = vector.broadcast %eq3A_3071 : i32 to vector<16xi32>
    %eq3A_3073 = arith.cmpi eq, %min3A_3034, %eq3A_3072 : vector<16xi32>
    %select_n3A_3074 = arith.select %eq3A_3073, %get3A_65, %select_n3A_3070 : vector<16xi1>, vector<16xf32>
    %eq3A_3075 = arith.constant 10 : i32
    %eq3A_3076 = vector.broadcast %eq3A_3075 : i32 to vector<16xi32>
    %eq3A_3077 = arith.cmpi eq, %min3A_3034, %eq3A_3076 : vector<16xi32>
    %select_n3A_3078 = arith.select %eq3A_3077, %get3A_68, %select_n3A_3074 : vector<16xi1>, vector<16xf32>
    %eq3A_3079 = arith.constant 11 : i32
    %eq3A_3080 = vector.broadcast %eq3A_3079 : i32 to vector<16xi32>
    %eq3A_3081 = arith.cmpi eq, %min3A_3034, %eq3A_3080 : vector<16xi32>
    %select_n3A_3082 = arith.select %eq3A_3081, %get3A_71, %select_n3A_3078 : vector<16xi1>, vector<16xf32>
    %eq3A_3083 = arith.constant 12 : i32
    %eq3A_3084 = vector.broadcast %eq3A_3083 : i32 to vector<16xi32>
    %eq3A_3085 = arith.cmpi eq, %min3A_3034, %eq3A_3084 : vector<16xi32>
    %select_n3A_3086 = arith.select %eq3A_3085, %get3A_74, %select_n3A_3082 : vector<16xi1>, vector<16xf32>
    %eq3A_3087 = arith.constant 13 : i32
    %eq3A_3088 = vector.broadcast %eq3A_3087 : i32 to vector<16xi32>
    %eq3A_3089 = arith.cmpi eq, %min3A_3034, %eq3A_3088 : vector<16xi32>
    %select_n3A_3090 = arith.select %eq3A_3089, %get3A_77, %select_n3A_3086 : vector<16xi1>, vector<16xf32>
    %eq3A_3091 = arith.constant 14 : i32
    %eq3A_3092 = vector.broadcast %eq3A_3091 : i32 to vector<16xi32>
    %eq3A_3093 = arith.cmpi eq, %min3A_3034, %eq3A_3092 : vector<16xi32>
    %select_n3A_3094 = arith.select %eq3A_3093, %get3A_80, %select_n3A_3090 : vector<16xi1>, vector<16xf32>
    %eq3A_3095 = arith.constant 15 : i32
    %eq3A_3096 = vector.broadcast %eq3A_3095 : i32 to vector<16xi32>
    %eq3A_3097 = arith.cmpi eq, %min3A_3034, %eq3A_3096 : vector<16xi32>
    %select_n3A_3098 = arith.select %eq3A_3097, %get3A_83, %select_n3A_3094 : vector<16xi1>, vector<16xf32>
    %eq3A_3099 = arith.constant 16 : i32
    %eq3A_3100 = vector.broadcast %eq3A_3099 : i32 to vector<16xi32>
    %eq3A_3101 = arith.cmpi eq, %min3A_3034, %eq3A_3100 : vector<16xi32>
    %select_n3A_3102 = arith.select %eq3A_3101, %get3A_86, %select_n3A_3098 : vector<16xi1>, vector<16xf32>
    %eq3A_3103 = arith.constant 17 : i32
    %eq3A_3104 = vector.broadcast %eq3A_3103 : i32 to vector<16xi32>
    %eq3A_3105 = arith.cmpi eq, %min3A_3034, %eq3A_3104 : vector<16xi32>
    %select_n3A_3106 = arith.select %eq3A_3105, %get3A_89, %select_n3A_3102 : vector<16xi1>, vector<16xf32>
    %eq3A_3107 = arith.constant 18 : i32
    %eq3A_3108 = vector.broadcast %eq3A_3107 : i32 to vector<16xi32>
    %eq3A_3109 = arith.cmpi eq, %min3A_3034, %eq3A_3108 : vector<16xi32>
    %select_n3A_3110 = arith.select %eq3A_3109, %get3A_92, %select_n3A_3106 : vector<16xi1>, vector<16xf32>
    %eq3A_3111 = arith.constant 19 : i32
    %eq3A_3112 = vector.broadcast %eq3A_3111 : i32 to vector<16xi32>
    %eq3A_3113 = arith.cmpi eq, %min3A_3034, %eq3A_3112 : vector<16xi32>
    %select_n3A_3114 = arith.select %eq3A_3113, %get3A_95, %select_n3A_3110 : vector<16xi1>, vector<16xf32>
    %eq3A_3115 = arith.constant 20 : i32
    %eq3A_3116 = vector.broadcast %eq3A_3115 : i32 to vector<16xi32>
    %eq3A_3117 = arith.cmpi eq, %min3A_3034, %eq3A_3116 : vector<16xi32>
    %select_n3A_3118 = arith.select %eq3A_3117, %get3A_98, %select_n3A_3114 : vector<16xi1>, vector<16xf32>
    %eq3A_3119 = arith.constant 21 : i32
    %eq3A_3120 = vector.broadcast %eq3A_3119 : i32 to vector<16xi32>
    %eq3A_3121 = arith.cmpi eq, %min3A_3034, %eq3A_3120 : vector<16xi32>
    %select_n3A_3122 = arith.select %eq3A_3121, %get3A_101, %select_n3A_3118 : vector<16xi1>, vector<16xf32>
    %eq3A_3123 = arith.constant 22 : i32
    %eq3A_3124 = vector.broadcast %eq3A_3123 : i32 to vector<16xi32>
    %eq3A_3125 = arith.cmpi eq, %min3A_3034, %eq3A_3124 : vector<16xi32>
    %select_n3A_3126 = arith.select %eq3A_3125, %get3A_104, %select_n3A_3122 : vector<16xi1>, vector<16xf32>
    %eq3A_3127 = arith.constant 23 : i32
    %eq3A_3128 = vector.broadcast %eq3A_3127 : i32 to vector<16xi32>
    %eq3A_3129 = arith.cmpi eq, %min3A_3034, %eq3A_3128 : vector<16xi32>
    %select_n3A_3130 = arith.select %eq3A_3129, %get3A_107, %select_n3A_3126 : vector<16xi1>, vector<16xf32>
    %eq3A_3131 = arith.constant 24 : i32
    %eq3A_3132 = vector.broadcast %eq3A_3131 : i32 to vector<16xi32>
    %eq3A_3133 = arith.cmpi eq, %min3A_3034, %eq3A_3132 : vector<16xi32>
    %select_n3A_3134 = arith.select %eq3A_3133, %get3A_110, %select_n3A_3130 : vector<16xi1>, vector<16xf32>
    %eq3A_3135 = arith.constant 25 : i32
    %eq3A_3136 = vector.broadcast %eq3A_3135 : i32 to vector<16xi32>
    %eq3A_3137 = arith.cmpi eq, %min3A_3034, %eq3A_3136 : vector<16xi32>
    %select_n3A_3138 = arith.select %eq3A_3137, %get3A_113, %select_n3A_3134 : vector<16xi1>, vector<16xf32>
    %eq3A_3139 = arith.constant 26 : i32
    %eq3A_3140 = vector.broadcast %eq3A_3139 : i32 to vector<16xi32>
    %eq3A_3141 = arith.cmpi eq, %min3A_3034, %eq3A_3140 : vector<16xi32>
    %select_n3A_3142 = arith.select %eq3A_3141, %get3A_116, %select_n3A_3138 : vector<16xi1>, vector<16xf32>
    %eq3A_3143 = arith.constant 27 : i32
    %eq3A_3144 = vector.broadcast %eq3A_3143 : i32 to vector<16xi32>
    %eq3A_3145 = arith.cmpi eq, %min3A_3034, %eq3A_3144 : vector<16xi32>
    %select_n3A_3146 = arith.select %eq3A_3145, %get3A_119, %select_n3A_3142 : vector<16xi1>, vector<16xf32>
    %eq3A_3147 = arith.constant 28 : i32
    %eq3A_3148 = vector.broadcast %eq3A_3147 : i32 to vector<16xi32>
    %eq3A_3149 = arith.cmpi eq, %min3A_3034, %eq3A_3148 : vector<16xi32>
    %select_n3A_3150 = arith.select %eq3A_3149, %get3A_122, %select_n3A_3146 : vector<16xi1>, vector<16xf32>
    %eq3A_3151 = arith.constant 29 : i32
    %eq3A_3152 = vector.broadcast %eq3A_3151 : i32 to vector<16xi32>
    %eq3A_3153 = arith.cmpi eq, %min3A_3034, %eq3A_3152 : vector<16xi32>
    %select_n3A_3154 = arith.select %eq3A_3153, %get3A_125, %select_n3A_3150 : vector<16xi1>, vector<16xf32>
    %eq3A_3155 = arith.constant 30 : i32
    %eq3A_3156 = vector.broadcast %eq3A_3155 : i32 to vector<16xi32>
    %eq3A_3157 = arith.cmpi eq, %min3A_3034, %eq3A_3156 : vector<16xi32>
    %select_n3A_3158 = arith.select %eq3A_3157, %get3A_128, %select_n3A_3154 : vector<16xi1>, vector<16xf32>
    %eq3A_3159 = arith.constant 31 : i32
    %eq3A_3160 = vector.broadcast %eq3A_3159 : i32 to vector<16xi32>
    %eq3A_3161 = arith.cmpi eq, %min3A_3034, %eq3A_3160 : vector<16xi32>
    %select_n3A_3162 = arith.select %eq3A_3161, %get3A_131, %select_n3A_3158 : vector<16xi1>, vector<16xf32>
    %swap3A_3163 = arith.constant 2032 : index
    %swap3A_3164 = tpu.vector_load %arg9[%swap3A_3163] {strides = array<i32>} : memref<4096xf32, #tpu.memory_space<vmem>>, vector<16xf32>,
    %swap3A_3165 = vector.shape_cast %swap3A_3164 : vector<16xf32> to vector<16xf32>
    %swap3A_3166 = vector.shape_cast %select_n3A_3162 : vector<16xf32> to vector<16xf32>
    tpu.vector_store %arg9[%swap3A_3163], %swap3A_3166 {strides = array<i32>} : memref<4096xf32, #tpu.memory_space<vmem>>, vector<16xf32>,
    %add3A_3167 = arith.constant 2032 : i32
    %add3A_3168 = vector.broadcast %add3A_3167 : i32 to vector<16xi32>
    %add3A_3169 = arith.addi %add3A_3168, %iota3A : vector<16xi32>
    %sub3A_3170 = arith.constant 2042 : i32
    %sub3A_3171 = vector.broadcast %sub3A_3170 : i32 to vector<16xi32>
    %sub3A_3172 = arith.subi %sub3A_3171, %add3A_3169 : vector<16xi32>
    %jit3A_3173 = arith.constant 0 : i32
    %jit3A_3174 = arith.constant 32 : i32
    %max3A_3175 = vector.broadcast %jit3A_3173 : i32 to vector<16xi32>
    %max3A_3176 = arith.maxsi %max3A_3175, %sub3A_3172 : vector<16xi32>
    %min3A_3177 = vector.broadcast %jit3A_3174 : i32 to vector<16xi32>
    %min3A_3178 = arith.minsi %min3A_3177, %max3A_3176 : vector<16xi32>
    %eq3A_3179 = arith.constant 0 : i32
    %eq3A_3180 = vector.broadcast %eq3A_3179 : i32 to vector<16xi32>
    %eq3A_3181 = arith.cmpi eq, %min3A_3178, %eq3A_3180 : vector<16xi32>
    %select_n3A_3182 = arith.select %eq3A_3181, %get3A_38, %get3A_134 : vector<16xi1>, vector<16xf32>
    %eq3A_3183 = arith.constant 1 : i32
    %eq3A_3184 = vector.broadcast %eq3A_3183 : i32 to vector<16xi32>
    %eq3A_3185 = arith.cmpi eq, %min3A_3178, %eq3A_3184 : vector<16xi32>
    %select_n3A_3186 = arith.select %eq3A_3185, %get3A_41, %select_n3A_3182 : vector<16xi1>, vector<16xf32>
    %eq3A_3187 = arith.constant 2 : i32
    %eq3A_3188 = vector.broadcast %eq3A_3187 : i32 to vector<16xi32>
    %eq3A_3189 = arith.cmpi eq, %min3A_3178, %eq3A_3188 : vector<16xi32>
    %select_n3A_3190 = arith.select %eq3A_3189, %get3A_44, %select_n3A_3186 : vector<16xi1>, vector<16xf32>
    %eq3A_3191 = arith.constant 3 : i32
    %eq3A_3192 = vector.broadcast %eq3A_3191 : i32 to vector<16xi32>
    %eq3A_3193 = arith.cmpi eq, %min3A_3178, %eq3A_3192 : vector<16xi32>
    %select_n3A_3194 = arith.select %eq3A_3193, %get3A_47, %select_n3A_3190 : vector<16xi1>, vector<16xf32>
    %eq3A_3195 = arith.constant 4 : i32
    %eq3A_3196 = vector.broadcast %eq3A_3195 : i32 to vector<16xi32>
    %eq3A_3197 = arith.cmpi eq, %min3A_3178, %eq3A_3196 : vector<16xi32>
    %select_n3A_3198 = arith.select %eq3A_3197, %get3A_50, %select_n3A_3194 : vector<16xi1>, vector<16xf32>
    %eq3A_3199 = arith.constant 5 : i32
    %eq3A_3200 = vector.broadcast %eq3A_3199 : i32 to vector<16xi32>
    %eq3A_3201 = arith.cmpi eq, %min3A_3178, %eq3A_3200 : vector<16xi32>
    %select_n3A_3202 = arith.select %eq3A_3201, %get3A_53, %select_n3A_3198 : vector<16xi1>, vector<16xf32>
    %eq3A_3203 = arith.constant 6 : i32
    %eq3A_3204 = vector.broadcast %eq3A_3203 : i32 to vector<16xi32>
    %eq3A_3205 = arith.cmpi eq, %min3A_3178, %eq3A_3204 : vector<16xi32>
    %select_n3A_3206 = arith.select %eq3A_3205, %get3A_56, %select_n3A_3202 : vector<16xi1>, vector<16xf32>
    %eq3A_3207 = arith.constant 7 : i32
    %eq3A_3208 = vector.broadcast %eq3A_3207 : i32 to vector<16xi32>
    %eq3A_3209 = arith.cmpi eq, %min3A_3178, %eq3A_3208 : vector<16xi32>
    %select_n3A_3210 = arith.select %eq3A_3209, %get3A_59, %select_n3A_3206 : vector<16xi1>, vector<16xf32>
    %eq3A_3211 = arith.constant 8 : i32
    %eq3A_3212 = vector.broadcast %eq3A_3211 : i32 to vector<16xi32>
    %eq3A_3213 = arith.cmpi eq, %min3A_3178, %eq3A_3212 : vector<16xi32>
    %select_n3A_3214 = arith.select %eq3A_3213, %get3A_62, %select_n3A_3210 : vector<16xi1>, vector<16xf32>
    %eq3A_3215 = arith.constant 9 : i32
    %eq3A_3216 = vector.broadcast %eq3A_3215 : i32 to vector<16xi32>
    %eq3A_3217 = arith.cmpi eq, %min3A_3178, %eq3A_3216 : vector<16xi32>
    %select_n3A_3218 = arith.select %eq3A_3217, %get3A_65, %select_n3A_3214 : vector<16xi1>, vector<16xf32>
    %eq3A_3219 = arith.constant 10 : i32
    %eq3A_3220 = vector.broadcast %eq3A_3219 : i32 to vector<16xi32>
    %eq3A_3221 = arith.cmpi eq, %min3A_3178, %eq3A_3220 : vector<16xi32>
    %select_n3A_3222 = arith.select %eq3A_3221, %get3A_68, %select_n3A_3218 : vector<16xi1>, vector<16xf32>
    %eq3A_3223 = arith.constant 11 : i32
    %eq3A_3224 = vector.broadcast %eq3A_3223 : i32 to vector<16xi32>
    %eq3A_3225 = arith.cmpi eq, %min3A_3178, %eq3A_3224 : vector<16xi32>
    %select_n3A_3226 = arith.select %eq3A_3225, %get3A_71, %select_n3A_3222 : vector<16xi1>, vector<16xf32>
    %eq3A_3227 = arith.constant 12 : i32
    %eq3A_3228 = vector.broadcast %eq3A_3227 : i32 to vector<16xi32>
    %eq3A_3229 = arith.cmpi eq, %min3A_3178, %eq3A_3228 : vector<16xi32>
    %select_n3A_3230 = arith.select %eq3A_3229, %get3A_74, %select_n3A_3226 : vector<16xi1>, vector<16xf32>
    %eq3A_3231 = arith.constant 13 : i32
    %eq3A_3232 = vector.broadcast %eq3A_3231 : i32 to vector<16xi32>
    %eq3A_3233 = arith.cmpi eq, %min3A_3178, %eq3A_3232 : vector<16xi32>
    %select_n3A_3234 = arith.select %eq3A_3233, %get3A_77, %select_n3A_3230 : vector<16xi1>, vector<16xf32>
    %eq3A_3235 = arith.constant 14 : i32
    %eq3A_3236 = vector.broadcast %eq3A_3235 : i32 to vector<16xi32>
    %eq3A_3237 = arith.cmpi eq, %min3A_3178, %eq3A_3236 : vector<16xi32>
    %select_n3A_3238 = arith.select %eq3A_3237, %get3A_80, %select_n3A_3234 : vector<16xi1>, vector<16xf32>
    %eq3A_3239 = arith.constant 15 : i32
    %eq3A_3240 = vector.broadcast %eq3A_3239 : i32 to vector<16xi32>
    %eq3A_3241 = arith.cmpi eq, %min3A_3178, %eq3A_3240 : vector<16xi32>
    %select_n3A_3242 = arith.select %eq3A_3241, %get3A_83, %select_n3A_3238 : vector<16xi1>, vector<16xf32>
    %eq3A_3243 = arith.constant 16 : i32
    %eq3A_3244 = vector.broadcast %eq3A_3243 : i32 to vector<16xi32>
    %eq3A_3245 = arith.cmpi eq, %min3A_3178, %eq3A_3244 : vector<16xi32>
    %select_n3A_3246 = arith.select %eq3A_3245, %get3A_86, %select_n3A_3242 : vector<16xi1>, vector<16xf32>
    %eq3A_3247 = arith.constant 17 : i32
    %eq3A_3248 = vector.broadcast %eq3A_3247 : i32 to vector<16xi32>
    %eq3A_3249 = arith.cmpi eq, %min3A_3178, %eq3A_3248 : vector<16xi32>
    %select_n3A_3250 = arith.select %eq3A_3249, %get3A_89, %select_n3A_3246 : vector<16xi1>, vector<16xf32>
    %eq3A_3251 = arith.constant 18 : i32
    %eq3A_3252 = vector.broadcast %eq3A_3251 : i32 to vector<16xi32>
    %eq3A_3253 = arith.cmpi eq, %min3A_3178, %eq3A_3252 : vector<16xi32>
    %select_n3A_3254 = arith.select %eq3A_3253, %get3A_92, %select_n3A_3250 : vector<16xi1>, vector<16xf32>
    %eq3A_3255 = arith.constant 19 : i32
    %eq3A_3256 = vector.broadcast %eq3A_3255 : i32 to vector<16xi32>
    %eq3A_3257 = arith.cmpi eq, %min3A_3178, %eq3A_3256 : vector<16xi32>
    %select_n3A_3258 = arith.select %eq3A_3257, %get3A_95, %select_n3A_3254 : vector<16xi1>, vector<16xf32>
    %eq3A_3259 = arith.constant 20 : i32
    %eq3A_3260 = vector.broadcast %eq3A_3259 : i32 to vector<16xi32>
    %eq3A_3261 = arith.cmpi eq, %min3A_3178, %eq3A_3260 : vector<16xi32>
    %select_n3A_3262 = arith.select %eq3A_3261, %get3A_98, %select_n3A_3258 : vector<16xi1>, vector<16xf32>
    %eq3A_3263 = arith.constant 21 : i32
    %eq3A_3264 = vector.broadcast %eq3A_3263 : i32 to vector<16xi32>
    %eq3A_3265 = arith.cmpi eq, %min3A_3178, %eq3A_3264 : vector<16xi32>
    %select_n3A_3266 = arith.select %eq3A_3265, %get3A_101, %select_n3A_3262 : vector<16xi1>, vector<16xf32>
    %eq3A_3267 = arith.constant 22 : i32
    %eq3A_3268 = vector.broadcast %eq3A_3267 : i32 to vector<16xi32>
    %eq3A_3269 = arith.cmpi eq, %min3A_3178, %eq3A_3268 : vector<16xi32>
    %select_n3A_3270 = arith.select %eq3A_3269, %get3A_104, %select_n3A_3266 : vector<16xi1>, vector<16xf32>
    %eq3A_3271 = arith.constant 23 : i32
    %eq3A_3272 = vector.broadcast %eq3A_3271 : i32 to vector<16xi32>
    %eq3A_3273 = arith.cmpi eq, %min3A_3178, %eq3A_3272 : vector<16xi32>
    %select_n3A_3274 = arith.select %eq3A_3273, %get3A_107, %select_n3A_3270 : vector<16xi1>, vector<16xf32>
    %eq3A_3275 = arith.constant 24 : i32
    %eq3A_3276 = vector.broadcast %eq3A_3275 : i32 to vector<16xi32>
    %eq3A_3277 = arith.cmpi eq, %min3A_3178, %eq3A_3276 : vector<16xi32>
    %select_n3A_3278 = arith.select %eq3A_3277, %get3A_110, %select_n3A_3274 : vector<16xi1>, vector<16xf32>
    %eq3A_3279 = arith.constant 25 : i32
    %eq3A_3280 = vector.broadcast %eq3A_3279 : i32 to vector<16xi32>
    %eq3A_3281 = arith.cmpi eq, %min3A_3178, %eq3A_3280 : vector<16xi32>
    %select_n3A_3282 = arith.select %eq3A_3281, %get3A_113, %select_n3A_3278 : vector<16xi1>, vector<16xf32>
    %eq3A_3283 = arith.constant 26 : i32
    %eq3A_3284 = vector.broadcast %eq3A_3283 : i32 to vector<16xi32>
    %eq3A_3285 = arith.cmpi eq, %min3A_3178, %eq3A_3284 : vector<16xi32>
    %select_n3A_3286 = arith.select %eq3A_3285, %get3A_116, %select_n3A_3282 : vector<16xi1>, vector<16xf32>
    %eq3A_3287 = arith.constant 27 : i32
    %eq3A_3288 = vector.broadcast %eq3A_3287 : i32 to vector<16xi32>
    %eq3A_3289 = arith.cmpi eq, %min3A_3178, %eq3A_3288 : vector<16xi32>
    %select_n3A_3290 = arith.select %eq3A_3289, %get3A_119, %select_n3A_3286 : vector<16xi1>, vector<16xf32>
    %eq3A_3291 = arith.constant 28 : i32
    %eq3A_3292 = vector.broadcast %eq3A_3291 : i32 to vector<16xi32>
    %eq3A_3293 = arith.cmpi eq, %min3A_3178, %eq3A_3292 : vector<16xi32>
    %select_n3A_3294 = arith.select %eq3A_3293, %get3A_122, %select_n3A_3290 : vector<16xi1>, vector<16xf32>
    %eq3A_3295 = arith.constant 29 : i32
    %eq3A_3296 = vector.broadcast %eq3A_3295 : i32 to vector<16xi32>
    %eq3A_3297 = arith.cmpi eq, %min3A_3178, %eq3A_3296 : vector<16xi32>
    %select_n3A_3298 = arith.select %eq3A_3297, %get3A_125, %select_n3A_3294 : vector<16xi1>, vector<16xf32>
    %eq3A_3299 = arith.constant 30 : i32
    %eq3A_3300 = vector.broadcast %eq3A_3299 : i32 to vector<16xi32>
    %eq3A_3301 = arith.cmpi eq, %min3A_3178, %eq3A_3300 : vector<16xi32>
    %select_n3A_3302 = arith.select %eq3A_3301, %get3A_128, %select_n3A_3298 : vector<16xi1>, vector<16xf32>
    %eq3A_3303 = arith.constant 31 : i32
    %eq3A_3304 = vector.broadcast %eq3A_3303 : i32 to vector<16xi32>
    %eq3A_3305 = arith.cmpi eq, %min3A_3178, %eq3A_3304 : vector<16xi32>
    %select_n3A_3306 = arith.select %eq3A_3305, %get3A_131, %select_n3A_3302 : vector<16xi1>, vector<16xf32>
    %swap3A_3307 = arith.constant 2032 : index
    %swap3A_3308 = tpu.vector_load %arg10[%swap3A_3307] {strides = array<i32>} : memref<4096xf32, #tpu.memory_space<vmem>>, vector<16xf32>,
    %swap3A_3309 = vector.shape_cast %swap3A_3308 : vector<16xf32> to vector<16xf32>
    %swap3A_3310 = vector.shape_cast %select_n3A_3306 : vector<16xf32> to vector<16xf32>
    tpu.vector_store %arg10[%swap3A_3307], %swap3A_3310 {strides = array<i32>} : memref<4096xf32, #tpu.memory_space<vmem>>, vector<16xf32>,
    %add3A_3311 = arith.constant 2032 : i32
    %add3A_3312 = vector.broadcast %add3A_3311 : i32 to vector<16xi32>
    %add3A_3313 = arith.addi %add3A_3312, %iota3A : vector<16xi32>
    %sub3A_3314 = arith.constant 2041 : i32
    %sub3A_3315 = vector.broadcast %sub3A_3314 : i32 to vector<16xi32>
    %sub3A_3316 = arith.subi %sub3A_3315, %add3A_3313 : vector<16xi32>
    %jit3A_3317 = arith.constant 0 : i32
    %jit3A_3318 = arith.constant 32 : i32
    %max3A_3319 = vector.broadcast %jit3A_3317 : i32 to vector<16xi32>
    %max3A_3320 = arith.maxsi %max3A_3319, %sub3A_3316 : vector<16xi32>
    %min3A_3321 = vector.broadcast %jit3A_3318 : i32 to vector<16xi32>
    %min3A_3322 = arith.minsi %min3A_3321, %max3A_3320 : vector<16xi32>
    %eq3A_3323 = arith.constant 0 : i32
    %eq3A_3324 = vector.broadcast %eq3A_3323 : i32 to vector<16xi32>
    %eq3A_3325 = arith.cmpi eq, %min3A_3322, %eq3A_3324 : vector<16xi32>
    %select_n3A_3326 = arith.select %eq3A_3325, %get3A_38, %get3A_134 : vector<16xi1>, vector<16xf32>
    %eq3A_3327 = arith.constant 1 : i32
    %eq3A_3328 = vector.broadcast %eq3A_3327 : i32 to vector<16xi32>
    %eq3A_3329 = arith.cmpi eq, %min3A_3322, %eq3A_3328 : vector<16xi32>
    %select_n3A_3330 = arith.select %eq3A_3329, %get3A_41, %select_n3A_3326 : vector<16xi1>, vector<16xf32>
    %eq3A_3331 = arith.constant 2 : i32
    %eq3A_3332 = vector.broadcast %eq3A_3331 : i32 to vector<16xi32>
    %eq3A_3333 = arith.cmpi eq, %min3A_3322, %eq3A_3332 : vector<16xi32>
    %select_n3A_3334 = arith.select %eq3A_3333, %get3A_44, %select_n3A_3330 : vector<16xi1>, vector<16xf32>
    %eq3A_3335 = arith.constant 3 : i32
    %eq3A_3336 = vector.broadcast %eq3A_3335 : i32 to vector<16xi32>
    %eq3A_3337 = arith.cmpi eq, %min3A_3322, %eq3A_3336 : vector<16xi32>
    %select_n3A_3338 = arith.select %eq3A_3337, %get3A_47, %select_n3A_3334 : vector<16xi1>, vector<16xf32>
    %eq3A_3339 = arith.constant 4 : i32
    %eq3A_3340 = vector.broadcast %eq3A_3339 : i32 to vector<16xi32>
    %eq3A_3341 = arith.cmpi eq, %min3A_3322, %eq3A_3340 : vector<16xi32>
    %select_n3A_3342 = arith.select %eq3A_3341, %get3A_50, %select_n3A_3338 : vector<16xi1>, vector<16xf32>
    %eq3A_3343 = arith.constant 5 : i32
    %eq3A_3344 = vector.broadcast %eq3A_3343 : i32 to vector<16xi32>
    %eq3A_3345 = arith.cmpi eq, %min3A_3322, %eq3A_3344 : vector<16xi32>
    %select_n3A_3346 = arith.select %eq3A_3345, %get3A_53, %select_n3A_3342 : vector<16xi1>, vector<16xf32>
    %eq3A_3347 = arith.constant 6 : i32
    %eq3A_3348 = vector.broadcast %eq3A_3347 : i32 to vector<16xi32>
    %eq3A_3349 = arith.cmpi eq, %min3A_3322, %eq3A_3348 : vector<16xi32>
    %select_n3A_3350 = arith.select %eq3A_3349, %get3A_56, %select_n3A_3346 : vector<16xi1>, vector<16xf32>
    %eq3A_3351 = arith.constant 7 : i32
    %eq3A_3352 = vector.broadcast %eq3A_3351 : i32 to vector<16xi32>
    %eq3A_3353 = arith.cmpi eq, %min3A_3322, %eq3A_3352 : vector<16xi32>
    %select_n3A_3354 = arith.select %eq3A_3353, %get3A_59, %select_n3A_3350 : vector<16xi1>, vector<16xf32>
    %eq3A_3355 = arith.constant 8 : i32
    %eq3A_3356 = vector.broadcast %eq3A_3355 : i32 to vector<16xi32>
    %eq3A_3357 = arith.cmpi eq, %min3A_3322, %eq3A_3356 : vector<16xi32>
    %select_n3A_3358 = arith.select %eq3A_3357, %get3A_62, %select_n3A_3354 : vector<16xi1>, vector<16xf32>
    %eq3A_3359 = arith.constant 9 : i32
    %eq3A_3360 = vector.broadcast %eq3A_3359 : i32 to vector<16xi32>
    %eq3A_3361 = arith.cmpi eq, %min3A_3322, %eq3A_3360 : vector<16xi32>
    %select_n3A_3362 = arith.select %eq3A_3361, %get3A_65, %select_n3A_3358 : vector<16xi1>, vector<16xf32>
    %eq3A_3363 = arith.constant 10 : i32
    %eq3A_3364 = vector.broadcast %eq3A_3363 : i32 to vector<16xi32>
    %eq3A_3365 = arith.cmpi eq, %min3A_3322, %eq3A_3364 : vector<16xi32>
    %select_n3A_3366 = arith.select %eq3A_3365, %get3A_68, %select_n3A_3362 : vector<16xi1>, vector<16xf32>
    %eq3A_3367 = arith.constant 11 : i32
    %eq3A_3368 = vector.broadcast %eq3A_3367 : i32 to vector<16xi32>
    %eq3A_3369 = arith.cmpi eq, %min3A_3322, %eq3A_3368 : vector<16xi32>
    %select_n3A_3370 = arith.select %eq3A_3369, %get3A_71, %select_n3A_3366 : vector<16xi1>, vector<16xf32>
    %eq3A_3371 = arith.constant 12 : i32
    %eq3A_3372 = vector.broadcast %eq3A_3371 : i32 to vector<16xi32>
    %eq3A_3373 = arith.cmpi eq, %min3A_3322, %eq3A_3372 : vector<16xi32>
    %select_n3A_3374 = arith.select %eq3A_3373, %get3A_74, %select_n3A_3370 : vector<16xi1>, vector<16xf32>
    %eq3A_3375 = arith.constant 13 : i32
    %eq3A_3376 = vector.broadcast %eq3A_3375 : i32 to vector<16xi32>
    %eq3A_3377 = arith.cmpi eq, %min3A_3322, %eq3A_3376 : vector<16xi32>
    %select_n3A_3378 = arith.select %eq3A_3377, %get3A_77, %select_n3A_3374 : vector<16xi1>, vector<16xf32>
    %eq3A_3379 = arith.constant 14 : i32
    %eq3A_3380 = vector.broadcast %eq3A_3379 : i32 to vector<16xi32>
    %eq3A_3381 = arith.cmpi eq, %min3A_3322, %eq3A_3380 : vector<16xi32>
    %select_n3A_3382 = arith.select %eq3A_3381, %get3A_80, %select_n3A_3378 : vector<16xi1>, vector<16xf32>
    %eq3A_3383 = arith.constant 15 : i32
    %eq3A_3384 = vector.broadcast %eq3A_3383 : i32 to vector<16xi32>
    %eq3A_3385 = arith.cmpi eq, %min3A_3322, %eq3A_3384 : vector<16xi32>
    %select_n3A_3386 = arith.select %eq3A_3385, %get3A_83, %select_n3A_3382 : vector<16xi1>, vector<16xf32>
    %eq3A_3387 = arith.constant 16 : i32
    %eq3A_3388 = vector.broadcast %eq3A_3387 : i32 to vector<16xi32>
    %eq3A_3389 = arith.cmpi eq, %min3A_3322, %eq3A_3388 : vector<16xi32>
    %select_n3A_3390 = arith.select %eq3A_3389, %get3A_86, %select_n3A_3386 : vector<16xi1>, vector<16xf32>
    %eq3A_3391 = arith.constant 17 : i32
    %eq3A_3392 = vector.broadcast %eq3A_3391 : i32 to vector<16xi32>
    %eq3A_3393 = arith.cmpi eq, %min3A_3322, %eq3A_3392 : vector<16xi32>
    %select_n3A_3394 = arith.select %eq3A_3393, %get3A_89, %select_n3A_3390 : vector<16xi1>, vector<16xf32>
    %eq3A_3395 = arith.constant 18 : i32
    %eq3A_3396 = vector.broadcast %eq3A_3395 : i32 to vector<16xi32>
    %eq3A_3397 = arith.cmpi eq, %min3A_3322, %eq3A_3396 : vector<16xi32>
    %select_n3A_3398 = arith.select %eq3A_3397, %get3A_92, %select_n3A_3394 : vector<16xi1>, vector<16xf32>
    %eq3A_3399 = arith.constant 19 : i32
    %eq3A_3400 = vector.broadcast %eq3A_3399 : i32 to vector<16xi32>
    %eq3A_3401 = arith.cmpi eq, %min3A_3322, %eq3A_3400 : vector<16xi32>
    %select_n3A_3402 = arith.select %eq3A_3401, %get3A_95, %select_n3A_3398 : vector<16xi1>, vector<16xf32>
    %eq3A_3403 = arith.constant 20 : i32
    %eq3A_3404 = vector.broadcast %eq3A_3403 : i32 to vector<16xi32>
    %eq3A_3405 = arith.cmpi eq, %min3A_3322, %eq3A_3404 : vector<16xi32>
    %select_n3A_3406 = arith.select %eq3A_3405, %get3A_98, %select_n3A_3402 : vector<16xi1>, vector<16xf32>
    %eq3A_3407 = arith.constant 21 : i32
    %eq3A_3408 = vector.broadcast %eq3A_3407 : i32 to vector<16xi32>
    %eq3A_3409 = arith.cmpi eq, %min3A_3322, %eq3A_3408 : vector<16xi32>
    %select_n3A_3410 = arith.select %eq3A_3409, %get3A_101, %select_n3A_3406 : vector<16xi1>, vector<16xf32>
    %eq3A_3411 = arith.constant 22 : i32
    %eq3A_3412 = vector.broadcast %eq3A_3411 : i32 to vector<16xi32>
    %eq3A_3413 = arith.cmpi eq, %min3A_3322, %eq3A_3412 : vector<16xi32>
    %select_n3A_3414 = arith.select %eq3A_3413, %get3A_104, %select_n3A_3410 : vector<16xi1>, vector<16xf32>
    %eq3A_3415 = arith.constant 23 : i32
    %eq3A_3416 = vector.broadcast %eq3A_3415 : i32 to vector<16xi32>
    %eq3A_3417 = arith.cmpi eq, %min3A_3322, %eq3A_3416 : vector<16xi32>
    %select_n3A_3418 = arith.select %eq3A_3417, %get3A_107, %select_n3A_3414 : vector<16xi1>, vector<16xf32>
    %eq3A_3419 = arith.constant 24 : i32
    %eq3A_3420 = vector.broadcast %eq3A_3419 : i32 to vector<16xi32>
    %eq3A_3421 = arith.cmpi eq, %min3A_3322, %eq3A_3420 : vector<16xi32>
    %select_n3A_3422 = arith.select %eq3A_3421, %get3A_110, %select_n3A_3418 : vector<16xi1>, vector<16xf32>
    %eq3A_3423 = arith.constant 25 : i32
    %eq3A_3424 = vector.broadcast %eq3A_3423 : i32 to vector<16xi32>
    %eq3A_3425 = arith.cmpi eq, %min3A_3322, %eq3A_3424 : vector<16xi32>
    %select_n3A_3426 = arith.select %eq3A_3425, %get3A_113, %select_n3A_3422 : vector<16xi1>, vector<16xf32>
    %eq3A_3427 = arith.constant 26 : i32
    %eq3A_3428 = vector.broadcast %eq3A_3427 : i32 to vector<16xi32>
    %eq3A_3429 = arith.cmpi eq, %min3A_3322, %eq3A_3428 : vector<16xi32>
    %select_n3A_3430 = arith.select %eq3A_3429, %get3A_116, %select_n3A_3426 : vector<16xi1>, vector<16xf32>
    %eq3A_3431 = arith.constant 27 : i32
    %eq3A_3432 = vector.broadcast %eq3A_3431 : i32 to vector<16xi32>
    %eq3A_3433 = arith.cmpi eq, %min3A_3322, %eq3A_3432 : vector<16xi32>
    %select_n3A_3434 = arith.select %eq3A_3433, %get3A_119, %select_n3A_3430 : vector<16xi1>, vector<16xf32>
    %eq3A_3435 = arith.constant 28 : i32
    %eq3A_3436 = vector.broadcast %eq3A_3435 : i32 to vector<16xi32>
    %eq3A_3437 = arith.cmpi eq, %min3A_3322, %eq3A_3436 : vector<16xi32>
    %select_n3A_3438 = arith.select %eq3A_3437, %get3A_122, %select_n3A_3434 : vector<16xi1>, vector<16xf32>
    %eq3A_3439 = arith.constant 29 : i32
    %eq3A_3440 = vector.broadcast %eq3A_3439 : i32 to vector<16xi32>
    %eq3A_3441 = arith.cmpi eq, %min3A_3322, %eq3A_3440 : vector<16xi32>
    %select_n3A_3442 = arith.select %eq3A_3441, %get3A_125, %select_n3A_3438 : vector<16xi1>, vector<16xf32>
    %eq3A_3443 = arith.constant 30 : i32
    %eq3A_3444 = vector.broadcast %eq3A_3443 : i32 to vector<16xi32>
    %eq3A_3445 = arith.cmpi eq, %min3A_3322, %eq3A_3444 : vector<16xi32>
    %select_n3A_3446 = arith.select %eq3A_3445, %get3A_128, %select_n3A_3442 : vector<16xi1>, vector<16xf32>
    %eq3A_3447 = arith.constant 31 : i32
    %eq3A_3448 = vector.broadcast %eq3A_3447 : i32 to vector<16xi32>
    %eq3A_3449 = arith.cmpi eq, %min3A_3322, %eq3A_3448 : vector<16xi32>
    %select_n3A_3450 = arith.select %eq3A_3449, %get3A_131, %select_n3A_3446 : vector<16xi1>, vector<16xf32>
    %swap3A_3451 = arith.constant 2032 : index
    %swap3A_3452 = tpu.vector_load %arg11[%swap3A_3451] {strides = array<i32>} : memref<4096xf32, #tpu.memory_space<vmem>>, vector<16xf32>,
    %swap3A_3453 = vector.shape_cast %swap3A_3452 : vector<16xf32> to vector<16xf32>
    %swap3A_3454 = vector.shape_cast %select_n3A_3450 : vector<16xf32> to vector<16xf32>
    tpu.vector_store %arg11[%swap3A_3451], %swap3A_3454 {strides = array<i32>} : memref<4096xf32, #tpu.memory_space<vmem>>, vector<16xf32>,
    %add3A_3455 = arith.constant 2032 : i32
    %add3A_3456 = vector.broadcast %add3A_3455 : i32 to vector<16xi32>
    %add3A_3457 = arith.addi %add3A_3456, %iota3A : vector<16xi32>
    %sub3A_3458 = arith.constant 2040 : i32
    %sub3A_3459 = vector.broadcast %sub3A_3458 : i32 to vector<16xi32>
    %sub3A_3460 = arith.subi %sub3A_3459, %add3A_3457 : vector<16xi32>
    %jit3A_3461 = arith.constant 0 : i32
    %jit3A_3462 = arith.constant 32 : i32
    %max3A_3463 = vector.broadcast %jit3A_3461 : i32 to vector<16xi32>
    %max3A_3464 = arith.maxsi %max3A_3463, %sub3A_3460 : vector<16xi32>
    %min3A_3465 = vector.broadcast %jit3A_3462 : i32 to vector<16xi32>
    %min3A_3466 = arith.minsi %min3A_3465, %max3A_3464 : vector<16xi32>
    %eq3A_3467 = arith.constant 0 : i32
    %eq3A_3468 = vector.broadcast %eq3A_3467 : i32 to vector<16xi32>
    %eq3A_3469 = arith.cmpi eq, %min3A_3466, %eq3A_3468 : vector<16xi32>
    %select_n3A_3470 = arith.select %eq3A_3469, %get3A_38, %get3A_134 : vector<16xi1>, vector<16xf32>
    %eq3A_3471 = arith.constant 1 : i32
    %eq3A_3472 = vector.broadcast %eq3A_3471 : i32 to vector<16xi32>
    %eq3A_3473 = arith.cmpi eq, %min3A_3466, %eq3A_3472 : vector<16xi32>
    %select_n3A_3474 = arith.select %eq3A_3473, %get3A_41, %select_n3A_3470 : vector<16xi1>, vector<16xf32>
    %eq3A_3475 = arith.constant 2 : i32
    %eq3A_3476 = vector.broadcast %eq3A_3475 : i32 to vector<16xi32>
    %eq3A_3477 = arith.cmpi eq, %min3A_3466, %eq3A_3476 : vector<16xi32>
    %select_n3A_3478 = arith.select %eq3A_3477, %get3A_44, %select_n3A_3474 : vector<16xi1>, vector<16xf32>
    %eq3A_3479 = arith.constant 3 : i32
    %eq3A_3480 = vector.broadcast %eq3A_3479 : i32 to vector<16xi32>
    %eq3A_3481 = arith.cmpi eq, %min3A_3466, %eq3A_3480 : vector<16xi32>
    %select_n3A_3482 = arith.select %eq3A_3481, %get3A_47, %select_n3A_3478 : vector<16xi1>, vector<16xf32>
    %eq3A_3483 = arith.constant 4 : i32
    %eq3A_3484 = vector.broadcast %eq3A_3483 : i32 to vector<16xi32>
    %eq3A_3485 = arith.cmpi eq, %min3A_3466, %eq3A_3484 : vector<16xi32>
    %select_n3A_3486 = arith.select %eq3A_3485, %get3A_50, %select_n3A_3482 : vector<16xi1>, vector<16xf32>
    %eq3A_3487 = arith.constant 5 : i32
    %eq3A_3488 = vector.broadcast %eq3A_3487 : i32 to vector<16xi32>
    %eq3A_3489 = arith.cmpi eq, %min3A_3466, %eq3A_3488 : vector<16xi32>
    %select_n3A_3490 = arith.select %eq3A_3489, %get3A_53, %select_n3A_3486 : vector<16xi1>, vector<16xf32>
    %eq3A_3491 = arith.constant 6 : i32
    %eq3A_3492 = vector.broadcast %eq3A_3491 : i32 to vector<16xi32>
    %eq3A_3493 = arith.cmpi eq, %min3A_3466, %eq3A_3492 : vector<16xi32>
    %select_n3A_3494 = arith.select %eq3A_3493, %get3A_56, %select_n3A_3490 : vector<16xi1>, vector<16xf32>
    %eq3A_3495 = arith.constant 7 : i32
    %eq3A_3496 = vector.broadcast %eq3A_3495 : i32 to vector<16xi32>
    %eq3A_3497 = arith.cmpi eq, %min3A_3466, %eq3A_3496 : vector<16xi32>
    %select_n3A_3498 = arith.select %eq3A_3497, %get3A_59, %select_n3A_3494 : vector<16xi1>, vector<16xf32>
    %eq3A_3499 = arith.constant 8 : i32
    %eq3A_3500 = vector.broadcast %eq3A_3499 : i32 to vector<16xi32>
    %eq3A_3501 = arith.cmpi eq, %min3A_3466, %eq3A_3500 : vector<16xi32>
    %select_n3A_3502 = arith.select %eq3A_3501, %get3A_62, %select_n3A_3498 : vector<16xi1>, vector<16xf32>
    %eq3A_3503 = arith.constant 9 : i32
    %eq3A_3504 = vector.broadcast %eq3A_3503 : i32 to vector<16xi32>
    %eq3A_3505 = arith.cmpi eq, %min3A_3466, %eq3A_3504 : vector<16xi32>
    %select_n3A_3506 = arith.select %eq3A_3505, %get3A_65, %select_n3A_3502 : vector<16xi1>, vector<16xf32>
    %eq3A_3507 = arith.constant 10 : i32
    %eq3A_3508 = vector.broadcast %eq3A_3507 : i32 to vector<16xi32>
    %eq3A_3509 = arith.cmpi eq, %min3A_3466, %eq3A_3508 : vector<16xi32>
    %select_n3A_3510 = arith.select %eq3A_3509, %get3A_68, %select_n3A_3506 : vector<16xi1>, vector<16xf32>
    %eq3A_3511 = arith.constant 11 : i32
    %eq3A_3512 = vector.broadcast %eq3A_3511 : i32 to vector<16xi32>
    %eq3A_3513 = arith.cmpi eq, %min3A_3466, %eq3A_3512 : vector<16xi32>
    %select_n3A_3514 = arith.select %eq3A_3513, %get3A_71, %select_n3A_3510 : vector<16xi1>, vector<16xf32>
    %eq3A_3515 = arith.constant 12 : i32
    %eq3A_3516 = vector.broadcast %eq3A_3515 : i32 to vector<16xi32>
    %eq3A_3517 = arith.cmpi eq, %min3A_3466, %eq3A_3516 : vector<16xi32>
    %select_n3A_3518 = arith.select %eq3A_3517, %get3A_74, %select_n3A_3514 : vector<16xi1>, vector<16xf32>
    %eq3A_3519 = arith.constant 13 : i32
    %eq3A_3520 = vector.broadcast %eq3A_3519 : i32 to vector<16xi32>
    %eq3A_3521 = arith.cmpi eq, %min3A_3466, %eq3A_3520 : vector<16xi32>
    %select_n3A_3522 = arith.select %eq3A_3521, %get3A_77, %select_n3A_3518 : vector<16xi1>, vector<16xf32>
    %eq3A_3523 = arith.constant 14 : i32
    %eq3A_3524 = vector.broadcast %eq3A_3523 : i32 to vector<16xi32>
    %eq3A_3525 = arith.cmpi eq, %min3A_3466, %eq3A_3524 : vector<16xi32>
    %select_n3A_3526 = arith.select %eq3A_3525, %get3A_80, %select_n3A_3522 : vector<16xi1>, vector<16xf32>
    %eq3A_3527 = arith.constant 15 : i32
    %eq3A_3528 = vector.broadcast %eq3A_3527 : i32 to vector<16xi32>
    %eq3A_3529 = arith.cmpi eq, %min3A_3466, %eq3A_3528 : vector<16xi32>
    %select_n3A_3530 = arith.select %eq3A_3529, %get3A_83, %select_n3A_3526 : vector<16xi1>, vector<16xf32>
    %eq3A_3531 = arith.constant 16 : i32
    %eq3A_3532 = vector.broadcast %eq3A_3531 : i32 to vector<16xi32>
    %eq3A_3533 = arith.cmpi eq, %min3A_3466, %eq3A_3532 : vector<16xi32>
    %select_n3A_3534 = arith.select %eq3A_3533, %get3A_86, %select_n3A_3530 : vector<16xi1>, vector<16xf32>
    %eq3A_3535 = arith.constant 17 : i32
    %eq3A_3536 = vector.broadcast %eq3A_3535 : i32 to vector<16xi32>
    %eq3A_3537 = arith.cmpi eq, %min3A_3466, %eq3A_3536 : vector<16xi32>
    %select_n3A_3538 = arith.select %eq3A_3537, %get3A_89, %select_n3A_3534 : vector<16xi1>, vector<16xf32>
    %eq3A_3539 = arith.constant 18 : i32
    %eq3A_3540 = vector.broadcast %eq3A_3539 : i32 to vector<16xi32>
    %eq3A_3541 = arith.cmpi eq, %min3A_3466, %eq3A_3540 : vector<16xi32>
    %select_n3A_3542 = arith.select %eq3A_3541, %get3A_92, %select_n3A_3538 : vector<16xi1>, vector<16xf32>
    %eq3A_3543 = arith.constant 19 : i32
    %eq3A_3544 = vector.broadcast %eq3A_3543 : i32 to vector<16xi32>
    %eq3A_3545 = arith.cmpi eq, %min3A_3466, %eq3A_3544 : vector<16xi32>
    %select_n3A_3546 = arith.select %eq3A_3545, %get3A_95, %select_n3A_3542 : vector<16xi1>, vector<16xf32>
    %eq3A_3547 = arith.constant 20 : i32
    %eq3A_3548 = vector.broadcast %eq3A_3547 : i32 to vector<16xi32>
    %eq3A_3549 = arith.cmpi eq, %min3A_3466, %eq3A_3548 : vector<16xi32>
    %select_n3A_3550 = arith.select %eq3A_3549, %get3A_98, %select_n3A_3546 : vector<16xi1>, vector<16xf32>
    %eq3A_3551 = arith.constant 21 : i32
    %eq3A_3552 = vector.broadcast %eq3A_3551 : i32 to vector<16xi32>
    %eq3A_3553 = arith.cmpi eq, %min3A_3466, %eq3A_3552 : vector<16xi32>
    %select_n3A_3554 = arith.select %eq3A_3553, %get3A_101, %select_n3A_3550 : vector<16xi1>, vector<16xf32>
    %eq3A_3555 = arith.constant 22 : i32
    %eq3A_3556 = vector.broadcast %eq3A_3555 : i32 to vector<16xi32>
    %eq3A_3557 = arith.cmpi eq, %min3A_3466, %eq3A_3556 : vector<16xi32>
    %select_n3A_3558 = arith.select %eq3A_3557, %get3A_104, %select_n3A_3554 : vector<16xi1>, vector<16xf32>
    %eq3A_3559 = arith.constant 23 : i32
    %eq3A_3560 = vector.broadcast %eq3A_3559 : i32 to vector<16xi32>
    %eq3A_3561 = arith.cmpi eq, %min3A_3466, %eq3A_3560 : vector<16xi32>
    %select_n3A_3562 = arith.select %eq3A_3561, %get3A_107, %select_n3A_3558 : vector<16xi1>, vector<16xf32>
    %eq3A_3563 = arith.constant 24 : i32
    %eq3A_3564 = vector.broadcast %eq3A_3563 : i32 to vector<16xi32>
    %eq3A_3565 = arith.cmpi eq, %min3A_3466, %eq3A_3564 : vector<16xi32>
    %select_n3A_3566 = arith.select %eq3A_3565, %get3A_110, %select_n3A_3562 : vector<16xi1>, vector<16xf32>
    %eq3A_3567 = arith.constant 25 : i32
    %eq3A_3568 = vector.broadcast %eq3A_3567 : i32 to vector<16xi32>
    %eq3A_3569 = arith.cmpi eq, %min3A_3466, %eq3A_3568 : vector<16xi32>
    %select_n3A_3570 = arith.select %eq3A_3569, %get3A_113, %select_n3A_3566 : vector<16xi1>, vector<16xf32>
    %eq3A_3571 = arith.constant 26 : i32
    %eq3A_3572 = vector.broadcast %eq3A_3571 : i32 to vector<16xi32>
    %eq3A_3573 = arith.cmpi eq, %min3A_3466, %eq3A_3572 : vector<16xi32>
    %select_n3A_3574 = arith.select %eq3A_3573, %get3A_116, %select_n3A_3570 : vector<16xi1>, vector<16xf32>
    %eq3A_3575 = arith.constant 27 : i32
    %eq3A_3576 = vector.broadcast %eq3A_3575 : i32 to vector<16xi32>
    %eq3A_3577 = arith.cmpi eq, %min3A_3466, %eq3A_3576 : vector<16xi32>
    %select_n3A_3578 = arith.select %eq3A_3577, %get3A_119, %select_n3A_3574 : vector<16xi1>, vector<16xf32>
    %eq3A_3579 = arith.constant 28 : i32
    %eq3A_3580 = vector.broadcast %eq3A_3579 : i32 to vector<16xi32>
    %eq3A_3581 = arith.cmpi eq, %min3A_3466, %eq3A_3580 : vector<16xi32>
    %select_n3A_3582 = arith.select %eq3A_3581, %get3A_122, %select_n3A_3578 : vector<16xi1>, vector<16xf32>
    %eq3A_3583 = arith.constant 29 : i32
    %eq3A_3584 = vector.broadcast %eq3A_3583 : i32 to vector<16xi32>
    %eq3A_3585 = arith.cmpi eq, %min3A_3466, %eq3A_3584 : vector<16xi32>
    %select_n3A_3586 = arith.select %eq3A_3585, %get3A_125, %select_n3A_3582 : vector<16xi1>, vector<16xf32>
    %eq3A_3587 = arith.constant 30 : i32
    %eq3A_3588 = vector.broadcast %eq3A_3587 : i32 to vector<16xi32>
    %eq3A_3589 = arith.cmpi eq, %min3A_3466, %eq3A_3588 : vector<16xi32>
    %select_n3A_3590 = arith.select %eq3A_3589, %get3A_128, %select_n3A_3586 : vector<16xi1>, vector<16xf32>
    %eq3A_3591 = arith.constant 31 : i32
    %eq3A_3592 = vector.broadcast %eq3A_3591 : i32 to vector<16xi32>
    %eq3A_3593 = arith.cmpi eq, %min3A_3466, %eq3A_3592 : vector<16xi32>
    %select_n3A_3594 = arith.select %eq3A_3593, %get3A_131, %select_n3A_3590 : vector<16xi1>, vector<16xf32>
    %swap3A_3595 = arith.constant 2032 : index
    %swap3A_3596 = tpu.vector_load %arg12[%swap3A_3595] {strides = array<i32>} : memref<4096xf32, #tpu.memory_space<vmem>>, vector<16xf32>,
    %swap3A_3597 = vector.shape_cast %swap3A_3596 : vector<16xf32> to vector<16xf32>
    %swap3A_3598 = vector.shape_cast %select_n3A_3594 : vector<16xf32> to vector<16xf32>
    tpu.vector_store %arg12[%swap3A_3595], %swap3A_3598 {strides = array<i32>} : memref<4096xf32, #tpu.memory_space<vmem>>, vector<16xf32>,
    %scan3A_3599 = arith.constant 0 : i32
    %scan3A_3600 = arith.constant 0 : i32
    %scan3A_3601 = arith.constant 128 : i32
    %scan3A_3602 = arith.addi %scan3A_3600, %scan3A_3601 : i32
    %scan3A_3603 = arith.constant 1 : i32
    scf.for %scan3A_3671 = %scan3A_3600 to %scan3A_3602 step %scan3A_3603  : i32 {
      %mul3A_3672 = arith.constant 16 : i32
      %mul3A_3673 = arith.muli %scan3A_3671, %mul3A_3672 : i32
      %sub3A_3674 = arith.constant 2040 : i32
      %sub3A_3675 = arith.subi %sub3A_3674, %mul3A_32 : i32
      %add3A_3676 = arith.addi %sub3A_3675, %mul3A_3673 : i32
      %get3A_3677 = arith.index_cast %add3A_3676 : i32 to index
      %get3A_3678 = tpu.vector_load %arg12[%get3A_3677] {strides = array<i32>} : memref<4096xf32, #tpu.memory_space<vmem>>, vector<16xf32>,
      %get3A_3679 = vector.shape_cast %get3A_3678 : vector<16xf32> to vector<16xf32>
      %swap3A_3680 = arith.constant 0 : i32
      %swap3A_3681 = arith.index_cast %swap3A_3680 : i32 to index
      %swap3A_3682 = arith.index_cast %mul3A_3673 : i32 to index
      %swap3A_3683 = tpu.vector_load %arg13[%swap3A_3681, %swap3A_3682] {strides = array<i32>} : memref<8x2048xf32, #tpu.memory_space<vmem>>, vector<1x16xf32>,
      %swap3A_3684 = vector.shape_cast %swap3A_3683 : vector<1x16xf32> to vector<16xf32>
      %swap3A_3685 = vector.shape_cast %get3A_3679 : vector<16xf32> to vector<1x16xf32>
      tpu.vector_store %arg13[%swap3A_3681, %swap3A_3682], %swap3A_3685 {strides = array<i32>} : memref<8x2048xf32, #tpu.memory_space<vmem>>, vector<1x16xf32>,
      %mul3A_3686 = arith.constant 16 : i32
      %mul3A_3687 = arith.muli %scan3A_3671, %mul3A_3686 : i32
      %sub3A_3688 = arith.constant 2040 : i32
      %sub3A_3689 = arith.subi %sub3A_3688, %mul3A_32 : i32
      %add3A_3690 = arith.addi %sub3A_3689, %mul3A_3687 : i32
      %get3A_3691 = arith.index_cast %add3A_3690 : i32 to index
      %get3A_3692 = tpu.vector_load %arg11[%get3A_3691] {strides = array<i32>} : memref<4096xf32, #tpu.memory_space<vmem>>, vector<16xf32>,
      %get3A_3693 = vector.shape_cast %get3A_3692 : vector<16xf32> to vector<16xf32>
      %swap3A_3694 = arith.constant 1 : i32
      %swap3A_3695 = arith.index_cast %swap3A_3694 : i32 to index
      %swap3A_3696 = arith.index_cast %mul3A_3687 : i32 to index
      %swap3A_3697 = tpu.vector_load %arg13[%swap3A_3695, %swap3A_3696] {strides = array<i32>} : memref<8x2048xf32, #tpu.memory_space<vmem>>, vector<1x16xf32>,
      %swap3A_3698 = vector.shape_cast %swap3A_3697 : vector<1x16xf32> to vector<16xf32>
      %swap3A_3699 = vector.shape_cast %get3A_3693 : vector<16xf32> to vector<1x16xf32>
      tpu.vector_store %arg13[%swap3A_3695, %swap3A_3696], %swap3A_3699 {strides = array<i32>} : memref<8x2048xf32, #tpu.memory_space<vmem>>, vector<1x16xf32>,
      %mul3A_3700 = arith.constant 16 : i32
      %mul3A_3701 = arith.muli %scan3A_3671, %mul3A_3700 : i32
      %sub3A_3702 = arith.constant 2040 : i32
      %sub3A_3703 = arith.subi %sub3A_3702, %mul3A_32 : i32
      %add3A_3704 = arith.addi %sub3A_3703, %mul3A_3701 : i32
      %get3A_3705 = arith.index_cast %add3A_3704 : i32 to index
      %get3A_3706 = tpu.vector_load %arg10[%get3A_3705] {strides = array<i32>} : memref<4096xf32, #tpu.memory_space<vmem>>, vector<16xf32>,
      %get3A_3707 = vector.shape_cast %get3A_3706 : vector<16xf32> to vector<16xf32>
      %swap3A_3708 = arith.constant 2 : i32
      %swap3A_3709 = arith.index_cast %swap3A_3708 : i32 to index
      %swap3A_3710 = arith.index_cast %mul3A_3701 : i32 to index
      %swap3A_3711 = tpu.vector_load %arg13[%swap3A_3709, %swap3A_3710] {strides = array<i32>} : memref<8x2048xf32, #tpu.memory_space<vmem>>, vector<1x16xf32>,
      %swap3A_3712 = vector.shape_cast %swap3A_3711 : vector<1x16xf32> to vector<16xf32>
      %swap3A_3713 = vector.shape_cast %get3A_3707 : vector<16xf32> to vector<1x16xf32>
      tpu.vector_store %arg13[%swap3A_3709, %swap3A_3710], %swap3A_3713 {strides = array<i32>} : memref<8x2048xf32, #tpu.memory_space<vmem>>, vector<1x16xf32>,
      %mul3A_3714 = arith.constant 16 : i32
      %mul3A_3715 = arith.muli %scan3A_3671, %mul3A_3714 : i32
      %sub3A_3716 = arith.constant 2040 : i32
      %sub3A_3717 = arith.subi %sub3A_3716, %mul3A_32 : i32
      %add3A_3718 = arith.addi %sub3A_3717, %mul3A_3715 : i32
      %get3A_3719 = arith.index_cast %add3A_3718 : i32 to index
      %get3A_3720 = tpu.vector_load %arg9[%get3A_3719] {strides = array<i32>} : memref<4096xf32, #tpu.memory_space<vmem>>, vector<16xf32>,
      %get3A_3721 = vector.shape_cast %get3A_3720 : vector<16xf32> to vector<16xf32>
      %swap3A_3722 = arith.constant 3 : i32
      %swap3A_3723 = arith.index_cast %swap3A_3722 : i32 to index
      %swap3A_3724 = arith.index_cast %mul3A_3715 : i32 to index
      %swap3A_3725 = tpu.vector_load %arg13[%swap3A_3723, %swap3A_3724] {strides = array<i32>} : memref<8x2048xf32, #tpu.memory_space<vmem>>, vector<1x16xf32>,
      %swap3A_3726 = vector.shape_cast %swap3A_3725 : vector<1x16xf32> to vector<16xf32>
      %swap3A_3727 = vector.shape_cast %get3A_3721 : vector<16xf32> to vector<1x16xf32>
      tpu.vector_store %arg13[%swap3A_3723, %swap3A_3724], %swap3A_3727 {strides = array<i32>} : memref<8x2048xf32, #tpu.memory_space<vmem>>, vector<1x16xf32>,
      %mul3A_3728 = arith.constant 16 : i32
      %mul3A_3729 = arith.muli %scan3A_3671, %mul3A_3728 : i32
      %sub3A_3730 = arith.constant 2040 : i32
      %sub3A_3731 = arith.subi %sub3A_3730, %mul3A_32 : i32
      %add3A_3732 = arith.addi %sub3A_3731, %mul3A_3729 : i32
      %get3A_3733 = arith.index_cast %add3A_3732 : i32 to index
      %get3A_3734 = tpu.vector_load %arg8[%get3A_3733] {strides = array<i32>} : memref<4096xf32, #tpu.memory_space<vmem>>, vector<16xf32>,
      %get3A_3735 = vector.shape_cast %get3A_3734 : vector<16xf32> to vector<16xf32>
      %swap3A_3736 = arith.constant 4 : i32
      %swap3A_3737 = arith.index_cast %swap3A_3736 : i32 to index
      %swap3A_3738 = arith.index_cast %mul3A_3729 : i32 to index
      %swap3A_3739 = tpu.vector_load %arg13[%swap3A_3737, %swap3A_3738] {strides = array<i32>} : memref<8x2048xf32, #tpu.memory_space<vmem>>, vector<1x16xf32>,
      %swap3A_3740 = vector.shape_cast %swap3A_3739 : vector<1x16xf32> to vector<16xf32>
      %swap3A_3741 = vector.shape_cast %get3A_3735 : vector<16xf32> to vector<1x16xf32>
      tpu.vector_store %arg13[%swap3A_3737, %swap3A_3738], %swap3A_3741 {strides = array<i32>} : memref<8x2048xf32, #tpu.memory_space<vmem>>, vector<1x16xf32>,
      %mul3A_3742 = arith.constant 16 : i32
      %mul3A_3743 = arith.muli %scan3A_3671, %mul3A_3742 : i32
      %sub3A_3744 = arith.constant 2040 : i32
      %sub3A_3745 = arith.subi %sub3A_3744, %mul3A_32 : i32
      %add3A_3746 = arith.addi %sub3A_3745, %mul3A_3743 : i32
      %get3A_3747 = arith.index_cast %add3A_3746 : i32 to index
      %get3A_3748 = tpu.vector_load %arg7[%get3A_3747] {strides = array<i32>} : memref<4096xf32, #tpu.memory_space<vmem>>, vector<16xf32>,
      %get3A_3749 = vector.shape_cast %get3A_3748 : vector<16xf32> to vector<16xf32>
      %swap3A_3750 = arith.constant 5 : i32
      %swap3A_3751 = arith.index_cast %swap3A_3750 : i32 to index
      %swap3A_3752 = arith.index_cast %mul3A_3743 : i32 to index
      %swap3A_3753 = tpu.vector_load %arg13[%swap3A_3751, %swap3A_3752] {strides = array<i32>} : memref<8x2048xf32, #tpu.memory_space<vmem>>, vector<1x16xf32>,
      %swap3A_3754 = vector.shape_cast %swap3A_3753 : vector<1x16xf32> to vector<16xf32>
      %swap3A_3755 = vector.shape_cast %get3A_3749 : vector<16xf32> to vector<1x16xf32>
      tpu.vector_store %arg13[%swap3A_3751, %swap3A_3752], %swap3A_3755 {strides = array<i32>} : memref<8x2048xf32, #tpu.memory_space<vmem>>, vector<1x16xf32>,
      %mul3A_3756 = arith.constant 16 : i32
      %mul3A_3757 = arith.muli %scan3A_3671, %mul3A_3756 : i32
      %sub3A_3758 = arith.constant 2040 : i32
      %sub3A_3759 = arith.subi %sub3A_3758, %mul3A_32 : i32
      %add3A_3760 = arith.addi %sub3A_3759, %mul3A_3757 : i32
      %get3A_3761 = arith.index_cast %add3A_3760 : i32 to index
      %get3A_3762 = tpu.vector_load %arg6[%get3A_3761] {strides = array<i32>} : memref<4096xf32, #tpu.memory_space<vmem>>, vector<16xf32>,
      %get3A_3763 = vector.shape_cast %get3A_3762 : vector<16xf32> to vector<16xf32>
      %swap3A_3764 = arith.constant 6 : i32
      %swap3A_3765 = arith.index_cast %swap3A_3764 : i32 to index
      %swap3A_3766 = arith.index_cast %mul3A_3757 : i32 to index
      %swap3A_3767 = tpu.vector_load %arg13[%swap3A_3765, %swap3A_3766] {strides = array<i32>} : memref<8x2048xf32, #tpu.memory_space<vmem>>, vector<1x16xf32>,
      %swap3A_3768 = vector.shape_cast %swap3A_3767 : vector<1x16xf32> to vector<16xf32>
      %swap3A_3769 = vector.shape_cast %get3A_3763 : vector<16xf32> to vector<1x16xf32>
      tpu.vector_store %arg13[%swap3A_3765, %swap3A_3766], %swap3A_3769 {strides = array<i32>} : memref<8x2048xf32, #tpu.memory_space<vmem>>, vector<1x16xf32>,
      %mul3A_3770 = arith.constant 16 : i32
      %mul3A_3771 = arith.muli %scan3A_3671, %mul3A_3770 : i32
      %sub3A_3772 = arith.constant 2040 : i32
      %sub3A_3773 = arith.subi %sub3A_3772, %mul3A_32 : i32
      %add3A_3774 = arith.addi %sub3A_3773, %mul3A_3771 : i32
      %get3A_3775 = arith.index_cast %add3A_3774 : i32 to index
      %get3A_3776 = tpu.vector_load %arg5[%get3A_3775] {strides = array<i32>} : memref<4096xf32, #tpu.memory_space<vmem>>, vector<16xf32>,
      %get3A_3777 = vector.shape_cast %get3A_3776 : vector<16xf32> to vector<16xf32>
      %swap3A_3778 = arith.constant 7 : i32
      %swap3A_3779 = arith.index_cast %swap3A_3778 : i32 to index
      %swap3A_3780 = arith.index_cast %mul3A_3771 : i32 to index
      %swap3A_3781 = tpu.vector_load %arg13[%swap3A_3779, %swap3A_3780] {strides = array<i32>} : memref<8x2048xf32, #tpu.memory_space<vmem>>, vector<1x16xf32>,
      %swap3A_3782 = vector.shape_cast %swap3A_3781 : vector<1x16xf32> to vector<16xf32>
      %swap3A_3783 = vector.shape_cast %get3A_3777 : vector<16xf32> to vector<1x16xf32>
      tpu.vector_store %arg13[%swap3A_3779, %swap3A_3780], %swap3A_3783 {strides = array<i32>} : memref<8x2048xf32, #tpu.memory_space<vmem>>, vector<1x16xf32>,
    }
    %scan3A_3604 = arith.constant 128 : i32
    %dma_start3A = arith.constant 0 : i32
    %dma_start3A_3605 = arith.constant 0 : i32
    %dma_start3A_3606 = arith.constant 0 : i32
    %dma_start3A_3607 = tpu.memref_slice %arg13[%dma_start3A_3605, %dma_start3A_3606] : memref<8x2048xf32, #tpu.memory_space<vmem>> -> memref<8x2048xf32, #tpu.memory_space<vmem>>
    %dma_start3A_3608 = arith.constant 0 : i32
    %dma_start3A_3609 = tpu.memref_slice %arg3[%dma_start3A, %select_n3A, %mul3A_32, %dma_start3A_3608] : memref<1x16x2048x2048xf32, #tpu.memory_space<hbm>> -> memref<1x1x8x2048xf32, #tpu.memory_space<hbm>>
    %dma_start3A_3610 = tpu.memref_squeeze %dma_start3A_3609 : memref<1x1x8x2048xf32, #tpu.memory_space<hbm>> -> memref<8x2048xf32, #tpu.memory_space<hbm>>
    %dma_start3A_3611 = arith.constant 0 : i32
    %dma_start3A_3612 = tpu.memref_slice %arg3[%dma_start3A, %select_n3A, %mul3A_32, %dma_start3A_3611] : memref<1x16x2048x2048xf32, #tpu.memory_space<hbm>> -> memref<1x1x8x2048xf32, #tpu.memory_space<hbm>>
    %dma_start3A_3613 = tpu.memref_squeeze %dma_start3A_3612 : memref<1x1x8x2048xf32, #tpu.memory_space<hbm>> -> memref<8x2048xf32, #tpu.memory_space<hbm>>
    %dma_start3A_3614 = arith.constant 0 : i32
    %dma_start3A_3615 = arith.constant 0 : i32
    %dma_start3A_3616 = tpu.memref_slice %arg13[%dma_start3A_3614, %dma_start3A_3615] : memref<8x2048xf32, #tpu.memory_space<vmem>> -> memref<8x2048xf32, #tpu.memory_space<vmem>>
    tpu.enqueue_dma source(%dma_start3A_3616 : memref<8x2048xf32, #tpu.memory_space<vmem>>) target(%dma_start3A_3613 : memref<8x2048xf32, #tpu.memory_space<hbm>>) target_semaphore(%arg15 : memref<!tpu.dma_semaphore, #tpu.memory_space<semaphore_mem>>)
    %add3A_3617 = arith.constant 8 : i32
    %add3A_3618 = arith.addi %mul3A_32, %add3A_3617 : i32
    %scan3A_3619 = arith.constant 0 : i32
    %scan3A_3620 = arith.constant 0 : i32
    %scan3A_3621 = arith.constant 128 : i32
    %scan3A_3622 = arith.addi %scan3A_3620, %scan3A_3621 : i32
    %scan3A_3623 = arith.constant 1 : i32
    scf.for %scan3A_3671 = %scan3A_3620 to %scan3A_3622 step %scan3A_3623  : i32 {
      %mul3A_3672 = arith.constant 16 : i32
      %mul3A_3673 = arith.muli %scan3A_3671, %mul3A_3672 : i32
      %sub3A_3674 = arith.constant 2040 : i32
      %sub3A_3675 = arith.subi %sub3A_3674, %add3A_3618 : i32
      %add3A_3676 = arith.addi %sub3A_3675, %mul3A_3673 : i32
      %get3A_3677 = arith.index_cast %add3A_3676 : i32 to index
      %get3A_3678 = tpu.vector_load %arg12[%get3A_3677] {strides = array<i32>} : memref<4096xf32, #tpu.memory_space<vmem>>, vector<16xf32>,
      %get3A_3679 = vector.shape_cast %get3A_3678 : vector<16xf32> to vector<16xf32>
      %swap3A_3680 = arith.constant 0 : i32
      %swap3A_3681 = arith.index_cast %swap3A_3680 : i32 to index
      %swap3A_3682 = arith.index_cast %mul3A_3673 : i32 to index
      %swap3A_3683 = tpu.vector_load %arg14[%swap3A_3681, %swap3A_3682] {strides = array<i32>} : memref<8x2048xf32, #tpu.memory_space<vmem>>, vector<1x16xf32>,
      %swap3A_3684 = vector.shape_cast %swap3A_3683 : vector<1x16xf32> to vector<16xf32>
      %swap3A_3685 = vector.shape_cast %get3A_3679 : vector<16xf32> to vector<1x16xf32>
      tpu.vector_store %arg14[%swap3A_3681, %swap3A_3682], %swap3A_3685 {strides = array<i32>} : memref<8x2048xf32, #tpu.memory_space<vmem>>, vector<1x16xf32>,
      %mul3A_3686 = arith.constant 16 : i32
      %mul3A_3687 = arith.muli %scan3A_3671, %mul3A_3686 : i32
      %sub3A_3688 = arith.constant 2040 : i32
      %sub3A_3689 = arith.subi %sub3A_3688, %add3A_3618 : i32
      %add3A_3690 = arith.addi %sub3A_3689, %mul3A_3687 : i32
      %get3A_3691 = arith.index_cast %add3A_3690 : i32 to index
      %get3A_3692 = tpu.vector_load %arg11[%get3A_3691] {strides = array<i32>} : memref<4096xf32, #tpu.memory_space<vmem>>, vector<16xf32>,
      %get3A_3693 = vector.shape_cast %get3A_3692 : vector<16xf32> to vector<16xf32>
      %swap3A_3694 = arith.constant 1 : i32
      %swap3A_3695 = arith.index_cast %swap3A_3694 : i32 to index
      %swap3A_3696 = arith.index_cast %mul3A_3687 : i32 to index
      %swap3A_3697 = tpu.vector_load %arg14[%swap3A_3695, %swap3A_3696] {strides = array<i32>} : memref<8x2048xf32, #tpu.memory_space<vmem>>, vector<1x16xf32>,
      %swap3A_3698 = vector.shape_cast %swap3A_3697 : vector<1x16xf32> to vector<16xf32>
      %swap3A_3699 = vector.shape_cast %get3A_3693 : vector<16xf32> to vector<1x16xf32>
      tpu.vector_store %arg14[%swap3A_3695, %swap3A_3696], %swap3A_3699 {strides = array<i32>} : memref<8x2048xf32, #tpu.memory_space<vmem>>, vector<1x16xf32>,
      %mul3A_3700 = arith.constant 16 : i32
      %mul3A_3701 = arith.muli %scan3A_3671, %mul3A_3700 : i32
      %sub3A_3702 = arith.constant 2040 : i32
      %sub3A_3703 = arith.subi %sub3A_3702, %add3A_3618 : i32
      %add3A_3704 = arith.addi %sub3A_3703, %mul3A_3701 : i32
      %get3A_3705 = arith.index_cast %add3A_3704 : i32 to index
      %get3A_3706 = tpu.vector_load %arg10[%get3A_3705] {strides = array<i32>} : memref<4096xf32, #tpu.memory_space<vmem>>, vector<16xf32>,
      %get3A_3707 = vector.shape_cast %get3A_3706 : vector<16xf32> to vector<16xf32>
      %swap3A_3708 = arith.constant 2 : i32
      %swap3A_3709 = arith.index_cast %swap3A_3708 : i32 to index
      %swap3A_3710 = arith.index_cast %mul3A_3701 : i32 to index
      %swap3A_3711 = tpu.vector_load %arg14[%swap3A_3709, %swap3A_3710] {strides = array<i32>} : memref<8x2048xf32, #tpu.memory_space<vmem>>, vector<1x16xf32>,
      %swap3A_3712 = vector.shape_cast %swap3A_3711 : vector<1x16xf32> to vector<16xf32>
      %swap3A_3713 = vector.shape_cast %get3A_3707 : vector<16xf32> to vector<1x16xf32>
      tpu.vector_store %arg14[%swap3A_3709, %swap3A_3710], %swap3A_3713 {strides = array<i32>} : memref<8x2048xf32, #tpu.memory_space<vmem>>, vector<1x16xf32>,
      %mul3A_3714 = arith.constant 16 : i32
      %mul3A_3715 = arith.muli %scan3A_3671, %mul3A_3714 : i32
      %sub3A_3716 = arith.constant 2040 : i32
      %sub3A_3717 = arith.subi %sub3A_3716, %add3A_3618 : i32
      %add3A_3718 = arith.addi %sub3A_3717, %mul3A_3715 : i32
      %get3A_3719 = arith.index_cast %add3A_3718 : i32 to index
      %get3A_3720 = tpu.vector_load %arg9[%get3A_3719] {strides = array<i32>} : memref<4096xf32, #tpu.memory_space<vmem>>, vector<16xf32>,
      %get3A_3721 = vector.shape_cast %get3A_3720 : vector<16xf32> to vector<16xf32>
      %swap3A_3722 = arith.constant 3 : i32
      %swap3A_3723 = arith.index_cast %swap3A_3722 : i32 to index
      %swap3A_3724 = arith.index_cast %mul3A_3715 : i32 to index
      %swap3A_3725 = tpu.vector_load %arg14[%swap3A_3723, %swap3A_3724] {strides = array<i32>} : memref<8x2048xf32, #tpu.memory_space<vmem>>, vector<1x16xf32>,
      %swap3A_3726 = vector.shape_cast %swap3A_3725 : vector<1x16xf32> to vector<16xf32>
      %swap3A_3727 = vector.shape_cast %get3A_3721 : vector<16xf32> to vector<1x16xf32>
      tpu.vector_store %arg14[%swap3A_3723, %swap3A_3724], %swap3A_3727 {strides = array<i32>} : memref<8x2048xf32, #tpu.memory_space<vmem>>, vector<1x16xf32>,
      %mul3A_3728 = arith.constant 16 : i32
      %mul3A_3729 = arith.muli %scan3A_3671, %mul3A_3728 : i32
      %sub3A_3730 = arith.constant 2040 : i32
      %sub3A_3731 = arith.subi %sub3A_3730, %add3A_3618 : i32
      %add3A_3732 = arith.addi %sub3A_3731, %mul3A_3729 : i32
      %get3A_3733 = arith.index_cast %add3A_3732 : i32 to index
      %get3A_3734 = tpu.vector_load %arg8[%get3A_3733] {strides = array<i32>} : memref<4096xf32, #tpu.memory_space<vmem>>, vector<16xf32>,
      %get3A_3735 = vector.shape_cast %get3A_3734 : vector<16xf32> to vector<16xf32>
      %swap3A_3736 = arith.constant 4 : i32
      %swap3A_3737 = arith.index_cast %swap3A_3736 : i32 to index
      %swap3A_3738 = arith.index_cast %mul3A_3729 : i32 to index
      %swap3A_3739 = tpu.vector_load %arg14[%swap3A_3737, %swap3A_3738] {strides = array<i32>} : memref<8x2048xf32, #tpu.memory_space<vmem>>, vector<1x16xf32>,
      %swap3A_3740 = vector.shape_cast %swap3A_3739 : vector<1x16xf32> to vector<16xf32>
      %swap3A_3741 = vector.shape_cast %get3A_3735 : vector<16xf32> to vector<1x16xf32>
      tpu.vector_store %arg14[%swap3A_3737, %swap3A_3738], %swap3A_3741 {strides = array<i32>} : memref<8x2048xf32, #tpu.memory_space<vmem>>, vector<1x16xf32>,
      %mul3A_3742 = arith.constant 16 : i32
      %mul3A_3743 = arith.muli %scan3A_3671, %mul3A_3742 : i32
      %sub3A_3744 = arith.constant 2040 : i32
      %sub3A_3745 = arith.subi %sub3A_3744, %add3A_3618 : i32
      %add3A_3746 = arith.addi %sub3A_3745, %mul3A_3743 : i32
      %get3A_3747 = arith.index_cast %add3A_3746 : i32 to index
      %get3A_3748 = tpu.vector_load %arg7[%get3A_3747] {strides = array<i32>} : memref<4096xf32, #tpu.memory_space<vmem>>, vector<16xf32>,
      %get3A_3749 = vector.shape_cast %get3A_3748 : vector<16xf32> to vector<16xf32>
      %swap3A_3750 = arith.constant 5 : i32
      %swap3A_3751 = arith.index_cast %swap3A_3750 : i32 to index
      %swap3A_3752 = arith.index_cast %mul3A_3743 : i32 to index
      %swap3A_3753 = tpu.vector_load %arg14[%swap3A_3751, %swap3A_3752] {strides = array<i32>} : memref<8x2048xf32, #tpu.memory_space<vmem>>, vector<1x16xf32>,
      %swap3A_3754 = vector.shape_cast %swap3A_3753 : vector<1x16xf32> to vector<16xf32>
      %swap3A_3755 = vector.shape_cast %get3A_3749 : vector<16xf32> to vector<1x16xf32>
      tpu.vector_store %arg14[%swap3A_3751, %swap3A_3752], %swap3A_3755 {strides = array<i32>} : memref<8x2048xf32, #tpu.memory_space<vmem>>, vector<1x16xf32>,
      %mul3A_3756 = arith.constant 16 : i32
      %mul3A_3757 = arith.muli %scan3A_3671, %mul3A_3756 : i32
      %sub3A_3758 = arith.constant 2040 : i32
      %sub3A_3759 = arith.subi %sub3A_3758, %add3A_3618 : i32
      %add3A_3760 = arith.addi %sub3A_3759, %mul3A_3757 : i32
      %get3A_3761 = arith.index_cast %add3A_3760 : i32 to index
      %get3A_3762 = tpu.vector_load %arg6[%get3A_3761] {strides = array<i32>} : memref<4096xf32, #tpu.memory_space<vmem>>, vector<16xf32>,
      %get3A_3763 = vector.shape_cast %get3A_3762 : vector<16xf32> to vector<16xf32>
      %swap3A_3764 = arith.constant 6 : i32
      %swap3A_3765 = arith.index_cast %swap3A_3764 : i32 to index
      %swap3A_3766 = arith.index_cast %mul3A_3757 : i32 to index
      %swap3A_3767 = tpu.vector_load %arg14[%swap3A_3765, %swap3A_3766] {strides = array<i32>} : memref<8x2048xf32, #tpu.memory_space<vmem>>, vector<1x16xf32>,
      %swap3A_3768 = vector.shape_cast %swap3A_3767 : vector<1x16xf32> to vector<16xf32>
      %swap3A_3769 = vector.shape_cast %get3A_3763 : vector<16xf32> to vector<1x16xf32>
      tpu.vector_store %arg14[%swap3A_3765, %swap3A_3766], %swap3A_3769 {strides = array<i32>} : memref<8x2048xf32, #tpu.memory_space<vmem>>, vector<1x16xf32>,
      %mul3A_3770 = arith.constant 16 : i32
      %mul3A_3771 = arith.muli %scan3A_3671, %mul3A_3770 : i32
      %sub3A_3772 = arith.constant 2040 : i32
      %sub3A_3773 = arith.subi %sub3A_3772, %add3A_3618 : i32
      %add3A_3774 = arith.addi %sub3A_3773, %mul3A_3771 : i32
      %get3A_3775 = arith.index_cast %add3A_3774 : i32 to index
      %get3A_3776 = tpu.vector_load %arg5[%get3A_3775] {strides = array<i32>} : memref<4096xf32, #tpu.memory_space<vmem>>, vector<16xf32>,
      %get3A_3777 = vector.shape_cast %get3A_3776 : vector<16xf32> to vector<16xf32>
      %swap3A_3778 = arith.constant 7 : i32
      %swap3A_3779 = arith.index_cast %swap3A_3778 : i32 to index
      %swap3A_3780 = arith.index_cast %mul3A_3771 : i32 to index
      %swap3A_3781 = tpu.vector_load %arg14[%swap3A_3779, %swap3A_3780] {strides = array<i32>} : memref<8x2048xf32, #tpu.memory_space<vmem>>, vector<1x16xf32>,
      %swap3A_3782 = vector.shape_cast %swap3A_3781 : vector<1x16xf32> to vector<16xf32>
      %swap3A_3783 = vector.shape_cast %get3A_3777 : vector<16xf32> to vector<1x16xf32>
      tpu.vector_store %arg14[%swap3A_3779, %swap3A_3780], %swap3A_3783 {strides = array<i32>} : memref<8x2048xf32, #tpu.memory_space<vmem>>, vector<1x16xf32>,
    }
    %scan3A_3624 = arith.constant 128 : i32
    %add3A_3625 = arith.constant 8 : i32
    %add3A_3626 = arith.addi %mul3A_32, %add3A_3625 : i32
    %dma_start3A_3627 = arith.constant 0 : i32
    %dma_start3A_3628 = arith.constant 0 : i32
    %dma_start3A_3629 = arith.constant 0 : i32
    %dma_start3A_3630 = tpu.memref_slice %arg14[%dma_start3A_3628, %dma_start3A_3629] : memref<8x2048xf32, #tpu.memory_space<vmem>> -> memref<8x2048xf32, #tpu.memory_space<vmem>>
    %dma_start3A_3631 = arith.constant 0 : i32
    %dma_start3A_3632 = tpu.memref_slice %arg3[%dma_start3A_3627, %select_n3A, %add3A_3626, %dma_start3A_3631] : memref<1x16x2048x2048xf32, #tpu.memory_space<hbm>> -> memref<1x1x8x2048xf32, #tpu.memory_space<hbm>>
    %dma_start3A_3633 = tpu.memref_squeeze %dma_start3A_3632 : memref<1x1x8x2048xf32, #tpu.memory_space<hbm>> -> memref<8x2048xf32, #tpu.memory_space<hbm>>
    %dma_start3A_3634 = arith.constant 0 : i32
    %dma_start3A_3635 = tpu.memref_slice %arg3[%dma_start3A_3627, %select_n3A, %add3A_3626, %dma_start3A_3634] : memref<1x16x2048x2048xf32, #tpu.memory_space<hbm>> -> memref<1x1x8x2048xf32, #tpu.memory_space<hbm>>
    %dma_start3A_3636 = tpu.memref_squeeze %dma_start3A_3635 : memref<1x1x8x2048xf32, #tpu.memory_space<hbm>> -> memref<8x2048xf32, #tpu.memory_space<hbm>>
    %dma_start3A_3637 = arith.constant 0 : i32
    %dma_start3A_3638 = arith.constant 0 : i32
    %dma_start3A_3639 = tpu.memref_slice %arg14[%dma_start3A_3637, %dma_start3A_3638] : memref<8x2048xf32, #tpu.memory_space<vmem>> -> memref<8x2048xf32, #tpu.memory_space<vmem>>
    tpu.enqueue_dma source(%dma_start3A_3639 : memref<8x2048xf32, #tpu.memory_space<vmem>>) target(%dma_start3A_3636 : memref<8x2048xf32, #tpu.memory_space<hbm>>) target_semaphore(%arg16 : memref<!tpu.dma_semaphore, #tpu.memory_space<semaphore_mem>>)
    %scan3A_3640 = arith.constant 0 : i32
    %scan3A_3641 = arith.constant 1 : i32
    %scan3A_3642 = arith.constant 63 : i32
    %scan3A_3643 = arith.addi %scan3A_3641, %scan3A_3642 : i32
    %scan3A_3644 = arith.constant 1 : i32
    scf.for %scan3A_3671 = %scan3A_3641 to %scan3A_3643 step %scan3A_3644  : i32 {
      %mul3A_3672 = arith.constant 2 : i32
      %mul3A_3673 = arith.muli %mul3A_3672, %scan3A_3671 : i32
      %add3A_3674 = arith.constant 0 : i32
      %add3A_3675 = arith.addi %mul3A_3673, %add3A_3674 : i32
      %mul3A_3676 = arith.constant 8 : i32
      %mul3A_3677 = arith.muli %mul3A_3676, %add3A_3675 : i32
      %add3A_3678 = arith.addi %mul3A_32, %mul3A_3677 : i32
      %dma_wait3A_3679 = arith.constant 0 : i32
      %dma_wait3A_3680 = arith.constant 0 : i32
      %dma_wait3A_3681 = arith.constant 0 : i32
      %dma_wait3A_3682 = tpu.memref_slice %arg13[%dma_wait3A_3680, %dma_wait3A_3681] : memref<8x2048xf32, #tpu.memory_space<vmem>> -> memref<8x2048xf32, #tpu.memory_space<vmem>>
      %dma_wait3A_3683 = arith.constant 0 : i32
      %dma_wait3A_3684 = tpu.memref_slice %arg3[%dma_wait3A_3679, %select_n3A, %mul3A_32, %dma_wait3A_3683] : memref<1x16x2048x2048xf32, #tpu.memory_space<hbm>> -> memref<1x1x8x2048xf32, #tpu.memory_space<hbm>>
      %dma_wait3A_3685 = tpu.memref_squeeze %dma_wait3A_3684 : memref<1x1x8x2048xf32, #tpu.memory_space<hbm>> -> memref<8x2048xf32, #tpu.memory_space<hbm>>
      %dma_wait3A_3686 = arith.constant 0 : i32
      %dma_wait3A_3687 = tpu.memref_slice %arg3[%dma_wait3A_3679, %select_n3A, %mul3A_32, %dma_wait3A_3686] : memref<1x16x2048x2048xf32, #tpu.memory_space<hbm>> -> memref<1x1x8x2048xf32, #tpu.memory_space<hbm>>
      %dma_wait3A_3688 = tpu.memref_squeeze %dma_wait3A_3687 : memref<1x1x8x2048xf32, #tpu.memory_space<hbm>> -> memref<8x2048xf32, #tpu.memory_space<hbm>>
      %dma_wait3A_3689 = arith.constant 0 : i32
      %dma_wait3A_3690 = arith.constant 0 : i32
      %dma_wait3A_3691 = tpu.memref_slice %arg13[%dma_wait3A_3689, %dma_wait3A_3690] : memref<8x2048xf32, #tpu.memory_space<vmem>> -> memref<8x2048xf32, #tpu.memory_space<vmem>>
      tpu.wait_dma2 semaphore(%arg15 : memref<!tpu.dma_semaphore, #tpu.memory_space<semaphore_mem>>) src(%dma_wait3A_3691 : memref<8x2048xf32, #tpu.memory_space<vmem>>) dst(%dma_wait3A_3688 : memref<8x2048xf32, #tpu.memory_space<hbm>>)
      %add3A_3692 = arith.constant 0 : i32
      %add3A_3693 = arith.addi %add3A_3678, %add3A_3692 : i32
      %sub3A_3694 = arith.constant 48 : i32
      %sub3A_3695 = arith.subi %add3A_3693, %sub3A_3694 : i32
      %jit3A_3696 = arith.constant 16 : i32
      %div3A_3697 = arith.divsi %sub3A_3695, %jit3A_3696 : i32
      %sign3A_3698 = arith.constant 0 : i32
      %sign3A_3699 = arith.cmpi sgt, %sub3A_3695, %sign3A_3698 : i32
      %sign3A_3700 = arith.extui %sign3A_3699 : i1 to i32
      %sign3A_3701 = arith.constant 0 : i32
      %sign3A_3702 = arith.cmpi slt, %sub3A_3695, %sign3A_3701 : i32
      %sign3A_3703 = arith.extui %sign3A_3702 : i1 to i32
      %sign3A_3704 = arith.subi %sign3A_3700, %sign3A_3703 : i32
      %sign3A_3705 = arith.constant 0 : i32
      %sign3A_3706 = arith.cmpi sgt, %jit3A_3696, %sign3A_3705 : i32
      %sign3A_3707 = arith.extui %sign3A_3706 : i1 to i32
      %sign3A_3708 = arith.constant 0 : i32
      %sign3A_3709 = arith.cmpi slt, %jit3A_3696, %sign3A_3708 : i32
      %sign3A_3710 = arith.extui %sign3A_3709 : i1 to i32
      %sign3A_3711 = arith.subi %sign3A_3707, %sign3A_3710 : i32
      %ne3A_3712 = arith.cmpi ne, %sign3A_3704, %sign3A_3711 : i32
      %rem3A_3713 = arith.remsi %sub3A_3695, %jit3A_3696 : i32
      %ne3A_3714 = arith.constant 0 : i32
      %ne3A_3715 = arith.cmpi ne, %rem3A_3713, %ne3A_3714 : i32
      %and3A_3716 = arith.andi %ne3A_3712, %ne3A_3715 : i1
      %sub3A_3717 = arith.constant 1 : i32
      %sub3A_3718 = arith.subi %div3A_3697, %sub3A_3717 : i32
      %select_n3A_3719 = arith.select %and3A_3716, %sub3A_3718, %div3A_3697 : i32
      %jit3A_3720 = arith.constant 0 : i32
      %jit3A_3721 = arith.constant 123 : i32
      %max3A_3722 = arith.maxsi %jit3A_3720, %select_n3A_3719 : i32
      %min3A_3723 = arith.minsi %jit3A_3721, %max3A_3722 : i32
      %add3A_3724 = arith.constant 0 : i32
      %add3A_3725 = arith.addi %min3A_3723, %add3A_3724 : i32
      %mul3A_3726 = arith.constant 16 : i32
      %mul3A_3727 = arith.muli %add3A_3725, %mul3A_3726 : i32
      %sub3A_3728 = arith.constant 2040 : i32
      %sub3A_3729 = arith.subi %sub3A_3728, %add3A_3678 : i32
      %add3A_3730 = arith.addi %sub3A_3729, %mul3A_3727 : i32
      %get3A_3731 = arith.index_cast %add3A_3730 : i32 to index
      %get3A_3732 = tpu.vector_load %arg12[%get3A_3731] {strides = array<i32>} : memref<4096xf32, #tpu.memory_space<vmem>>, vector<16xf32>,
      %get3A_3733 = vector.shape_cast %get3A_3732 : vector<16xf32> to vector<16xf32>
      %swap3A_3734 = arith.constant 0 : i32
      %swap3A_3735 = arith.index_cast %swap3A_3734 : i32 to index
      %swap3A_3736 = arith.index_cast %mul3A_3727 : i32 to index
      %swap3A_3737 = tpu.vector_load %arg13[%swap3A_3735, %swap3A_3736] {strides = array<i32>} : memref<8x2048xf32, #tpu.memory_space<vmem>>, vector<1x16xf32>,
      %swap3A_3738 = vector.shape_cast %swap3A_3737 : vector<1x16xf32> to vector<16xf32>
      %swap3A_3739 = vector.shape_cast %get3A_3733 : vector<16xf32> to vector<1x16xf32>
      tpu.vector_store %arg13[%swap3A_3735, %swap3A_3736], %swap3A_3739 {strides = array<i32>} : memref<8x2048xf32, #tpu.memory_space<vmem>>, vector<1x16xf32>,
      %add3A_3740 = arith.constant 1 : i32
      %add3A_3741 = arith.addi %min3A_3723, %add3A_3740 : i32
      %mul3A_3742 = arith.constant 16 : i32
      %mul3A_3743 = arith.muli %add3A_3741, %mul3A_3742 : i32
      %sub3A_3744 = arith.constant 2040 : i32
      %sub3A_3745 = arith.subi %sub3A_3744, %add3A_3678 : i32
      %add3A_3746 = arith.addi %sub3A_3745, %mul3A_3743 : i32
      %get3A_3747 = arith.index_cast %add3A_3746 : i32 to index
      %get3A_3748 = tpu.vector_load %arg12[%get3A_3747] {strides = array<i32>} : memref<4096xf32, #tpu.memory_space<vmem>>, vector<16xf32>,
      %get3A_3749 = vector.shape_cast %get3A_3748 : vector<16xf32> to vector<16xf32>
      %swap3A_3750 = arith.constant 0 : i32
      %swap3A_3751 = arith.index_cast %swap3A_3750 : i32 to index
      %swap3A_3752 = arith.index_cast %mul3A_3743 : i32 to index
      %swap3A_3753 = tpu.vector_load %arg13[%swap3A_3751, %swap3A_3752] {strides = array<i32>} : memref<8x2048xf32, #tpu.memory_space<vmem>>, vector<1x16xf32>,
      %swap3A_3754 = vector.shape_cast %swap3A_3753 : vector<1x16xf32> to vector<16xf32>
      %swap3A_3755 = vector.shape_cast %get3A_3749 : vector<16xf32> to vector<1x16xf32>
      tpu.vector_store %arg13[%swap3A_3751, %swap3A_3752], %swap3A_3755 {strides = array<i32>} : memref<8x2048xf32, #tpu.memory_space<vmem>>, vector<1x16xf32>,
      %add3A_3756 = arith.constant 2 : i32
      %add3A_3757 = arith.addi %min3A_3723, %add3A_3756 : i32
      %mul3A_3758 = arith.constant 16 : i32
      %mul3A_3759 = arith.muli %add3A_3757, %mul3A_3758 : i32
      %sub3A_3760 = arith.constant 2040 : i32
      %sub3A_3761 = arith.subi %sub3A_3760, %add3A_3678 : i32
      %add3A_3762 = arith.addi %sub3A_3761, %mul3A_3759 : i32
      %get3A_3763 = arith.index_cast %add3A_3762 : i32 to index
      %get3A_3764 = tpu.vector_load %arg12[%get3A_3763] {strides = array<i32>} : memref<4096xf32, #tpu.memory_space<vmem>>, vector<16xf32>,
      %get3A_3765 = vector.shape_cast %get3A_3764 : vector<16xf32> to vector<16xf32>
      %swap3A_3766 = arith.constant 0 : i32
      %swap3A_3767 = arith.index_cast %swap3A_3766 : i32 to index
      %swap3A_3768 = arith.index_cast %mul3A_3759 : i32 to index
      %swap3A_3769 = tpu.vector_load %arg13[%swap3A_3767, %swap3A_3768] {strides = array<i32>} : memref<8x2048xf32, #tpu.memory_space<vmem>>, vector<1x16xf32>,
      %swap3A_3770 = vector.shape_cast %swap3A_3769 : vector<1x16xf32> to vector<16xf32>
      %swap3A_3771 = vector.shape_cast %get3A_3765 : vector<16xf32> to vector<1x16xf32>
      tpu.vector_store %arg13[%swap3A_3767, %swap3A_3768], %swap3A_3771 {strides = array<i32>} : memref<8x2048xf32, #tpu.memory_space<vmem>>, vector<1x16xf32>,
      %add3A_3772 = arith.constant 3 : i32
      %add3A_3773 = arith.addi %min3A_3723, %add3A_3772 : i32
      %mul3A_3774 = arith.constant 16 : i32
      %mul3A_3775 = arith.muli %add3A_3773, %mul3A_3774 : i32
      %sub3A_3776 = arith.constant 2040 : i32
      %sub3A_3777 = arith.subi %sub3A_3776, %add3A_3678 : i32
      %add3A_3778 = arith.addi %sub3A_3777, %mul3A_3775 : i32
      %get3A_3779 = arith.index_cast %add3A_3778 : i32 to index
      %get3A_3780 = tpu.vector_load %arg12[%get3A_3779] {strides = array<i32>} : memref<4096xf32, #tpu.memory_space<vmem>>, vector<16xf32>,
      %get3A_3781 = vector.shape_cast %get3A_3780 : vector<16xf32> to vector<16xf32>
      %swap3A_3782 = arith.constant 0 : i32
      %swap3A_3783 = arith.index_cast %swap3A_3782 : i32 to index
      %swap3A_3784 = arith.index_cast %mul3A_3775 : i32 to index
      %swap3A_3785 = tpu.vector_load %arg13[%swap3A_3783, %swap3A_3784] {strides = array<i32>} : memref<8x2048xf32, #tpu.memory_space<vmem>>, vector<1x16xf32>,
      %swap3A_3786 = vector.shape_cast %swap3A_3785 : vector<1x16xf32> to vector<16xf32>
      %swap3A_3787 = vector.shape_cast %get3A_3781 : vector<16xf32> to vector<1x16xf32>
      tpu.vector_store %arg13[%swap3A_3783, %swap3A_3784], %swap3A_3787 {strides = array<i32>} : memref<8x2048xf32, #tpu.memory_space<vmem>>, vector<1x16xf32>,
      %add3A_3788 = arith.constant 4 : i32
      %add3A_3789 = arith.addi %min3A_3723, %add3A_3788 : i32
      %mul3A_3790 = arith.constant 16 : i32
      %mul3A_3791 = arith.muli %add3A_3789, %mul3A_3790 : i32
      %sub3A_3792 = arith.constant 2040 : i32
      %sub3A_3793 = arith.subi %sub3A_3792, %add3A_3678 : i32
      %add3A_3794 = arith.addi %sub3A_3793, %mul3A_3791 : i32
      %get3A_3795 = arith.index_cast %add3A_3794 : i32 to index
      %get3A_3796 = tpu.vector_load %arg12[%get3A_3795] {strides = array<i32>} : memref<4096xf32, #tpu.memory_space<vmem>>, vector<16xf32>,
      %get3A_3797 = vector.shape_cast %get3A_3796 : vector<16xf32> to vector<16xf32>
      %swap3A_3798 = arith.constant 0 : i32
      %swap3A_3799 = arith.index_cast %swap3A_3798 : i32 to index
      %swap3A_3800 = arith.index_cast %mul3A_3791 : i32 to index
      %swap3A_3801 = tpu.vector_load %arg13[%swap3A_3799, %swap3A_3800] {strides = array<i32>} : memref<8x2048xf32, #tpu.memory_space<vmem>>, vector<1x16xf32>,
      %swap3A_3802 = vector.shape_cast %swap3A_3801 : vector<1x16xf32> to vector<16xf32>
      %swap3A_3803 = vector.shape_cast %get3A_3797 : vector<16xf32> to vector<1x16xf32>
      tpu.vector_store %arg13[%swap3A_3799, %swap3A_3800], %swap3A_3803 {strides = array<i32>} : memref<8x2048xf32, #tpu.memory_space<vmem>>, vector<1x16xf32>,
      %add3A_3804 = arith.constant 1 : i32
      %add3A_3805 = arith.addi %add3A_3678, %add3A_3804 : i32
      %sub3A_3806 = arith.constant 48 : i32
      %sub3A_3807 = arith.subi %add3A_3805, %sub3A_3806 : i32
      %jit3A_3808 = arith.constant 16 : i32
      %div3A_3809 = arith.divsi %sub3A_3807, %jit3A_3808 : i32
      %sign3A_3810 = arith.constant 0 : i32
      %sign3A_3811 = arith.cmpi sgt, %sub3A_3807, %sign3A_3810 : i32
      %sign3A_3812 = arith.extui %sign3A_3811 : i1 to i32
      %sign3A_3813 = arith.constant 0 : i32
      %sign3A_3814 = arith.cmpi slt, %sub3A_3807, %sign3A_3813 : i32
      %sign3A_3815 = arith.extui %sign3A_3814 : i1 to i32
      %sign3A_3816 = arith.subi %sign3A_3812, %sign3A_3815 : i32
      %sign3A_3817 = arith.constant 0 : i32
      %sign3A_3818 = arith.cmpi sgt, %jit3A_3808, %sign3A_3817 : i32
      %sign3A_3819 = arith.extui %sign3A_3818 : i1 to i32
      %sign3A_3820 = arith.constant 0 : i32
      %sign3A_3821 = arith.cmpi slt, %jit3A_3808, %sign3A_3820 : i32
      %sign3A_3822 = arith.extui %sign3A_3821 : i1 to i32
      %sign3A_3823 = arith.subi %sign3A_3819, %sign3A_3822 : i32
      %ne3A_3824 = arith.cmpi ne, %sign3A_3816, %sign3A_3823 : i32
      %rem3A_3825 = arith.remsi %sub3A_3807, %jit3A_3808 : i32
      %ne3A_3826 = arith.constant 0 : i32
      %ne3A_3827 = arith.cmpi ne, %rem3A_3825, %ne3A_3826 : i32
      %and3A_3828 = arith.andi %ne3A_3824, %ne3A_3827 : i1
      %sub3A_3829 = arith.constant 1 : i32
      %sub3A_3830 = arith.subi %div3A_3809, %sub3A_3829 : i32
      %select_n3A_3831 = arith.select %and3A_3828, %sub3A_3830, %div3A_3809 : i32
      %jit3A_3832 = arith.constant 0 : i32
      %jit3A_3833 = arith.constant 123 : i32
      %max3A_3834 = arith.maxsi %jit3A_3832, %select_n3A_3831 : i32
      %min3A_3835 = arith.minsi %jit3A_3833, %max3A_3834 : i32
      %add3A_3836 = arith.constant 0 : i32
      %add3A_3837 = arith.addi %min3A_3835, %add3A_3836 : i32
      %mul3A_3838 = arith.constant 16 : i32
      %mul3A_3839 = arith.muli %add3A_3837, %mul3A_3838 : i32
      %sub3A_3840 = arith.constant 2040 : i32
      %sub3A_3841 = arith.subi %sub3A_3840, %add3A_3678 : i32
      %add3A_3842 = arith.addi %sub3A_3841, %mul3A_3839 : i32
      %get3A_3843 = arith.index_cast %add3A_3842 : i32 to index
      %get3A_3844 = tpu.vector_load %arg11[%get3A_3843] {strides = array<i32>} : memref<4096xf32, #tpu.memory_space<vmem>>, vector<16xf32>,
      %get3A_3845 = vector.shape_cast %get3A_3844 : vector<16xf32> to vector<16xf32>
      %swap3A_3846 = arith.constant 1 : i32
      %swap3A_3847 = arith.index_cast %swap3A_3846 : i32 to index
      %swap3A_3848 = arith.index_cast %mul3A_3839 : i32 to index
      %swap3A_3849 = tpu.vector_load %arg13[%swap3A_3847, %swap3A_3848] {strides = array<i32>} : memref<8x2048xf32, #tpu.memory_space<vmem>>, vector<1x16xf32>,
      %swap3A_3850 = vector.shape_cast %swap3A_3849 : vector<1x16xf32> to vector<16xf32>
      %swap3A_3851 = vector.shape_cast %get3A_3845 : vector<16xf32> to vector<1x16xf32>
      tpu.vector_store %arg13[%swap3A_3847, %swap3A_3848], %swap3A_3851 {strides = array<i32>} : memref<8x2048xf32, #tpu.memory_space<vmem>>, vector<1x16xf32>,
      %add3A_3852 = arith.constant 1 : i32
      %add3A_3853 = arith.addi %min3A_3835, %add3A_3852 : i32
      %mul3A_3854 = arith.constant 16 : i32
      %mul3A_3855 = arith.muli %add3A_3853, %mul3A_3854 : i32
      %sub3A_3856 = arith.constant 2040 : i32
      %sub3A_3857 = arith.subi %sub3A_3856, %add3A_3678 : i32
      %add3A_3858 = arith.addi %sub3A_3857, %mul3A_3855 : i32
      %get3A_3859 = arith.index_cast %add3A_3858 : i32 to index
      %get3A_3860 = tpu.vector_load %arg11[%get3A_3859] {strides = array<i32>} : memref<4096xf32, #tpu.memory_space<vmem>>, vector<16xf32>,
      %get3A_3861 = vector.shape_cast %get3A_3860 : vector<16xf32> to vector<16xf32>
      %swap3A_3862 = arith.constant 1 : i32
      %swap3A_3863 = arith.index_cast %swap3A_3862 : i32 to index
      %swap3A_3864 = arith.index_cast %mul3A_3855 : i32 to index
      %swap3A_3865 = tpu.vector_load %arg13[%swap3A_3863, %swap3A_3864] {strides = array<i32>} : memref<8x2048xf32, #tpu.memory_space<vmem>>, vector<1x16xf32>,
      %swap3A_3866 = vector.shape_cast %swap3A_3865 : vector<1x16xf32> to vector<16xf32>
      %swap3A_3867 = vector.shape_cast %get3A_3861 : vector<16xf32> to vector<1x16xf32>
      tpu.vector_store %arg13[%swap3A_3863, %swap3A_3864], %swap3A_3867 {strides = array<i32>} : memref<8x2048xf32, #tpu.memory_space<vmem>>, vector<1x16xf32>,
      %add3A_3868 = arith.constant 2 : i32
      %add3A_3869 = arith.addi %min3A_3835, %add3A_3868 : i32
      %mul3A_3870 = arith.constant 16 : i32
      %mul3A_3871 = arith.muli %add3A_3869, %mul3A_3870 : i32
      %sub3A_3872 = arith.constant 2040 : i32
      %sub3A_3873 = arith.subi %sub3A_3872, %add3A_3678 : i32
      %add3A_3874 = arith.addi %sub3A_3873, %mul3A_3871 : i32
      %get3A_3875 = arith.index_cast %add3A_3874 : i32 to index
      %get3A_3876 = tpu.vector_load %arg11[%get3A_3875] {strides = array<i32>} : memref<4096xf32, #tpu.memory_space<vmem>>, vector<16xf32>,
      %get3A_3877 = vector.shape_cast %get3A_3876 : vector<16xf32> to vector<16xf32>
      %swap3A_3878 = arith.constant 1 : i32
      %swap3A_3879 = arith.index_cast %swap3A_3878 : i32 to index
      %swap3A_3880 = arith.index_cast %mul3A_3871 : i32 to index
      %swap3A_3881 = tpu.vector_load %arg13[%swap3A_3879, %swap3A_3880] {strides = array<i32>} : memref<8x2048xf32, #tpu.memory_space<vmem>>, vector<1x16xf32>,
      %swap3A_3882 = vector.shape_cast %swap3A_3881 : vector<1x16xf32> to vector<16xf32>
      %swap3A_3883 = vector.shape_cast %get3A_3877 : vector<16xf32> to vector<1x16xf32>
      tpu.vector_store %arg13[%swap3A_3879, %swap3A_3880], %swap3A_3883 {strides = array<i32>} : memref<8x2048xf32, #tpu.memory_space<vmem>>, vector<1x16xf32>,
      %add3A_3884 = arith.constant 3 : i32
      %add3A_3885 = arith.addi %min3A_3835, %add3A_3884 : i32
      %mul3A_3886 = arith.constant 16 : i32
      %mul3A_3887 = arith.muli %add3A_3885, %mul3A_3886 : i32
      %sub3A_3888 = arith.constant 2040 : i32
      %sub3A_3889 = arith.subi %sub3A_3888, %add3A_3678 : i32
      %add3A_3890 = arith.addi %sub3A_3889, %mul3A_3887 : i32
      %get3A_3891 = arith.index_cast %add3A_3890 : i32 to index
      %get3A_3892 = tpu.vector_load %arg11[%get3A_3891] {strides = array<i32>} : memref<4096xf32, #tpu.memory_space<vmem>>, vector<16xf32>,
      %get3A_3893 = vector.shape_cast %get3A_3892 : vector<16xf32> to vector<16xf32>
      %swap3A_3894 = arith.constant 1 : i32
      %swap3A_3895 = arith.index_cast %swap3A_3894 : i32 to index
      %swap3A_3896 = arith.index_cast %mul3A_3887 : i32 to index
      %swap3A_3897 = tpu.vector_load %arg13[%swap3A_3895, %swap3A_3896] {strides = array<i32>} : memref<8x2048xf32, #tpu.memory_space<vmem>>, vector<1x16xf32>,
      %swap3A_3898 = vector.shape_cast %swap3A_3897 : vector<1x16xf32> to vector<16xf32>
      %swap3A_3899 = vector.shape_cast %get3A_3893 : vector<16xf32> to vector<1x16xf32>
      tpu.vector_store %arg13[%swap3A_3895, %swap3A_3896], %swap3A_3899 {strides = array<i32>} : memref<8x2048xf32, #tpu.memory_space<vmem>>, vector<1x16xf32>,
      %add3A_3900 = arith.constant 4 : i32
      %add3A_3901 = arith.addi %min3A_3835, %add3A_3900 : i32
      %mul3A_3902 = arith.constant 16 : i32
      %mul3A_3903 = arith.muli %add3A_3901, %mul3A_3902 : i32
      %sub3A_3904 = arith.constant 2040 : i32
      %sub3A_3905 = arith.subi %sub3A_3904, %add3A_3678 : i32
      %add3A_3906 = arith.addi %sub3A_3905, %mul3A_3903 : i32
      %get3A_3907 = arith.index_cast %add3A_3906 : i32 to index
      %get3A_3908 = tpu.vector_load %arg11[%get3A_3907] {strides = array<i32>} : memref<4096xf32, #tpu.memory_space<vmem>>, vector<16xf32>,
      %get3A_3909 = vector.shape_cast %get3A_3908 : vector<16xf32> to vector<16xf32>
      %swap3A_3910 = arith.constant 1 : i32
      %swap3A_3911 = arith.index_cast %swap3A_3910 : i32 to index
      %swap3A_3912 = arith.index_cast %mul3A_3903 : i32 to index
      %swap3A_3913 = tpu.vector_load %arg13[%swap3A_3911, %swap3A_3912] {strides = array<i32>} : memref<8x2048xf32, #tpu.memory_space<vmem>>, vector<1x16xf32>,
      %swap3A_3914 = vector.shape_cast %swap3A_3913 : vector<1x16xf32> to vector<16xf32>
      %swap3A_3915 = vector.shape_cast %get3A_3909 : vector<16xf32> to vector<1x16xf32>
      tpu.vector_store %arg13[%swap3A_3911, %swap3A_3912], %swap3A_3915 {strides = array<i32>} : memref<8x2048xf32, #tpu.memory_space<vmem>>, vector<1x16xf32>,
      %add3A_3916 = arith.constant 2 : i32
      %add3A_3917 = arith.addi %add3A_3678, %add3A_3916 : i32
      %sub3A_3918 = arith.constant 48 : i32
      %sub3A_3919 = arith.subi %add3A_3917, %sub3A_3918 : i32
      %jit3A_3920 = arith.constant 16 : i32
      %div3A_3921 = arith.divsi %sub3A_3919, %jit3A_3920 : i32
      %sign3A_3922 = arith.constant 0 : i32
      %sign3A_3923 = arith.cmpi sgt, %sub3A_3919, %sign3A_3922 : i32
      %sign3A_3924 = arith.extui %sign3A_3923 : i1 to i32
      %sign3A_3925 = arith.constant 0 : i32
      %sign3A_3926 = arith.cmpi slt, %sub3A_3919, %sign3A_3925 : i32
      %sign3A_3927 = arith.extui %sign3A_3926 : i1 to i32
      %sign3A_3928 = arith.subi %sign3A_3924, %sign3A_3927 : i32
      %sign3A_3929 = arith.constant 0 : i32
      %sign3A_3930 = arith.cmpi sgt, %jit3A_3920, %sign3A_3929 : i32
      %sign3A_3931 = arith.extui %sign3A_3930 : i1 to i32
      %sign3A_3932 = arith.constant 0 : i32
      %sign3A_3933 = arith.cmpi slt, %jit3A_3920, %sign3A_3932 : i32
      %sign3A_3934 = arith.extui %sign3A_3933 : i1 to i32
      %sign3A_3935 = arith.subi %sign3A_3931, %sign3A_3934 : i32
      %ne3A_3936 = arith.cmpi ne, %sign3A_3928, %sign3A_3935 : i32
      %rem3A_3937 = arith.remsi %sub3A_3919, %jit3A_3920 : i32
      %ne3A_3938 = arith.constant 0 : i32
      %ne3A_3939 = arith.cmpi ne, %rem3A_3937, %ne3A_3938 : i32
      %and3A_3940 = arith.andi %ne3A_3936, %ne3A_3939 : i1
      %sub3A_3941 = arith.constant 1 : i32
      %sub3A_3942 = arith.subi %div3A_3921, %sub3A_3941 : i32
      %select_n3A_3943 = arith.select %and3A_3940, %sub3A_3942, %div3A_3921 : i32
      %jit3A_3944 = arith.constant 0 : i32
      %jit3A_3945 = arith.constant 123 : i32
      %max3A_3946 = arith.maxsi %jit3A_3944, %select_n3A_3943 : i32
      %min3A_3947 = arith.minsi %jit3A_3945, %max3A_3946 : i32
      %add3A_3948 = arith.constant 0 : i32
      %add3A_3949 = arith.addi %min3A_3947, %add3A_3948 : i32
      %mul3A_3950 = arith.constant 16 : i32
      %mul3A_3951 = arith.muli %add3A_3949, %mul3A_3950 : i32
      %sub3A_3952 = arith.constant 2040 : i32
      %sub3A_3953 = arith.subi %sub3A_3952, %add3A_3678 : i32
      %add3A_3954 = arith.addi %sub3A_3953, %mul3A_3951 : i32
      %get3A_3955 = arith.index_cast %add3A_3954 : i32 to index
      %get3A_3956 = tpu.vector_load %arg10[%get3A_3955] {strides = array<i32>} : memref<4096xf32, #tpu.memory_space<vmem>>, vector<16xf32>,
      %get3A_3957 = vector.shape_cast %get3A_3956 : vector<16xf32> to vector<16xf32>
      %swap3A_3958 = arith.constant 2 : i32
      %swap3A_3959 = arith.index_cast %swap3A_3958 : i32 to index
      %swap3A_3960 = arith.index_cast %mul3A_3951 : i32 to index
      %swap3A_3961 = tpu.vector_load %arg13[%swap3A_3959, %swap3A_3960] {strides = array<i32>} : memref<8x2048xf32, #tpu.memory_space<vmem>>, vector<1x16xf32>,
      %swap3A_3962 = vector.shape_cast %swap3A_3961 : vector<1x16xf32> to vector<16xf32>
      %swap3A_3963 = vector.shape_cast %get3A_3957 : vector<16xf32> to vector<1x16xf32>
      tpu.vector_store %arg13[%swap3A_3959, %swap3A_3960], %swap3A_3963 {strides = array<i32>} : memref<8x2048xf32, #tpu.memory_space<vmem>>, vector<1x16xf32>,
      %add3A_3964 = arith.constant 1 : i32
      %add3A_3965 = arith.addi %min3A_3947, %add3A_3964 : i32
      %mul3A_3966 = arith.constant 16 : i32
      %mul3A_3967 = arith.muli %add3A_3965, %mul3A_3966 : i32
      %sub3A_3968 = arith.constant 2040 : i32
      %sub3A_3969 = arith.subi %sub3A_3968, %add3A_3678 : i32
      %add3A_3970 = arith.addi %sub3A_3969, %mul3A_3967 : i32
      %get3A_3971 = arith.index_cast %add3A_3970 : i32 to index
      %get3A_3972 = tpu.vector_load %arg10[%get3A_3971] {strides = array<i32>} : memref<4096xf32, #tpu.memory_space<vmem>>, vector<16xf32>,
      %get3A_3973 = vector.shape_cast %get3A_3972 : vector<16xf32> to vector<16xf32>
      %swap3A_3974 = arith.constant 2 : i32
      %swap3A_3975 = arith.index_cast %swap3A_3974 : i32 to index
      %swap3A_3976 = arith.index_cast %mul3A_3967 : i32 to index
      %swap3A_3977 = tpu.vector_load %arg13[%swap3A_3975, %swap3A_3976] {strides = array<i32>} : memref<8x2048xf32, #tpu.memory_space<vmem>>, vector<1x16xf32>,
      %swap3A_3978 = vector.shape_cast %swap3A_3977 : vector<1x16xf32> to vector<16xf32>
      %swap3A_3979 = vector.shape_cast %get3A_3973 : vector<16xf32> to vector<1x16xf32>
      tpu.vector_store %arg13[%swap3A_3975, %swap3A_3976], %swap3A_3979 {strides = array<i32>} : memref<8x2048xf32, #tpu.memory_space<vmem>>, vector<1x16xf32>,
      %add3A_3980 = arith.constant 2 : i32
      %add3A_3981 = arith.addi %min3A_3947, %add3A_3980 : i32
      %mul3A_3982 = arith.constant 16 : i32
      %mul3A_3983 = arith.muli %add3A_3981, %mul3A_3982 : i32
      %sub3A_3984 = arith.constant 2040 : i32
      %sub3A_3985 = arith.subi %sub3A_3984, %add3A_3678 : i32
      %add3A_3986 = arith.addi %sub3A_3985, %mul3A_3983 : i32
      %get3A_3987 = arith.index_cast %add3A_3986 : i32 to index
      %get3A_3988 = tpu.vector_load %arg10[%get3A_3987] {strides = array<i32>} : memref<4096xf32, #tpu.memory_space<vmem>>, vector<16xf32>,
      %get3A_3989 = vector.shape_cast %get3A_3988 : vector<16xf32> to vector<16xf32>
      %swap3A_3990 = arith.constant 2 : i32
      %swap3A_3991 = arith.index_cast %swap3A_3990 : i32 to index
      %swap3A_3992 = arith.index_cast %mul3A_3983 : i32 to index
      %swap3A_3993 = tpu.vector_load %arg13[%swap3A_3991, %swap3A_3992] {strides = array<i32>} : memref<8x2048xf32, #tpu.memory_space<vmem>>, vector<1x16xf32>,
      %swap3A_3994 = vector.shape_cast %swap3A_3993 : vector<1x16xf32> to vector<16xf32>
      %swap3A_3995 = vector.shape_cast %get3A_3989 : vector<16xf32> to vector<1x16xf32>
      tpu.vector_store %arg13[%swap3A_3991, %swap3A_3992], %swap3A_3995 {strides = array<i32>} : memref<8x2048xf32, #tpu.memory_space<vmem>>, vector<1x16xf32>,
      %add3A_3996 = arith.constant 3 : i32
      %add3A_3997 = arith.addi %min3A_3947, %add3A_3996 : i32
      %mul3A_3998 = arith.constant 16 : i32
      %mul3A_3999 = arith.muli %add3A_3997, %mul3A_3998 : i32
      %sub3A_4000 = arith.constant 2040 : i32
      %sub3A_4001 = arith.subi %sub3A_4000, %add3A_3678 : i32
      %add3A_4002 = arith.addi %sub3A_4001, %mul3A_3999 : i32
      %get3A_4003 = arith.index_cast %add3A_4002 : i32 to index
      %get3A_4004 = tpu.vector_load %arg10[%get3A_4003] {strides = array<i32>} : memref<4096xf32, #tpu.memory_space<vmem>>, vector<16xf32>,
      %get3A_4005 = vector.shape_cast %get3A_4004 : vector<16xf32> to vector<16xf32>
      %swap3A_4006 = arith.constant 2 : i32
      %swap3A_4007 = arith.index_cast %swap3A_4006 : i32 to index
      %swap3A_4008 = arith.index_cast %mul3A_3999 : i32 to index
      %swap3A_4009 = tpu.vector_load %arg13[%swap3A_4007, %swap3A_4008] {strides = array<i32>} : memref<8x2048xf32, #tpu.memory_space<vmem>>, vector<1x16xf32>,
      %swap3A_4010 = vector.shape_cast %swap3A_4009 : vector<1x16xf32> to vector<16xf32>
      %swap3A_4011 = vector.shape_cast %get3A_4005 : vector<16xf32> to vector<1x16xf32>
      tpu.vector_store %arg13[%swap3A_4007, %swap3A_4008], %swap3A_4011 {strides = array<i32>} : memref<8x2048xf32, #tpu.memory_space<vmem>>, vector<1x16xf32>,
      %add3A_4012 = arith.constant 4 : i32
      %add3A_4013 = arith.addi %min3A_3947, %add3A_4012 : i32
      %mul3A_4014 = arith.constant 16 : i32
      %mul3A_4015 = arith.muli %add3A_4013, %mul3A_4014 : i32
      %sub3A_4016 = arith.constant 2040 : i32
      %sub3A_4017 = arith.subi %sub3A_4016, %add3A_3678 : i32
      %add3A_4018 = arith.addi %sub3A_4017, %mul3A_4015 : i32
      %get3A_4019 = arith.index_cast %add3A_4018 : i32 to index
      %get3A_4020 = tpu.vector_load %arg10[%get3A_4019] {strides = array<i32>} : memref<4096xf32, #tpu.memory_space<vmem>>, vector<16xf32>,
      %get3A_4021 = vector.shape_cast %get3A_4020 : vector<16xf32> to vector<16xf32>
      %swap3A_4022 = arith.constant 2 : i32
      %swap3A_4023 = arith.index_cast %swap3A_4022 : i32 to index
      %swap3A_4024 = arith.index_cast %mul3A_4015 : i32 to index
      %swap3A_4025 = tpu.vector_load %arg13[%swap3A_4023, %swap3A_4024] {strides = array<i32>} : memref<8x2048xf32, #tpu.memory_space<vmem>>, vector<1x16xf32>,
      %swap3A_4026 = vector.shape_cast %swap3A_4025 : vector<1x16xf32> to vector<16xf32>
      %swap3A_4027 = vector.shape_cast %get3A_4021 : vector<16xf32> to vector<1x16xf32>
      tpu.vector_store %arg13[%swap3A_4023, %swap3A_4024], %swap3A_4027 {strides = array<i32>} : memref<8x2048xf32, #tpu.memory_space<vmem>>, vector<1x16xf32>,
      %add3A_4028 = arith.constant 3 : i32
      %add3A_4029 = arith.addi %add3A_3678, %add3A_4028 : i32
      %sub3A_4030 = arith.constant 48 : i32
      %sub3A_4031 = arith.subi %add3A_4029, %sub3A_4030 : i32
      %jit3A_4032 = arith.constant 16 : i32
      %div3A_4033 = arith.divsi %sub3A_4031, %jit3A_4032 : i32
      %sign3A_4034 = arith.constant 0 : i32
      %sign3A_4035 = arith.cmpi sgt, %sub3A_4031, %sign3A_4034 : i32
      %sign3A_4036 = arith.extui %sign3A_4035 : i1 to i32
      %sign3A_4037 = arith.constant 0 : i32
      %sign3A_4038 = arith.cmpi slt, %sub3A_4031, %sign3A_4037 : i32
      %sign3A_4039 = arith.extui %sign3A_4038 : i1 to i32
      %sign3A_4040 = arith.subi %sign3A_4036, %sign3A_4039 : i32
      %sign3A_4041 = arith.constant 0 : i32
      %sign3A_4042 = arith.cmpi sgt, %jit3A_4032, %sign3A_4041 : i32
      %sign3A_4043 = arith.extui %sign3A_4042 : i1 to i32
      %sign3A_4044 = arith.constant 0 : i32
      %sign3A_4045 = arith.cmpi slt, %jit3A_4032, %sign3A_4044 : i32
      %sign3A_4046 = arith.extui %sign3A_4045 : i1 to i32
      %sign3A_4047 = arith.subi %sign3A_4043, %sign3A_4046 : i32
      %ne3A_4048 = arith.cmpi ne, %sign3A_4040, %sign3A_4047 : i32
      %rem3A_4049 = arith.remsi %sub3A_4031, %jit3A_4032 : i32
      %ne3A_4050 = arith.constant 0 : i32
      %ne3A_4051 = arith.cmpi ne, %rem3A_4049, %ne3A_4050 : i32
      %and3A_4052 = arith.andi %ne3A_4048, %ne3A_4051 : i1
      %sub3A_4053 = arith.constant 1 : i32
      %sub3A_4054 = arith.subi %div3A_4033, %sub3A_4053 : i32
      %select_n3A_4055 = arith.select %and3A_4052, %sub3A_4054, %div3A_4033 : i32
      %jit3A_4056 = arith.constant 0 : i32
      %jit3A_4057 = arith.constant 123 : i32
      %max3A_4058 = arith.maxsi %jit3A_4056, %select_n3A_4055 : i32
      %min3A_4059 = arith.minsi %jit3A_4057, %max3A_4058 : i32
      %add3A_4060 = arith.constant 0 : i32
      %add3A_4061 = arith.addi %min3A_4059, %add3A_4060 : i32
      %mul3A_4062 = arith.constant 16 : i32
      %mul3A_4063 = arith.muli %add3A_4061, %mul3A_4062 : i32
      %sub3A_4064 = arith.constant 2040 : i32
      %sub3A_4065 = arith.subi %sub3A_4064, %add3A_3678 : i32
      %add3A_4066 = arith.addi %sub3A_4065, %mul3A_4063 : i32
      %get3A_4067 = arith.index_cast %add3A_4066 : i32 to index
      %get3A_4068 = tpu.vector_load %arg9[%get3A_4067] {strides = array<i32>} : memref<4096xf32, #tpu.memory_space<vmem>>, vector<16xf32>,
      %get3A_4069 = vector.shape_cast %get3A_4068 : vector<16xf32> to vector<16xf32>
      %swap3A_4070 = arith.constant 3 : i32
      %swap3A_4071 = arith.index_cast %swap3A_4070 : i32 to index
      %swap3A_4072 = arith.index_cast %mul3A_4063 : i32 to index
      %swap3A_4073 = tpu.vector_load %arg13[%swap3A_4071, %swap3A_4072] {strides = array<i32>} : memref<8x2048xf32, #tpu.memory_space<vmem>>, vector<1x16xf32>,
      %swap3A_4074 = vector.shape_cast %swap3A_4073 : vector<1x16xf32> to vector<16xf32>
      %swap3A_4075 = vector.shape_cast %get3A_4069 : vector<16xf32> to vector<1x16xf32>
      tpu.vector_store %arg13[%swap3A_4071, %swap3A_4072], %swap3A_4075 {strides = array<i32>} : memref<8x2048xf32, #tpu.memory_space<vmem>>, vector<1x16xf32>,
      %add3A_4076 = arith.constant 1 : i32
      %add3A_4077 = arith.addi %min3A_4059, %add3A_4076 : i32
      %mul3A_4078 = arith.constant 16 : i32
      %mul3A_4079 = arith.muli %add3A_4077, %mul3A_4078 : i32
      %sub3A_4080 = arith.constant 2040 : i32
      %sub3A_4081 = arith.subi %sub3A_4080, %add3A_3678 : i32
      %add3A_4082 = arith.addi %sub3A_4081, %mul3A_4079 : i32
      %get3A_4083 = arith.index_cast %add3A_4082 : i32 to index
      %get3A_4084 = tpu.vector_load %arg9[%get3A_4083] {strides = array<i32>} : memref<4096xf32, #tpu.memory_space<vmem>>, vector<16xf32>,
      %get3A_4085 = vector.shape_cast %get3A_4084 : vector<16xf32> to vector<16xf32>
      %swap3A_4086 = arith.constant 3 : i32
      %swap3A_4087 = arith.index_cast %swap3A_4086 : i32 to index
      %swap3A_4088 = arith.index_cast %mul3A_4079 : i32 to index
      %swap3A_4089 = tpu.vector_load %arg13[%swap3A_4087, %swap3A_4088] {strides = array<i32>} : memref<8x2048xf32, #tpu.memory_space<vmem>>, vector<1x16xf32>,
      %swap3A_4090 = vector.shape_cast %swap3A_4089 : vector<1x16xf32> to vector<16xf32>
      %swap3A_4091 = vector.shape_cast %get3A_4085 : vector<16xf32> to vector<1x16xf32>
      tpu.vector_store %arg13[%swap3A_4087, %swap3A_4088], %swap3A_4091 {strides = array<i32>} : memref<8x2048xf32, #tpu.memory_space<vmem>>, vector<1x16xf32>,
      %add3A_4092 = arith.constant 2 : i32
      %add3A_4093 = arith.addi %min3A_4059, %add3A_4092 : i32
      %mul3A_4094 = arith.constant 16 : i32
      %mul3A_4095 = arith.muli %add3A_4093, %mul3A_4094 : i32
      %sub3A_4096 = arith.constant 2040 : i32
      %sub3A_4097 = arith.subi %sub3A_4096, %add3A_3678 : i32
      %add3A_4098 = arith.addi %sub3A_4097, %mul3A_4095 : i32
      %get3A_4099 = arith.index_cast %add3A_4098 : i32 to index
      %get3A_4100 = tpu.vector_load %arg9[%get3A_4099] {strides = array<i32>} : memref<4096xf32, #tpu.memory_space<vmem>>, vector<16xf32>,
      %get3A_4101 = vector.shape_cast %get3A_4100 : vector<16xf32> to vector<16xf32>
      %swap3A_4102 = arith.constant 3 : i32
      %swap3A_4103 = arith.index_cast %swap3A_4102 : i32 to index
      %swap3A_4104 = arith.index_cast %mul3A_4095 : i32 to index
      %swap3A_4105 = tpu.vector_load %arg13[%swap3A_4103, %swap3A_4104] {strides = array<i32>} : memref<8x2048xf32, #tpu.memory_space<vmem>>, vector<1x16xf32>,
      %swap3A_4106 = vector.shape_cast %swap3A_4105 : vector<1x16xf32> to vector<16xf32>
      %swap3A_4107 = vector.shape_cast %get3A_4101 : vector<16xf32> to vector<1x16xf32>
      tpu.vector_store %arg13[%swap3A_4103, %swap3A_4104], %swap3A_4107 {strides = array<i32>} : memref<8x2048xf32, #tpu.memory_space<vmem>>, vector<1x16xf32>,
      %add3A_4108 = arith.constant 3 : i32
      %add3A_4109 = arith.addi %min3A_4059, %add3A_4108 : i32
      %mul3A_4110 = arith.constant 16 : i32
      %mul3A_4111 = arith.muli %add3A_4109, %mul3A_4110 : i32
      %sub3A_4112 = arith.constant 2040 : i32
      %sub3A_4113 = arith.subi %sub3A_4112, %add3A_3678 : i32
      %add3A_4114 = arith.addi %sub3A_4113, %mul3A_4111 : i32
      %get3A_4115 = arith.index_cast %add3A_4114 : i32 to index
      %get3A_4116 = tpu.vector_load %arg9[%get3A_4115] {strides = array<i32>} : memref<4096xf32, #tpu.memory_space<vmem>>, vector<16xf32>,
      %get3A_4117 = vector.shape_cast %get3A_4116 : vector<16xf32> to vector<16xf32>
      %swap3A_4118 = arith.constant 3 : i32
      %swap3A_4119 = arith.index_cast %swap3A_4118 : i32 to index
      %swap3A_4120 = arith.index_cast %mul3A_4111 : i32 to index
      %swap3A_4121 = tpu.vector_load %arg13[%swap3A_4119, %swap3A_4120] {strides = array<i32>} : memref<8x2048xf32, #tpu.memory_space<vmem>>, vector<1x16xf32>,
      %swap3A_4122 = vector.shape_cast %swap3A_4121 : vector<1x16xf32> to vector<16xf32>
      %swap3A_4123 = vector.shape_cast %get3A_4117 : vector<16xf32> to vector<1x16xf32>
      tpu.vector_store %arg13[%swap3A_4119, %swap3A_4120], %swap3A_4123 {strides = array<i32>} : memref<8x2048xf32, #tpu.memory_space<vmem>>, vector<1x16xf32>,
      %add3A_4124 = arith.constant 4 : i32
      %add3A_4125 = arith.addi %min3A_4059, %add3A_4124 : i32
      %mul3A_4126 = arith.constant 16 : i32
      %mul3A_4127 = arith.muli %add3A_4125, %mul3A_4126 : i32
      %sub3A_4128 = arith.constant 2040 : i32
      %sub3A_4129 = arith.subi %sub3A_4128, %add3A_3678 : i32
      %add3A_4130 = arith.addi %sub3A_4129, %mul3A_4127 : i32
      %get3A_4131 = arith.index_cast %add3A_4130 : i32 to index
      %get3A_4132 = tpu.vector_load %arg9[%get3A_4131] {strides = array<i32>} : memref<4096xf32, #tpu.memory_space<vmem>>, vector<16xf32>,
      %get3A_4133 = vector.shape_cast %get3A_4132 : vector<16xf32> to vector<16xf32>
      %swap3A_4134 = arith.constant 3 : i32
      %swap3A_4135 = arith.index_cast %swap3A_4134 : i32 to index
      %swap3A_4136 = arith.index_cast %mul3A_4127 : i32 to index
      %swap3A_4137 = tpu.vector_load %arg13[%swap3A_4135, %swap3A_4136] {strides = array<i32>} : memref<8x2048xf32, #tpu.memory_space<vmem>>, vector<1x16xf32>,
      %swap3A_4138 = vector.shape_cast %swap3A_4137 : vector<1x16xf32> to vector<16xf32>
      %swap3A_4139 = vector.shape_cast %get3A_4133 : vector<16xf32> to vector<1x16xf32>
      tpu.vector_store %arg13[%swap3A_4135, %swap3A_4136], %swap3A_4139 {strides = array<i32>} : memref<8x2048xf32, #tpu.memory_space<vmem>>, vector<1x16xf32>,
      %add3A_4140 = arith.constant 4 : i32
      %add3A_4141 = arith.addi %add3A_3678, %add3A_4140 : i32
      %sub3A_4142 = arith.constant 48 : i32
      %sub3A_4143 = arith.subi %add3A_4141, %sub3A_4142 : i32
      %jit3A_4144 = arith.constant 16 : i32
      %div3A_4145 = arith.divsi %sub3A_4143, %jit3A_4144 : i32
      %sign3A_4146 = arith.constant 0 : i32
      %sign3A_4147 = arith.cmpi sgt, %sub3A_4143, %sign3A_4146 : i32
      %sign3A_4148 = arith.extui %sign3A_4147 : i1 to i32
      %sign3A_4149 = arith.constant 0 : i32
      %sign3A_4150 = arith.cmpi slt, %sub3A_4143, %sign3A_4149 : i32
      %sign3A_4151 = arith.extui %sign3A_4150 : i1 to i32
      %sign3A_4152 = arith.subi %sign3A_4148, %sign3A_4151 : i32
      %sign3A_4153 = arith.constant 0 : i32
      %sign3A_4154 = arith.cmpi sgt, %jit3A_4144, %sign3A_4153 : i32
      %sign3A_4155 = arith.extui %sign3A_4154 : i1 to i32
      %sign3A_4156 = arith.constant 0 : i32
      %sign3A_4157 = arith.cmpi slt, %jit3A_4144, %sign3A_4156 : i32
      %sign3A_4158 = arith.extui %sign3A_4157 : i1 to i32
      %sign3A_4159 = arith.subi %sign3A_4155, %sign3A_4158 : i32
      %ne3A_4160 = arith.cmpi ne, %sign3A_4152, %sign3A_4159 : i32
      %rem3A_4161 = arith.remsi %sub3A_4143, %jit3A_4144 : i32
      %ne3A_4162 = arith.constant 0 : i32
      %ne3A_4163 = arith.cmpi ne, %rem3A_4161, %ne3A_4162 : i32
      %and3A_4164 = arith.andi %ne3A_4160, %ne3A_4163 : i1
      %sub3A_4165 = arith.constant 1 : i32
      %sub3A_4166 = arith.subi %div3A_4145, %sub3A_4165 : i32
      %select_n3A_4167 = arith.select %and3A_4164, %sub3A_4166, %div3A_4145 : i32
      %jit3A_4168 = arith.constant 0 : i32
      %jit3A_4169 = arith.constant 123 : i32
      %max3A_4170 = arith.maxsi %jit3A_4168, %select_n3A_4167 : i32
      %min3A_4171 = arith.minsi %jit3A_4169, %max3A_4170 : i32
      %add3A_4172 = arith.constant 0 : i32
      %add3A_4173 = arith.addi %min3A_4171, %add3A_4172 : i32
      %mul3A_4174 = arith.constant 16 : i32
      %mul3A_4175 = arith.muli %add3A_4173, %mul3A_4174 : i32
      %sub3A_4176 = arith.constant 2040 : i32
      %sub3A_4177 = arith.subi %sub3A_4176, %add3A_3678 : i32
      %add3A_4178 = arith.addi %sub3A_4177, %mul3A_4175 : i32
      %get3A_4179 = arith.index_cast %add3A_4178 : i32 to index
      %get3A_4180 = tpu.vector_load %arg8[%get3A_4179] {strides = array<i32>} : memref<4096xf32, #tpu.memory_space<vmem>>, vector<16xf32>,
      %get3A_4181 = vector.shape_cast %get3A_4180 : vector<16xf32> to vector<16xf32>
      %swap3A_4182 = arith.constant 4 : i32
      %swap3A_4183 = arith.index_cast %swap3A_4182 : i32 to index
      %swap3A_4184 = arith.index_cast %mul3A_4175 : i32 to index
      %swap3A_4185 = tpu.vector_load %arg13[%swap3A_4183, %swap3A_4184] {strides = array<i32>} : memref<8x2048xf32, #tpu.memory_space<vmem>>, vector<1x16xf32>,
      %swap3A_4186 = vector.shape_cast %swap3A_4185 : vector<1x16xf32> to vector<16xf32>
      %swap3A_4187 = vector.shape_cast %get3A_4181 : vector<16xf32> to vector<1x16xf32>
      tpu.vector_store %arg13[%swap3A_4183, %swap3A_4184], %swap3A_4187 {strides = array<i32>} : memref<8x2048xf32, #tpu.memory_space<vmem>>, vector<1x16xf32>,
      %add3A_4188 = arith.constant 1 : i32
      %add3A_4189 = arith.addi %min3A_4171, %add3A_4188 : i32
      %mul3A_4190 = arith.constant 16 : i32
      %mul3A_4191 = arith.muli %add3A_4189, %mul3A_4190 : i32
      %sub3A_4192 = arith.constant 2040 : i32
      %sub3A_4193 = arith.subi %sub3A_4192, %add3A_3678 : i32
      %add3A_4194 = arith.addi %sub3A_4193, %mul3A_4191 : i32
      %get3A_4195 = arith.index_cast %add3A_4194 : i32 to index
      %get3A_4196 = tpu.vector_load %arg8[%get3A_4195] {strides = array<i32>} : memref<4096xf32, #tpu.memory_space<vmem>>, vector<16xf32>,
      %get3A_4197 = vector.shape_cast %get3A_4196 : vector<16xf32> to vector<16xf32>
      %swap3A_4198 = arith.constant 4 : i32
      %swap3A_4199 = arith.index_cast %swap3A_4198 : i32 to index
      %swap3A_4200 = arith.index_cast %mul3A_4191 : i32 to index
      %swap3A_4201 = tpu.vector_load %arg13[%swap3A_4199, %swap3A_4200] {strides = array<i32>} : memref<8x2048xf32, #tpu.memory_space<vmem>>, vector<1x16xf32>,
      %swap3A_4202 = vector.shape_cast %swap3A_4201 : vector<1x16xf32> to vector<16xf32>
      %swap3A_4203 = vector.shape_cast %get3A_4197 : vector<16xf32> to vector<1x16xf32>
      tpu.vector_store %arg13[%swap3A_4199, %swap3A_4200], %swap3A_4203 {strides = array<i32>} : memref<8x2048xf32, #tpu.memory_space<vmem>>, vector<1x16xf32>,
      %add3A_4204 = arith.constant 2 : i32
      %add3A_4205 = arith.addi %min3A_4171, %add3A_4204 : i32
      %mul3A_4206 = arith.constant 16 : i32
      %mul3A_4207 = arith.muli %add3A_4205, %mul3A_4206 : i32
      %sub3A_4208 = arith.constant 2040 : i32
      %sub3A_4209 = arith.subi %sub3A_4208, %add3A_3678 : i32
      %add3A_4210 = arith.addi %sub3A_4209, %mul3A_4207 : i32
      %get3A_4211 = arith.index_cast %add3A_4210 : i32 to index
      %get3A_4212 = tpu.vector_load %arg8[%get3A_4211] {strides = array<i32>} : memref<4096xf32, #tpu.memory_space<vmem>>, vector<16xf32>,
      %get3A_4213 = vector.shape_cast %get3A_4212 : vector<16xf32> to vector<16xf32>
      %swap3A_4214 = arith.constant 4 : i32
      %swap3A_4215 = arith.index_cast %swap3A_4214 : i32 to index
      %swap3A_4216 = arith.index_cast %mul3A_4207 : i32 to index
      %swap3A_4217 = tpu.vector_load %arg13[%swap3A_4215, %swap3A_4216] {strides = array<i32>} : memref<8x2048xf32, #tpu.memory_space<vmem>>, vector<1x16xf32>,
      %swap3A_4218 = vector.shape_cast %swap3A_4217 : vector<1x16xf32> to vector<16xf32>
      %swap3A_4219 = vector.shape_cast %get3A_4213 : vector<16xf32> to vector<1x16xf32>
      tpu.vector_store %arg13[%swap3A_4215, %swap3A_4216], %swap3A_4219 {strides = array<i32>} : memref<8x2048xf32, #tpu.memory_space<vmem>>, vector<1x16xf32>,
      %add3A_4220 = arith.constant 3 : i32
      %add3A_4221 = arith.addi %min3A_4171, %add3A_4220 : i32
      %mul3A_4222 = arith.constant 16 : i32
      %mul3A_4223 = arith.muli %add3A_4221, %mul3A_4222 : i32
      %sub3A_4224 = arith.constant 2040 : i32
      %sub3A_4225 = arith.subi %sub3A_4224, %add3A_3678 : i32
      %add3A_4226 = arith.addi %sub3A_4225, %mul3A_4223 : i32
      %get3A_4227 = arith.index_cast %add3A_4226 : i32 to index
      %get3A_4228 = tpu.vector_load %arg8[%get3A_4227] {strides = array<i32>} : memref<4096xf32, #tpu.memory_space<vmem>>, vector<16xf32>,
      %get3A_4229 = vector.shape_cast %get3A_4228 : vector<16xf32> to vector<16xf32>
      %swap3A_4230 = arith.constant 4 : i32
      %swap3A_4231 = arith.index_cast %swap3A_4230 : i32 to index
      %swap3A_4232 = arith.index_cast %mul3A_4223 : i32 to index
      %swap3A_4233 = tpu.vector_load %arg13[%swap3A_4231, %swap3A_4232] {strides = array<i32>} : memref<8x2048xf32, #tpu.memory_space<vmem>>, vector<1x16xf32>,
      %swap3A_4234 = vector.shape_cast %swap3A_4233 : vector<1x16xf32> to vector<16xf32>
      %swap3A_4235 = vector.shape_cast %get3A_4229 : vector<16xf32> to vector<1x16xf32>
      tpu.vector_store %arg13[%swap3A_4231, %swap3A_4232], %swap3A_4235 {strides = array<i32>} : memref<8x2048xf32, #tpu.memory_space<vmem>>, vector<1x16xf32>,
      %add3A_4236 = arith.constant 4 : i32
      %add3A_4237 = arith.addi %min3A_4171, %add3A_4236 : i32
      %mul3A_4238 = arith.constant 16 : i32
      %mul3A_4239 = arith.muli %add3A_4237, %mul3A_4238 : i32
      %sub3A_4240 = arith.constant 2040 : i32
      %sub3A_4241 = arith.subi %sub3A_4240, %add3A_3678 : i32
      %add3A_4242 = arith.addi %sub3A_4241, %mul3A_4239 : i32
      %get3A_4243 = arith.index_cast %add3A_4242 : i32 to index
      %get3A_4244 = tpu.vector_load %arg8[%get3A_4243] {strides = array<i32>} : memref<4096xf32, #tpu.memory_space<vmem>>, vector<16xf32>,
      %get3A_4245 = vector.shape_cast %get3A_4244 : vector<16xf32> to vector<16xf32>
      %swap3A_4246 = arith.constant 4 : i32
      %swap3A_4247 = arith.index_cast %swap3A_4246 : i32 to index
      %swap3A_4248 = arith.index_cast %mul3A_4239 : i32 to index
      %swap3A_4249 = tpu.vector_load %arg13[%swap3A_4247, %swap3A_4248] {strides = array<i32>} : memref<8x2048xf32, #tpu.memory_space<vmem>>, vector<1x16xf32>,
      %swap3A_4250 = vector.shape_cast %swap3A_4249 : vector<1x16xf32> to vector<16xf32>
      %swap3A_4251 = vector.shape_cast %get3A_4245 : vector<16xf32> to vector<1x16xf32>
      tpu.vector_store %arg13[%swap3A_4247, %swap3A_4248], %swap3A_4251 {strides = array<i32>} : memref<8x2048xf32, #tpu.memory_space<vmem>>, vector<1x16xf32>,
      %add3A_4252 = arith.constant 5 : i32
      %add3A_4253 = arith.addi %add3A_3678, %add3A_4252 : i32
      %sub3A_4254 = arith.constant 48 : i32
      %sub3A_4255 = arith.subi %add3A_4253, %sub3A_4254 : i32
      %jit3A_4256 = arith.constant 16 : i32
      %div3A_4257 = arith.divsi %sub3A_4255, %jit3A_4256 : i32
      %sign3A_4258 = arith.constant 0 : i32
      %sign3A_4259 = arith.cmpi sgt, %sub3A_4255, %sign3A_4258 : i32
      %sign3A_4260 = arith.extui %sign3A_4259 : i1 to i32
      %sign3A_4261 = arith.constant 0 : i32
      %sign3A_4262 = arith.cmpi slt, %sub3A_4255, %sign3A_4261 : i32
      %sign3A_4263 = arith.extui %sign3A_4262 : i1 to i32
      %sign3A_4264 = arith.subi %sign3A_4260, %sign3A_4263 : i32
      %sign3A_4265 = arith.constant 0 : i32
      %sign3A_4266 = arith.cmpi sgt, %jit3A_4256, %sign3A_4265 : i32
      %sign3A_4267 = arith.extui %sign3A_4266 : i1 to i32
      %sign3A_4268 = arith.constant 0 : i32
      %sign3A_4269 = arith.cmpi slt, %jit3A_4256, %sign3A_4268 : i32
      %sign3A_4270 = arith.extui %sign3A_4269 : i1 to i32
      %sign3A_4271 = arith.subi %sign3A_4267, %sign3A_4270 : i32
      %ne3A_4272 = arith.cmpi ne, %sign3A_4264, %sign3A_4271 : i32
      %rem3A_4273 = arith.remsi %sub3A_4255, %jit3A_4256 : i32
      %ne3A_4274 = arith.constant 0 : i32
      %ne3A_4275 = arith.cmpi ne, %rem3A_4273, %ne3A_4274 : i32
      %and3A_4276 = arith.andi %ne3A_4272, %ne3A_4275 : i1
      %sub3A_4277 = arith.constant 1 : i32
      %sub3A_4278 = arith.subi %div3A_4257, %sub3A_4277 : i32
      %select_n3A_4279 = arith.select %and3A_4276, %sub3A_4278, %div3A_4257 : i32
      %jit3A_4280 = arith.constant 0 : i32
      %jit3A_4281 = arith.constant 123 : i32
      %max3A_4282 = arith.maxsi %jit3A_4280, %select_n3A_4279 : i32
      %min3A_4283 = arith.minsi %jit3A_4281, %max3A_4282 : i32
      %add3A_4284 = arith.constant 0 : i32
      %add3A_4285 = arith.addi %min3A_4283, %add3A_4284 : i32
      %mul3A_4286 = arith.constant 16 : i32
      %mul3A_4287 = arith.muli %add3A_4285, %mul3A_4286 : i32
      %sub3A_4288 = arith.constant 2040 : i32
      %sub3A_4289 = arith.subi %sub3A_4288, %add3A_3678 : i32
      %add3A_4290 = arith.addi %sub3A_4289, %mul3A_4287 : i32
      %get3A_4291 = arith.index_cast %add3A_4290 : i32 to index
      %get3A_4292 = tpu.vector_load %arg7[%get3A_4291] {strides = array<i32>} : memref<4096xf32, #tpu.memory_space<vmem>>, vector<16xf32>,
      %get3A_4293 = vector.shape_cast %get3A_4292 : vector<16xf32> to vector<16xf32>
      %swap3A_4294 = arith.constant 5 : i32
      %swap3A_4295 = arith.index_cast %swap3A_4294 : i32 to index
      %swap3A_4296 = arith.index_cast %mul3A_4287 : i32 to index
      %swap3A_4297 = tpu.vector_load %arg13[%swap3A_4295, %swap3A_4296] {strides = array<i32>} : memref<8x2048xf32, #tpu.memory_space<vmem>>, vector<1x16xf32>,
      %swap3A_4298 = vector.shape_cast %swap3A_4297 : vector<1x16xf32> to vector<16xf32>
      %swap3A_4299 = vector.shape_cast %get3A_4293 : vector<16xf32> to vector<1x16xf32>
      tpu.vector_store %arg13[%swap3A_4295, %swap3A_4296], %swap3A_4299 {strides = array<i32>} : memref<8x2048xf32, #tpu.memory_space<vmem>>, vector<1x16xf32>,
      %add3A_4300 = arith.constant 1 : i32
      %add3A_4301 = arith.addi %min3A_4283, %add3A_4300 : i32
      %mul3A_4302 = arith.constant 16 : i32
      %mul3A_4303 = arith.muli %add3A_4301, %mul3A_4302 : i32
      %sub3A_4304 = arith.constant 2040 : i32
      %sub3A_4305 = arith.subi %sub3A_4304, %add3A_3678 : i32
      %add3A_4306 = arith.addi %sub3A_4305, %mul3A_4303 : i32
      %get3A_4307 = arith.index_cast %add3A_4306 : i32 to index
      %get3A_4308 = tpu.vector_load %arg7[%get3A_4307] {strides = array<i32>} : memref<4096xf32, #tpu.memory_space<vmem>>, vector<16xf32>,
      %get3A_4309 = vector.shape_cast %get3A_4308 : vector<16xf32> to vector<16xf32>
      %swap3A_4310 = arith.constant 5 : i32
      %swap3A_4311 = arith.index_cast %swap3A_4310 : i32 to index
      %swap3A_4312 = arith.index_cast %mul3A_4303 : i32 to index
      %swap3A_4313 = tpu.vector_load %arg13[%swap3A_4311, %swap3A_4312] {strides = array<i32>} : memref<8x2048xf32, #tpu.memory_space<vmem>>, vector<1x16xf32>,
      %swap3A_4314 = vector.shape_cast %swap3A_4313 : vector<1x16xf32> to vector<16xf32>
      %swap3A_4315 = vector.shape_cast %get3A_4309 : vector<16xf32> to vector<1x16xf32>
      tpu.vector_store %arg13[%swap3A_4311, %swap3A_4312], %swap3A_4315 {strides = array<i32>} : memref<8x2048xf32, #tpu.memory_space<vmem>>, vector<1x16xf32>,
      %add3A_4316 = arith.constant 2 : i32
      %add3A_4317 = arith.addi %min3A_4283, %add3A_4316 : i32
      %mul3A_4318 = arith.constant 16 : i32
      %mul3A_4319 = arith.muli %add3A_4317, %mul3A_4318 : i32
      %sub3A_4320 = arith.constant 2040 : i32
      %sub3A_4321 = arith.subi %sub3A_4320, %add3A_3678 : i32
      %add3A_4322 = arith.addi %sub3A_4321, %mul3A_4319 : i32
      %get3A_4323 = arith.index_cast %add3A_4322 : i32 to index
      %get3A_4324 = tpu.vector_load %arg7[%get3A_4323] {strides = array<i32>} : memref<4096xf32, #tpu.memory_space<vmem>>, vector<16xf32>,
      %get3A_4325 = vector.shape_cast %get3A_4324 : vector<16xf32> to vector<16xf32>
      %swap3A_4326 = arith.constant 5 : i32
      %swap3A_4327 = arith.index_cast %swap3A_4326 : i32 to index
      %swap3A_4328 = arith.index_cast %mul3A_4319 : i32 to index
      %swap3A_4329 = tpu.vector_load %arg13[%swap3A_4327, %swap3A_4328] {strides = array<i32>} : memref<8x2048xf32, #tpu.memory_space<vmem>>, vector<1x16xf32>,
      %swap3A_4330 = vector.shape_cast %swap3A_4329 : vector<1x16xf32> to vector<16xf32>
      %swap3A_4331 = vector.shape_cast %get3A_4325 : vector<16xf32> to vector<1x16xf32>
      tpu.vector_store %arg13[%swap3A_4327, %swap3A_4328], %swap3A_4331 {strides = array<i32>} : memref<8x2048xf32, #tpu.memory_space<vmem>>, vector<1x16xf32>,
      %add3A_4332 = arith.constant 3 : i32
      %add3A_4333 = arith.addi %min3A_4283, %add3A_4332 : i32
      %mul3A_4334 = arith.constant 16 : i32
      %mul3A_4335 = arith.muli %add3A_4333, %mul3A_4334 : i32
      %sub3A_4336 = arith.constant 2040 : i32
      %sub3A_4337 = arith.subi %sub3A_4336, %add3A_3678 : i32
      %add3A_4338 = arith.addi %sub3A_4337, %mul3A_4335 : i32
      %get3A_4339 = arith.index_cast %add3A_4338 : i32 to index
      %get3A_4340 = tpu.vector_load %arg7[%get3A_4339] {strides = array<i32>} : memref<4096xf32, #tpu.memory_space<vmem>>, vector<16xf32>,
      %get3A_4341 = vector.shape_cast %get3A_4340 : vector<16xf32> to vector<16xf32>
      %swap3A_4342 = arith.constant 5 : i32
      %swap3A_4343 = arith.index_cast %swap3A_4342 : i32 to index
      %swap3A_4344 = arith.index_cast %mul3A_4335 : i32 to index
      %swap3A_4345 = tpu.vector_load %arg13[%swap3A_4343, %swap3A_4344] {strides = array<i32>} : memref<8x2048xf32, #tpu.memory_space<vmem>>, vector<1x16xf32>,
      %swap3A_4346 = vector.shape_cast %swap3A_4345 : vector<1x16xf32> to vector<16xf32>
      %swap3A_4347 = vector.shape_cast %get3A_4341 : vector<16xf32> to vector<1x16xf32>
      tpu.vector_store %arg13[%swap3A_4343, %swap3A_4344], %swap3A_4347 {strides = array<i32>} : memref<8x2048xf32, #tpu.memory_space<vmem>>, vector<1x16xf32>,
      %add3A_4348 = arith.constant 4 : i32
      %add3A_4349 = arith.addi %min3A_4283, %add3A_4348 : i32
      %mul3A_4350 = arith.constant 16 : i32
      %mul3A_4351 = arith.muli %add3A_4349, %mul3A_4350 : i32
      %sub3A_4352 = arith.constant 2040 : i32
      %sub3A_4353 = arith.subi %sub3A_4352, %add3A_3678 : i32
      %add3A_4354 = arith.addi %sub3A_4353, %mul3A_4351 : i32
      %get3A_4355 = arith.index_cast %add3A_4354 : i32 to index
      %get3A_4356 = tpu.vector_load %arg7[%get3A_4355] {strides = array<i32>} : memref<4096xf32, #tpu.memory_space<vmem>>, vector<16xf32>,
      %get3A_4357 = vector.shape_cast %get3A_4356 : vector<16xf32> to vector<16xf32>
      %swap3A_4358 = arith.constant 5 : i32
      %swap3A_4359 = arith.index_cast %swap3A_4358 : i32 to index
      %swap3A_4360 = arith.index_cast %mul3A_4351 : i32 to index
      %swap3A_4361 = tpu.vector_load %arg13[%swap3A_4359, %swap3A_4360] {strides = array<i32>} : memref<8x2048xf32, #tpu.memory_space<vmem>>, vector<1x16xf32>,
      %swap3A_4362 = vector.shape_cast %swap3A_4361 : vector<1x16xf32> to vector<16xf32>
      %swap3A_4363 = vector.shape_cast %get3A_4357 : vector<16xf32> to vector<1x16xf32>
      tpu.vector_store %arg13[%swap3A_4359, %swap3A_4360], %swap3A_4363 {strides = array<i32>} : memref<8x2048xf32, #tpu.memory_space<vmem>>, vector<1x16xf32>,
      %add3A_4364 = arith.constant 6 : i32
      %add3A_4365 = arith.addi %add3A_3678, %add3A_4364 : i32
      %sub3A_4366 = arith.constant 48 : i32
      %sub3A_4367 = arith.subi %add3A_4365, %sub3A_4366 : i32
      %jit3A_4368 = arith.constant 16 : i32
      %div3A_4369 = arith.divsi %sub3A_4367, %jit3A_4368 : i32
      %sign3A_4370 = arith.constant 0 : i32
      %sign3A_4371 = arith.cmpi sgt, %sub3A_4367, %sign3A_4370 : i32
      %sign3A_4372 = arith.extui %sign3A_4371 : i1 to i32
      %sign3A_4373 = arith.constant 0 : i32
      %sign3A_4374 = arith.cmpi slt, %sub3A_4367, %sign3A_4373 : i32
      %sign3A_4375 = arith.extui %sign3A_4374 : i1 to i32
      %sign3A_4376 = arith.subi %sign3A_4372, %sign3A_4375 : i32
      %sign3A_4377 = arith.constant 0 : i32
      %sign3A_4378 = arith.cmpi sgt, %jit3A_4368, %sign3A_4377 : i32
      %sign3A_4379 = arith.extui %sign3A_4378 : i1 to i32
      %sign3A_4380 = arith.constant 0 : i32
      %sign3A_4381 = arith.cmpi slt, %jit3A_4368, %sign3A_4380 : i32
      %sign3A_4382 = arith.extui %sign3A_4381 : i1 to i32
      %sign3A_4383 = arith.subi %sign3A_4379, %sign3A_4382 : i32
      %ne3A_4384 = arith.cmpi ne, %sign3A_4376, %sign3A_4383 : i32
      %rem3A_4385 = arith.remsi %sub3A_4367, %jit3A_4368 : i32
      %ne3A_4386 = arith.constant 0 : i32
      %ne3A_4387 = arith.cmpi ne, %rem3A_4385, %ne3A_4386 : i32
      %and3A_4388 = arith.andi %ne3A_4384, %ne3A_4387 : i1
      %sub3A_4389 = arith.constant 1 : i32
      %sub3A_4390 = arith.subi %div3A_4369, %sub3A_4389 : i32
      %select_n3A_4391 = arith.select %and3A_4388, %sub3A_4390, %div3A_4369 : i32
      %jit3A_4392 = arith.constant 0 : i32
      %jit3A_4393 = arith.constant 123 : i32
      %max3A_4394 = arith.maxsi %jit3A_4392, %select_n3A_4391 : i32
      %min3A_4395 = arith.minsi %jit3A_4393, %max3A_4394 : i32
      %add3A_4396 = arith.constant 0 : i32
      %add3A_4397 = arith.addi %min3A_4395, %add3A_4396 : i32
      %mul3A_4398 = arith.constant 16 : i32
      %mul3A_4399 = arith.muli %add3A_4397, %mul3A_4398 : i32
      %sub3A_4400 = arith.constant 2040 : i32
      %sub3A_4401 = arith.subi %sub3A_4400, %add3A_3678 : i32
      %add3A_4402 = arith.addi %sub3A_4401, %mul3A_4399 : i32
      %get3A_4403 = arith.index_cast %add3A_4402 : i32 to index
      %get3A_4404 = tpu.vector_load %arg6[%get3A_4403] {strides = array<i32>} : memref<4096xf32, #tpu.memory_space<vmem>>, vector<16xf32>,
      %get3A_4405 = vector.shape_cast %get3A_4404 : vector<16xf32> to vector<16xf32>
      %swap3A_4406 = arith.constant 6 : i32
      %swap3A_4407 = arith.index_cast %swap3A_4406 : i32 to index
      %swap3A_4408 = arith.index_cast %mul3A_4399 : i32 to index
      %swap3A_4409 = tpu.vector_load %arg13[%swap3A_4407, %swap3A_4408] {strides = array<i32>} : memref<8x2048xf32, #tpu.memory_space<vmem>>, vector<1x16xf32>,
      %swap3A_4410 = vector.shape_cast %swap3A_4409 : vector<1x16xf32> to vector<16xf32>
      %swap3A_4411 = vector.shape_cast %get3A_4405 : vector<16xf32> to vector<1x16xf32>
      tpu.vector_store %arg13[%swap3A_4407, %swap3A_4408], %swap3A_4411 {strides = array<i32>} : memref<8x2048xf32, #tpu.memory_space<vmem>>, vector<1x16xf32>,
      %add3A_4412 = arith.constant 1 : i32
      %add3A_4413 = arith.addi %min3A_4395, %add3A_4412 : i32
      %mul3A_4414 = arith.constant 16 : i32
      %mul3A_4415 = arith.muli %add3A_4413, %mul3A_4414 : i32
      %sub3A_4416 = arith.constant 2040 : i32
      %sub3A_4417 = arith.subi %sub3A_4416, %add3A_3678 : i32
      %add3A_4418 = arith.addi %sub3A_4417, %mul3A_4415 : i32
      %get3A_4419 = arith.index_cast %add3A_4418 : i32 to index
      %get3A_4420 = tpu.vector_load %arg6[%get3A_4419] {strides = array<i32>} : memref<4096xf32, #tpu.memory_space<vmem>>, vector<16xf32>,
      %get3A_4421 = vector.shape_cast %get3A_4420 : vector<16xf32> to vector<16xf32>
      %swap3A_4422 = arith.constant 6 : i32
      %swap3A_4423 = arith.index_cast %swap3A_4422 : i32 to index
      %swap3A_4424 = arith.index_cast %mul3A_4415 : i32 to index
      %swap3A_4425 = tpu.vector_load %arg13[%swap3A_4423, %swap3A_4424] {strides = array<i32>} : memref<8x2048xf32, #tpu.memory_space<vmem>>, vector<1x16xf32>,
      %swap3A_4426 = vector.shape_cast %swap3A_4425 : vector<1x16xf32> to vector<16xf32>
      %swap3A_4427 = vector.shape_cast %get3A_4421 : vector<16xf32> to vector<1x16xf32>
      tpu.vector_store %arg13[%swap3A_4423, %swap3A_4424], %swap3A_4427 {strides = array<i32>} : memref<8x2048xf32, #tpu.memory_space<vmem>>, vector<1x16xf32>,
      %add3A_4428 = arith.constant 2 : i32
      %add3A_4429 = arith.addi %min3A_4395, %add3A_4428 : i32
      %mul3A_4430 = arith.constant 16 : i32
      %mul3A_4431 = arith.muli %add3A_4429, %mul3A_4430 : i32
      %sub3A_4432 = arith.constant 2040 : i32
      %sub3A_4433 = arith.subi %sub3A_4432, %add3A_3678 : i32
      %add3A_4434 = arith.addi %sub3A_4433, %mul3A_4431 : i32
      %get3A_4435 = arith.index_cast %add3A_4434 : i32 to index
      %get3A_4436 = tpu.vector_load %arg6[%get3A_4435] {strides = array<i32>} : memref<4096xf32, #tpu.memory_space<vmem>>, vector<16xf32>,
      %get3A_4437 = vector.shape_cast %get3A_4436 : vector<16xf32> to vector<16xf32>
      %swap3A_4438 = arith.constant 6 : i32
      %swap3A_4439 = arith.index_cast %swap3A_4438 : i32 to index
      %swap3A_4440 = arith.index_cast %mul3A_4431 : i32 to index
      %swap3A_4441 = tpu.vector_load %arg13[%swap3A_4439, %swap3A_4440] {strides = array<i32>} : memref<8x2048xf32, #tpu.memory_space<vmem>>, vector<1x16xf32>,
      %swap3A_4442 = vector.shape_cast %swap3A_4441 : vector<1x16xf32> to vector<16xf32>
      %swap3A_4443 = vector.shape_cast %get3A_4437 : vector<16xf32> to vector<1x16xf32>
      tpu.vector_store %arg13[%swap3A_4439, %swap3A_4440], %swap3A_4443 {strides = array<i32>} : memref<8x2048xf32, #tpu.memory_space<vmem>>, vector<1x16xf32>,
      %add3A_4444 = arith.constant 3 : i32
      %add3A_4445 = arith.addi %min3A_4395, %add3A_4444 : i32
      %mul3A_4446 = arith.constant 16 : i32
      %mul3A_4447 = arith.muli %add3A_4445, %mul3A_4446 : i32
      %sub3A_4448 = arith.constant 2040 : i32
      %sub3A_4449 = arith.subi %sub3A_4448, %add3A_3678 : i32
      %add3A_4450 = arith.addi %sub3A_4449, %mul3A_4447 : i32
      %get3A_4451 = arith.index_cast %add3A_4450 : i32 to index
      %get3A_4452 = tpu.vector_load %arg6[%get3A_4451] {strides = array<i32>} : memref<4096xf32, #tpu.memory_space<vmem>>, vector<16xf32>,
      %get3A_4453 = vector.shape_cast %get3A_4452 : vector<16xf32> to vector<16xf32>
      %swap3A_4454 = arith.constant 6 : i32
      %swap3A_4455 = arith.index_cast %swap3A_4454 : i32 to index
      %swap3A_4456 = arith.index_cast %mul3A_4447 : i32 to index
      %swap3A_4457 = tpu.vector_load %arg13[%swap3A_4455, %swap3A_4456] {strides = array<i32>} : memref<8x2048xf32, #tpu.memory_space<vmem>>, vector<1x16xf32>,
      %swap3A_4458 = vector.shape_cast %swap3A_4457 : vector<1x16xf32> to vector<16xf32>
      %swap3A_4459 = vector.shape_cast %get3A_4453 : vector<16xf32> to vector<1x16xf32>
      tpu.vector_store %arg13[%swap3A_4455, %swap3A_4456], %swap3A_4459 {strides = array<i32>} : memref<8x2048xf32, #tpu.memory_space<vmem>>, vector<1x16xf32>,
      %add3A_4460 = arith.constant 4 : i32
      %add3A_4461 = arith.addi %min3A_4395, %add3A_4460 : i32
      %mul3A_4462 = arith.constant 16 : i32
      %mul3A_4463 = arith.muli %add3A_4461, %mul3A_4462 : i32
      %sub3A_4464 = arith.constant 2040 : i32
      %sub3A_4465 = arith.subi %sub3A_4464, %add3A_3678 : i32
      %add3A_4466 = arith.addi %sub3A_4465, %mul3A_4463 : i32
      %get3A_4467 = arith.index_cast %add3A_4466 : i32 to index
      %get3A_4468 = tpu.vector_load %arg6[%get3A_4467] {strides = array<i32>} : memref<4096xf32, #tpu.memory_space<vmem>>, vector<16xf32>,
      %get3A_4469 = vector.shape_cast %get3A_4468 : vector<16xf32> to vector<16xf32>
      %swap3A_4470 = arith.constant 6 : i32
      %swap3A_4471 = arith.index_cast %swap3A_4470 : i32 to index
      %swap3A_4472 = arith.index_cast %mul3A_4463 : i32 to index
      %swap3A_4473 = tpu.vector_load %arg13[%swap3A_4471, %swap3A_4472] {strides = array<i32>} : memref<8x2048xf32, #tpu.memory_space<vmem>>, vector<1x16xf32>,
      %swap3A_4474 = vector.shape_cast %swap3A_4473 : vector<1x16xf32> to vector<16xf32>
      %swap3A_4475 = vector.shape_cast %get3A_4469 : vector<16xf32> to vector<1x16xf32>
      tpu.vector_store %arg13[%swap3A_4471, %swap3A_4472], %swap3A_4475 {strides = array<i32>} : memref<8x2048xf32, #tpu.memory_space<vmem>>, vector<1x16xf32>,
      %add3A_4476 = arith.constant 7 : i32
      %add3A_4477 = arith.addi %add3A_3678, %add3A_4476 : i32
      %sub3A_4478 = arith.constant 48 : i32
      %sub3A_4479 = arith.subi %add3A_4477, %sub3A_4478 : i32
      %jit3A_4480 = arith.constant 16 : i32
      %div3A_4481 = arith.divsi %sub3A_4479, %jit3A_4480 : i32
      %sign3A_4482 = arith.constant 0 : i32
      %sign3A_4483 = arith.cmpi sgt, %sub3A_4479, %sign3A_4482 : i32
      %sign3A_4484 = arith.extui %sign3A_4483 : i1 to i32
      %sign3A_4485 = arith.constant 0 : i32
      %sign3A_4486 = arith.cmpi slt, %sub3A_4479, %sign3A_4485 : i32
      %sign3A_4487 = arith.extui %sign3A_4486 : i1 to i32
      %sign3A_4488 = arith.subi %sign3A_4484, %sign3A_4487 : i32
      %sign3A_4489 = arith.constant 0 : i32
      %sign3A_4490 = arith.cmpi sgt, %jit3A_4480, %sign3A_4489 : i32
      %sign3A_4491 = arith.extui %sign3A_4490 : i1 to i32
      %sign3A_4492 = arith.constant 0 : i32
      %sign3A_4493 = arith.cmpi slt, %jit3A_4480, %sign3A_4492 : i32
      %sign3A_4494 = arith.extui %sign3A_4493 : i1 to i32
      %sign3A_4495 = arith.subi %sign3A_4491, %sign3A_4494 : i32
      %ne3A_4496 = arith.cmpi ne, %sign3A_4488, %sign3A_4495 : i32
      %rem3A_4497 = arith.remsi %sub3A_4479, %jit3A_4480 : i32
      %ne3A_4498 = arith.constant 0 : i32
      %ne3A_4499 = arith.cmpi ne, %rem3A_4497, %ne3A_4498 : i32
      %and3A_4500 = arith.andi %ne3A_4496, %ne3A_4499 : i1
      %sub3A_4501 = arith.constant 1 : i32
      %sub3A_4502 = arith.subi %div3A_4481, %sub3A_4501 : i32
      %select_n3A_4503 = arith.select %and3A_4500, %sub3A_4502, %div3A_4481 : i32
      %jit3A_4504 = arith.constant 0 : i32
      %jit3A_4505 = arith.constant 123 : i32
      %max3A_4506 = arith.maxsi %jit3A_4504, %select_n3A_4503 : i32
      %min3A_4507 = arith.minsi %jit3A_4505, %max3A_4506 : i32
      %add3A_4508 = arith.constant 0 : i32
      %add3A_4509 = arith.addi %min3A_4507, %add3A_4508 : i32
      %mul3A_4510 = arith.constant 16 : i32
      %mul3A_4511 = arith.muli %add3A_4509, %mul3A_4510 : i32
      %sub3A_4512 = arith.constant 2040 : i32
      %sub3A_4513 = arith.subi %sub3A_4512, %add3A_3678 : i32
      %add3A_4514 = arith.addi %sub3A_4513, %mul3A_4511 : i32
      %get3A_4515 = arith.index_cast %add3A_4514 : i32 to index
      %get3A_4516 = tpu.vector_load %arg5[%get3A_4515] {strides = array<i32>} : memref<4096xf32, #tpu.memory_space<vmem>>, vector<16xf32>,
      %get3A_4517 = vector.shape_cast %get3A_4516 : vector<16xf32> to vector<16xf32>
      %swap3A_4518 = arith.constant 7 : i32
      %swap3A_4519 = arith.index_cast %swap3A_4518 : i32 to index
      %swap3A_4520 = arith.index_cast %mul3A_4511 : i32 to index
      %swap3A_4521 = tpu.vector_load %arg13[%swap3A_4519, %swap3A_4520] {strides = array<i32>} : memref<8x2048xf32, #tpu.memory_space<vmem>>, vector<1x16xf32>,
      %swap3A_4522 = vector.shape_cast %swap3A_4521 : vector<1x16xf32> to vector<16xf32>
      %swap3A_4523 = vector.shape_cast %get3A_4517 : vector<16xf32> to vector<1x16xf32>
      tpu.vector_store %arg13[%swap3A_4519, %swap3A_4520], %swap3A_4523 {strides = array<i32>} : memref<8x2048xf32, #tpu.memory_space<vmem>>, vector<1x16xf32>,
      %add3A_4524 = arith.constant 1 : i32
      %add3A_4525 = arith.addi %min3A_4507, %add3A_4524 : i32
      %mul3A_4526 = arith.constant 16 : i32
      %mul3A_4527 = arith.muli %add3A_4525, %mul3A_4526 : i32
      %sub3A_4528 = arith.constant 2040 : i32
      %sub3A_4529 = arith.subi %sub3A_4528, %add3A_3678 : i32
      %add3A_4530 = arith.addi %sub3A_4529, %mul3A_4527 : i32
      %get3A_4531 = arith.index_cast %add3A_4530 : i32 to index
      %get3A_4532 = tpu.vector_load %arg5[%get3A_4531] {strides = array<i32>} : memref<4096xf32, #tpu.memory_space<vmem>>, vector<16xf32>,
      %get3A_4533 = vector.shape_cast %get3A_4532 : vector<16xf32> to vector<16xf32>
      %swap3A_4534 = arith.constant 7 : i32
      %swap3A_4535 = arith.index_cast %swap3A_4534 : i32 to index
      %swap3A_4536 = arith.index_cast %mul3A_4527 : i32 to index
      %swap3A_4537 = tpu.vector_load %arg13[%swap3A_4535, %swap3A_4536] {strides = array<i32>} : memref<8x2048xf32, #tpu.memory_space<vmem>>, vector<1x16xf32>,
      %swap3A_4538 = vector.shape_cast %swap3A_4537 : vector<1x16xf32> to vector<16xf32>
      %swap3A_4539 = vector.shape_cast %get3A_4533 : vector<16xf32> to vector<1x16xf32>
      tpu.vector_store %arg13[%swap3A_4535, %swap3A_4536], %swap3A_4539 {strides = array<i32>} : memref<8x2048xf32, #tpu.memory_space<vmem>>, vector<1x16xf32>,
      %add3A_4540 = arith.constant 2 : i32
      %add3A_4541 = arith.addi %min3A_4507, %add3A_4540 : i32
      %mul3A_4542 = arith.constant 16 : i32
      %mul3A_4543 = arith.muli %add3A_4541, %mul3A_4542 : i32
      %sub3A_4544 = arith.constant 2040 : i32
      %sub3A_4545 = arith.subi %sub3A_4544, %add3A_3678 : i32
      %add3A_4546 = arith.addi %sub3A_4545, %mul3A_4543 : i32
      %get3A_4547 = arith.index_cast %add3A_4546 : i32 to index
      %get3A_4548 = tpu.vector_load %arg5[%get3A_4547] {strides = array<i32>} : memref<4096xf32, #tpu.memory_space<vmem>>, vector<16xf32>,
      %get3A_4549 = vector.shape_cast %get3A_4548 : vector<16xf32> to vector<16xf32>
      %swap3A_4550 = arith.constant 7 : i32
      %swap3A_4551 = arith.index_cast %swap3A_4550 : i32 to index
      %swap3A_4552 = arith.index_cast %mul3A_4543 : i32 to index
      %swap3A_4553 = tpu.vector_load %arg13[%swap3A_4551, %swap3A_4552] {strides = array<i32>} : memref<8x2048xf32, #tpu.memory_space<vmem>>, vector<1x16xf32>,
      %swap3A_4554 = vector.shape_cast %swap3A_4553 : vector<1x16xf32> to vector<16xf32>
      %swap3A_4555 = vector.shape_cast %get3A_4549 : vector<16xf32> to vector<1x16xf32>
      tpu.vector_store %arg13[%swap3A_4551, %swap3A_4552], %swap3A_4555 {strides = array<i32>} : memref<8x2048xf32, #tpu.memory_space<vmem>>, vector<1x16xf32>,
      %add3A_4556 = arith.constant 3 : i32
      %add3A_4557 = arith.addi %min3A_4507, %add3A_4556 : i32
      %mul3A_4558 = arith.constant 16 : i32
      %mul3A_4559 = arith.muli %add3A_4557, %mul3A_4558 : i32
      %sub3A_4560 = arith.constant 2040 : i32
      %sub3A_4561 = arith.subi %sub3A_4560, %add3A_3678 : i32
      %add3A_4562 = arith.addi %sub3A_4561, %mul3A_4559 : i32
      %get3A_4563 = arith.index_cast %add3A_4562 : i32 to index
      %get3A_4564 = tpu.vector_load %arg5[%get3A_4563] {strides = array<i32>} : memref<4096xf32, #tpu.memory_space<vmem>>, vector<16xf32>,
      %get3A_4565 = vector.shape_cast %get3A_4564 : vector<16xf32> to vector<16xf32>
      %swap3A_4566 = arith.constant 7 : i32
      %swap3A_4567 = arith.index_cast %swap3A_4566 : i32 to index
      %swap3A_4568 = arith.index_cast %mul3A_4559 : i32 to index
      %swap3A_4569 = tpu.vector_load %arg13[%swap3A_4567, %swap3A_4568] {strides = array<i32>} : memref<8x2048xf32, #tpu.memory_space<vmem>>, vector<1x16xf32>,
      %swap3A_4570 = vector.shape_cast %swap3A_4569 : vector<1x16xf32> to vector<16xf32>
      %swap3A_4571 = vector.shape_cast %get3A_4565 : vector<16xf32> to vector<1x16xf32>
      tpu.vector_store %arg13[%swap3A_4567, %swap3A_4568], %swap3A_4571 {strides = array<i32>} : memref<8x2048xf32, #tpu.memory_space<vmem>>, vector<1x16xf32>,
      %add3A_4572 = arith.constant 4 : i32
      %add3A_4573 = arith.addi %min3A_4507, %add3A_4572 : i32
      %mul3A_4574 = arith.constant 16 : i32
      %mul3A_4575 = arith.muli %add3A_4573, %mul3A_4574 : i32
      %sub3A_4576 = arith.constant 2040 : i32
      %sub3A_4577 = arith.subi %sub3A_4576, %add3A_3678 : i32
      %add3A_4578 = arith.addi %sub3A_4577, %mul3A_4575 : i32
      %get3A_4579 = arith.index_cast %add3A_4578 : i32 to index
      %get3A_4580 = tpu.vector_load %arg5[%get3A_4579] {strides = array<i32>} : memref<4096xf32, #tpu.memory_space<vmem>>, vector<16xf32>,
      %get3A_4581 = vector.shape_cast %get3A_4580 : vector<16xf32> to vector<16xf32>
      %swap3A_4582 = arith.constant 7 : i32
      %swap3A_4583 = arith.index_cast %swap3A_4582 : i32 to index
      %swap3A_4584 = arith.index_cast %mul3A_4575 : i32 to index
      %swap3A_4585 = tpu.vector_load %arg13[%swap3A_4583, %swap3A_4584] {strides = array<i32>} : memref<8x2048xf32, #tpu.memory_space<vmem>>, vector<1x16xf32>,
      %swap3A_4586 = vector.shape_cast %swap3A_4585 : vector<1x16xf32> to vector<16xf32>
      %swap3A_4587 = vector.shape_cast %get3A_4581 : vector<16xf32> to vector<1x16xf32>
      tpu.vector_store %arg13[%swap3A_4583, %swap3A_4584], %swap3A_4587 {strides = array<i32>} : memref<8x2048xf32, #tpu.memory_space<vmem>>, vector<1x16xf32>,
      %dma_start3A_4588 = arith.constant 0 : i32
      %dma_start3A_4589 = arith.constant 0 : i32
      %dma_start3A_4590 = arith.constant 0 : i32
      %dma_start3A_4591 = tpu.memref_slice %arg13[%dma_start3A_4589, %dma_start3A_4590] : memref<8x2048xf32, #tpu.memory_space<vmem>> -> memref<8x2048xf32, #tpu.memory_space<vmem>>
      %dma_start3A_4592 = arith.constant 0 : i32
      %dma_start3A_4593 = tpu.memref_slice %arg3[%dma_start3A_4588, %select_n3A, %add3A_3678, %dma_start3A_4592] : memref<1x16x2048x2048xf32, #tpu.memory_space<hbm>> -> memref<1x1x8x2048xf32, #tpu.memory_space<hbm>>
      %dma_start3A_4594 = tpu.memref_squeeze %dma_start3A_4593 : memref<1x1x8x2048xf32, #tpu.memory_space<hbm>> -> memref<8x2048xf32, #tpu.memory_space<hbm>>
      %dma_start3A_4595 = arith.constant 0 : i32
      %dma_start3A_4596 = tpu.memref_slice %arg3[%dma_start3A_4588, %select_n3A, %add3A_3678, %dma_start3A_4595] : memref<1x16x2048x2048xf32, #tpu.memory_space<hbm>> -> memref<1x1x8x2048xf32, #tpu.memory_space<hbm>>
      %dma_start3A_4597 = tpu.memref_squeeze %dma_start3A_4596 : memref<1x1x8x2048xf32, #tpu.memory_space<hbm>> -> memref<8x2048xf32, #tpu.memory_space<hbm>>
      %dma_start3A_4598 = arith.constant 0 : i32
      %dma_start3A_4599 = arith.constant 0 : i32
      %dma_start3A_4600 = tpu.memref_slice %arg13[%dma_start3A_4598, %dma_start3A_4599] : memref<8x2048xf32, #tpu.memory_space<vmem>> -> memref<8x2048xf32, #tpu.memory_space<vmem>>
      tpu.enqueue_dma source(%dma_start3A_4600 : memref<8x2048xf32, #tpu.memory_space<vmem>>) target(%dma_start3A_4597 : memref<8x2048xf32, #tpu.memory_space<hbm>>) target_semaphore(%arg15 : memref<!tpu.dma_semaphore, #tpu.memory_space<semaphore_mem>>)
      %mul3A_4601 = arith.constant 2 : i32
      %mul3A_4602 = arith.muli %mul3A_4601, %scan3A_3671 : i32
      %add3A_4603 = arith.constant 1 : i32
      %add3A_4604 = arith.addi %mul3A_4602, %add3A_4603 : i32
      %mul3A_4605 = arith.constant 8 : i32
      %mul3A_4606 = arith.muli %mul3A_4605, %add3A_4604 : i32
      %add3A_4607 = arith.addi %mul3A_32, %mul3A_4606 : i32
      %dma_wait3A_4608 = arith.constant 0 : i32
      %dma_wait3A_4609 = arith.constant 0 : i32
      %dma_wait3A_4610 = arith.constant 0 : i32
      %dma_wait3A_4611 = tpu.memref_slice %arg14[%dma_wait3A_4609, %dma_wait3A_4610] : memref<8x2048xf32, #tpu.memory_space<vmem>> -> memref<8x2048xf32, #tpu.memory_space<vmem>>
      %dma_wait3A_4612 = arith.constant 0 : i32
      %dma_wait3A_4613 = tpu.memref_slice %arg3[%dma_wait3A_4608, %select_n3A, %mul3A_32, %dma_wait3A_4612] : memref<1x16x2048x2048xf32, #tpu.memory_space<hbm>> -> memref<1x1x8x2048xf32, #tpu.memory_space<hbm>>
      %dma_wait3A_4614 = tpu.memref_squeeze %dma_wait3A_4613 : memref<1x1x8x2048xf32, #tpu.memory_space<hbm>> -> memref<8x2048xf32, #tpu.memory_space<hbm>>
      %dma_wait3A_4615 = arith.constant 0 : i32
      %dma_wait3A_4616 = tpu.memref_slice %arg3[%dma_wait3A_4608, %select_n3A, %mul3A_32, %dma_wait3A_4615] : memref<1x16x2048x2048xf32, #tpu.memory_space<hbm>> -> memref<1x1x8x2048xf32, #tpu.memory_space<hbm>>
      %dma_wait3A_4617 = tpu.memref_squeeze %dma_wait3A_4616 : memref<1x1x8x2048xf32, #tpu.memory_space<hbm>> -> memref<8x2048xf32, #tpu.memory_space<hbm>>
      %dma_wait3A_4618 = arith.constant 0 : i32
      %dma_wait3A_4619 = arith.constant 0 : i32
      %dma_wait3A_4620 = tpu.memref_slice %arg14[%dma_wait3A_4618, %dma_wait3A_4619] : memref<8x2048xf32, #tpu.memory_space<vmem>> -> memref<8x2048xf32, #tpu.memory_space<vmem>>
      tpu.wait_dma2 semaphore(%arg16 : memref<!tpu.dma_semaphore, #tpu.memory_space<semaphore_mem>>) src(%dma_wait3A_4620 : memref<8x2048xf32, #tpu.memory_space<vmem>>) dst(%dma_wait3A_4617 : memref<8x2048xf32, #tpu.memory_space<hbm>>)
      %add3A_4621 = arith.constant 0 : i32
      %add3A_4622 = arith.addi %add3A_4607, %add3A_4621 : i32
      %sub3A_4623 = arith.constant 48 : i32
      %sub3A_4624 = arith.subi %add3A_4622, %sub3A_4623 : i32
      %jit3A_4625 = arith.constant 16 : i32
      %div3A_4626 = arith.divsi %sub3A_4624, %jit3A_4625 : i32
      %sign3A_4627 = arith.constant 0 : i32
      %sign3A_4628 = arith.cmpi sgt, %sub3A_4624, %sign3A_4627 : i32
      %sign3A_4629 = arith.extui %sign3A_4628 : i1 to i32
      %sign3A_4630 = arith.constant 0 : i32
      %sign3A_4631 = arith.cmpi slt, %sub3A_4624, %sign3A_4630 : i32
      %sign3A_4632 = arith.extui %sign3A_4631 : i1 to i32
      %sign3A_4633 = arith.subi %sign3A_4629, %sign3A_4632 : i32
      %sign3A_4634 = arith.constant 0 : i32
      %sign3A_4635 = arith.cmpi sgt, %jit3A_4625, %sign3A_4634 : i32
      %sign3A_4636 = arith.extui %sign3A_4635 : i1 to i32
      %sign3A_4637 = arith.constant 0 : i32
      %sign3A_4638 = arith.cmpi slt, %jit3A_4625, %sign3A_4637 : i32
      %sign3A_4639 = arith.extui %sign3A_4638 : i1 to i32
      %sign3A_4640 = arith.subi %sign3A_4636, %sign3A_4639 : i32
      %ne3A_4641 = arith.cmpi ne, %sign3A_4633, %sign3A_4640 : i32
      %rem3A_4642 = arith.remsi %sub3A_4624, %jit3A_4625 : i32
      %ne3A_4643 = arith.constant 0 : i32
      %ne3A_4644 = arith.cmpi ne, %rem3A_4642, %ne3A_4643 : i32
      %and3A_4645 = arith.andi %ne3A_4641, %ne3A_4644 : i1
      %sub3A_4646 = arith.constant 1 : i32
      %sub3A_4647 = arith.subi %div3A_4626, %sub3A_4646 : i32
      %select_n3A_4648 = arith.select %and3A_4645, %sub3A_4647, %div3A_4626 : i32
      %jit3A_4649 = arith.constant 0 : i32
      %jit3A_4650 = arith.constant 123 : i32
      %max3A_4651 = arith.maxsi %jit3A_4649, %select_n3A_4648 : i32
      %min3A_4652 = arith.minsi %jit3A_4650, %max3A_4651 : i32
      %add3A_4653 = arith.constant 0 : i32
      %add3A_4654 = arith.addi %min3A_4652, %add3A_4653 : i32
      %mul3A_4655 = arith.constant 16 : i32
      %mul3A_4656 = arith.muli %add3A_4654, %mul3A_4655 : i32
      %sub3A_4657 = arith.constant 2040 : i32
      %sub3A_4658 = arith.subi %sub3A_4657, %add3A_4607 : i32
      %add3A_4659 = arith.addi %sub3A_4658, %mul3A_4656 : i32
      %get3A_4660 = arith.index_cast %add3A_4659 : i32 to index
      %get3A_4661 = tpu.vector_load %arg12[%get3A_4660] {strides = array<i32>} : memref<4096xf32, #tpu.memory_space<vmem>>, vector<16xf32>,
      %get3A_4662 = vector.shape_cast %get3A_4661 : vector<16xf32> to vector<16xf32>
      %swap3A_4663 = arith.constant 0 : i32
      %swap3A_4664 = arith.index_cast %swap3A_4663 : i32 to index
      %swap3A_4665 = arith.index_cast %mul3A_4656 : i32 to index
      %swap3A_4666 = tpu.vector_load %arg14[%swap3A_4664, %swap3A_4665] {strides = array<i32>} : memref<8x2048xf32, #tpu.memory_space<vmem>>, vector<1x16xf32>,
      %swap3A_4667 = vector.shape_cast %swap3A_4666 : vector<1x16xf32> to vector<16xf32>
      %swap3A_4668 = vector.shape_cast %get3A_4662 : vector<16xf32> to vector<1x16xf32>
      tpu.vector_store %arg14[%swap3A_4664, %swap3A_4665], %swap3A_4668 {strides = array<i32>} : memref<8x2048xf32, #tpu.memory_space<vmem>>, vector<1x16xf32>,
      %add3A_4669 = arith.constant 1 : i32
      %add3A_4670 = arith.addi %min3A_4652, %add3A_4669 : i32
      %mul3A_4671 = arith.constant 16 : i32
      %mul3A_4672 = arith.muli %add3A_4670, %mul3A_4671 : i32
      %sub3A_4673 = arith.constant 2040 : i32
      %sub3A_4674 = arith.subi %sub3A_4673, %add3A_4607 : i32
      %add3A_4675 = arith.addi %sub3A_4674, %mul3A_4672 : i32
      %get3A_4676 = arith.index_cast %add3A_4675 : i32 to index
      %get3A_4677 = tpu.vector_load %arg12[%get3A_4676] {strides = array<i32>} : memref<4096xf32, #tpu.memory_space<vmem>>, vector<16xf32>,
      %get3A_4678 = vector.shape_cast %get3A_4677 : vector<16xf32> to vector<16xf32>
      %swap3A_4679 = arith.constant 0 : i32
      %swap3A_4680 = arith.index_cast %swap3A_4679 : i32 to index
      %swap3A_4681 = arith.index_cast %mul3A_4672 : i32 to index
      %swap3A_4682 = tpu.vector_load %arg14[%swap3A_4680, %swap3A_4681] {strides = array<i32>} : memref<8x2048xf32, #tpu.memory_space<vmem>>, vector<1x16xf32>,
      %swap3A_4683 = vector.shape_cast %swap3A_4682 : vector<1x16xf32> to vector<16xf32>
      %swap3A_4684 = vector.shape_cast %get3A_4678 : vector<16xf32> to vector<1x16xf32>
      tpu.vector_store %arg14[%swap3A_4680, %swap3A_4681], %swap3A_4684 {strides = array<i32>} : memref<8x2048xf32, #tpu.memory_space<vmem>>, vector<1x16xf32>,
      %add3A_4685 = arith.constant 2 : i32
      %add3A_4686 = arith.addi %min3A_4652, %add3A_4685 : i32
      %mul3A_4687 = arith.constant 16 : i32
      %mul3A_4688 = arith.muli %add3A_4686, %mul3A_4687 : i32
      %sub3A_4689 = arith.constant 2040 : i32
      %sub3A_4690 = arith.subi %sub3A_4689, %add3A_4607 : i32
      %add3A_4691 = arith.addi %sub3A_4690, %mul3A_4688 : i32
      %get3A_4692 = arith.index_cast %add3A_4691 : i32 to index
      %get3A_4693 = tpu.vector_load %arg12[%get3A_4692] {strides = array<i32>} : memref<4096xf32, #tpu.memory_space<vmem>>, vector<16xf32>,
      %get3A_4694 = vector.shape_cast %get3A_4693 : vector<16xf32> to vector<16xf32>
      %swap3A_4695 = arith.constant 0 : i32
      %swap3A_4696 = arith.index_cast %swap3A_4695 : i32 to index
      %swap3A_4697 = arith.index_cast %mul3A_4688 : i32 to index
      %swap3A_4698 = tpu.vector_load %arg14[%swap3A_4696, %swap3A_4697] {strides = array<i32>} : memref<8x2048xf32, #tpu.memory_space<vmem>>, vector<1x16xf32>,
      %swap3A_4699 = vector.shape_cast %swap3A_4698 : vector<1x16xf32> to vector<16xf32>
      %swap3A_4700 = vector.shape_cast %get3A_4694 : vector<16xf32> to vector<1x16xf32>
      tpu.vector_store %arg14[%swap3A_4696, %swap3A_4697], %swap3A_4700 {strides = array<i32>} : memref<8x2048xf32, #tpu.memory_space<vmem>>, vector<1x16xf32>,
      %add3A_4701 = arith.constant 3 : i32
      %add3A_4702 = arith.addi %min3A_4652, %add3A_4701 : i32
      %mul3A_4703 = arith.constant 16 : i32
      %mul3A_4704 = arith.muli %add3A_4702, %mul3A_4703 : i32
      %sub3A_4705 = arith.constant 2040 : i32
      %sub3A_4706 = arith.subi %sub3A_4705, %add3A_4607 : i32
      %add3A_4707 = arith.addi %sub3A_4706, %mul3A_4704 : i32
      %get3A_4708 = arith.index_cast %add3A_4707 : i32 to index
      %get3A_4709 = tpu.vector_load %arg12[%get3A_4708] {strides = array<i32>} : memref<4096xf32, #tpu.memory_space<vmem>>, vector<16xf32>,
      %get3A_4710 = vector.shape_cast %get3A_4709 : vector<16xf32> to vector<16xf32>
      %swap3A_4711 = arith.constant 0 : i32
      %swap3A_4712 = arith.index_cast %swap3A_4711 : i32 to index
      %swap3A_4713 = arith.index_cast %mul3A_4704 : i32 to index
      %swap3A_4714 = tpu.vector_load %arg14[%swap3A_4712, %swap3A_4713] {strides = array<i32>} : memref<8x2048xf32, #tpu.memory_space<vmem>>, vector<1x16xf32>,
      %swap3A_4715 = vector.shape_cast %swap3A_4714 : vector<1x16xf32> to vector<16xf32>
      %swap3A_4716 = vector.shape_cast %get3A_4710 : vector<16xf32> to vector<1x16xf32>
      tpu.vector_store %arg14[%swap3A_4712, %swap3A_4713], %swap3A_4716 {strides = array<i32>} : memref<8x2048xf32, #tpu.memory_space<vmem>>, vector<1x16xf32>,
      %add3A_4717 = arith.constant 4 : i32
      %add3A_4718 = arith.addi %min3A_4652, %add3A_4717 : i32
      %mul3A_4719 = arith.constant 16 : i32
      %mul3A_4720 = arith.muli %add3A_4718, %mul3A_4719 : i32
      %sub3A_4721 = arith.constant 2040 : i32
      %sub3A_4722 = arith.subi %sub3A_4721, %add3A_4607 : i32
      %add3A_4723 = arith.addi %sub3A_4722, %mul3A_4720 : i32
      %get3A_4724 = arith.index_cast %add3A_4723 : i32 to index
      %get3A_4725 = tpu.vector_load %arg12[%get3A_4724] {strides = array<i32>} : memref<4096xf32, #tpu.memory_space<vmem>>, vector<16xf32>,
      %get3A_4726 = vector.shape_cast %get3A_4725 : vector<16xf32> to vector<16xf32>
      %swap3A_4727 = arith.constant 0 : i32
      %swap3A_4728 = arith.index_cast %swap3A_4727 : i32 to index
      %swap3A_4729 = arith.index_cast %mul3A_4720 : i32 to index
      %swap3A_4730 = tpu.vector_load %arg14[%swap3A_4728, %swap3A_4729] {strides = array<i32>} : memref<8x2048xf32, #tpu.memory_space<vmem>>, vector<1x16xf32>,
      %swap3A_4731 = vector.shape_cast %swap3A_4730 : vector<1x16xf32> to vector<16xf32>
      %swap3A_4732 = vector.shape_cast %get3A_4726 : vector<16xf32> to vector<1x16xf32>
      tpu.vector_store %arg14[%swap3A_4728, %swap3A_4729], %swap3A_4732 {strides = array<i32>} : memref<8x2048xf32, #tpu.memory_space<vmem>>, vector<1x16xf32>,
      %add3A_4733 = arith.constant 1 : i32
      %add3A_4734 = arith.addi %add3A_4607, %add3A_4733 : i32
      %sub3A_4735 = arith.constant 48 : i32
      %sub3A_4736 = arith.subi %add3A_4734, %sub3A_4735 : i32
      %jit3A_4737 = arith.constant 16 : i32
      %div3A_4738 = arith.divsi %sub3A_4736, %jit3A_4737 : i32
      %sign3A_4739 = arith.constant 0 : i32
      %sign3A_4740 = arith.cmpi sgt, %sub3A_4736, %sign3A_4739 : i32
      %sign3A_4741 = arith.extui %sign3A_4740 : i1 to i32
      %sign3A_4742 = arith.constant 0 : i32
      %sign3A_4743 = arith.cmpi slt, %sub3A_4736, %sign3A_4742 : i32
      %sign3A_4744 = arith.extui %sign3A_4743 : i1 to i32
      %sign3A_4745 = arith.subi %sign3A_4741, %sign3A_4744 : i32
      %sign3A_4746 = arith.constant 0 : i32
      %sign3A_4747 = arith.cmpi sgt, %jit3A_4737, %sign3A_4746 : i32
      %sign3A_4748 = arith.extui %sign3A_4747 : i1 to i32
      %sign3A_4749 = arith.constant 0 : i32
      %sign3A_4750 = arith.cmpi slt, %jit3A_4737, %sign3A_4749 : i32
      %sign3A_4751 = arith.extui %sign3A_4750 : i1 to i32
      %sign3A_4752 = arith.subi %sign3A_4748, %sign3A_4751 : i32
      %ne3A_4753 = arith.cmpi ne, %sign3A_4745, %sign3A_4752 : i32
      %rem3A_4754 = arith.remsi %sub3A_4736, %jit3A_4737 : i32
      %ne3A_4755 = arith.constant 0 : i32
      %ne3A_4756 = arith.cmpi ne, %rem3A_4754, %ne3A_4755 : i32
      %and3A_4757 = arith.andi %ne3A_4753, %ne3A_4756 : i1
      %sub3A_4758 = arith.constant 1 : i32
      %sub3A_4759 = arith.subi %div3A_4738, %sub3A_4758 : i32
      %select_n3A_4760 = arith.select %and3A_4757, %sub3A_4759, %div3A_4738 : i32
      %jit3A_4761 = arith.constant 0 : i32
      %jit3A_4762 = arith.constant 123 : i32
      %max3A_4763 = arith.maxsi %jit3A_4761, %select_n3A_4760 : i32
      %min3A_4764 = arith.minsi %jit3A_4762, %max3A_4763 : i32
      %add3A_4765 = arith.constant 0 : i32
      %add3A_4766 = arith.addi %min3A_4764, %add3A_4765 : i32
      %mul3A_4767 = arith.constant 16 : i32
      %mul3A_4768 = arith.muli %add3A_4766, %mul3A_4767 : i32
      %sub3A_4769 = arith.constant 2040 : i32
      %sub3A_4770 = arith.subi %sub3A_4769, %add3A_4607 : i32
      %add3A_4771 = arith.addi %sub3A_4770, %mul3A_4768 : i32
      %get3A_4772 = arith.index_cast %add3A_4771 : i32 to index
      %get3A_4773 = tpu.vector_load %arg11[%get3A_4772] {strides = array<i32>} : memref<4096xf32, #tpu.memory_space<vmem>>, vector<16xf32>,
      %get3A_4774 = vector.shape_cast %get3A_4773 : vector<16xf32> to vector<16xf32>
      %swap3A_4775 = arith.constant 1 : i32
      %swap3A_4776 = arith.index_cast %swap3A_4775 : i32 to index
      %swap3A_4777 = arith.index_cast %mul3A_4768 : i32 to index
      %swap3A_4778 = tpu.vector_load %arg14[%swap3A_4776, %swap3A_4777] {strides = array<i32>} : memref<8x2048xf32, #tpu.memory_space<vmem>>, vector<1x16xf32>,
      %swap3A_4779 = vector.shape_cast %swap3A_4778 : vector<1x16xf32> to vector<16xf32>
      %swap3A_4780 = vector.shape_cast %get3A_4774 : vector<16xf32> to vector<1x16xf32>
      tpu.vector_store %arg14[%swap3A_4776, %swap3A_4777], %swap3A_4780 {strides = array<i32>} : memref<8x2048xf32, #tpu.memory_space<vmem>>, vector<1x16xf32>,
      %add3A_4781 = arith.constant 1 : i32
      %add3A_4782 = arith.addi %min3A_4764, %add3A_4781 : i32
      %mul3A_4783 = arith.constant 16 : i32
      %mul3A_4784 = arith.muli %add3A_4782, %mul3A_4783 : i32
      %sub3A_4785 = arith.constant 2040 : i32
      %sub3A_4786 = arith.subi %sub3A_4785, %add3A_4607 : i32
      %add3A_4787 = arith.addi %sub3A_4786, %mul3A_4784 : i32
      %get3A_4788 = arith.index_cast %add3A_4787 : i32 to index
      %get3A_4789 = tpu.vector_load %arg11[%get3A_4788] {strides = array<i32>} : memref<4096xf32, #tpu.memory_space<vmem>>, vector<16xf32>,
      %get3A_4790 = vector.shape_cast %get3A_4789 : vector<16xf32> to vector<16xf32>
      %swap3A_4791 = arith.constant 1 : i32
      %swap3A_4792 = arith.index_cast %swap3A_4791 : i32 to index
      %swap3A_4793 = arith.index_cast %mul3A_4784 : i32 to index
      %swap3A_4794 = tpu.vector_load %arg14[%swap3A_4792, %swap3A_4793] {strides = array<i32>} : memref<8x2048xf32, #tpu.memory_space<vmem>>, vector<1x16xf32>,
      %swap3A_4795 = vector.shape_cast %swap3A_4794 : vector<1x16xf32> to vector<16xf32>
      %swap3A_4796 = vector.shape_cast %get3A_4790 : vector<16xf32> to vector<1x16xf32>
      tpu.vector_store %arg14[%swap3A_4792, %swap3A_4793], %swap3A_4796 {strides = array<i32>} : memref<8x2048xf32, #tpu.memory_space<vmem>>, vector<1x16xf32>,
      %add3A_4797 = arith.constant 2 : i32
      %add3A_4798 = arith.addi %min3A_4764, %add3A_4797 : i32
      %mul3A_4799 = arith.constant 16 : i32
      %mul3A_4800 = arith.muli %add3A_4798, %mul3A_4799 : i32
      %sub3A_4801 = arith.constant 2040 : i32
      %sub3A_4802 = arith.subi %sub3A_4801, %add3A_4607 : i32
      %add3A_4803 = arith.addi %sub3A_4802, %mul3A_4800 : i32
      %get3A_4804 = arith.index_cast %add3A_4803 : i32 to index
      %get3A_4805 = tpu.vector_load %arg11[%get3A_4804] {strides = array<i32>} : memref<4096xf32, #tpu.memory_space<vmem>>, vector<16xf32>,
      %get3A_4806 = vector.shape_cast %get3A_4805 : vector<16xf32> to vector<16xf32>
      %swap3A_4807 = arith.constant 1 : i32
      %swap3A_4808 = arith.index_cast %swap3A_4807 : i32 to index
      %swap3A_4809 = arith.index_cast %mul3A_4800 : i32 to index
      %swap3A_4810 = tpu.vector_load %arg14[%swap3A_4808, %swap3A_4809] {strides = array<i32>} : memref<8x2048xf32, #tpu.memory_space<vmem>>, vector<1x16xf32>,
      %swap3A_4811 = vector.shape_cast %swap3A_4810 : vector<1x16xf32> to vector<16xf32>
      %swap3A_4812 = vector.shape_cast %get3A_4806 : vector<16xf32> to vector<1x16xf32>
      tpu.vector_store %arg14[%swap3A_4808, %swap3A_4809], %swap3A_4812 {strides = array<i32>} : memref<8x2048xf32, #tpu.memory_space<vmem>>, vector<1x16xf32>,
      %add3A_4813 = arith.constant 3 : i32
      %add3A_4814 = arith.addi %min3A_4764, %add3A_4813 : i32
      %mul3A_4815 = arith.constant 16 : i32
      %mul3A_4816 = arith.muli %add3A_4814, %mul3A_4815 : i32
      %sub3A_4817 = arith.constant 2040 : i32
      %sub3A_4818 = arith.subi %sub3A_4817, %add3A_4607 : i32
      %add3A_4819 = arith.addi %sub3A_4818, %mul3A_4816 : i32
      %get3A_4820 = arith.index_cast %add3A_4819 : i32 to index
      %get3A_4821 = tpu.vector_load %arg11[%get3A_4820] {strides = array<i32>} : memref<4096xf32, #tpu.memory_space<vmem>>, vector<16xf32>,
      %get3A_4822 = vector.shape_cast %get3A_4821 : vector<16xf32> to vector<16xf32>
      %swap3A_4823 = arith.constant 1 : i32
      %swap3A_4824 = arith.index_cast %swap3A_4823 : i32 to index
      %swap3A_4825 = arith.index_cast %mul3A_4816 : i32 to index
      %swap3A_4826 = tpu.vector_load %arg14[%swap3A_4824, %swap3A_4825] {strides = array<i32>} : memref<8x2048xf32, #tpu.memory_space<vmem>>, vector<1x16xf32>,
      %swap3A_4827 = vector.shape_cast %swap3A_4826 : vector<1x16xf32> to vector<16xf32>
      %swap3A_4828 = vector.shape_cast %get3A_4822 : vector<16xf32> to vector<1x16xf32>
      tpu.vector_store %arg14[%swap3A_4824, %swap3A_4825], %swap3A_4828 {strides = array<i32>} : memref<8x2048xf32, #tpu.memory_space<vmem>>, vector<1x16xf32>,
      %add3A_4829 = arith.constant 4 : i32
      %add3A_4830 = arith.addi %min3A_4764, %add3A_4829 : i32
      %mul3A_4831 = arith.constant 16 : i32
      %mul3A_4832 = arith.muli %add3A_4830, %mul3A_4831 : i32
      %sub3A_4833 = arith.constant 2040 : i32
      %sub3A_4834 = arith.subi %sub3A_4833, %add3A_4607 : i32
      %add3A_4835 = arith.addi %sub3A_4834, %mul3A_4832 : i32
      %get3A_4836 = arith.index_cast %add3A_4835 : i32 to index
      %get3A_4837 = tpu.vector_load %arg11[%get3A_4836] {strides = array<i32>} : memref<4096xf32, #tpu.memory_space<vmem>>, vector<16xf32>,
      %get3A_4838 = vector.shape_cast %get3A_4837 : vector<16xf32> to vector<16xf32>
      %swap3A_4839 = arith.constant 1 : i32
      %swap3A_4840 = arith.index_cast %swap3A_4839 : i32 to index
      %swap3A_4841 = arith.index_cast %mul3A_4832 : i32 to index
      %swap3A_4842 = tpu.vector_load %arg14[%swap3A_4840, %swap3A_4841] {strides = array<i32>} : memref<8x2048xf32, #tpu.memory_space<vmem>>, vector<1x16xf32>,
      %swap3A_4843 = vector.shape_cast %swap3A_4842 : vector<1x16xf32> to vector<16xf32>
      %swap3A_4844 = vector.shape_cast %get3A_4838 : vector<16xf32> to vector<1x16xf32>
      tpu.vector_store %arg14[%swap3A_4840, %swap3A_4841], %swap3A_4844 {strides = array<i32>} : memref<8x2048xf32, #tpu.memory_space<vmem>>, vector<1x16xf32>,
      %add3A_4845 = arith.constant 2 : i32
      %add3A_4846 = arith.addi %add3A_4607, %add3A_4845 : i32
      %sub3A_4847 = arith.constant 48 : i32
      %sub3A_4848 = arith.subi %add3A_4846, %sub3A_4847 : i32
      %jit3A_4849 = arith.constant 16 : i32
      %div3A_4850 = arith.divsi %sub3A_4848, %jit3A_4849 : i32
      %sign3A_4851 = arith.constant 0 : i32
      %sign3A_4852 = arith.cmpi sgt, %sub3A_4848, %sign3A_4851 : i32
      %sign3A_4853 = arith.extui %sign3A_4852 : i1 to i32
      %sign3A_4854 = arith.constant 0 : i32
      %sign3A_4855 = arith.cmpi slt, %sub3A_4848, %sign3A_4854 : i32
      %sign3A_4856 = arith.extui %sign3A_4855 : i1 to i32
      %sign3A_4857 = arith.subi %sign3A_4853, %sign3A_4856 : i32
      %sign3A_4858 = arith.constant 0 : i32
      %sign3A_4859 = arith.cmpi sgt, %jit3A_4849, %sign3A_4858 : i32
      %sign3A_4860 = arith.extui %sign3A_4859 : i1 to i32
      %sign3A_4861 = arith.constant 0 : i32
      %sign3A_4862 = arith.cmpi slt, %jit3A_4849, %sign3A_4861 : i32
      %sign3A_4863 = arith.extui %sign3A_4862 : i1 to i32
      %sign3A_4864 = arith.subi %sign3A_4860, %sign3A_4863 : i32
      %ne3A_4865 = arith.cmpi ne, %sign3A_4857, %sign3A_4864 : i32
      %rem3A_4866 = arith.remsi %sub3A_4848, %jit3A_4849 : i32
      %ne3A_4867 = arith.constant 0 : i32
      %ne3A_4868 = arith.cmpi ne, %rem3A_4866, %ne3A_4867 : i32
      %and3A_4869 = arith.andi %ne3A_4865, %ne3A_4868 : i1
      %sub3A_4870 = arith.constant 1 : i32
      %sub3A_4871 = arith.subi %div3A_4850, %sub3A_4870 : i32
      %select_n3A_4872 = arith.select %and3A_4869, %sub3A_4871, %div3A_4850 : i32
      %jit3A_4873 = arith.constant 0 : i32
      %jit3A_4874 = arith.constant 123 : i32
      %max3A_4875 = arith.maxsi %jit3A_4873, %select_n3A_4872 : i32
      %min3A_4876 = arith.minsi %jit3A_4874, %max3A_4875 : i32
      %add3A_4877 = arith.constant 0 : i32
      %add3A_4878 = arith.addi %min3A_4876, %add3A_4877 : i32
      %mul3A_4879 = arith.constant 16 : i32
      %mul3A_4880 = arith.muli %add3A_4878, %mul3A_4879 : i32
      %sub3A_4881 = arith.constant 2040 : i32
      %sub3A_4882 = arith.subi %sub3A_4881, %add3A_4607 : i32
      %add3A_4883 = arith.addi %sub3A_4882, %mul3A_4880 : i32
      %get3A_4884 = arith.index_cast %add3A_4883 : i32 to index
      %get3A_4885 = tpu.vector_load %arg10[%get3A_4884] {strides = array<i32>} : memref<4096xf32, #tpu.memory_space<vmem>>, vector<16xf32>,
      %get3A_4886 = vector.shape_cast %get3A_4885 : vector<16xf32> to vector<16xf32>
      %swap3A_4887 = arith.constant 2 : i32
      %swap3A_4888 = arith.index_cast %swap3A_4887 : i32 to index
      %swap3A_4889 = arith.index_cast %mul3A_4880 : i32 to index
      %swap3A_4890 = tpu.vector_load %arg14[%swap3A_4888, %swap3A_4889] {strides = array<i32>} : memref<8x2048xf32, #tpu.memory_space<vmem>>, vector<1x16xf32>,
      %swap3A_4891 = vector.shape_cast %swap3A_4890 : vector<1x16xf32> to vector<16xf32>
      %swap3A_4892 = vector.shape_cast %get3A_4886 : vector<16xf32> to vector<1x16xf32>
      tpu.vector_store %arg14[%swap3A_4888, %swap3A_4889], %swap3A_4892 {strides = array<i32>} : memref<8x2048xf32, #tpu.memory_space<vmem>>, vector<1x16xf32>,
      %add3A_4893 = arith.constant 1 : i32
      %add3A_4894 = arith.addi %min3A_4876, %add3A_4893 : i32
      %mul3A_4895 = arith.constant 16 : i32
      %mul3A_4896 = arith.muli %add3A_4894, %mul3A_4895 : i32
      %sub3A_4897 = arith.constant 2040 : i32
      %sub3A_4898 = arith.subi %sub3A_4897, %add3A_4607 : i32
      %add3A_4899 = arith.addi %sub3A_4898, %mul3A_4896 : i32
      %get3A_4900 = arith.index_cast %add3A_4899 : i32 to index
      %get3A_4901 = tpu.vector_load %arg10[%get3A_4900] {strides = array<i32>} : memref<4096xf32, #tpu.memory_space<vmem>>, vector<16xf32>,
      %get3A_4902 = vector.shape_cast %get3A_4901 : vector<16xf32> to vector<16xf32>
      %swap3A_4903 = arith.constant 2 : i32
      %swap3A_4904 = arith.index_cast %swap3A_4903 : i32 to index
      %swap3A_4905 = arith.index_cast %mul3A_4896 : i32 to index
      %swap3A_4906 = tpu.vector_load %arg14[%swap3A_4904, %swap3A_4905] {strides = array<i32>} : memref<8x2048xf32, #tpu.memory_space<vmem>>, vector<1x16xf32>,
      %swap3A_4907 = vector.shape_cast %swap3A_4906 : vector<1x16xf32> to vector<16xf32>
      %swap3A_4908 = vector.shape_cast %get3A_4902 : vector<16xf32> to vector<1x16xf32>
      tpu.vector_store %arg14[%swap3A_4904, %swap3A_4905], %swap3A_4908 {strides = array<i32>} : memref<8x2048xf32, #tpu.memory_space<vmem>>, vector<1x16xf32>,
      %add3A_4909 = arith.constant 2 : i32
      %add3A_4910 = arith.addi %min3A_4876, %add3A_4909 : i32
      %mul3A_4911 = arith.constant 16 : i32
      %mul3A_4912 = arith.muli %add3A_4910, %mul3A_4911 : i32
      %sub3A_4913 = arith.constant 2040 : i32
      %sub3A_4914 = arith.subi %sub3A_4913, %add3A_4607 : i32
      %add3A_4915 = arith.addi %sub3A_4914, %mul3A_4912 : i32
      %get3A_4916 = arith.index_cast %add3A_4915 : i32 to index
      %get3A_4917 = tpu.vector_load %arg10[%get3A_4916] {strides = array<i32>} : memref<4096xf32, #tpu.memory_space<vmem>>, vector<16xf32>,
      %get3A_4918 = vector.shape_cast %get3A_4917 : vector<16xf32> to vector<16xf32>
      %swap3A_4919 = arith.constant 2 : i32
      %swap3A_4920 = arith.index_cast %swap3A_4919 : i32 to index
      %swap3A_4921 = arith.index_cast %mul3A_4912 : i32 to index
      %swap3A_4922 = tpu.vector_load %arg14[%swap3A_4920, %swap3A_4921] {strides = array<i32>} : memref<8x2048xf32, #tpu.memory_space<vmem>>, vector<1x16xf32>,
      %swap3A_4923 = vector.shape_cast %swap3A_4922 : vector<1x16xf32> to vector<16xf32>
      %swap3A_4924 = vector.shape_cast %get3A_4918 : vector<16xf32> to vector<1x16xf32>
      tpu.vector_store %arg14[%swap3A_4920, %swap3A_4921], %swap3A_4924 {strides = array<i32>} : memref<8x2048xf32, #tpu.memory_space<vmem>>, vector<1x16xf32>,
      %add3A_4925 = arith.constant 3 : i32
      %add3A_4926 = arith.addi %min3A_4876, %add3A_4925 : i32
      %mul3A_4927 = arith.constant 16 : i32
      %mul3A_4928 = arith.muli %add3A_4926, %mul3A_4927 : i32
      %sub3A_4929 = arith.constant 2040 : i32
      %sub3A_4930 = arith.subi %sub3A_4929, %add3A_4607 : i32
      %add3A_4931 = arith.addi %sub3A_4930, %mul3A_4928 : i32
      %get3A_4932 = arith.index_cast %add3A_4931 : i32 to index
      %get3A_4933 = tpu.vector_load %arg10[%get3A_4932] {strides = array<i32>} : memref<4096xf32, #tpu.memory_space<vmem>>, vector<16xf32>,
      %get3A_4934 = vector.shape_cast %get3A_4933 : vector<16xf32> to vector<16xf32>
      %swap3A_4935 = arith.constant 2 : i32
      %swap3A_4936 = arith.index_cast %swap3A_4935 : i32 to index
      %swap3A_4937 = arith.index_cast %mul3A_4928 : i32 to index
      %swap3A_4938 = tpu.vector_load %arg14[%swap3A_4936, %swap3A_4937] {strides = array<i32>} : memref<8x2048xf32, #tpu.memory_space<vmem>>, vector<1x16xf32>,
      %swap3A_4939 = vector.shape_cast %swap3A_4938 : vector<1x16xf32> to vector<16xf32>
      %swap3A_4940 = vector.shape_cast %get3A_4934 : vector<16xf32> to vector<1x16xf32>
      tpu.vector_store %arg14[%swap3A_4936, %swap3A_4937], %swap3A_4940 {strides = array<i32>} : memref<8x2048xf32, #tpu.memory_space<vmem>>, vector<1x16xf32>,
      %add3A_4941 = arith.constant 4 : i32
      %add3A_4942 = arith.addi %min3A_4876, %add3A_4941 : i32
      %mul3A_4943 = arith.constant 16 : i32
      %mul3A_4944 = arith.muli %add3A_4942, %mul3A_4943 : i32
      %sub3A_4945 = arith.constant 2040 : i32
      %sub3A_4946 = arith.subi %sub3A_4945, %add3A_4607 : i32
      %add3A_4947 = arith.addi %sub3A_4946, %mul3A_4944 : i32
      %get3A_4948 = arith.index_cast %add3A_4947 : i32 to index
      %get3A_4949 = tpu.vector_load %arg10[%get3A_4948] {strides = array<i32>} : memref<4096xf32, #tpu.memory_space<vmem>>, vector<16xf32>,
      %get3A_4950 = vector.shape_cast %get3A_4949 : vector<16xf32> to vector<16xf32>
      %swap3A_4951 = arith.constant 2 : i32
      %swap3A_4952 = arith.index_cast %swap3A_4951 : i32 to index
      %swap3A_4953 = arith.index_cast %mul3A_4944 : i32 to index
      %swap3A_4954 = tpu.vector_load %arg14[%swap3A_4952, %swap3A_4953] {strides = array<i32>} : memref<8x2048xf32, #tpu.memory_space<vmem>>, vector<1x16xf32>,
      %swap3A_4955 = vector.shape_cast %swap3A_4954 : vector<1x16xf32> to vector<16xf32>
      %swap3A_4956 = vector.shape_cast %get3A_4950 : vector<16xf32> to vector<1x16xf32>
      tpu.vector_store %arg14[%swap3A_4952, %swap3A_4953], %swap3A_4956 {strides = array<i32>} : memref<8x2048xf32, #tpu.memory_space<vmem>>, vector<1x16xf32>,
      %add3A_4957 = arith.constant 3 : i32
      %add3A_4958 = arith.addi %add3A_4607, %add3A_4957 : i32
      %sub3A_4959 = arith.constant 48 : i32
      %sub3A_4960 = arith.subi %add3A_4958, %sub3A_4959 : i32
      %jit3A_4961 = arith.constant 16 : i32
      %div3A_4962 = arith.divsi %sub3A_4960, %jit3A_4961 : i32
      %sign3A_4963 = arith.constant 0 : i32
      %sign3A_4964 = arith.cmpi sgt, %sub3A_4960, %sign3A_4963 : i32
      %sign3A_4965 = arith.extui %sign3A_4964 : i1 to i32
      %sign3A_4966 = arith.constant 0 : i32
      %sign3A_4967 = arith.cmpi slt, %sub3A_4960, %sign3A_4966 : i32
      %sign3A_4968 = arith.extui %sign3A_4967 : i1 to i32
      %sign3A_4969 = arith.subi %sign3A_4965, %sign3A_4968 : i32
      %sign3A_4970 = arith.constant 0 : i32
      %sign3A_4971 = arith.cmpi sgt, %jit3A_4961, %sign3A_4970 : i32
      %sign3A_4972 = arith.extui %sign3A_4971 : i1 to i32
      %sign3A_4973 = arith.constant 0 : i32
      %sign3A_4974 = arith.cmpi slt, %jit3A_4961, %sign3A_4973 : i32
      %sign3A_4975 = arith.extui %sign3A_4974 : i1 to i32
      %sign3A_4976 = arith.subi %sign3A_4972, %sign3A_4975 : i32
      %ne3A_4977 = arith.cmpi ne, %sign3A_4969, %sign3A_4976 : i32
      %rem3A_4978 = arith.remsi %sub3A_4960, %jit3A_4961 : i32
      %ne3A_4979 = arith.constant 0 : i32
      %ne3A_4980 = arith.cmpi ne, %rem3A_4978, %ne3A_4979 : i32
      %and3A_4981 = arith.andi %ne3A_4977, %ne3A_4980 : i1
      %sub3A_4982 = arith.constant 1 : i32
      %sub3A_4983 = arith.subi %div3A_4962, %sub3A_4982 : i32
      %select_n3A_4984 = arith.select %and3A_4981, %sub3A_4983, %div3A_4962 : i32
      %jit3A_4985 = arith.constant 0 : i32
      %jit3A_4986 = arith.constant 123 : i32
      %max3A_4987 = arith.maxsi %jit3A_4985, %select_n3A_4984 : i32
      %min3A_4988 = arith.minsi %jit3A_4986, %max3A_4987 : i32
      %add3A_4989 = arith.constant 0 : i32
      %add3A_4990 = arith.addi %min3A_4988, %add3A_4989 : i32
      %mul3A_4991 = arith.constant 16 : i32
      %mul3A_4992 = arith.muli %add3A_4990, %mul3A_4991 : i32
      %sub3A_4993 = arith.constant 2040 : i32
      %sub3A_4994 = arith.subi %sub3A_4993, %add3A_4607 : i32
      %add3A_4995 = arith.addi %sub3A_4994, %mul3A_4992 : i32
      %get3A_4996 = arith.index_cast %add3A_4995 : i32 to index
      %get3A_4997 = tpu.vector_load %arg9[%get3A_4996] {strides = array<i32>} : memref<4096xf32, #tpu.memory_space<vmem>>, vector<16xf32>,
      %get3A_4998 = vector.shape_cast %get3A_4997 : vector<16xf32> to vector<16xf32>
      %swap3A_4999 = arith.constant 3 : i32
      %swap3A_5000 = arith.index_cast %swap3A_4999 : i32 to index
      %swap3A_5001 = arith.index_cast %mul3A_4992 : i32 to index
      %swap3A_5002 = tpu.vector_load %arg14[%swap3A_5000, %swap3A_5001] {strides = array<i32>} : memref<8x2048xf32, #tpu.memory_space<vmem>>, vector<1x16xf32>,
      %swap3A_5003 = vector.shape_cast %swap3A_5002 : vector<1x16xf32> to vector<16xf32>
      %swap3A_5004 = vector.shape_cast %get3A_4998 : vector<16xf32> to vector<1x16xf32>
      tpu.vector_store %arg14[%swap3A_5000, %swap3A_5001], %swap3A_5004 {strides = array<i32>} : memref<8x2048xf32, #tpu.memory_space<vmem>>, vector<1x16xf32>,
      %add3A_5005 = arith.constant 1 : i32
      %add3A_5006 = arith.addi %min3A_4988, %add3A_5005 : i32
      %mul3A_5007 = arith.constant 16 : i32
      %mul3A_5008 = arith.muli %add3A_5006, %mul3A_5007 : i32
      %sub3A_5009 = arith.constant 2040 : i32
      %sub3A_5010 = arith.subi %sub3A_5009, %add3A_4607 : i32
      %add3A_5011 = arith.addi %sub3A_5010, %mul3A_5008 : i32
      %get3A_5012 = arith.index_cast %add3A_5011 : i32 to index
      %get3A_5013 = tpu.vector_load %arg9[%get3A_5012] {strides = array<i32>} : memref<4096xf32, #tpu.memory_space<vmem>>, vector<16xf32>,
      %get3A_5014 = vector.shape_cast %get3A_5013 : vector<16xf32> to vector<16xf32>
      %swap3A_5015 = arith.constant 3 : i32
      %swap3A_5016 = arith.index_cast %swap3A_5015 : i32 to index
      %swap3A_5017 = arith.index_cast %mul3A_5008 : i32 to index
      %swap3A_5018 = tpu.vector_load %arg14[%swap3A_5016, %swap3A_5017] {strides = array<i32>} : memref<8x2048xf32, #tpu.memory_space<vmem>>, vector<1x16xf32>,
      %swap3A_5019 = vector.shape_cast %swap3A_5018 : vector<1x16xf32> to vector<16xf32>
      %swap3A_5020 = vector.shape_cast %get3A_5014 : vector<16xf32> to vector<1x16xf32>
      tpu.vector_store %arg14[%swap3A_5016, %swap3A_5017], %swap3A_5020 {strides = array<i32>} : memref<8x2048xf32, #tpu.memory_space<vmem>>, vector<1x16xf32>,
      %add3A_5021 = arith.constant 2 : i32
      %add3A_5022 = arith.addi %min3A_4988, %add3A_5021 : i32
      %mul3A_5023 = arith.constant 16 : i32
      %mul3A_5024 = arith.muli %add3A_5022, %mul3A_5023 : i32
      %sub3A_5025 = arith.constant 2040 : i32
      %sub3A_5026 = arith.subi %sub3A_5025, %add3A_4607 : i32
      %add3A_5027 = arith.addi %sub3A_5026, %mul3A_5024 : i32
      %get3A_5028 = arith.index_cast %add3A_5027 : i32 to index
      %get3A_5029 = tpu.vector_load %arg9[%get3A_5028] {strides = array<i32>} : memref<4096xf32, #tpu.memory_space<vmem>>, vector<16xf32>,
      %get3A_5030 = vector.shape_cast %get3A_5029 : vector<16xf32> to vector<16xf32>
      %swap3A_5031 = arith.constant 3 : i32
      %swap3A_5032 = arith.index_cast %swap3A_5031 : i32 to index
      %swap3A_5033 = arith.index_cast %mul3A_5024 : i32 to index
      %swap3A_5034 = tpu.vector_load %arg14[%swap3A_5032, %swap3A_5033] {strides = array<i32>} : memref<8x2048xf32, #tpu.memory_space<vmem>>, vector<1x16xf32>,
      %swap3A_5035 = vector.shape_cast %swap3A_5034 : vector<1x16xf32> to vector<16xf32>
      %swap3A_5036 = vector.shape_cast %get3A_5030 : vector<16xf32> to vector<1x16xf32>
      tpu.vector_store %arg14[%swap3A_5032, %swap3A_5033], %swap3A_5036 {strides = array<i32>} : memref<8x2048xf32, #tpu.memory_space<vmem>>, vector<1x16xf32>,
      %add3A_5037 = arith.constant 3 : i32
      %add3A_5038 = arith.addi %min3A_4988, %add3A_5037 : i32
      %mul3A_5039 = arith.constant 16 : i32
      %mul3A_5040 = arith.muli %add3A_5038, %mul3A_5039 : i32
      %sub3A_5041 = arith.constant 2040 : i32
      %sub3A_5042 = arith.subi %sub3A_5041, %add3A_4607 : i32
      %add3A_5043 = arith.addi %sub3A_5042, %mul3A_5040 : i32
      %get3A_5044 = arith.index_cast %add3A_5043 : i32 to index
      %get3A_5045 = tpu.vector_load %arg9[%get3A_5044] {strides = array<i32>} : memref<4096xf32, #tpu.memory_space<vmem>>, vector<16xf32>,
      %get3A_5046 = vector.shape_cast %get3A_5045 : vector<16xf32> to vector<16xf32>
      %swap3A_5047 = arith.constant 3 : i32
      %swap3A_5048 = arith.index_cast %swap3A_5047 : i32 to index
      %swap3A_5049 = arith.index_cast %mul3A_5040 : i32 to index
      %swap3A_5050 = tpu.vector_load %arg14[%swap3A_5048, %swap3A_5049] {strides = array<i32>} : memref<8x2048xf32, #tpu.memory_space<vmem>>, vector<1x16xf32>,
      %swap3A_5051 = vector.shape_cast %swap3A_5050 : vector<1x16xf32> to vector<16xf32>
      %swap3A_5052 = vector.shape_cast %get3A_5046 : vector<16xf32> to vector<1x16xf32>
      tpu.vector_store %arg14[%swap3A_5048, %swap3A_5049], %swap3A_5052 {strides = array<i32>} : memref<8x2048xf32, #tpu.memory_space<vmem>>, vector<1x16xf32>,
      %add3A_5053 = arith.constant 4 : i32
      %add3A_5054 = arith.addi %min3A_4988, %add3A_5053 : i32
      %mul3A_5055 = arith.constant 16 : i32
      %mul3A_5056 = arith.muli %add3A_5054, %mul3A_5055 : i32
      %sub3A_5057 = arith.constant 2040 : i32
      %sub3A_5058 = arith.subi %sub3A_5057, %add3A_4607 : i32
      %add3A_5059 = arith.addi %sub3A_5058, %mul3A_5056 : i32
      %get3A_5060 = arith.index_cast %add3A_5059 : i32 to index
      %get3A_5061 = tpu.vector_load %arg9[%get3A_5060] {strides = array<i32>} : memref<4096xf32, #tpu.memory_space<vmem>>, vector<16xf32>,
      %get3A_5062 = vector.shape_cast %get3A_5061 : vector<16xf32> to vector<16xf32>
      %swap3A_5063 = arith.constant 3 : i32
      %swap3A_5064 = arith.index_cast %swap3A_5063 : i32 to index
      %swap3A_5065 = arith.index_cast %mul3A_5056 : i32 to index
      %swap3A_5066 = tpu.vector_load %arg14[%swap3A_5064, %swap3A_5065] {strides = array<i32>} : memref<8x2048xf32, #tpu.memory_space<vmem>>, vector<1x16xf32>,
      %swap3A_5067 = vector.shape_cast %swap3A_5066 : vector<1x16xf32> to vector<16xf32>
      %swap3A_5068 = vector.shape_cast %get3A_5062 : vector<16xf32> to vector<1x16xf32>
      tpu.vector_store %arg14[%swap3A_5064, %swap3A_5065], %swap3A_5068 {strides = array<i32>} : memref<8x2048xf32, #tpu.memory_space<vmem>>, vector<1x16xf32>,
      %add3A_5069 = arith.constant 4 : i32
      %add3A_5070 = arith.addi %add3A_4607, %add3A_5069 : i32
      %sub3A_5071 = arith.constant 48 : i32
      %sub3A_5072 = arith.subi %add3A_5070, %sub3A_5071 : i32
      %jit3A_5073 = arith.constant 16 : i32
      %div3A_5074 = arith.divsi %sub3A_5072, %jit3A_5073 : i32
      %sign3A_5075 = arith.constant 0 : i32
      %sign3A_5076 = arith.cmpi sgt, %sub3A_5072, %sign3A_5075 : i32
      %sign3A_5077 = arith.extui %sign3A_5076 : i1 to i32
      %sign3A_5078 = arith.constant 0 : i32
      %sign3A_5079 = arith.cmpi slt, %sub3A_5072, %sign3A_5078 : i32
      %sign3A_5080 = arith.extui %sign3A_5079 : i1 to i32
      %sign3A_5081 = arith.subi %sign3A_5077, %sign3A_5080 : i32
      %sign3A_5082 = arith.constant 0 : i32
      %sign3A_5083 = arith.cmpi sgt, %jit3A_5073, %sign3A_5082 : i32
      %sign3A_5084 = arith.extui %sign3A_5083 : i1 to i32
      %sign3A_5085 = arith.constant 0 : i32
      %sign3A_5086 = arith.cmpi slt, %jit3A_5073, %sign3A_5085 : i32
      %sign3A_5087 = arith.extui %sign3A_5086 : i1 to i32
      %sign3A_5088 = arith.subi %sign3A_5084, %sign3A_5087 : i32
      %ne3A_5089 = arith.cmpi ne, %sign3A_5081, %sign3A_5088 : i32
      %rem3A_5090 = arith.remsi %sub3A_5072, %jit3A_5073 : i32
      %ne3A_5091 = arith.constant 0 : i32
      %ne3A_5092 = arith.cmpi ne, %rem3A_5090, %ne3A_5091 : i32
      %and3A_5093 = arith.andi %ne3A_5089, %ne3A_5092 : i1
      %sub3A_5094 = arith.constant 1 : i32
      %sub3A_5095 = arith.subi %div3A_5074, %sub3A_5094 : i32
      %select_n3A_5096 = arith.select %and3A_5093, %sub3A_5095, %div3A_5074 : i32
      %jit3A_5097 = arith.constant 0 : i32
      %jit3A_5098 = arith.constant 123 : i32
      %max3A_5099 = arith.maxsi %jit3A_5097, %select_n3A_5096 : i32
      %min3A_5100 = arith.minsi %jit3A_5098, %max3A_5099 : i32
      %add3A_5101 = arith.constant 0 : i32
      %add3A_5102 = arith.addi %min3A_5100, %add3A_5101 : i32
      %mul3A_5103 = arith.constant 16 : i32
      %mul3A_5104 = arith.muli %add3A_5102, %mul3A_5103 : i32
      %sub3A_5105 = arith.constant 2040 : i32
      %sub3A_5106 = arith.subi %sub3A_5105, %add3A_4607 : i32
      %add3A_5107 = arith.addi %sub3A_5106, %mul3A_5104 : i32
      %get3A_5108 = arith.index_cast %add3A_5107 : i32 to index
      %get3A_5109 = tpu.vector_load %arg8[%get3A_5108] {strides = array<i32>} : memref<4096xf32, #tpu.memory_space<vmem>>, vector<16xf32>,
      %get3A_5110 = vector.shape_cast %get3A_5109 : vector<16xf32> to vector<16xf32>
      %swap3A_5111 = arith.constant 4 : i32
      %swap3A_5112 = arith.index_cast %swap3A_5111 : i32 to index
      %swap3A_5113 = arith.index_cast %mul3A_5104 : i32 to index
      %swap3A_5114 = tpu.vector_load %arg14[%swap3A_5112, %swap3A_5113] {strides = array<i32>} : memref<8x2048xf32, #tpu.memory_space<vmem>>, vector<1x16xf32>,
      %swap3A_5115 = vector.shape_cast %swap3A_5114 : vector<1x16xf32> to vector<16xf32>
      %swap3A_5116 = vector.shape_cast %get3A_5110 : vector<16xf32> to vector<1x16xf32>
      tpu.vector_store %arg14[%swap3A_5112, %swap3A_5113], %swap3A_5116 {strides = array<i32>} : memref<8x2048xf32, #tpu.memory_space<vmem>>, vector<1x16xf32>,
      %add3A_5117 = arith.constant 1 : i32
      %add3A_5118 = arith.addi %min3A_5100, %add3A_5117 : i32
      %mul3A_5119 = arith.constant 16 : i32
      %mul3A_5120 = arith.muli %add3A_5118, %mul3A_5119 : i32
      %sub3A_5121 = arith.constant 2040 : i32
      %sub3A_5122 = arith.subi %sub3A_5121, %add3A_4607 : i32
      %add3A_5123 = arith.addi %sub3A_5122, %mul3A_5120 : i32
      %get3A_5124 = arith.index_cast %add3A_5123 : i32 to index
      %get3A_5125 = tpu.vector_load %arg8[%get3A_5124] {strides = array<i32>} : memref<4096xf32, #tpu.memory_space<vmem>>, vector<16xf32>,
      %get3A_5126 = vector.shape_cast %get3A_5125 : vector<16xf32> to vector<16xf32>
      %swap3A_5127 = arith.constant 4 : i32
      %swap3A_5128 = arith.index_cast %swap3A_5127 : i32 to index
      %swap3A_5129 = arith.index_cast %mul3A_5120 : i32 to index
      %swap3A_5130 = tpu.vector_load %arg14[%swap3A_5128, %swap3A_5129] {strides = array<i32>} : memref<8x2048xf32, #tpu.memory_space<vmem>>, vector<1x16xf32>,
      %swap3A_5131 = vector.shape_cast %swap3A_5130 : vector<1x16xf32> to vector<16xf32>
      %swap3A_5132 = vector.shape_cast %get3A_5126 : vector<16xf32> to vector<1x16xf32>
      tpu.vector_store %arg14[%swap3A_5128, %swap3A_5129], %swap3A_5132 {strides = array<i32>} : memref<8x2048xf32, #tpu.memory_space<vmem>>, vector<1x16xf32>,
      %add3A_5133 = arith.constant 2 : i32
      %add3A_5134 = arith.addi %min3A_5100, %add3A_5133 : i32
      %mul3A_5135 = arith.constant 16 : i32
      %mul3A_5136 = arith.muli %add3A_5134, %mul3A_5135 : i32
      %sub3A_5137 = arith.constant 2040 : i32
      %sub3A_5138 = arith.subi %sub3A_5137, %add3A_4607 : i32
      %add3A_5139 = arith.addi %sub3A_5138, %mul3A_5136 : i32
      %get3A_5140 = arith.index_cast %add3A_5139 : i32 to index
      %get3A_5141 = tpu.vector_load %arg8[%get3A_5140] {strides = array<i32>} : memref<4096xf32, #tpu.memory_space<vmem>>, vector<16xf32>,
      %get3A_5142 = vector.shape_cast %get3A_5141 : vector<16xf32> to vector<16xf32>
      %swap3A_5143 = arith.constant 4 : i32
      %swap3A_5144 = arith.index_cast %swap3A_5143 : i32 to index
      %swap3A_5145 = arith.index_cast %mul3A_5136 : i32 to index
      %swap3A_5146 = tpu.vector_load %arg14[%swap3A_5144, %swap3A_5145] {strides = array<i32>} : memref<8x2048xf32, #tpu.memory_space<vmem>>, vector<1x16xf32>,
      %swap3A_5147 = vector.shape_cast %swap3A_5146 : vector<1x16xf32> to vector<16xf32>
      %swap3A_5148 = vector.shape_cast %get3A_5142 : vector<16xf32> to vector<1x16xf32>
      tpu.vector_store %arg14[%swap3A_5144, %swap3A_5145], %swap3A_5148 {strides = array<i32>} : memref<8x2048xf32, #tpu.memory_space<vmem>>, vector<1x16xf32>,
      %add3A_5149 = arith.constant 3 : i32
      %add3A_5150 = arith.addi %min3A_5100, %add3A_5149 : i32
      %mul3A_5151 = arith.constant 16 : i32
      %mul3A_5152 = arith.muli %add3A_5150, %mul3A_5151 : i32
      %sub3A_5153 = arith.constant 2040 : i32
      %sub3A_5154 = arith.subi %sub3A_5153, %add3A_4607 : i32
      %add3A_5155 = arith.addi %sub3A_5154, %mul3A_5152 : i32
      %get3A_5156 = arith.index_cast %add3A_5155 : i32 to index
      %get3A_5157 = tpu.vector_load %arg8[%get3A_5156] {strides = array<i32>} : memref<4096xf32, #tpu.memory_space<vmem>>, vector<16xf32>,
      %get3A_5158 = vector.shape_cast %get3A_5157 : vector<16xf32> to vector<16xf32>
      %swap3A_5159 = arith.constant 4 : i32
      %swap3A_5160 = arith.index_cast %swap3A_5159 : i32 to index
      %swap3A_5161 = arith.index_cast %mul3A_5152 : i32 to index
      %swap3A_5162 = tpu.vector_load %arg14[%swap3A_5160, %swap3A_5161] {strides = array<i32>} : memref<8x2048xf32, #tpu.memory_space<vmem>>, vector<1x16xf32>,
      %swap3A_5163 = vector.shape_cast %swap3A_5162 : vector<1x16xf32> to vector<16xf32>
      %swap3A_5164 = vector.shape_cast %get3A_5158 : vector<16xf32> to vector<1x16xf32>
      tpu.vector_store %arg14[%swap3A_5160, %swap3A_5161], %swap3A_5164 {strides = array<i32>} : memref<8x2048xf32, #tpu.memory_space<vmem>>, vector<1x16xf32>,
      %add3A_5165 = arith.constant 4 : i32
      %add3A_5166 = arith.addi %min3A_5100, %add3A_5165 : i32
      %mul3A_5167 = arith.constant 16 : i32
      %mul3A_5168 = arith.muli %add3A_5166, %mul3A_5167 : i32
      %sub3A_5169 = arith.constant 2040 : i32
      %sub3A_5170 = arith.subi %sub3A_5169, %add3A_4607 : i32
      %add3A_5171 = arith.addi %sub3A_5170, %mul3A_5168 : i32
      %get3A_5172 = arith.index_cast %add3A_5171 : i32 to index
      %get3A_5173 = tpu.vector_load %arg8[%get3A_5172] {strides = array<i32>} : memref<4096xf32, #tpu.memory_space<vmem>>, vector<16xf32>,
      %get3A_5174 = vector.shape_cast %get3A_5173 : vector<16xf32> to vector<16xf32>
      %swap3A_5175 = arith.constant 4 : i32
      %swap3A_5176 = arith.index_cast %swap3A_5175 : i32 to index
      %swap3A_5177 = arith.index_cast %mul3A_5168 : i32 to index
      %swap3A_5178 = tpu.vector_load %arg14[%swap3A_5176, %swap3A_5177] {strides = array<i32>} : memref<8x2048xf32, #tpu.memory_space<vmem>>, vector<1x16xf32>,
      %swap3A_5179 = vector.shape_cast %swap3A_5178 : vector<1x16xf32> to vector<16xf32>
      %swap3A_5180 = vector.shape_cast %get3A_5174 : vector<16xf32> to vector<1x16xf32>
      tpu.vector_store %arg14[%swap3A_5176, %swap3A_5177], %swap3A_5180 {strides = array<i32>} : memref<8x2048xf32, #tpu.memory_space<vmem>>, vector<1x16xf32>,
      %add3A_5181 = arith.constant 5 : i32
      %add3A_5182 = arith.addi %add3A_4607, %add3A_5181 : i32
      %sub3A_5183 = arith.constant 48 : i32
      %sub3A_5184 = arith.subi %add3A_5182, %sub3A_5183 : i32
      %jit3A_5185 = arith.constant 16 : i32
      %div3A_5186 = arith.divsi %sub3A_5184, %jit3A_5185 : i32
      %sign3A_5187 = arith.constant 0 : i32
      %sign3A_5188 = arith.cmpi sgt, %sub3A_5184, %sign3A_5187 : i32
      %sign3A_5189 = arith.extui %sign3A_5188 : i1 to i32
      %sign3A_5190 = arith.constant 0 : i32
      %sign3A_5191 = arith.cmpi slt, %sub3A_5184, %sign3A_5190 : i32
      %sign3A_5192 = arith.extui %sign3A_5191 : i1 to i32
      %sign3A_5193 = arith.subi %sign3A_5189, %sign3A_5192 : i32
      %sign3A_5194 = arith.constant 0 : i32
      %sign3A_5195 = arith.cmpi sgt, %jit3A_5185, %sign3A_5194 : i32
      %sign3A_5196 = arith.extui %sign3A_5195 : i1 to i32
      %sign3A_5197 = arith.constant 0 : i32
      %sign3A_5198 = arith.cmpi slt, %jit3A_5185, %sign3A_5197 : i32
      %sign3A_5199 = arith.extui %sign3A_5198 : i1 to i32
      %sign3A_5200 = arith.subi %sign3A_5196, %sign3A_5199 : i32
      %ne3A_5201 = arith.cmpi ne, %sign3A_5193, %sign3A_5200 : i32
      %rem3A_5202 = arith.remsi %sub3A_5184, %jit3A_5185 : i32
      %ne3A_5203 = arith.constant 0 : i32
      %ne3A_5204 = arith.cmpi ne, %rem3A_5202, %ne3A_5203 : i32
      %and3A_5205 = arith.andi %ne3A_5201, %ne3A_5204 : i1
      %sub3A_5206 = arith.constant 1 : i32
      %sub3A_5207 = arith.subi %div3A_5186, %sub3A_5206 : i32
      %select_n3A_5208 = arith.select %and3A_5205, %sub3A_5207, %div3A_5186 : i32
      %jit3A_5209 = arith.constant 0 : i32
      %jit3A_5210 = arith.constant 123 : i32
      %max3A_5211 = arith.maxsi %jit3A_5209, %select_n3A_5208 : i32
      %min3A_5212 = arith.minsi %jit3A_5210, %max3A_5211 : i32
      %add3A_5213 = arith.constant 0 : i32
      %add3A_5214 = arith.addi %min3A_5212, %add3A_5213 : i32
      %mul3A_5215 = arith.constant 16 : i32
      %mul3A_5216 = arith.muli %add3A_5214, %mul3A_5215 : i32
      %sub3A_5217 = arith.constant 2040 : i32
      %sub3A_5218 = arith.subi %sub3A_5217, %add3A_4607 : i32
      %add3A_5219 = arith.addi %sub3A_5218, %mul3A_5216 : i32
      %get3A_5220 = arith.index_cast %add3A_5219 : i32 to index
      %get3A_5221 = tpu.vector_load %arg7[%get3A_5220] {strides = array<i32>} : memref<4096xf32, #tpu.memory_space<vmem>>, vector<16xf32>,
      %get3A_5222 = vector.shape_cast %get3A_5221 : vector<16xf32> to vector<16xf32>
      %swap3A_5223 = arith.constant 5 : i32
      %swap3A_5224 = arith.index_cast %swap3A_5223 : i32 to index
      %swap3A_5225 = arith.index_cast %mul3A_5216 : i32 to index
      %swap3A_5226 = tpu.vector_load %arg14[%swap3A_5224, %swap3A_5225] {strides = array<i32>} : memref<8x2048xf32, #tpu.memory_space<vmem>>, vector<1x16xf32>,
      %swap3A_5227 = vector.shape_cast %swap3A_5226 : vector<1x16xf32> to vector<16xf32>
      %swap3A_5228 = vector.shape_cast %get3A_5222 : vector<16xf32> to vector<1x16xf32>
      tpu.vector_store %arg14[%swap3A_5224, %swap3A_5225], %swap3A_5228 {strides = array<i32>} : memref<8x2048xf32, #tpu.memory_space<vmem>>, vector<1x16xf32>,
      %add3A_5229 = arith.constant 1 : i32
      %add3A_5230 = arith.addi %min3A_5212, %add3A_5229 : i32
      %mul3A_5231 = arith.constant 16 : i32
      %mul3A_5232 = arith.muli %add3A_5230, %mul3A_5231 : i32
      %sub3A_5233 = arith.constant 2040 : i32
      %sub3A_5234 = arith.subi %sub3A_5233, %add3A_4607 : i32
      %add3A_5235 = arith.addi %sub3A_5234, %mul3A_5232 : i32
      %get3A_5236 = arith.index_cast %add3A_5235 : i32 to index
      %get3A_5237 = tpu.vector_load %arg7[%get3A_5236] {strides = array<i32>} : memref<4096xf32, #tpu.memory_space<vmem>>, vector<16xf32>,
      %get3A_5238 = vector.shape_cast %get3A_5237 : vector<16xf32> to vector<16xf32>
      %swap3A_5239 = arith.constant 5 : i32
      %swap3A_5240 = arith.index_cast %swap3A_5239 : i32 to index
      %swap3A_5241 = arith.index_cast %mul3A_5232 : i32 to index
      %swap3A_5242 = tpu.vector_load %arg14[%swap3A_5240, %swap3A_5241] {strides = array<i32>} : memref<8x2048xf32, #tpu.memory_space<vmem>>, vector<1x16xf32>,
      %swap3A_5243 = vector.shape_cast %swap3A_5242 : vector<1x16xf32> to vector<16xf32>
      %swap3A_5244 = vector.shape_cast %get3A_5238 : vector<16xf32> to vector<1x16xf32>
      tpu.vector_store %arg14[%swap3A_5240, %swap3A_5241], %swap3A_5244 {strides = array<i32>} : memref<8x2048xf32, #tpu.memory_space<vmem>>, vector<1x16xf32>,
      %add3A_5245 = arith.constant 2 : i32
      %add3A_5246 = arith.addi %min3A_5212, %add3A_5245 : i32
      %mul3A_5247 = arith.constant 16 : i32
      %mul3A_5248 = arith.muli %add3A_5246, %mul3A_5247 : i32
      %sub3A_5249 = arith.constant 2040 : i32
      %sub3A_5250 = arith.subi %sub3A_5249, %add3A_4607 : i32
      %add3A_5251 = arith.addi %sub3A_5250, %mul3A_5248 : i32
      %get3A_5252 = arith.index_cast %add3A_5251 : i32 to index
      %get3A_5253 = tpu.vector_load %arg7[%get3A_5252] {strides = array<i32>} : memref<4096xf32, #tpu.memory_space<vmem>>, vector<16xf32>,
      %get3A_5254 = vector.shape_cast %get3A_5253 : vector<16xf32> to vector<16xf32>
      %swap3A_5255 = arith.constant 5 : i32
      %swap3A_5256 = arith.index_cast %swap3A_5255 : i32 to index
      %swap3A_5257 = arith.index_cast %mul3A_5248 : i32 to index
      %swap3A_5258 = tpu.vector_load %arg14[%swap3A_5256, %swap3A_5257] {strides = array<i32>} : memref<8x2048xf32, #tpu.memory_space<vmem>>, vector<1x16xf32>,
      %swap3A_5259 = vector.shape_cast %swap3A_5258 : vector<1x16xf32> to vector<16xf32>
      %swap3A_5260 = vector.shape_cast %get3A_5254 : vector<16xf32> to vector<1x16xf32>
      tpu.vector_store %arg14[%swap3A_5256, %swap3A_5257], %swap3A_5260 {strides = array<i32>} : memref<8x2048xf32, #tpu.memory_space<vmem>>, vector<1x16xf32>,
      %add3A_5261 = arith.constant 3 : i32
      %add3A_5262 = arith.addi %min3A_5212, %add3A_5261 : i32
      %mul3A_5263 = arith.constant 16 : i32
      %mul3A_5264 = arith.muli %add3A_5262, %mul3A_5263 : i32
      %sub3A_5265 = arith.constant 2040 : i32
      %sub3A_5266 = arith.subi %sub3A_5265, %add3A_4607 : i32
      %add3A_5267 = arith.addi %sub3A_5266, %mul3A_5264 : i32
      %get3A_5268 = arith.index_cast %add3A_5267 : i32 to index
      %get3A_5269 = tpu.vector_load %arg7[%get3A_5268] {strides = array<i32>} : memref<4096xf32, #tpu.memory_space<vmem>>, vector<16xf32>,
      %get3A_5270 = vector.shape_cast %get3A_5269 : vector<16xf32> to vector<16xf32>
      %swap3A_5271 = arith.constant 5 : i32
      %swap3A_5272 = arith.index_cast %swap3A_5271 : i32 to index
      %swap3A_5273 = arith.index_cast %mul3A_5264 : i32 to index
      %swap3A_5274 = tpu.vector_load %arg14[%swap3A_5272, %swap3A_5273] {strides = array<i32>} : memref<8x2048xf32, #tpu.memory_space<vmem>>, vector<1x16xf32>,
      %swap3A_5275 = vector.shape_cast %swap3A_5274 : vector<1x16xf32> to vector<16xf32>
      %swap3A_5276 = vector.shape_cast %get3A_5270 : vector<16xf32> to vector<1x16xf32>
      tpu.vector_store %arg14[%swap3A_5272, %swap3A_5273], %swap3A_5276 {strides = array<i32>} : memref<8x2048xf32, #tpu.memory_space<vmem>>, vector<1x16xf32>,
      %add3A_5277 = arith.constant 4 : i32
      %add3A_5278 = arith.addi %min3A_5212, %add3A_5277 : i32
      %mul3A_5279 = arith.constant 16 : i32
      %mul3A_5280 = arith.muli %add3A_5278, %mul3A_5279 : i32
      %sub3A_5281 = arith.constant 2040 : i32
      %sub3A_5282 = arith.subi %sub3A_5281, %add3A_4607 : i32
      %add3A_5283 = arith.addi %sub3A_5282, %mul3A_5280 : i32
      %get3A_5284 = arith.index_cast %add3A_5283 : i32 to index
      %get3A_5285 = tpu.vector_load %arg7[%get3A_5284] {strides = array<i32>} : memref<4096xf32, #tpu.memory_space<vmem>>, vector<16xf32>,
      %get3A_5286 = vector.shape_cast %get3A_5285 : vector<16xf32> to vector<16xf32>
      %swap3A_5287 = arith.constant 5 : i32
      %swap3A_5288 = arith.index_cast %swap3A_5287 : i32 to index
      %swap3A_5289 = arith.index_cast %mul3A_5280 : i32 to index
      %swap3A_5290 = tpu.vector_load %arg14[%swap3A_5288, %swap3A_5289] {strides = array<i32>} : memref<8x2048xf32, #tpu.memory_space<vmem>>, vector<1x16xf32>,
      %swap3A_5291 = vector.shape_cast %swap3A_5290 : vector<1x16xf32> to vector<16xf32>
      %swap3A_5292 = vector.shape_cast %get3A_5286 : vector<16xf32> to vector<1x16xf32>
      tpu.vector_store %arg14[%swap3A_5288, %swap3A_5289], %swap3A_5292 {strides = array<i32>} : memref<8x2048xf32, #tpu.memory_space<vmem>>, vector<1x16xf32>,
      %add3A_5293 = arith.constant 6 : i32
      %add3A_5294 = arith.addi %add3A_4607, %add3A_5293 : i32
      %sub3A_5295 = arith.constant 48 : i32
      %sub3A_5296 = arith.subi %add3A_5294, %sub3A_5295 : i32
      %jit3A_5297 = arith.constant 16 : i32
      %div3A_5298 = arith.divsi %sub3A_5296, %jit3A_5297 : i32
      %sign3A_5299 = arith.constant 0 : i32
      %sign3A_5300 = arith.cmpi sgt, %sub3A_5296, %sign3A_5299 : i32
      %sign3A_5301 = arith.extui %sign3A_5300 : i1 to i32
      %sign3A_5302 = arith.constant 0 : i32
      %sign3A_5303 = arith.cmpi slt, %sub3A_5296, %sign3A_5302 : i32
      %sign3A_5304 = arith.extui %sign3A_5303 : i1 to i32
      %sign3A_5305 = arith.subi %sign3A_5301, %sign3A_5304 : i32
      %sign3A_5306 = arith.constant 0 : i32
      %sign3A_5307 = arith.cmpi sgt, %jit3A_5297, %sign3A_5306 : i32
      %sign3A_5308 = arith.extui %sign3A_5307 : i1 to i32
      %sign3A_5309 = arith.constant 0 : i32
      %sign3A_5310 = arith.cmpi slt, %jit3A_5297, %sign3A_5309 : i32
      %sign3A_5311 = arith.extui %sign3A_5310 : i1 to i32
      %sign3A_5312 = arith.subi %sign3A_5308, %sign3A_5311 : i32
      %ne3A_5313 = arith.cmpi ne, %sign3A_5305, %sign3A_5312 : i32
      %rem3A_5314 = arith.remsi %sub3A_5296, %jit3A_5297 : i32
      %ne3A_5315 = arith.constant 0 : i32
      %ne3A_5316 = arith.cmpi ne, %rem3A_5314, %ne3A_5315 : i32
      %and3A_5317 = arith.andi %ne3A_5313, %ne3A_5316 : i1
      %sub3A_5318 = arith.constant 1 : i32
      %sub3A_5319 = arith.subi %div3A_5298, %sub3A_5318 : i32
      %select_n3A_5320 = arith.select %and3A_5317, %sub3A_5319, %div3A_5298 : i32
      %jit3A_5321 = arith.constant 0 : i32
      %jit3A_5322 = arith.constant 123 : i32
      %max3A_5323 = arith.maxsi %jit3A_5321, %select_n3A_5320 : i32
      %min3A_5324 = arith.minsi %jit3A_5322, %max3A_5323 : i32
      %add3A_5325 = arith.constant 0 : i32
      %add3A_5326 = arith.addi %min3A_5324, %add3A_5325 : i32
      %mul3A_5327 = arith.constant 16 : i32
      %mul3A_5328 = arith.muli %add3A_5326, %mul3A_5327 : i32
      %sub3A_5329 = arith.constant 2040 : i32
      %sub3A_5330 = arith.subi %sub3A_5329, %add3A_4607 : i32
      %add3A_5331 = arith.addi %sub3A_5330, %mul3A_5328 : i32
      %get3A_5332 = arith.index_cast %add3A_5331 : i32 to index
      %get3A_5333 = tpu.vector_load %arg6[%get3A_5332] {strides = array<i32>} : memref<4096xf32, #tpu.memory_space<vmem>>, vector<16xf32>,
      %get3A_5334 = vector.shape_cast %get3A_5333 : vector<16xf32> to vector<16xf32>
      %swap3A_5335 = arith.constant 6 : i32
      %swap3A_5336 = arith.index_cast %swap3A_5335 : i32 to index
      %swap3A_5337 = arith.index_cast %mul3A_5328 : i32 to index
      %swap3A_5338 = tpu.vector_load %arg14[%swap3A_5336, %swap3A_5337] {strides = array<i32>} : memref<8x2048xf32, #tpu.memory_space<vmem>>, vector<1x16xf32>,
      %swap3A_5339 = vector.shape_cast %swap3A_5338 : vector<1x16xf32> to vector<16xf32>
      %swap3A_5340 = vector.shape_cast %get3A_5334 : vector<16xf32> to vector<1x16xf32>
      tpu.vector_store %arg14[%swap3A_5336, %swap3A_5337], %swap3A_5340 {strides = array<i32>} : memref<8x2048xf32, #tpu.memory_space<vmem>>, vector<1x16xf32>,
      %add3A_5341 = arith.constant 1 : i32
      %add3A_5342 = arith.addi %min3A_5324, %add3A_5341 : i32
      %mul3A_5343 = arith.constant 16 : i32
      %mul3A_5344 = arith.muli %add3A_5342, %mul3A_5343 : i32
      %sub3A_5345 = arith.constant 2040 : i32
      %sub3A_5346 = arith.subi %sub3A_5345, %add3A_4607 : i32
      %add3A_5347 = arith.addi %sub3A_5346, %mul3A_5344 : i32
      %get3A_5348 = arith.index_cast %add3A_5347 : i32 to index
      %get3A_5349 = tpu.vector_load %arg6[%get3A_5348] {strides = array<i32>} : memref<4096xf32, #tpu.memory_space<vmem>>, vector<16xf32>,
      %get3A_5350 = vector.shape_cast %get3A_5349 : vector<16xf32> to vector<16xf32>
      %swap3A_5351 = arith.constant 6 : i32
      %swap3A_5352 = arith.index_cast %swap3A_5351 : i32 to index
      %swap3A_5353 = arith.index_cast %mul3A_5344 : i32 to index
      %swap3A_5354 = tpu.vector_load %arg14[%swap3A_5352, %swap3A_5353] {strides = array<i32>} : memref<8x2048xf32, #tpu.memory_space<vmem>>, vector<1x16xf32>,
      %swap3A_5355 = vector.shape_cast %swap3A_5354 : vector<1x16xf32> to vector<16xf32>
      %swap3A_5356 = vector.shape_cast %get3A_5350 : vector<16xf32> to vector<1x16xf32>
      tpu.vector_store %arg14[%swap3A_5352, %swap3A_5353], %swap3A_5356 {strides = array<i32>} : memref<8x2048xf32, #tpu.memory_space<vmem>>, vector<1x16xf32>,
      %add3A_5357 = arith.constant 2 : i32
      %add3A_5358 = arith.addi %min3A_5324, %add3A_5357 : i32
      %mul3A_5359 = arith.constant 16 : i32
      %mul3A_5360 = arith.muli %add3A_5358, %mul3A_5359 : i32
      %sub3A_5361 = arith.constant 2040 : i32
      %sub3A_5362 = arith.subi %sub3A_5361, %add3A_4607 : i32
      %add3A_5363 = arith.addi %sub3A_5362, %mul3A_5360 : i32
      %get3A_5364 = arith.index_cast %add3A_5363 : i32 to index
      %get3A_5365 = tpu.vector_load %arg6[%get3A_5364] {strides = array<i32>} : memref<4096xf32, #tpu.memory_space<vmem>>, vector<16xf32>,
      %get3A_5366 = vector.shape_cast %get3A_5365 : vector<16xf32> to vector<16xf32>
      %swap3A_5367 = arith.constant 6 : i32
      %swap3A_5368 = arith.index_cast %swap3A_5367 : i32 to index
      %swap3A_5369 = arith.index_cast %mul3A_5360 : i32 to index
      %swap3A_5370 = tpu.vector_load %arg14[%swap3A_5368, %swap3A_5369] {strides = array<i32>} : memref<8x2048xf32, #tpu.memory_space<vmem>>, vector<1x16xf32>,
      %swap3A_5371 = vector.shape_cast %swap3A_5370 : vector<1x16xf32> to vector<16xf32>
      %swap3A_5372 = vector.shape_cast %get3A_5366 : vector<16xf32> to vector<1x16xf32>
      tpu.vector_store %arg14[%swap3A_5368, %swap3A_5369], %swap3A_5372 {strides = array<i32>} : memref<8x2048xf32, #tpu.memory_space<vmem>>, vector<1x16xf32>,
      %add3A_5373 = arith.constant 3 : i32
      %add3A_5374 = arith.addi %min3A_5324, %add3A_5373 : i32
      %mul3A_5375 = arith.constant 16 : i32
      %mul3A_5376 = arith.muli %add3A_5374, %mul3A_5375 : i32
      %sub3A_5377 = arith.constant 2040 : i32
      %sub3A_5378 = arith.subi %sub3A_5377, %add3A_4607 : i32
      %add3A_5379 = arith.addi %sub3A_5378, %mul3A_5376 : i32
      %get3A_5380 = arith.index_cast %add3A_5379 : i32 to index
      %get3A_5381 = tpu.vector_load %arg6[%get3A_5380] {strides = array<i32>} : memref<4096xf32, #tpu.memory_space<vmem>>, vector<16xf32>,
      %get3A_5382 = vector.shape_cast %get3A_5381 : vector<16xf32> to vector<16xf32>
      %swap3A_5383 = arith.constant 6 : i32
      %swap3A_5384 = arith.index_cast %swap3A_5383 : i32 to index
      %swap3A_5385 = arith.index_cast %mul3A_5376 : i32 to index
      %swap3A_5386 = tpu.vector_load %arg14[%swap3A_5384, %swap3A_5385] {strides = array<i32>} : memref<8x2048xf32, #tpu.memory_space<vmem>>, vector<1x16xf32>,
      %swap3A_5387 = vector.shape_cast %swap3A_5386 : vector<1x16xf32> to vector<16xf32>
      %swap3A_5388 = vector.shape_cast %get3A_5382 : vector<16xf32> to vector<1x16xf32>
      tpu.vector_store %arg14[%swap3A_5384, %swap3A_5385], %swap3A_5388 {strides = array<i32>} : memref<8x2048xf32, #tpu.memory_space<vmem>>, vector<1x16xf32>,
      %add3A_5389 = arith.constant 4 : i32
      %add3A_5390 = arith.addi %min3A_5324, %add3A_5389 : i32
      %mul3A_5391 = arith.constant 16 : i32
      %mul3A_5392 = arith.muli %add3A_5390, %mul3A_5391 : i32
      %sub3A_5393 = arith.constant 2040 : i32
      %sub3A_5394 = arith.subi %sub3A_5393, %add3A_4607 : i32
      %add3A_5395 = arith.addi %sub3A_5394, %mul3A_5392 : i32
      %get3A_5396 = arith.index_cast %add3A_5395 : i32 to index
      %get3A_5397 = tpu.vector_load %arg6[%get3A_5396] {strides = array<i32>} : memref<4096xf32, #tpu.memory_space<vmem>>, vector<16xf32>,
      %get3A_5398 = vector.shape_cast %get3A_5397 : vector<16xf32> to vector<16xf32>
      %swap3A_5399 = arith.constant 6 : i32
      %swap3A_5400 = arith.index_cast %swap3A_5399 : i32 to index
      %swap3A_5401 = arith.index_cast %mul3A_5392 : i32 to index
      %swap3A_5402 = tpu.vector_load %arg14[%swap3A_5400, %swap3A_5401] {strides = array<i32>} : memref<8x2048xf32, #tpu.memory_space<vmem>>, vector<1x16xf32>,
      %swap3A_5403 = vector.shape_cast %swap3A_5402 : vector<1x16xf32> to vector<16xf32>
      %swap3A_5404 = vector.shape_cast %get3A_5398 : vector<16xf32> to vector<1x16xf32>
      tpu.vector_store %arg14[%swap3A_5400, %swap3A_5401], %swap3A_5404 {strides = array<i32>} : memref<8x2048xf32, #tpu.memory_space<vmem>>, vector<1x16xf32>,
      %add3A_5405 = arith.constant 7 : i32
      %add3A_5406 = arith.addi %add3A_4607, %add3A_5405 : i32
      %sub3A_5407 = arith.constant 48 : i32
      %sub3A_5408 = arith.subi %add3A_5406, %sub3A_5407 : i32
      %jit3A_5409 = arith.constant 16 : i32
      %div3A_5410 = arith.divsi %sub3A_5408, %jit3A_5409 : i32
      %sign3A_5411 = arith.constant 0 : i32
      %sign3A_5412 = arith.cmpi sgt, %sub3A_5408, %sign3A_5411 : i32
      %sign3A_5413 = arith.extui %sign3A_5412 : i1 to i32
      %sign3A_5414 = arith.constant 0 : i32
      %sign3A_5415 = arith.cmpi slt, %sub3A_5408, %sign3A_5414 : i32
      %sign3A_5416 = arith.extui %sign3A_5415 : i1 to i32
      %sign3A_5417 = arith.subi %sign3A_5413, %sign3A_5416 : i32
      %sign3A_5418 = arith.constant 0 : i32
      %sign3A_5419 = arith.cmpi sgt, %jit3A_5409, %sign3A_5418 : i32
      %sign3A_5420 = arith.extui %sign3A_5419 : i1 to i32
      %sign3A_5421 = arith.constant 0 : i32
      %sign3A_5422 = arith.cmpi slt, %jit3A_5409, %sign3A_5421 : i32
      %sign3A_5423 = arith.extui %sign3A_5422 : i1 to i32
      %sign3A_5424 = arith.subi %sign3A_5420, %sign3A_5423 : i32
      %ne3A_5425 = arith.cmpi ne, %sign3A_5417, %sign3A_5424 : i32
      %rem3A_5426 = arith.remsi %sub3A_5408, %jit3A_5409 : i32
      %ne3A_5427 = arith.constant 0 : i32
      %ne3A_5428 = arith.cmpi ne, %rem3A_5426, %ne3A_5427 : i32
      %and3A_5429 = arith.andi %ne3A_5425, %ne3A_5428 : i1
      %sub3A_5430 = arith.constant 1 : i32
      %sub3A_5431 = arith.subi %div3A_5410, %sub3A_5430 : i32
      %select_n3A_5432 = arith.select %and3A_5429, %sub3A_5431, %div3A_5410 : i32
      %jit3A_5433 = arith.constant 0 : i32
      %jit3A_5434 = arith.constant 123 : i32
      %max3A_5435 = arith.maxsi %jit3A_5433, %select_n3A_5432 : i32
      %min3A_5436 = arith.minsi %jit3A_5434, %max3A_5435 : i32
      %add3A_5437 = arith.constant 0 : i32
      %add3A_5438 = arith.addi %min3A_5436, %add3A_5437 : i32
      %mul3A_5439 = arith.constant 16 : i32
      %mul3A_5440 = arith.muli %add3A_5438, %mul3A_5439 : i32
      %sub3A_5441 = arith.constant 2040 : i32
      %sub3A_5442 = arith.subi %sub3A_5441, %add3A_4607 : i32
      %add3A_5443 = arith.addi %sub3A_5442, %mul3A_5440 : i32
      %get3A_5444 = arith.index_cast %add3A_5443 : i32 to index
      %get3A_5445 = tpu.vector_load %arg5[%get3A_5444] {strides = array<i32>} : memref<4096xf32, #tpu.memory_space<vmem>>, vector<16xf32>,
      %get3A_5446 = vector.shape_cast %get3A_5445 : vector<16xf32> to vector<16xf32>
      %swap3A_5447 = arith.constant 7 : i32
      %swap3A_5448 = arith.index_cast %swap3A_5447 : i32 to index
      %swap3A_5449 = arith.index_cast %mul3A_5440 : i32 to index
      %swap3A_5450 = tpu.vector_load %arg14[%swap3A_5448, %swap3A_5449] {strides = array<i32>} : memref<8x2048xf32, #tpu.memory_space<vmem>>, vector<1x16xf32>,
      %swap3A_5451 = vector.shape_cast %swap3A_5450 : vector<1x16xf32> to vector<16xf32>
      %swap3A_5452 = vector.shape_cast %get3A_5446 : vector<16xf32> to vector<1x16xf32>
      tpu.vector_store %arg14[%swap3A_5448, %swap3A_5449], %swap3A_5452 {strides = array<i32>} : memref<8x2048xf32, #tpu.memory_space<vmem>>, vector<1x16xf32>,
      %add3A_5453 = arith.constant 1 : i32
      %add3A_5454 = arith.addi %min3A_5436, %add3A_5453 : i32
      %mul3A_5455 = arith.constant 16 : i32
      %mul3A_5456 = arith.muli %add3A_5454, %mul3A_5455 : i32
      %sub3A_5457 = arith.constant 2040 : i32
      %sub3A_5458 = arith.subi %sub3A_5457, %add3A_4607 : i32
      %add3A_5459 = arith.addi %sub3A_5458, %mul3A_5456 : i32
      %get3A_5460 = arith.index_cast %add3A_5459 : i32 to index
      %get3A_5461 = tpu.vector_load %arg5[%get3A_5460] {strides = array<i32>} : memref<4096xf32, #tpu.memory_space<vmem>>, vector<16xf32>,
      %get3A_5462 = vector.shape_cast %get3A_5461 : vector<16xf32> to vector<16xf32>
      %swap3A_5463 = arith.constant 7 : i32
      %swap3A_5464 = arith.index_cast %swap3A_5463 : i32 to index
      %swap3A_5465 = arith.index_cast %mul3A_5456 : i32 to index
      %swap3A_5466 = tpu.vector_load %arg14[%swap3A_5464, %swap3A_5465] {strides = array<i32>} : memref<8x2048xf32, #tpu.memory_space<vmem>>, vector<1x16xf32>,
      %swap3A_5467 = vector.shape_cast %swap3A_5466 : vector<1x16xf32> to vector<16xf32>
      %swap3A_5468 = vector.shape_cast %get3A_5462 : vector<16xf32> to vector<1x16xf32>
      tpu.vector_store %arg14[%swap3A_5464, %swap3A_5465], %swap3A_5468 {strides = array<i32>} : memref<8x2048xf32, #tpu.memory_space<vmem>>, vector<1x16xf32>,
      %add3A_5469 = arith.constant 2 : i32
      %add3A_5470 = arith.addi %min3A_5436, %add3A_5469 : i32
      %mul3A_5471 = arith.constant 16 : i32
      %mul3A_5472 = arith.muli %add3A_5470, %mul3A_5471 : i32
      %sub3A_5473 = arith.constant 2040 : i32
      %sub3A_5474 = arith.subi %sub3A_5473, %add3A_4607 : i32
      %add3A_5475 = arith.addi %sub3A_5474, %mul3A_5472 : i32
      %get3A_5476 = arith.index_cast %add3A_5475 : i32 to index
      %get3A_5477 = tpu.vector_load %arg5[%get3A_5476] {strides = array<i32>} : memref<4096xf32, #tpu.memory_space<vmem>>, vector<16xf32>,
      %get3A_5478 = vector.shape_cast %get3A_5477 : vector<16xf32> to vector<16xf32>
      %swap3A_5479 = arith.constant 7 : i32
      %swap3A_5480 = arith.index_cast %swap3A_5479 : i32 to index
      %swap3A_5481 = arith.index_cast %mul3A_5472 : i32 to index
      %swap3A_5482 = tpu.vector_load %arg14[%swap3A_5480, %swap3A_5481] {strides = array<i32>} : memref<8x2048xf32, #tpu.memory_space<vmem>>, vector<1x16xf32>,
      %swap3A_5483 = vector.shape_cast %swap3A_5482 : vector<1x16xf32> to vector<16xf32>
      %swap3A_5484 = vector.shape_cast %get3A_5478 : vector<16xf32> to vector<1x16xf32>
      tpu.vector_store %arg14[%swap3A_5480, %swap3A_5481], %swap3A_5484 {strides = array<i32>} : memref<8x2048xf32, #tpu.memory_space<vmem>>, vector<1x16xf32>,
      %add3A_5485 = arith.constant 3 : i32
      %add3A_5486 = arith.addi %min3A_5436, %add3A_5485 : i32
      %mul3A_5487 = arith.constant 16 : i32
      %mul3A_5488 = arith.muli %add3A_5486, %mul3A_5487 : i32
      %sub3A_5489 = arith.constant 2040 : i32
      %sub3A_5490 = arith.subi %sub3A_5489, %add3A_4607 : i32
      %add3A_5491 = arith.addi %sub3A_5490, %mul3A_5488 : i32
      %get3A_5492 = arith.index_cast %add3A_5491 : i32 to index
      %get3A_5493 = tpu.vector_load %arg5[%get3A_5492] {strides = array<i32>} : memref<4096xf32, #tpu.memory_space<vmem>>, vector<16xf32>,
      %get3A_5494 = vector.shape_cast %get3A_5493 : vector<16xf32> to vector<16xf32>
      %swap3A_5495 = arith.constant 7 : i32
      %swap3A_5496 = arith.index_cast %swap3A_5495 : i32 to index
      %swap3A_5497 = arith.index_cast %mul3A_5488 : i32 to index
      %swap3A_5498 = tpu.vector_load %arg14[%swap3A_5496, %swap3A_5497] {strides = array<i32>} : memref<8x2048xf32, #tpu.memory_space<vmem>>, vector<1x16xf32>,
      %swap3A_5499 = vector.shape_cast %swap3A_5498 : vector<1x16xf32> to vector<16xf32>
      %swap3A_5500 = vector.shape_cast %get3A_5494 : vector<16xf32> to vector<1x16xf32>
      tpu.vector_store %arg14[%swap3A_5496, %swap3A_5497], %swap3A_5500 {strides = array<i32>} : memref<8x2048xf32, #tpu.memory_space<vmem>>, vector<1x16xf32>,
      %add3A_5501 = arith.constant 4 : i32
      %add3A_5502 = arith.addi %min3A_5436, %add3A_5501 : i32
      %mul3A_5503 = arith.constant 16 : i32
      %mul3A_5504 = arith.muli %add3A_5502, %mul3A_5503 : i32
      %sub3A_5505 = arith.constant 2040 : i32
      %sub3A_5506 = arith.subi %sub3A_5505, %add3A_4607 : i32
      %add3A_5507 = arith.addi %sub3A_5506, %mul3A_5504 : i32
      %get3A_5508 = arith.index_cast %add3A_5507 : i32 to index
      %get3A_5509 = tpu.vector_load %arg5[%get3A_5508] {strides = array<i32>} : memref<4096xf32, #tpu.memory_space<vmem>>, vector<16xf32>,
      %get3A_5510 = vector.shape_cast %get3A_5509 : vector<16xf32> to vector<16xf32>
      %swap3A_5511 = arith.constant 7 : i32
      %swap3A_5512 = arith.index_cast %swap3A_5511 : i32 to index
      %swap3A_5513 = arith.index_cast %mul3A_5504 : i32 to index
      %swap3A_5514 = tpu.vector_load %arg14[%swap3A_5512, %swap3A_5513] {strides = array<i32>} : memref<8x2048xf32, #tpu.memory_space<vmem>>, vector<1x16xf32>,
      %swap3A_5515 = vector.shape_cast %swap3A_5514 : vector<1x16xf32> to vector<16xf32>
      %swap3A_5516 = vector.shape_cast %get3A_5510 : vector<16xf32> to vector<1x16xf32>
      tpu.vector_store %arg14[%swap3A_5512, %swap3A_5513], %swap3A_5516 {strides = array<i32>} : memref<8x2048xf32, #tpu.memory_space<vmem>>, vector<1x16xf32>,
      %dma_start3A_5517 = arith.constant 0 : i32
      %dma_start3A_5518 = arith.constant 0 : i32
      %dma_start3A_5519 = arith.constant 0 : i32
      %dma_start3A_5520 = tpu.memref_slice %arg14[%dma_start3A_5518, %dma_start3A_5519] : memref<8x2048xf32, #tpu.memory_space<vmem>> -> memref<8x2048xf32, #tpu.memory_space<vmem>>
      %dma_start3A_5521 = arith.constant 0 : i32
      %dma_start3A_5522 = tpu.memref_slice %arg3[%dma_start3A_5517, %select_n3A, %add3A_4607, %dma_start3A_5521] : memref<1x16x2048x2048xf32, #tpu.memory_space<hbm>> -> memref<1x1x8x2048xf32, #tpu.memory_space<hbm>>
      %dma_start3A_5523 = tpu.memref_squeeze %dma_start3A_5522 : memref<1x1x8x2048xf32, #tpu.memory_space<hbm>> -> memref<8x2048xf32, #tpu.memory_space<hbm>>
      %dma_start3A_5524 = arith.constant 0 : i32
      %dma_start3A_5525 = tpu.memref_slice %arg3[%dma_start3A_5517, %select_n3A, %add3A_4607, %dma_start3A_5524] : memref<1x16x2048x2048xf32, #tpu.memory_space<hbm>> -> memref<1x1x8x2048xf32, #tpu.memory_space<hbm>>
      %dma_start3A_5526 = tpu.memref_squeeze %dma_start3A_5525 : memref<1x1x8x2048xf32, #tpu.memory_space<hbm>> -> memref<8x2048xf32, #tpu.memory_space<hbm>>
      %dma_start3A_5527 = arith.constant 0 : i32
      %dma_start3A_5528 = arith.constant 0 : i32
      %dma_start3A_5529 = tpu.memref_slice %arg14[%dma_start3A_5527, %dma_start3A_5528] : memref<8x2048xf32, #tpu.memory_space<vmem>> -> memref<8x2048xf32, #tpu.memory_space<vmem>>
      tpu.enqueue_dma source(%dma_start3A_5529 : memref<8x2048xf32, #tpu.memory_space<vmem>>) target(%dma_start3A_5526 : memref<8x2048xf32, #tpu.memory_space<hbm>>) target_semaphore(%arg16 : memref<!tpu.dma_semaphore, #tpu.memory_space<semaphore_mem>>)
    }
    %scan3A_3645 = arith.constant 63 : i32
    %dma_wait3A = arith.constant 0 : i32
    %dma_wait3A_3646 = arith.constant 0 : i32
    %dma_wait3A_3647 = arith.constant 0 : i32
    %dma_wait3A_3648 = tpu.memref_slice %arg13[%dma_wait3A_3646, %dma_wait3A_3647] : memref<8x2048xf32, #tpu.memory_space<vmem>> -> memref<8x2048xf32, #tpu.memory_space<vmem>>
    %dma_wait3A_3649 = arith.constant 0 : i32
    %dma_wait3A_3650 = tpu.memref_slice %arg3[%dma_wait3A, %select_n3A, %mul3A_32, %dma_wait3A_3649] : memref<1x16x2048x2048xf32, #tpu.memory_space<hbm>> -> memref<1x1x8x2048xf32, #tpu.memory_space<hbm>>
    %dma_wait3A_3651 = tpu.memref_squeeze %dma_wait3A_3650 : memref<1x1x8x2048xf32, #tpu.memory_space<hbm>> -> memref<8x2048xf32, #tpu.memory_space<hbm>>
    %dma_wait3A_3652 = arith.constant 0 : i32
    %dma_wait3A_3653 = tpu.memref_slice %arg3[%dma_wait3A, %select_n3A, %mul3A_32, %dma_wait3A_3652] : memref<1x16x2048x2048xf32, #tpu.memory_space<hbm>> -> memref<1x1x8x2048xf32, #tpu.memory_space<hbm>>
    %dma_wait3A_3654 = tpu.memref_squeeze %dma_wait3A_3653 : memref<1x1x8x2048xf32, #tpu.memory_space<hbm>> -> memref<8x2048xf32, #tpu.memory_space<hbm>>
    %dma_wait3A_3655 = arith.constant 0 : i32
    %dma_wait3A_3656 = arith.constant 0 : i32
    %dma_wait3A_3657 = tpu.memref_slice %arg13[%dma_wait3A_3655, %dma_wait3A_3656] : memref<8x2048xf32, #tpu.memory_space<vmem>> -> memref<8x2048xf32, #tpu.memory_space<vmem>>
    tpu.wait_dma2 semaphore(%arg15 : memref<!tpu.dma_semaphore, #tpu.memory_space<semaphore_mem>>) src(%dma_wait3A_3657 : memref<8x2048xf32, #tpu.memory_space<vmem>>) dst(%dma_wait3A_3654 : memref<8x2048xf32, #tpu.memory_space<hbm>>)
    %dma_wait3A_3658 = arith.constant 0 : i32
    %dma_wait3A_3659 = arith.constant 0 : i32
    %dma_wait3A_3660 = arith.constant 0 : i32
    %dma_wait3A_3661 = tpu.memref_slice %arg14[%dma_wait3A_3659, %dma_wait3A_3660] : memref<8x2048xf32, #tpu.memory_space<vmem>> -> memref<8x2048xf32, #tpu.memory_space<vmem>>
    %dma_wait3A_3662 = arith.constant 0 : i32
    %dma_wait3A_3663 = tpu.memref_slice %arg3[%dma_wait3A_3658, %select_n3A, %mul3A_32, %dma_wait3A_3662] : memref<1x16x2048x2048xf32, #tpu.memory_space<hbm>> -> memref<1x1x8x2048xf32, #tpu.memory_space<hbm>>
    %dma_wait3A_3664 = tpu.memref_squeeze %dma_wait3A_3663 : memref<1x1x8x2048xf32, #tpu.memory_space<hbm>> -> memref<8x2048xf32, #tpu.memory_space<hbm>>
    %dma_wait3A_3665 = arith.constant 0 : i32
    %dma_wait3A_3666 = tpu.memref_slice %arg3[%dma_wait3A_3658, %select_n3A, %mul3A_32, %dma_wait3A_3665] : memref<1x16x2048x2048xf32, #tpu.memory_space<hbm>> -> memref<1x1x8x2048xf32, #tpu.memory_space<hbm>>
    %dma_wait3A_3667 = tpu.memref_squeeze %dma_wait3A_3666 : memref<1x1x8x2048xf32, #tpu.memory_space<hbm>> -> memref<8x2048xf32, #tpu.memory_space<hbm>>
    %dma_wait3A_3668 = arith.constant 0 : i32
    %dma_wait3A_3669 = arith.constant 0 : i32
    %dma_wait3A_3670 = tpu.memref_slice %arg14[%dma_wait3A_3668, %dma_wait3A_3669] : memref<8x2048xf32, #tpu.memory_space<vmem>> -> memref<8x2048xf32, #tpu.memory_space<vmem>>
    tpu.wait_dma2 semaphore(%arg16 : memref<!tpu.dma_semaphore, #tpu.memory_space<semaphore_mem>>) src(%dma_wait3A_3670 : memref<8x2048xf32, #tpu.memory_space<vmem>>) dst(%dma_wait3A_3667 : memref<8x2048xf32, #tpu.memory_space<hbm>>)
    return
  }
}

</mosaic_0001>

<sc_bundles>
// kernel: _rpb.3.cloned.1.call-start
scs
__scs_entry_jumppad:
0x0: {  	(pc) =	sbr.rel $0x88, $3  }
0x1: {  	(tag) =	ssettag $0x0;
	lr =	simm.s32 $0x1  }
0x2: {  	[smem:$0x3FA0] =	sst lr;
	_ =	strace $0xD0000000  }
0x3: {  	_ = 	snop  }
0x4: {  	_ = 	snop  }
0x5: {  	_ = 	snop  }
0x6: {  	_ = 	snop  }
0x7: {  	_ = 	snop  }
__scs_overlays_trampoline_lowered:
0x8: {  	[smem:$0x3FAF] =	sst s0  }
0x9: {  	[smem:$0x3FB0] =	sst s1  }
0xa: {  	[smem:$0x3FB1] =	sst s2  }
0xb: {  	[smem:$0x3FB2] =	sst s3  }
0xc: {  	[smem:$0x3FB3] =	sst s4  }
0xd: {  	[smem:$0x3FB4] =	sst s5  }
0xe: {  	[smem:$0x3FB5] =	sst s6  }
0xf: {  	[smem:$0x3FB6] =	sst s7  }
0x10: {  	[smem:$0x3FB7] =	sst s8  }
0x11: {  	[smem:$0x3FB8] =	sst s9;
	s0 =	simm.s32 @!p0 $0x0  }
0x12: {  	s1 =	sld [smem:$0x3F9E];
	s0 =	simm.s32 @p0 $0x1  }
0x13: {  	[smem:$0x3FB9] =	sst s0;
	s0 =	simm.s32 @!p1 $0x0  }
0x14: {  	s2 =	sld [smem:$0x3F9D];
	s0 =	simm.s32 @p1 $0x1  }
0x15: {  	[smem:$0x3FBA] =	sst s0;
	s0 =	simm.s32 @!p2 $0x0  }
0x16: {  	s3 =	sld [smem:$0x3FDB];
	s0 =	simm.s32 @p2 $0x1  }
0x17: {  	s4 =	simm.s32 $0x1BF5;
	[smem:$0x3FBC] =	sst s0  }
0x18: {  	s0 =	sld [smem:$0x3F9F];
	_ =	swait.ge [sflag:s4], $0x0  }
0x19: {  	s7 =	sld [smem:$0x3FA0]  }
0x1a: {  	s8 =	sadd.s32 $0xFFFFE003, lr  }
0x1b: {  	s9 =	sadd.s32 $0xFFFFFEF7, lr;
	s5 =	simm.s32 $0xFFFFFFFF;
	p2 =	slt.u32 s8, $0xFFFFF086  }
0x1c: {  	p1 =	slt.u32 s9, $0xF7A;
	s5 =	simm.s32 @!p2 $0x0  }
0x1d: {  	s5 =	simm.s32 @p1 $0x1;
	p0 =	seq.s32 s7, s2  }
0x1e: {  	s7 =	smul.u32 @!p0 $0xF7A, s2;
	p2 =	seq.s32 @!p0 s5, $0x0  }
0x1f: {  	s9 =	smul.u32 $0xF7A, s1;
	s8 =	simm.s32 @!p0 $0x1BF5;
	p2 =	por !p2, p0  }
0x20: {  	[sflag:s8] =	ssyncset.s32 @!p0 $0xFFFFF086;
	s6 =	sadd.s32 @!p0 s3, s7;
	s7 =	simm.s32 @!p0 $0x108  }
0x21: {  	s3 =	sadd.s32 s3, s9;
	s6 =	sadd.s32 @!p0 $0x88, s6;
	s7 =	simm.s32 @p2 $0x1082  }
0x22: {  	[simem:s7], [sflag:s8] =	dma.local @!p0 [hbm:s6], $0xF7A  }
0x23: {  	s9 =	sor.u32 $0xD0000000, s2;
	s6 =	simm.s32 $0x108;
	_ =	swait.ge @!p0 [sflag:s8], $0x0  }
0x24: {  	s3 =	sadd.s32 $0x88, s3;
	s6 =	simm.s32 @!p1 $0x1082;
	[sflag:s4] =	ssyncset.s32 $0xFFFFF086  }
0x25: {  	[simem:s6], [sflag:s4] =	dma.local [hbm:s3], $0xF7A  }
0x26: {  	[smem:$0x3FA0] =	sst s1;
	(tag) =	ssettag s2;
	_ =	strace s9  }
0x27: {  	s1 =	sld [smem:$0x3FB0]  }
0x28: {  	s2 =	sld [smem:$0x3FB1]  }
0x29: {  	s4 =	sld [smem:$0x3FB3]  }
0x2a: {  	p0 =	seq.s32 s5, $0x0;
	s5 =	sld [smem:$0x3FB4]  }
0x2b: {  	s6 =	sld [smem:$0x3FB5]  }
0x2c: {  	s7 =	sld [smem:$0x3FB6]  }
0x2d: {  	s3 =	simm.s32 $0x108;
	s8 =	sld [smem:$0x3FB7]  }
0x2e: {  	s3 =	simm.s32 @!p0 $0x1082;
	s9 =	sld [smem:$0x3FB8]  }
0x2f: {  	lr =	sadd.s32 s0, s3;
	s0 =	sld [smem:$0x3FAF]  }
0x30: {  	s3 =	sld [smem:$0x3FB2]  }
0x31: {  	[smem:$0x3FBB] =	sst s10  }
0x32: {  	s10 =	sld [smem:$0x3FB9];
	_ =	sdelay $0x3  }
0x33: {  	p0 =	seq.s32 s10, $0x1;
	s10 =	sld [smem:$0x3FBB];
	_ =	sdelay $0x3  }
0x34: {  	[smem:$0x3FBB] =	sst s10  }
0x35: {  	s10 =	sld [smem:$0x3FBA];
	_ =	sdelay $0x3  }
0x36: {  	p1 =	seq.s32 s10, $0x1;
	s10 =	sld [smem:$0x3FBB];
	_ =	sdelay $0x3  }
0x37: {  	[smem:$0x3FBB] =	sst s10  }
0x38: {  	s10 =	sld [smem:$0x3FBC]  }
0x39: {  	_ = 	snop;
	(pc) =	sbr.ind lr, $3  }
0x3a: {  	_ = 	snop  }
0x3b: {  	_ = 	snop  }
0x3c: {  	p2 =	seq.s32 s10, $0x1;
	s10 =	sld [smem:$0x3FBB]  }
0x3d: {  	_ =	shalt  }
0x3e: {  	_ =	shalt  }
0x3f: {  	_ =	shalt  }
0x40: {  	_ =	shalt  }
0x41: {  	_ =	shalt  }
0x42: {  	_ =	shalt  }
0x43: {  	_ =	shalt  }
0x44: {  	_ =	shalt  }
0x45: {  	_ =	shalt  }
0x46: {  	_ =	shalt  }
0x47: {  	_ =	shalt  }
0x48: {  	_ =	shalt  }
0x49: {  	_ =	shalt  }
0x4a: {  	_ =	shalt  }
0x4b: {  	_ =	shalt  }
0x4c: {  	_ =	shalt  }
0x4d: {  	_ =	shalt  }
0x4e: {  	_ =	shalt  }
0x4f: {  	_ =	shalt  }
0x50: {  	_ =	shalt  }
0x51: {  	_ =	shalt  }
0x52: {  	_ =	shalt  }
0x53: {  	_ =	shalt  }
0x54: {  	_ =	shalt  }
0x55: {  	_ =	shalt  }
0x56: {  	_ =	shalt  }
0x57: {  	_ =	shalt  }
0x58: {  	_ =	shalt  }
0x59: {  	_ =	shalt  }
0x5a: {  	_ =	shalt  }
0x5b: {  	_ =	shalt  }
0x5c: {  	_ =	shalt  }
0x5d: {  	_ =	shalt  }
0x5e: {  	_ =	shalt  }
0x5f: {  	_ =	shalt  }
0x60: {  	_ =	shalt  }
0x61: {  	_ =	shalt  }
0x62: {  	_ =	shalt  }
0x63: {  	_ =	shalt  }
0x64: {  	_ =	shalt  }
0x65: {  	_ =	shalt  }
0x66: {  	_ =	shalt  }
0x67: {  	_ =	shalt  }
0x68: {  	_ =	shalt  }
0x69: {  	_ =	shalt  }
0x6a: {  	_ =	shalt  }
0x6b: {  	_ =	shalt  }
0x6c: {  	_ =	shalt  }
0x6d: {  	_ =	shalt  }
0x6e: {  	_ =	shalt  }
0x6f: {  	_ =	shalt  }
0x70: {  	_ =	shalt  }
0x71: {  	_ =	shalt  }
0x72: {  	_ =	shalt  }
0x73: {  	_ =	shalt  }
0x74: {  	_ =	shalt  }
0x75: {  	_ =	shalt  }
0x76: {  	_ =	shalt  }
0x77: {  	_ =	shalt  }
0x78: {  	_ =	shalt  }
0x79: {  	_ =	shalt  }
0x7a: {  	_ =	shalt  }
0x7b: {  	_ =	shalt  }
0x7c: {  	_ =	shalt  }
0x7d: {  	_ =	shalt  }
0x7e: {  	_ =	shalt  }
0x7f: {  	_ =	shalt  }
0x80: {  	_ =	shalt  }
0x81: {  	_ =	shalt  }
0x82: {  	_ =	shalt  }
0x83: {  	_ =	shalt  }
0x84: {  	_ =	shalt  }
0x85: {  	_ =	shalt  }
0x86: {  	_ =	shalt  }
0x87: {  	_ =	shalt  }
.Lfunc_end0:
.L_simem_size_0:
called_computation_lowered:
.L_overlay_start_0:
0x88: {  	s2 =	sld [smem:$0x3FD9]  }
0x89: {  	s3 =	sld [smem:$0x3FFE];
	_ =	sdelay $0x1  }
0x8a: {  	s1 =	srdreg.scid  }
0x8b: {  	s0 =	sand.u32 $0x1, s1  }
0x8c: {  	s17 =	sshll.u32 s0, $0xA;
	s2 =	sadd.s32 s3, s2  }
0x8d: {  	s2 =	sadd.s32 s2, s17  }
0x8e: {  	[smem:$0x3FC7] =	sst s2  }
0x8f: {  	_ = 	snop  }
0x90: {  	s2 =	sld [smem:$0x3FD0];
	(tm) =	ssettm $0x1  }
0x91: {  	s18 =	sld [smem:$0x3FFB];
	_ =	sdelay $0x3  }
0x92: {  	_ =	strace s18  }
0x93: {  	s3 =	sld [smem:$0x3FFC];
	_ =	sdelay $0x3  }
0x94: {  	_ =	strace s3  }
0x95: {  	s3 =	sld [smem:$0x3FFD];
	_ =	sdelay $0x3  }
0x96: {  	_ =	strace s3  }
0x97: {  	_ =	strace $0x8FFFFFFF  }
0x98: {  	s19 =	sld [smem:$0x3FDB];
	_ =	sdelay $0x1  }
0x99: {  	s4 =	simm.s32 $_scs_section_size  }
0x9a: {  	s5 =	simm.s32 $_size__tile_overlayer_lowered;
	s6 =	simm.s32 $_tile_overlayer_lowered  }
0x9b: {  	s22 =	simm.s32 $0x1BFF;
	s21 =	sshll.u32 s6, $0x1;
	s3 =	sadd.s32 s4, s19  }
0x9c: {  	s7 =	simm.s32 $0x0;
	s20 =	sshll.u32 s5, $0x1;
	s5 =	sadd.s32 s21, s3  }
0x9d: {  	[timem:s7], [sflag:s22] =	dma.local [hbm:s5], s20  }
0x9e: {  	_ =	swait.ge [sflag:s22], s20  }
0x9f: {  	s4 =	ssub.s32 $0x0, s20;
	[sflag:s22] =	ssyncset.done $0x0  }
0xa0: {  	[sflag:s22] =	ssyncadd.s32 s4;
	_ =	sdelay $0x1  }
0xa1: {  	s23 =	simm.s32 $0x1B8B  }
0xa2: {  	_ =	swait.ge [sflag:s23], $0x1  }
0xa3: {  	[sflag:s23] =	ssyncset.done $0x0  }
0xa4: {  	s25 =	simm.s32 $0x1B8E;
	s24 =	sld [smem:$0x3FFE];
	[sflag:s23] =	ssyncadd.s32 $0xFFFFFFFF  }
0xa5: {  	s26 =	simm.s32 $execute0_lowered;
	[smem:$0x3FD2] =	sst s25  }
0xa6: {  	s5 =	sshll.u32 s26, $0x1;
	_ =	strace $0x80000046;
	[dreg:$0x1] =	wrdreg $0xFFFFFFFF  }
0xa7: {  	s28 =	simm.s32 $_size_execute0_lowered;
	s3 =	sadd.s32 s3, s5;
	[dreg:$0x0] =	wrdreg $0x0  }
0xa8: {  	s5 =	sshll.u32 s28, $0x1;
	[dreg:$0x2] =	wrdreg s3  }
0xa9: {  	[dreg:$0x3] =	wrdreg s5  }
0xaa: {  	[dreg:$0x4] =	wrdreg $0xC0  }
0xab: {  	_ =	task [dreg:s7], $0x5FFFF  }
0xac: {  	[dreg:$0x1] =	wrdreg $0xFFFFFFFF  }
0xad: {  	[dreg:$0x0] =	wrdreg $0x60  }
0xae: {  	[dreg:$0x2] =	wrdreg s24  }
0xaf: {  	[dreg:$0x3] =	wrdreg s2  }
0xb0: {  	[dreg:$0x4] =	wrdreg $0x9  }
0xb1: {  	_ =	task.clear_ibuf [dreg:s7], $0x5FFFF;
	_ =	strace $0x90000046  }
0xb2: {  	s29 =	simm.s32 $0x9;
	_ =	strace $0x80000048  }
0xb3: {  	_ =	swait.ge [sflag:s29], $0x1  }
0xb4: {  	[sflag:s29] =	ssyncadd.s32 $0xFFFFFFFF  }
0xb5: {  	_ =	strace $0x90000048  }
0xb6: {  	_ =	sfence  }
0xb7: {  	s30 =	sld [smem:$0x0];
	_ =	sdelay $0x2  }
0xb8: {  	s31 =	sshll.u32 s1, $0xD;
	s1 =	sshrl.u32 s1, $0x2  }
0xb9: {  	s3 =	sand.u32 $0x4000, s31;
	s1 =	sadd.s32 s1, s30  }
0xba: {  	s0 =	sor.u32 s3, s0;
	s1 =	sshll.u32 s1, $0x11  }
0xbb: {  	s0 =	sor.u32 s1, s0  }
0xbc: {  	s0 =	sadd.s32 $0x8F2B, s0  }
0xbd: {  	[sflag:s0] =	ssyncadd.remote.s32 $0x1  }
0xbe: {  	_ =	sfence.sel $0xFFFF  }
0xbf: {  	[dreg:$0x0] =	wrdreg $0xFFFFFFFF;
	(pc) =	sbr.abs _section_cstart, $3  }
0xc0: {  	[dreg:$0x1] =	wrdreg $0xFFFFFFFF  }
0xc1: {  	_ =	task.clear_ibuf [dreg:s7], $0x2FFFF;
	_ =	strace $0x9FFFFFFF  }
0xc2: {  	(tm) =	ssettm $0x7FFFFFFF  }
0xc3: {  	_ =	shalt  }
tec
execute0_lowered:
.L_overlay_start_1:
0x0: {  	(tag) =	ssettag $0x1  }
0x1: {  	s1 =	srdreg.scid;
	s5 =	rddreg [dreg:$0x0]  }
0x2: {  	s0 =	stileid.u32;
	s18 =	rddreg [dreg:$0x1];
	s2 =	simm.s32 $0x0  }
0x3: {  	s3 =	simm.s32 $0x1;
	s4 =	sand.u32 $0x1, s1;
	[smem:$0x7FF] =	sst s2  }
0x4: {  	s1 =	sor.u32 s4, s0;
	p1 =	seq.s32 s4, $0x1;
	_ =	strace $0x80000047  }
0x5: {  	s8 =	sshll.u32 s4, $0xC;
	s31 =	ssub.s32 $0x2, s4;
	s10 =	sshll.u32 s4, $0x15  }
0x6: {  	s25 =	sshll.u32 s4, $0xA;
	p0 =	seq.s32 s1, $0x0;
	s9 =	sshrl.u32 s8, $0x2  }
0x7: {  	s12 =	sshrl.u32 s31, $0x1;
	s8 =	ssub.s32 $0x0, s8;
	p0 =	por !p0, !p1  }
0x8: {  	s11 =	sxor.u32 $0x7F8, s9;
	s9 =	sxor.u32 $0x7F0, s9;
	s29 =	sshra.s32 s8, $0x2  }
0x9: {  	vm0 =	vmmov $0x7fff;
	v0 =	vimm.s32 $0x0;
	s8 =	sadd.s32 $0xFFFFFFE0, s25;
	p0 =	por !p0, !p0;
	s1 =	sadd.s32 $0x6280, s11  }
0xa: {  	v16 =	vimm.s32 $0x0;
	v0 =	vsel vm0, $0xFFFFFFFF, v0;
	s13 =	sadd.s32 $0x5280, s11;
	s14 =	sadd.s32 $0x4280, s11;
	s15 =	sadd.s32 $0x3280, s11  }
0xb: {  	vm5 =	vcmask $0x3F3C;
	vm0 =	vmmov $0x3fff;
	[tilespmem:$0x1FF90] =	vst v0;
	v0 =	vimm.s32 $0x0;
	s17 =	sadd.s32 $0x2280, s11;
	s19 =	sadd.s32 $0x5280, s9;
	s20 =	sadd.s32 $0x4280, s9  }
0xc: {  	vm7 =	vcmask $0x3F38;
	v0 =	vsel vm0, $0xFFFFFFFF, v0;
	vm0 =	vmmov $0x1fff;
	s21 =	sadd.s32 $0x3280, s9;
	s22 =	sadd.s32 $0x2280, s9;
	s23 =	sadd.s32 $0x1280, s9  }
0xd: {  	[tilespmem:$0x1FFA0] =	vst v0;
	v0 =	vimm.s32 $0x0;
	s3 =	simm.s32 @!p0 $0x0;
	v2 =	vmov s13;
	s13 =	sadd.s32 $0x7280, s9;
	v5 =	vmov s17;
	s17 =	sadd.s32 $0x6280, s9  }
0xe: {  	v0 =	vsel vm0, $0xFFFFFFFF, v0;
	v3 =	vmov s14;
	v4 =	vmov s15;
	s9 =	sadd.s32 $0x280, s9;
	s14 =	sadd.s32 $0x2280, s29;
	s15 =	sadd.s32 $0x1280, s29  }
0xf: {  	v12 =	vmov s21;
	v13 =	vmov s22;
	v14 =	vmov s23;
	s21 =	simm.s32 $0xC280;
	s22 =	simm.s32 $0x2;
	s23 =	simm.s32 $0x0  }
0x10: {  	vm8 =	vcmask $0x3F34;
	vm0 =	vmmov $0xfff;
	[tilespmem:$0x1FFB0] =	vst v0;
	v0 =	vimm.s32 $0x0;
	s6 =	ssub.s32 s0, s3;
	s3 =	simm.s32 $0x1;
	s0 =	sadd.s32 $0x7280, s11  }
0x11: {  	vm11 =	vcmask $0x3F30;
	v0 =	vsel vm0, $0xFFFFFFFF, v0;
	v15 =	vmov s9;
	s9 =	sadd.s32 $0x7280, s29;
	s7 =	smul.u32 $0x210, s6;
	s6 =	sshll.u32 s6, $0x16  }
0x12: {  	vm0 =	vmmov $0x7ff;
	v8 =	vmov s13;
	s13 =	sadd.s32 $0x3280, s29;
	[tilespmem:$0x1FFC0] =	vst v0;
	v0 =	vimm.s32 $0x0;
	s16 =	sor.u32 s10, s6;
	s10 =	sadd.s32 $0x1280, s11  }
0x13: {  	v10 =	vmov s19;
	v0 =	vsel vm0, $0xFFFFFFFF, v0;
	vm0 =	vmmov $0x3ff;
	s11 =	sadd.s32 $0x280, s11;
	s7 =	sshrl.u32 s7, $0x3;
	s24 =	sshrl.u32 s16, $0x3  }
0x14: {  	[tilespmem:$0x1FFD0] =	vst v0;
	v0 =	vimm.s32 $0x0;
	v6 =	vmov s10;
	v7 =	vmov s11;
	s10 =	sadd.s32 $0x6280, s29;
	s11 =	sadd.s32 $0x5280, s29;
	s19 =	sor.u32 $0xC000, s16  }
0x15: {  	vm12 =	vcmask $0x3F2C;
	v11 =	vmov s20;
	s20 =	sor.u32 $0x8000, s16;
	s16 =	sor.u32 $0x280, s29;
	s5 =	sadd.s32 s7, s5;
	v0 =	vsel vm0, $0xFFFFFFFF, v0  }
0x16: {  	vm13 =	vcmask $0x3F28;
	vm14 =	vcmask $0x3F24;
	s7 =	ssub.s32 s31, s12;
	s4 =	sadd.s32 s18, s24;
	s12 =	sadd.s32 $0x4280, s29;
	[tilespmem:$0x1FFE0] =	vst v0;
	v0 =	vmov s0  }
0x17: {  	vm2 =	vcmask $0x3F20;
	vm4 =	vcmask $0x3F1C;
	vm1 =	vcmask $0x3F14;
	s19 =	sshrl.u32 s19, $0x3;
	s31 =	sshrl.u32 s20, $0x3;
	s26 =	sadd.s32 $0x400, s5  }
0x18: {  	vm3 =	vcmask $0x3F10;
	vm6 =	vcmask $0x3F0C;
	vm0 =	vmmov $0x1ff;
	s20 =	simm.s32 $0x8280;
	s28 =	sadd.s32 $0x800, s4;
	[dreg:$0x3] =	wrdreg s26  }
0x19: {  	vm10 =	vcmask $0x3F08;
	v9 =	vmov s17;
	s30 =	smax.u32 s7, $0x1;
	v16 =	vsel vm0, $0xFFFFFFFF, v16;
	s17 =	sadd.s32 s19, s18;
	[dreg:$0x4] =	wrdreg s28  }
0x1a: {  	vm15 =	vmmov $0x1;
	v1 =	vmov s1;
	s18 =	sadd.s32 s31, s18;
	s19 =	simm.s32 $0x3;
	vm0 =	vcmask $0x3F18;
	[dreg:$0x5] =	wrdreg s30;
	[tilespmem:$0x1FFF0] =	vst v16  }
.LBB2_1:
0x1b: {  	s0 =	rddreg [dreg:$0x3]  }
0x1c: {  	[tilespmem:s2], [sflag:$0x3] =	stream.linear.gather [hbm4b:s0+s2], $0x210, $0x38;
	[tilespmem:$0x10280] =	vst v63  }
0x1d: {  	_ =	swait.ge [sflag:s19], $0x210  }
0x1e: {  	[sflag:s19] =	ssyncset.done $0x0  }
0x1f: {  	[sflag:s19] =	ssyncadd.s32 $0xFFFFFDF0  }
0x20: {  	v25 =	vld [tilespmem:$0x0]  }
0x21: {  	v26 =	vld [tilespmem:$0x10]  }
0x22: {  	v24 =	vld [tilespmem:$0x20]  }
0x23: {  	v23 =	vld [tilespmem:$0x30]  }
0x24: {  	v21 =	vld [tilespmem:$0x40]  }
0x25: {  	v20 =	vld [tilespmem:$0x50]  }
0x26: {  	v18 =	vld [tilespmem:$0x60]  }
0x27: {  	v16 =	vld [tilespmem:$0x70]  }
0x28: {  	v17 =	vld [tilespmem:$0x80]  }
0x29: {  	v19 =	vld [tilespmem:$0x90]  }
0x2a: {  	v22 =	vld [tilespmem:$0xA0]  }
0x2b: {  	v27 =	vld [tilespmem:$0xB0]  }
0x2c: {  	v28 =	vld [tilespmem:$0xC0]  }
0x2d: {  	v29 =	vld [tilespmem:$0xD0]  }
0x2e: {  	v30 =	vld [tilespmem:$0xE0]  }
0x2f: {  	v31 =	vld [tilespmem:$0xF0]  }
0x30: {  	v48 =	vld [tilespmem:$0x100]  }
0x31: {  	v47 =	vld [tilespmem:$0x110]  }
0x32: {  	v44 =	vld [tilespmem:$0x120]  }
0x33: {  	v42 =	vld [tilespmem:$0x130]  }
0x34: {  	v40 =	vld [tilespmem:$0x140]  }
0x35: {  	v38 =	vld [tilespmem:$0x150]  }
0x36: {  	v36 =	vld [tilespmem:$0x160]  }
0x37: {  	v35 =	vld [tilespmem:$0x170]  }
0x38: {  	v33 =	vld [tilespmem:$0x180]  }
0x39: {  	v46 =	vld [tilespmem:$0x190]  }
0x3a: {  	v45 =	vld [tilespmem:$0x1A0]  }
0x3b: {  	v43 =	vld [tilespmem:$0x1B0]  }
0x3c: {  	v32 =	vld [tilespmem:$0x200]  }
0x3d: {  	v41 =	vld [tilespmem:$0x1C0]  }
0x3e: {  	v39 =	vld [tilespmem:$0x1D0]  }
0x3f: {  	v37 =	vld [tilespmem:$0x1E0]  }
0x40: {  	s24 =	simm.s32 $0x0;
	s25 =	simm.s32 $0x40;
	v34 =	vld [tilespmem:$0x1F0]  }
.LBB2_2:
0x41: {  	p0 =	sne.s32 s25, $0x1F00;
	[tilespmem:s24+$0x7280] =	vst v32  }
0x42: {  	[tilespmem:s24+$0x280] =	vst v32  }
0x43: {  	[tilespmem:s24+$0x1280] =	vst v32  }
.Ltmp0:
0x44: {  	[tilespmem:s24+$0x2280] =	vst v32;
	(pc) =	sbr.rel @p0 .LBB2_2-.Ltmp0, $4  }
0x45: {  	[tilespmem:s24+$0x3280] =	vst v32  }
0x46: {  	[tilespmem:s24+$0x4280] =	vst v32  }
0x47: {  	[tilespmem:s24+$0x5280] =	vst v32  }
0x48: {  	[tilespmem:s24+$0x6280] =	vst v32;
	s24 =	sshra.s32 s25, $0x2;
	s25 =	sadd.s32 $0x40, s25  }
0x49: {  	[tilespmem:s24+$0x7280] =	vst v32  }
0x4a: {  	[tilespmem:s24+$0x280] =	vst v32  }
0x4b: {  	[tilespmem:s24+$0x1280] =	vst v32  }
0x4c: {  	[tilespmem:s24+$0x2280] =	vst v32  }
0x4d: {  	[tilespmem:s24+$0x3280] =	vst v32  }
0x4e: {  	[tilespmem:s24+$0x4280] =	vst v32  }
0x4f: {  	[tilespmem:s24+$0x5280] =	vst v32  }
0x50: {  	[tilespmem:s24+$0x6280] =	vst v32;
	s24 =	simm.s32 $0x800;
	s25 =	simm.s32 $0x2040  }
.LBB2_4:
0x51: {  	p0 =	sne.s32 s25, $0x3FC0;
	[tilespmem:s24+$0x7280] =	vst v25  }
0x52: {  	[tilespmem:s24+$0x280] =	vst v25  }
0x53: {  	[tilespmem:s24+$0x1280] =	vst v25  }
.Ltmp1:
0x54: {  	[tilespmem:s24+$0x2280] =	vst v25;
	(pc) =	sbr.rel @p0 .LBB2_4-.Ltmp1, $4  }
0x55: {  	[tilespmem:s24+$0x3280] =	vst v25  }
0x56: {  	[tilespmem:s24+$0x4280] =	vst v25  }
0x57: {  	[tilespmem:s24+$0x5280] =	vst v25  }
0x58: {  	[tilespmem:s24+$0x6280] =	vst v25;
	s24 =	sshra.s32 s25, $0x2;
	s25 =	sadd.s32 $0x40, s25  }
0x59: {  	v49 =	vsel vm5, v48, v47;
	v50 =	vsel vm5, v28, v29  }
0x5a: {  	v51 =	vsel vm5, v30, v31;
	v52 =	vsel vm5, v29, v30;
	v53 =	vsel vm5, v19, v22  }
0x5b: {  	v54 =	vsel vm5, v27, v28;
	v55 =	vsel vm5, v22, v27;
	v58 =	vsel vm5, v31, v48  }
0x5c: {  	v49 =	vsel vm7, v49, v44;
	v50 =	vsel vm7, v50, v30;
	v51 =	vsel vm7, v51, v48  }
0x5d: {  	v52 =	vsel vm7, v52, v31;
	v53 =	vsel vm7, v53, v27;
	v54 =	vsel vm7, v54, v29  }
0x5e: {  	v55 =	vsel vm7, v55, v28;
	v49 =	vsel vm8, v49, v42;
	v50 =	vsel vm8, v50, v31  }
0x5f: {  	v52 =	vsel vm8, v52, v48;
	v53 =	vsel vm8, v53, v28;
	v54 =	vsel vm8, v54, v30  }
0x60: {  	v55 =	vsel vm8, v55, v29;
	v51 =	vsel vm8, v51, v47;
	v49 =	vsel vm11, v49, v40  }
0x61: {  	v50 =	vsel vm11, v50, v48;
	v53 =	vsel vm11, v53, v29;
	v54 =	vsel vm11, v54, v31  }
0x62: {  	v55 =	vsel vm11, v55, v30;
	v52 =	vsel vm11, v52, v47;
	v61 =	vsel vm11, v51, v44  }
0x63: {  	v49 =	vsel vm12, v49, v38;
	v53 =	vsel vm12, v53, v30;
	v54 =	vsel vm12, v54, v48  }
0x64: {  	v55 =	vsel vm12, v55, v31;
	v50 =	vsel vm12, v50, v47;
	v62 =	vsel vm12, v52, v44  }
0x65: {  	v49 =	vsel vm13, v49, v36;
	v53 =	vsel vm13, v53, v31;
	v55 =	vsel vm13, v55, v48  }
0x66: {  	v54 =	vsel vm13, v54, v47;
	v51 =	vsel vm13, v62, v42;
	v57 =	vsel vm13, v50, v44  }
0x67: {  	v53 =	vsel vm14, v53, v48;
	v49 =	vsel vm14, v49, v35;
	v48 =	vsel vm7, v58, v47  }
0x68: {  	v55 =	vsel vm14, v55, v47;
	v51 =	vsel vm14, v51, v40;
	v58 =	vsel vm14, v54, v44  }
0x69: {  	v53 =	vsel vm2, v53, v47;
	v59 =	vsel vm2, v49, v33;
	v60 =	vsel vm8, v48, v44  }
0x6a: {  	v48 =	vsel vm12, v61, v42;
	v51 =	vsel vm2, v51, v38;
	v50 =	vsel vm2, v58, v42  }
0x6b: {  	v49 =	vsel vm4, v59, v46;
	v47 =	vsel vm11, v60, v42;
	v48 =	vsel vm13, v48, v40  }
0x6c: {  	v51 =	vsel vm4, v51, v36;
	v59 =	vsel vm2, v55, v44;
	v50 =	vsel vm4, v50, v40  }
0x6d: {  	v58 =	vsel vm4, v53, v44;
	v47 =	vsel vm12, v47, v40;
	v48 =	vsel vm14, v48, v38  }
0x6e: {  	v51 =	vsel vm0, v51, v35;
	v54 =	vsel vm4, v59, v42;
	v47 =	vsel vm13, v47, v38  }
0x6f: {  	v50 =	vsel vm0, v50, v38;
	v49 =	vsel vm0, v49, v45;
	v47 =	vsel vm14, v47, v36  }
0x70: {  	v48 =	vsel vm2, v48, v36;
	v56 =	vsel vm1, v51, v33;
	v47 =	vsel vm2, v47, v35  }
0x71: {  	v54 =	vsel vm0, v54, v40;
	v50 =	vsel vm1, v50, v36;
	v47 =	vsel vm4, v47, v33  }
0x72: {  	v49 =	vsel vm1, v49, v43;
	v52 =	vsel vm0, v47, v46;
	v47 =	vsel vm14, v57, v42  }
0x73: {  	v48 =	vsel vm4, v48, v35;
	v54 =	vsel vm1, v54, v38;
	v47 =	vsel vm2, v47, v40  }
0x74: {  	v50 =	vsel vm3, v50, v35;
	v63 =	vsel vm0, v48, v33;
	v47 =	vsel vm4, v47, v38  }
0x75: {  	v48 =	vsel vm3, v56, v46;
	v54 =	vsel vm3, v54, v36;
	v47 =	vsel vm0, v47, v36  }
0x76: {  	v61 =	vsel vm6, v50, v33;
	v56 =	vld [tilespmem:$0x1FFF0];
	v51 =	vsel vm1, v63, v46;
	v47 =	vsel vm1, v47, v35  }
0x77: {  	v54 =	vsel vm6, v54, v35;
	v63 =	vsel vm10, v61, v46;
	v47 =	vsel vm3, v47, v33  }
0x78: {  	v48 =	vsel vm6, v48, v45;
	v62 =	vsel vm10, v54, v33;
	v60 =	vsel vm6, v47, v46  }
0x79: {  	v51 =	vsel vm3, v51, v45;
	v44 =	vsel vm15, v45, v63;
	v59 =	vsel vm10, v60, v45;
	v60 =	vld [tilespmem:$0x1FFE0]  }
0x7a: {  	[tilespmem:s24+$0x7280] =	vst v25;
	v48 =	vsel vm10, v48, v43;
	v52 =	vsel vm1, v52, v45;
	v51 =	vsel vm6, v51, v43  }
0x7b: {  	[tilespmem:s24+$0x280] =	vst v25;
	v48 =	vsel vm15, v41, v48;
	v63 =	vsel vm3, v52, v43;
	vm9 =	vnez.u8 v56  }
0x7c: {  	[tilespmem:s24+$0x1280] =	vst v25;
	v54 =	vsel vm10, v51, v41;
	v56 =	vld [tilespmem:$0x1FFD0];
	v63 =	vsel vm6, v63, v41;
	v57 =	vsel vm9, v32, v46  }
0x7d: {  	[tilespmem:s24+$0x2280] =	vst v25;
	vm9 =	vcmask $0x233C;
	v63 =	vsel vm10, v63, v39;
	v47 =	vsel vm15, v46, v62  }
0x7e: {  	[tilespmem:s24+$0x3280] =	vst v25;
	v46 =	vsel vm9, v57, v45;
	v62 =	vsel vm0, v58, v42;
	vm9 =	vnez.u8 v60  }
0x7f: {  	[tilespmem:s24+$0x4280] =	vst v25;
	v58 =	vsel vm1, v62, v40;
	v61 =	vsel vm9, v32, v45;
	vm9 =	vcmask $0x273C  }
0x80: {  	[tilespmem:s24+$0x5280] =	vst v25;
	v55 =	vld [tilespmem:$0x1FFC0];
	v62 =	vsel vm3, v49, v41;
	v45 =	vsel vm9, v61, v43;
	vm9 =	vcmask $0x2338  }
0x81: {  	[tilespmem:s24+$0x6280] =	vst v25;
	v49 =	vsel vm15, v39, v54;
	v46 =	vsel vm9, v46, v43;
	vm9 =	vnez.u8 v56  }
0x82: {  	[tilespmem:$0x6A60] =	vst v47;
	v47 =	vsel vm2, v25, v26;
	v57 =	vsel vm9, v32, v43;
	vm9 =	vcmask $0x2B3C  }
0x83: {  	v52 =	vsel vm15, v43, v59;
	v59 =	vsel vm9, v57, v41;
	vm9 =	vcmask $0x2738  }
0x84: {  	v62 =	vsel vm6, v62, v39;
	v60 =	vsel vm9, v45, v41;
	vm9 =	vcmask $0x2334  }
0x85: {  	v53 =	vld [tilespmem:$0x1FFB0];
	v57 =	vsel vm3, v58, v38;
	v61 =	vsel vm9, v46, v41;
	vm9 =	vnez.u8 v55  }
0x86: {  	v45 =	vsel vm10, v62, v37;
	v56 =	vsel vm9, v32, v41;
	vm9 =	vcmask $0x2F3C  }
0x87: {  	v55 =	vsel vm6, v57, v36;
	v58 =	vsel vm9, v56, v39;
	vm9 =	vcmask $0x2B38  }
0x88: {  	v46 =	vsel vm15, v37, v63;
	v59 =	vsel vm9, v59, v39;
	vm9 =	vcmask $0x2734  }
0x89: {  	v45 =	vsel vm15, v34, v45;
	v60 =	vsel vm9, v60, v39;
	vm9 =	vcmask $0x2330  }
0x8a: {  	v56 =	vsel vm5, v25, v26;
	v61 =	vsel vm9, v61, v39;
	vm9 =	vnez.u8 v53  }
0x8b: {  	v38 =	vsel vm7, v56, v24;
	v54 =	vsel vm9, v32, v39;
	vm9 =	vcmask $0x333C  }
0x8c: {  	v57 =	vld [tilespmem:$0x1FFA0];
	v38 =	vsel vm8, v38, v23;
	v39 =	vsel vm9, v54, v37;
	vm9 =	vcmask $0x2F38  }
0x8d: {  	v38 =	vsel vm11, v38, v21;
	v40 =	vsel vm9, v58, v37;
	vm9 =	vcmask $0x2B34  }
0x8e: {  	v53 =	vsel vm8, v25, v26;
	v41 =	vsel vm9, v59, v37;
	vm9 =	vcmask $0x2730  }
0x8f: {  	v59 =	vsel vm10, v55, v35;
	v42 =	vsel vm9, v60, v37;
	vm9 =	vcmask $0x232C  }
0x90: {  	v60 =	vsel vm12, v38, v20;
	v33 =	vsel vm15, v33, v59;
	v43 =	vsel vm9, v61, v37  }
0x91: {  	vm9 =	vnez.u8 v57;
	v61 =	vsel vm7, v25, v26;
	v36 =	vsel vm13, v60, v18  }
0x92: {  	v58 =	vsel vm9, v32, v37;
	vm9 =	vcmask $0x373C;
	v38 =	vsel vm8, v61, v24  }
0x93: {  	v36 =	vsel vm14, v36, v16;
	v37 =	vsel vm9, v58, v34;
	vm9 =	vcmask $0x3338  }
0x94: {  	v38 =	vsel vm11, v38, v23;
	v36 =	vsel vm2, v36, v17;
	v58 =	vsel vm11, v25, v26  }
0x95: {  	v62 =	vld [tilespmem:$0x1FF90];
	v39 =	vsel vm9, v39, v34;
	vm9 =	vcmask $0x2F34;
	v38 =	vsel vm12, v38, v21  }
0x96: {  	v36 =	vsel vm4, v36, v19;
	v40 =	vsel vm9, v40, v34;
	vm9 =	vcmask $0x2B30  }
0x97: {  	v38 =	vsel vm13, v38, v20;
	v36 =	vsel vm0, v36, v22;
	v41 =	vsel vm9, v41, v34  }
0x98: {  	vm9 =	vcmask $0x272C;
	v38 =	vsel vm14, v38, v18;
	v36 =	vsel vm1, v36, v27  }
0x99: {  	v42 =	vsel vm9, v42, v34;
	vm9 =	vcmask $0x2328;
	v38 =	vsel vm2, v38, v16  }
0x9a: {  	v50 =	vsel vm3, v36, v28;
	v43 =	vsel vm9, v43, v34;
	vm9 =	vnez.u8 v62  }
0x9b: {  	v51 =	vsel vm4, v38, v17;
	v35 =	vsel vm6, v50, v29;
	v38 =	vsel vm11, v53, v24  }
0x9c: {  	v62 =	vsel vm12, v25, v26;
	[tilespmem:$0x6A50] =	vst v42;
	v42 =	vsel vm14, v25, v26;
	v50 =	vsel vm4, v47, v24  }
0x9d: {  	v63 =	vsel vm9, v32, v34;
	v36 =	vsel vm0, v51, v19;
	v35 =	vsel vm10, v35, v30  }
0x9e: {  	[tilespmem:$0xA60] =	vst v45;
	v56 =	vsel vm12, v38, v23;
	v38 =	vsel vm13, v25, v26;
	v45 =	vsel vm2, v42, v24  }
0x9f: {  	v53 =	vsel vm0, v50, v23;
	v36 =	vsel vm1, v36, v22;
	v54 =	vsel vm15, v31, v35  }
0xa0: {  	[tilespmem:$0x5A50] =	vst v41;
	v57 =	vsel vm13, v56, v21;
	v35 =	vsel vm12, v58, v24;
	v41 =	vsel vm14, v38, v24  }
0xa1: {  	[tilespmem:$0x1A60] =	vst v46;
	v46 =	vsel vm4, v45, v23;
	v56 =	vsel vm1, v53, v21;
	v55 =	vsel vm3, v36, v27  }
0xa2: {  	[tilespmem:$0xA50] =	vst v32;
	v34 =	vsel vm14, v57, v20;
	v61 =	vsel vm13, v35, v23;
	v35 =	vsel vm13, v62, v24  }
0xa3: {  	[tilespmem:$0x2A60] =	vst v49;
	v49 =	vsel vm0, v46, v21;
	v32 =	vsel vm6, v55, v28;
	v60 =	vsel vm2, v34, v18  }
0xa4: {  	[tilespmem:$0x4A60] =	vst v52;
	v34 =	vsel vm14, v61, v21;
	v35 =	vsel vm14, v35, v23;
	v52 =	vsel vm1, v49, v20  }
0xa5: {  	[tilespmem:$0x5A60] =	vst v44;
	v32 =	vsel vm10, v32, v29;
	v34 =	vsel vm2, v34, v20;
	v35 =	vsel vm2, v35, v21  }
0xa6: {  	[tilespmem:$0x3A60] =	vst v48;
	v59 =	vsel vm15, v30, v32;
	v32 =	vsel vm4, v60, v16;
	v34 =	vsel vm4, v34, v18  }
0xa7: {  	[tilespmem:$0x7A60] =	vst v33;
	v35 =	vsel vm4, v35, v20;
	v32 =	vsel vm0, v32, v17;
	v34 =	vsel vm0, v34, v16  }
0xa8: {  	[tilespmem:$0x2A50] =	vst v37;
	v35 =	vsel vm0, v35, v18;
	v32 =	vsel vm1, v32, v19;
	v34 =	vsel vm1, v34, v17  }
0xa9: {  	[tilespmem:$0x3A50] =	vst v39;
	v37 =	vsel vm1, v35, v16;
	v32 =	vsel vm3, v32, v22;
	v34 =	vsel vm3, v34, v19  }
0xaa: {  	[tilespmem:$0x4A50] =	vst v40;
	v32 =	vsel vm6, v32, v27;
	v36 =	vsel vm6, v34, v22;
	v34 =	vsel vm3, v37, v17  }
0xab: {  	[tilespmem:$0x7A50] =	vst v43;
	v55 =	vsel vm3, v52, v18;
	v32 =	vsel vm10, v32, v28;
	v40 =	vsel vm6, v34, v19  }
0xac: {  	[tilespmem:$0x1A50] =	vst v63;
	v34 =	vsel vm2, v41, v23;
	v63 =	vsel vm15, v29, v32;
	v32 =	vsel vm10, v36, v27  }
0xad: {  	[tilespmem:$0xA70] =	vst v54;
	v44 =	vsel vm4, v34, v21;
	v39 =	vsel vm15, v28, v32;
	v32 =	vsel vm10, v40, v22  }
0xae: {  	v58 =	vsel vm6, v55, v16;
	[tilespmem:$0x1A70] =	vst v59;
	v43 =	vsel vm15, v27, v32;
	v32 =	vsel vm0, v44, v20  }
0xaf: {  	v59 =	vsel vm3, v56, v20;
	v61 =	vsel vm10, v58, v17;
	[tilespmem:$0x2A70] =	vst v63;
	v48 =	vsel vm1, v32, v18  }
0xb0: {  	v62 =	vsel vm6, v59, v18;
	v63 =	vsel vm15, v19, v61;
	[tilespmem:$0x3A70] =	vst v39;
	v51 =	vsel vm3, v48, v16  }
0xb1: {  	[tilespmem:$0x6A70] =	vst v63;
	v16 =	vsel vm10, v62, v16;
	v54 =	vsel vm6, v51, v17  }
0xb2: {  	[tilespmem:$0x4A70] =	vst v43;
	v16 =	vsel vm15, v17, v16;
	v57 =	vsel vm10, v54, v19  }
0xb3: {  	[tilespmem:$0x7A70] =	vst v16;
	v60 =	vsel vm15, v22, v57  }
0xb4: {  	s25 =	simm.s32 $0x0;
	[tilespmem:$0x5A70] =	vst v60  }
0xb5: {  	v16 =	vld.idx.msk [tilespmem:v0+s25+$0x0 ss:$0x1], $0xffff;
	_ =	sdelay $0x1  }
0xb6: {  	s24 =	simm.s32 $0x0  }
0xb7: {  	s26 =	sand.u32 $0x70, s24;
	s28 =	sand.u32 $0x3C00, s24  }
0xb8: {  	s26 =	sor.u32 s26, s28  }
0xb9: {  	[tilespmem:s26+$0x8280] =	vst v16  }
0xba: {  	v16 =	vld.idx.msk [tilespmem:v1+s25+$0x0 ss:$0x1], $0xffff;
	_ =	sdelay $0x4  }
0xbb: {  	[tilespmem:s26+$0x8300] =	vst v16  }
0xbc: {  	v16 =	vld.idx.msk [tilespmem:v2+s25+$0x0 ss:$0x1], $0xffff;
	_ =	sdelay $0x4  }
0xbd: {  	[tilespmem:s26+$0x8380] =	vst v16  }
0xbe: {  	v16 =	vld.idx.msk [tilespmem:v3+s25+$0x0 ss:$0x1], $0xffff;
	_ =	sdelay $0x4  }
0xbf: {  	[tilespmem:s26+$0x8400] =	vst v16  }
0xc0: {  	v16 =	vld.idx.msk [tilespmem:v4+s25+$0x0 ss:$0x1], $0xffff;
	_ =	sdelay $0x4  }
0xc1: {  	[tilespmem:s26+$0x8480] =	vst v16  }
0xc2: {  	v16 =	vld.idx.msk [tilespmem:v5+s25+$0x0 ss:$0x1], $0xffff;
	_ =	sdelay $0x4  }
0xc3: {  	[tilespmem:s26+$0x8500] =	vst v16  }
0xc4: {  	v16 =	vld.idx.msk [tilespmem:v6+s25+$0x0 ss:$0x1], $0xffff;
	_ =	sdelay $0x4  }
0xc5: {  	[tilespmem:s26+$0x8580] =	vst v16  }
0xc6: {  	v16 =	vld.idx.msk [tilespmem:v7+s25+$0x0 ss:$0x1], $0xffff  }
0xc7: {  	s31 =	sand.u32 $0x7, s24  }
0xc8: {  	s25 =	sshll.u32 s31, $0x4  }
0xc9: {  	s25 =	sadd.s32 $0x0, s25  }
0xca: {  	s29 =	simm.s32 $0x80;
	s25 =	sor.u32 $0x380, s25  }
0xcb: {  	s28 =	simm.s32 $0x0;
	s26 =	simm.s32 $0x10;
	[tilespmem:s25+$0x8280] =	vst v16;
	s25 =	simm.s32 $0x0  }
.LBB2_6:
0xcc: {  	p0 =	sne.s32 s29, $0x1FC0;
	v16 =	vld.idx.msk [tilespmem:v0+s26+$0x0 ss:$0x1], $0xffff;
	_ =	sdelay $0x2  }
0xcd: {  	s24 =	sadd.s32 $0x80, s24;
	s28 =	sadd.s32 $0x10, s28  }
0xce: {  	s30 =	sand.u32 $0x70, s28;
	s31 =	sand.u32 $0x3C00, s24  }
0xcf: {  	s30 =	sor.u32 s30, s31  }
0xd0: {  	[tilespmem:s30+$0x8280] =	vst v16  }
0xd1: {  	v16 =	vld.idx.msk [tilespmem:v1+s26+$0x0 ss:$0x1], $0xffff;
	_ =	sdelay $0x5  }
0xd2: {  	[tilespmem:s30+$0x8300] =	vst v16  }
0xd3: {  	v16 =	vld.idx.msk [tilespmem:v2+s26+$0x0 ss:$0x1], $0xffff;
	_ =	sdelay $0x5  }
0xd4: {  	[tilespmem:s30+$0x8380] =	vst v16  }
0xd5: {  	v16 =	vld.idx.msk [tilespmem:v3+s26+$0x0 ss:$0x1], $0xffff;
	_ =	sdelay $0x5  }
0xd6: {  	[tilespmem:s30+$0x8400] =	vst v16  }
0xd7: {  	v16 =	vld.idx.msk [tilespmem:v4+s26+$0x0 ss:$0x1], $0xffff;
	_ =	sdelay $0x5  }
0xd8: {  	[tilespmem:s30+$0x8480] =	vst v16  }
0xd9: {  	v16 =	vld.idx.msk [tilespmem:v5+s26+$0x0 ss:$0x1], $0xffff;
	_ =	sdelay $0x5  }
0xda: {  	[tilespmem:s30+$0x8500] =	vst v16  }
0xdb: {  	v16 =	vld.idx.msk [tilespmem:v6+s26+$0x0 ss:$0x1], $0xffff;
	_ =	sdelay $0x5  }
0xdc: {  	[tilespmem:s30+$0x8580] =	vst v16  }
0xdd: {  	v16 =	vld.idx.msk [tilespmem:v7+s26+$0x0 ss:$0x1], $0xffff  }
0xde: {  	s25 =	sadd.s32 $0x1, s25  }
.Ltmp2:
0xdf: {  	s26 =	sand.u32 $0x7, s25;
	(pc) =	sbr.rel @p0 .LBB2_6-.Ltmp2, $4  }
0xe0: {  	s26 =	sshll.u32 s26, $0x4  }
0xe1: {  	s26 =	sadd.s32 s26, s24  }
0xe2: {  	s30 =	sor.u32 $0x380, s26  }
0xe3: {  	s26 =	sshra.s32 s29, $0x2;
	s29 =	sadd.s32 $0x40, s29;
	[tilespmem:s30+$0x8280] =	vst v16  }
0xe4: {  	_ =	sdelay $0x3  }
0xe5: {  	v16 =	vld.idx.msk [tilespmem:v0+s26+$0x0 ss:$0x1], $0xffff;
	_ =	sdelay $0x1  }
0xe6: {  	s24 =	sadd.s32 $0x80, s24;
	s28 =	sadd.s32 $0x10, s28  }
0xe7: {  	s28 =	sand.u32 $0x70, s28;
	s29 =	sand.u32 $0x3C00, s24  }
0xe8: {  	s28 =	sor.u32 s28, s29  }
0xe9: {  	[tilespmem:s28+$0x8280] =	vst v16  }
0xea: {  	v16 =	vld.idx.msk [tilespmem:v1+s26+$0x0 ss:$0x1], $0xffff;
	_ =	sdelay $0x4  }
0xeb: {  	[tilespmem:s28+$0x8300] =	vst v16  }
0xec: {  	v16 =	vld.idx.msk [tilespmem:v2+s26+$0x0 ss:$0x1], $0xffff;
	_ =	sdelay $0x4  }
0xed: {  	[tilespmem:s28+$0x8380] =	vst v16  }
0xee: {  	v16 =	vld.idx.msk [tilespmem:v3+s26+$0x0 ss:$0x1], $0xffff;
	_ =	sdelay $0x4  }
0xef: {  	[tilespmem:s28+$0x8400] =	vst v16  }
0xf0: {  	v16 =	vld.idx.msk [tilespmem:v4+s26+$0x0 ss:$0x1], $0xffff;
	_ =	sdelay $0x4  }
0xf1: {  	[tilespmem:s28+$0x8480] =	vst v16  }
0xf2: {  	v16 =	vld.idx.msk [tilespmem:v5+s26+$0x0 ss:$0x1], $0xffff;
	_ =	sdelay $0x4  }
0xf3: {  	[tilespmem:s28+$0x8500] =	vst v16  }
0xf4: {  	v16 =	vld.idx.msk [tilespmem:v6+s26+$0x0 ss:$0x1], $0xffff;
	_ =	sdelay $0x4  }
0xf5: {  	[tilespmem:s28+$0x8580] =	vst v16  }
0xf6: {  	s25 =	sadd.s32 $0x1, s25;
	v16 =	vld.idx.msk [tilespmem:v7+s26+$0x0 ss:$0x1], $0xffff  }
0xf7: {  	s25 =	sand.u32 $0x7, s25  }
0xf8: {  	s25 =	sshll.u32 s25, $0x4  }
0xf9: {  	s24 =	sadd.s32 s25, s24  }
0xfa: {  	s24 =	sor.u32 $0x380, s24  }
0xfb: {  	s7 =	simm.s32 $0x0;
	[tilespmem:s24+$0x8280] =	vst v16;
	s24 =	simm.s32 $0x0  }
0xfc: {  	[hbm4b:s4+s24] =	stream.linear.scatter [tilespmem:s20], [sflag:$0x1], $0x4000, $0x38;
	[tilespmem:$0x10280] =	vst v63  }
0xfd: {  	v16 =	vld.idx.msk [tilespmem:v8+s7+$0x0 ss:$0x1], $0xffff;
	_ =	sdelay $0x2  }
0xfe: {  	s30 =	sand.u32 $0x70, s24;
	s28 =	sand.u32 $0x3C00, s24  }
0xff: {  	s26 =	sor.u32 s30, s28  }
0x100: {  	[tilespmem:s26+$0xC280] =	vst v16  }
0x101: {  	v16 =	vld.idx.msk [tilespmem:v9+s7+$0x0 ss:$0x1], $0xffff;
	_ =	sdelay $0x4  }
0x102: {  	[tilespmem:s26+$0xC300] =	vst v16  }
0x103: {  	v16 =	vld.idx.msk [tilespmem:v10+s7+$0x0 ss:$0x1], $0xffff;
	_ =	sdelay $0x4  }
0x104: {  	[tilespmem:s26+$0xC380] =	vst v16  }
0x105: {  	v16 =	vld.idx.msk [tilespmem:v11+s7+$0x0 ss:$0x1], $0xffff;
	_ =	sdelay $0x4  }
0x106: {  	[tilespmem:s26+$0xC400] =	vst v16  }
0x107: {  	v16 =	vld.idx.msk [tilespmem:v12+s7+$0x0 ss:$0x1], $0xffff;
	_ =	sdelay $0x4  }
0x108: {  	[tilespmem:s26+$0xC480] =	vst v16  }
0x109: {  	v16 =	vld.idx.msk [tilespmem:v13+s7+$0x0 ss:$0x1], $0xffff;
	_ =	sdelay $0x4  }
0x10a: {  	[tilespmem:s26+$0xC500] =	vst v16  }
0x10b: {  	v16 =	vld.idx.msk [tilespmem:v14+s7+$0x0 ss:$0x1], $0xffff;
	_ =	sdelay $0x4  }
0x10c: {  	[tilespmem:s26+$0xC580] =	vst v16  }
0x10d: {  	v16 =	vld.idx.msk [tilespmem:v15+s7+$0x0 ss:$0x1], $0xffff  }
0x10e: {  	s31 =	sand.u32 $0x7, s24  }
0x10f: {  	s25 =	sshll.u32 s31, $0x4  }
0x110: {  	s25 =	sadd.s32 $0x0, s25  }
0x111: {  	s29 =	simm.s32 $0x80;
	s25 =	sor.u32 $0x380, s25  }
0x112: {  	s28 =	simm.s32 $0x0;
	s26 =	simm.s32 $0x10;
	[tilespmem:s25+$0xC280] =	vst v16;
	s25 =	simm.s32 $0x0  }
.LBB2_8:
0x113: {  	p0 =	sne.s32 s29, $0x1FC0;
	v16 =	vld.idx.msk [tilespmem:v8+s26+$0x0 ss:$0x1], $0xffff;
	_ =	sdelay $0x2  }
0x114: {  	s24 =	sadd.s32 $0x80, s24;
	s28 =	sadd.s32 $0x10, s28  }
0x115: {  	s30 =	sand.u32 $0x70, s28;
	s31 =	sand.u32 $0x3C00, s24  }
0x116: {  	s30 =	sor.u32 s30, s31  }
0x117: {  	[tilespmem:s30+$0xC280] =	vst v16  }
0x118: {  	v16 =	vld.idx.msk [tilespmem:v9+s26+$0x0 ss:$0x1], $0xffff;
	_ =	sdelay $0x5  }
0x119: {  	[tilespmem:s30+$0xC300] =	vst v16  }
0x11a: {  	v16 =	vld.idx.msk [tilespmem:v10+s26+$0x0 ss:$0x1], $0xffff;
	_ =	sdelay $0x5  }
0x11b: {  	[tilespmem:s30+$0xC380] =	vst v16  }
0x11c: {  	v16 =	vld.idx.msk [tilespmem:v11+s26+$0x0 ss:$0x1], $0xffff;
	_ =	sdelay $0x5  }
0x11d: {  	[tilespmem:s30+$0xC400] =	vst v16  }
0x11e: {  	v16 =	vld.idx.msk [tilespmem:v12+s26+$0x0 ss:$0x1], $0xffff;
	_ =	sdelay $0x5  }
0x11f: {  	[tilespmem:s30+$0xC480] =	vst v16  }
0x120: {  	v16 =	vld.idx.msk [tilespmem:v13+s26+$0x0 ss:$0x1], $0xffff;
	_ =	sdelay $0x5  }
0x121: {  	[tilespmem:s30+$0xC500] =	vst v16  }
0x122: {  	v16 =	vld.idx.msk [tilespmem:v14+s26+$0x0 ss:$0x1], $0xffff;
	_ =	sdelay $0x5  }
0x123: {  	[tilespmem:s30+$0xC580] =	vst v16  }
0x124: {  	v16 =	vld.idx.msk [tilespmem:v15+s26+$0x0 ss:$0x1], $0xffff  }
0x125: {  	s25 =	sadd.s32 $0x1, s25  }
.Ltmp3:
0x126: {  	s26 =	sand.u32 $0x7, s25;
	(pc) =	sbr.rel @p0 .LBB2_8-.Ltmp3, $4  }
0x127: {  	s26 =	sshll.u32 s26, $0x4  }
0x128: {  	s26 =	sadd.s32 s26, s24  }
0x129: {  	s30 =	sor.u32 $0x380, s26  }
0x12a: {  	s26 =	sshra.s32 s29, $0x2;
	s29 =	sadd.s32 $0x40, s29;
	[tilespmem:s30+$0xC280] =	vst v16  }
0x12b: {  	_ =	sdelay $0x3  }
0x12c: {  	v16 =	vld.idx.msk [tilespmem:v8+s26+$0x0 ss:$0x1], $0xffff;
	_ =	sdelay $0x1  }
0x12d: {  	s24 =	sadd.s32 $0x80, s24;
	s28 =	sadd.s32 $0x10, s28  }
0x12e: {  	s28 =	sand.u32 $0x70, s28;
	s29 =	sand.u32 $0x3C00, s24  }
0x12f: {  	s28 =	sor.u32 s28, s29  }
0x130: {  	[tilespmem:s28+$0xC280] =	vst v16  }
0x131: {  	v16 =	vld.idx.msk [tilespmem:v9+s26+$0x0 ss:$0x1], $0xffff;
	_ =	sdelay $0x4  }
0x132: {  	[tilespmem:s28+$0xC300] =	vst v16  }
0x133: {  	v16 =	vld.idx.msk [tilespmem:v10+s26+$0x0 ss:$0x1], $0xffff;
	_ =	sdelay $0x4  }
0x134: {  	[tilespmem:s28+$0xC380] =	vst v16  }
0x135: {  	v16 =	vld.idx.msk [tilespmem:v11+s26+$0x0 ss:$0x1], $0xffff;
	_ =	sdelay $0x4  }
0x136: {  	[tilespmem:s28+$0xC400] =	vst v16  }
0x137: {  	v16 =	vld.idx.msk [tilespmem:v12+s26+$0x0 ss:$0x1], $0xffff;
	_ =	sdelay $0x4  }
0x138: {  	[tilespmem:s28+$0xC480] =	vst v16  }
0x139: {  	v16 =	vld.idx.msk [tilespmem:v13+s26+$0x0 ss:$0x1], $0xffff;
	_ =	sdelay $0x4  }
0x13a: {  	[tilespmem:s28+$0xC500] =	vst v16  }
0x13b: {  	v16 =	vld.idx.msk [tilespmem:v14+s26+$0x0 ss:$0x1], $0xffff;
	_ =	sdelay $0x4  }
0x13c: {  	[tilespmem:s28+$0xC580] =	vst v16  }
0x13d: {  	s25 =	sadd.s32 $0x1, s25;
	v16 =	vld.idx.msk [tilespmem:v15+s26+$0x0 ss:$0x1], $0xffff  }
0x13e: {  	s25 =	sand.u32 $0x7, s25  }
0x13f: {  	s25 =	sshll.u32 s25, $0x4  }
0x140: {  	s24 =	sadd.s32 s25, s24  }
0x141: {  	s0 =	rddreg [dreg:$0x4];
	s25 =	smov.u32 s18;
	s24 =	sor.u32 $0x380, s24  }
0x142: {  	s28 =	smov.u32 s8;
	s26 =	smov.u32 s17;
	[tilespmem:s24+$0xC280] =	vst v16;
	s24 =	simm.s32 $0x0  }
0x143: {  	[hbm4b:s0+s24] =	stream.linear.scatter [tilespmem:s21], [sflag:$0x2], $0x4000, $0x38;
	[tilespmem:$0x10280] =	vst v63  }
.LBB2_10:
0x144: {  	s29 =	sshra.s32 s28, $0x4  }
0x145: {  	p0 =	sgt.s32 s29, $0x0  }
0x146: {  	s29 =	simm.s32 @!p0 $0x0  }
0x147: {  	s30 =	smin.u32 s29, $0x7B  }
0x148: {  	_ =	swait.ge [sflag:s3], $0x4000;
	s31 =	sshll.u32 s30, $0x4  }
0x149: {  	[sflag:s3] =	ssyncset.done $0x0;
	s29 =	sshra.s32 s24, $0x2;
	s1 =	sadd.s32 s31, s9  }
0x14a: {  	[sflag:s3] =	ssyncadd.s32 $0xFFFFC000;
	s1 =	sadd.s32 s29, s1  }
0x14b: {  	v16 =	vld [tilespmem:s1+$0x7E8];
	_ =	sdelay $0x1  }
0x14c: {  	s30 =	sshll.u32 s30, $0x7  }
0x14d: {  	s0 =	sand.u32 $0x70, s31;
	s30 =	sand.u32 $0x3C00, s30  }
0x14e: {  	s0 =	sor.u32 s0, s30  }
0x14f: {  	[tilespmem:s0+$0x8280] =	vst v16  }
0x150: {  	v16 =	vld [tilespmem:s1+$0x7F8]  }
0x151: {  	s5 =	sadd.s32 $0x10, s31  }
0x152: {  	s6 =	sshll.u32 s5, $0x3  }
0x153: {  	s30 =	sand.u32 $0x7C00, s6;
	s0 =	sand.u32 $0x70, s5  }
0x154: {  	s0 =	sor.u32 s0, s30  }
0x155: {  	[tilespmem:s0+$0x8280] =	vst v16  }
0x156: {  	v16 =	vld [tilespmem:s1+$0x808]  }
0x157: {  	s7 =	sadd.s32 $0x20, s31  }
0x158: {  	s5 =	sshll.u32 s7, $0x3  }
0x159: {  	s30 =	sand.u32 $0x7C00, s5;
	s0 =	sand.u32 $0x70, s7  }
0x15a: {  	s0 =	sor.u32 s0, s30  }
0x15b: {  	[tilespmem:s0+$0x8280] =	vst v16  }
0x15c: {  	s0 =	sadd.s32 $0x1, s28;
	v16 =	vld [tilespmem:s1+$0x818]  }
0x15d: {  	s30 =	sadd.s32 $0x30, s31;
	s5 =	sshra.s32 s0, $0x1F  }
0x15e: {  	s6 =	sshll.u32 s30, $0x3;
	s7 =	sshrl.u32 s5, $0x1C  }
0x15f: {  	s30 =	sand.u32 $0x70, s30;
	s6 =	sand.u32 $0x7C00, s6;
	s0 =	sadd.s32 s7, s0  }
0x160: {  	s6 =	sor.u32 s30, s6;
	s0 =	sshra.s32 s0, $0x4  }
0x161: {  	s0 =	sadd.s32 s5, s0;
	[tilespmem:s6+$0x8280] =	vst v16  }
0x162: {  	p0 =	sgt.s32 s0, $0x0;
	v16 =	vld [tilespmem:s1+$0x828]  }
0x163: {  	s6 =	sadd.s32 $0x40, s31;
	s0 =	simm.s32 @!p0 $0x0  }
0x164: {  	s7 =	sshll.u32 s6, $0x3;
	s0 =	smin.u32 s0, $0x7B  }
0x165: {  	s1 =	sand.u32 $0x70, s6;
	s5 =	sand.u32 $0x7C00, s7;
	s6 =	sshll.u32 s0, $0x4  }
0x166: {  	s1 =	sor.u32 s1, s5;
	s30 =	sadd.s32 s6, s10  }
0x167: {  	[tilespmem:s1+$0x8280] =	vst v16;
	s1 =	sadd.s32 s29, s30  }
0x168: {  	v16 =	vld [tilespmem:s1+$0x7E8];
	_ =	sdelay $0x1  }
0x169: {  	s0 =	sshll.u32 s0, $0x7  }
0x16a: {  	s31 =	sand.u32 $0x70, s6;
	s0 =	sand.u32 $0x3C00, s0  }
0x16b: {  	s0 =	sor.u32 s31, s0  }
0x16c: {  	[tilespmem:s0+$0x8300] =	vst v16  }
0x16d: {  	v16 =	vld [tilespmem:s1+$0x7F8]  }
0x16e: {  	s5 =	sadd.s32 $0x10, s6  }
0x16f: {  	s7 =	sshll.u32 s5, $0x3  }
0x170: {  	s0 =	sand.u32 $0x70, s5;
	s5 =	sand.u32 $0x7C00, s7  }
0x171: {  	s0 =	sor.u32 s0, s5  }
0x172: {  	[tilespmem:s0+$0x8300] =	vst v16  }
0x173: {  	v16 =	vld [tilespmem:s1+$0x808]  }
0x174: {  	s30 =	sadd.s32 $0x20, s6  }
0x175: {  	s31 =	sshll.u32 s30, $0x3  }
0x176: {  	s5 =	sand.u32 $0x7C00, s31;
	s0 =	sand.u32 $0x70, s30  }
0x177: {  	s0 =	sor.u32 s0, s5  }
0x178: {  	[tilespmem:s0+$0x8300] =	vst v16  }
0x179: {  	s0 =	sadd.s32 $0x2, s28;
	v16 =	vld [tilespmem:s1+$0x818]  }
0x17a: {  	s5 =	sadd.s32 $0x30, s6;
	s7 =	sshra.s32 s0, $0x1F  }
0x17b: {  	s30 =	sshll.u32 s5, $0x3;
	s31 =	sshrl.u32 s7, $0x1C  }
0x17c: {  	s5 =	sand.u32 $0x70, s5;
	s30 =	sand.u32 $0x7C00, s30;
	s0 =	sadd.s32 s31, s0  }
0x17d: {  	s5 =	sor.u32 s5, s30;
	s0 =	sshra.s32 s0, $0x4  }
0x17e: {  	s0 =	sadd.s32 s7, s0;
	[tilespmem:s5+$0x8300] =	vst v16  }
0x17f: {  	p0 =	sgt.s32 s0, $0x0;
	v16 =	vld [tilespmem:s1+$0x828]  }
0x180: {  	s7 =	sadd.s32 $0x40, s6;
	s0 =	simm.s32 @!p0 $0x0  }
0x181: {  	s30 =	sshll.u32 s7, $0x3;
	s0 =	smin.u32 s0, $0x7B  }
0x182: {  	s1 =	sand.u32 $0x70, s7;
	s5 =	sand.u32 $0x7C00, s30;
	s6 =	sshll.u32 s0, $0x4  }
0x183: {  	s1 =	sor.u32 s1, s5;
	s31 =	sadd.s32 s6, s11  }
0x184: {  	[tilespmem:s1+$0x8300] =	vst v16;
	s1 =	sadd.s32 s29, s31  }
0x185: {  	v16 =	vld [tilespmem:s1+$0x7E8];
	_ =	sdelay $0x1  }
0x186: {  	s0 =	sshll.u32 s0, $0x7;
	s7 =	sand.u32 $0x70, s6  }
0x187: {  	s0 =	sor.u32 s7, s0  }
0x188: {  	s0 =	sor.u32 $0x8380, s0  }
0x189: {  	[tilespmem:s0+$0x0] =	vst v16  }
0x18a: {  	v16 =	vld [tilespmem:s1+$0x7F8]  }
0x18b: {  	s30 =	sadd.s32 $0x10, s6  }
0x18c: {  	s31 =	sand.u32 $0x70, s30;
	s0 =	sshll.u32 s30, $0x3  }
0x18d: {  	s0 =	sor.u32 s31, s0  }
0x18e: {  	s0 =	sor.u32 $0x8380, s0  }
0x18f: {  	[tilespmem:s0+$0x0] =	vst v16  }
0x190: {  	v16 =	vld [tilespmem:s1+$0x808]  }
0x191: {  	s7 =	sadd.s32 $0x20, s6  }
0x192: {  	s30 =	sand.u32 $0x70, s7;
	s0 =	sshll.u32 s7, $0x3  }
0x193: {  	s0 =	sor.u32 s30, s0  }
0x194: {  	s0 =	sor.u32 $0x8380, s0  }
0x195: {  	[tilespmem:s0+$0x0] =	vst v16  }
0x196: {  	s0 =	sadd.s32 $0x3, s28;
	v16 =	vld [tilespmem:s1+$0x818]  }
0x197: {  	s31 =	sadd.s32 $0x30, s6;
	s7 =	sshra.s32 s0, $0x1F  }
0x198: {  	s5 =	sshll.u32 s31, $0x3;
	s30 =	sand.u32 $0x70, s31;
	s31 =	sshrl.u32 s7, $0x1C  }
0x199: {  	s5 =	sor.u32 s30, s5;
	s0 =	sadd.s32 s31, s0  }
0x19a: {  	s5 =	sor.u32 $0x8380, s5;
	s0 =	sshra.s32 s0, $0x4  }
0x19b: {  	s0 =	sadd.s32 s7, s0;
	[tilespmem:s5+$0x0] =	vst v16  }
0x19c: {  	p0 =	sgt.s32 s0, $0x0;
	v16 =	vld [tilespmem:s1+$0x828]  }
0x19d: {  	s6 =	sadd.s32 $0x40, s6;
	s0 =	simm.s32 @!p0 $0x0  }
0x19e: {  	s7 =	sand.u32 $0x70, s6;
	s1 =	sshll.u32 s6, $0x3;
	s0 =	smin.u32 s0, $0x7B  }
0x19f: {  	s1 =	sor.u32 s7, s1;
	s5 =	sshll.u32 s0, $0x4  }
0x1a0: {  	s1 =	sor.u32 $0x8380, s1;
	s30 =	sadd.s32 s5, s12  }
0x1a1: {  	[tilespmem:s1+$0x0] =	vst v16;
	s1 =	sadd.s32 s29, s30  }
0x1a2: {  	v16 =	vld [tilespmem:s1+$0x7E8];
	_ =	sdelay $0x1  }
0x1a3: {  	s0 =	sshll.u32 s0, $0x7  }
0x1a4: {  	s31 =	sand.u32 $0x70, s5;
	s0 =	sand.u32 $0x3C00, s0  }
0x1a5: {  	s0 =	sor.u32 s31, s0  }
0x1a6: {  	[tilespmem:s0+$0x8400] =	vst v16  }
0x1a7: {  	v16 =	vld [tilespmem:s1+$0x7F8]  }
0x1a8: {  	s6 =	sadd.s32 $0x10, s5  }
0x1a9: {  	s7 =	sshll.u32 s6, $0x3  }
0x1aa: {  	s0 =	sand.u32 $0x70, s6;
	s6 =	sand.u32 $0x7C00, s7  }
0x1ab: {  	s0 =	sor.u32 s0, s6  }
0x1ac: {  	[tilespmem:s0+$0x8400] =	vst v16  }
0x1ad: {  	v16 =	vld [tilespmem:s1+$0x808]  }
0x1ae: {  	s30 =	sadd.s32 $0x20, s5  }
0x1af: {  	s31 =	sshll.u32 s30, $0x3  }
0x1b0: {  	s6 =	sand.u32 $0x7C00, s31;
	s0 =	sand.u32 $0x70, s30  }
0x1b1: {  	s0 =	sor.u32 s0, s6  }
0x1b2: {  	[tilespmem:s0+$0x8400] =	vst v16  }
0x1b3: {  	s0 =	sadd.s32 $0x4, s28;
	v16 =	vld [tilespmem:s1+$0x818]  }
0x1b4: {  	s6 =	sadd.s32 $0x30, s5;
	s7 =	sshra.s32 s0, $0x1F  }
0x1b5: {  	s30 =	sshll.u32 s6, $0x3;
	s31 =	sshrl.u32 s7, $0x1C  }
0x1b6: {  	s6 =	sand.u32 $0x70, s6;
	s30 =	sand.u32 $0x7C00, s30;
	s0 =	sadd.s32 s31, s0  }
0x1b7: {  	s6 =	sor.u32 s6, s30;
	s0 =	sshra.s32 s0, $0x4  }
0x1b8: {  	s0 =	sadd.s32 s7, s0;
	[tilespmem:s6+$0x8400] =	vst v16  }
0x1b9: {  	p0 =	sgt.s32 s0, $0x0;
	v16 =	vld [tilespmem:s1+$0x828]  }
0x1ba: {  	s7 =	sadd.s32 $0x40, s5;
	s0 =	simm.s32 @!p0 $0x0  }
0x1bb: {  	s5 =	sshll.u32 s7, $0x3;
	s0 =	smin.u32 s0, $0x7B  }
0x1bc: {  	s1 =	sand.u32 $0x70, s7;
	s5 =	sand.u32 $0x7C00, s5;
	s6 =	sshll.u32 s0, $0x4  }
0x1bd: {  	s1 =	sor.u32 s1, s5;
	s30 =	sadd.s32 s6, s13  }
0x1be: {  	[tilespmem:s1+$0x8400] =	vst v16;
	s1 =	sadd.s32 s29, s30  }
0x1bf: {  	v16 =	vld [tilespmem:s1+$0x7E8];
	_ =	sdelay $0x1  }
0x1c0: {  	s0 =	sshll.u32 s0, $0x7  }
0x1c1: {  	s31 =	sand.u32 $0x70, s6;
	s0 =	sand.u32 $0x3C00, s0  }
0x1c2: {  	s0 =	sor.u32 s31, s0  }
0x1c3: {  	[tilespmem:s0+$0x8480] =	vst v16  }
0x1c4: {  	v16 =	vld [tilespmem:s1+$0x7F8]  }
0x1c5: {  	s5 =	sadd.s32 $0x10, s6  }
0x1c6: {  	s7 =	sshll.u32 s5, $0x3  }
0x1c7: {  	s0 =	sand.u32 $0x70, s5;
	s5 =	sand.u32 $0x7C00, s7  }
0x1c8: {  	s0 =	sor.u32 s0, s5  }
0x1c9: {  	[tilespmem:s0+$0x8480] =	vst v16  }
0x1ca: {  	v16 =	vld [tilespmem:s1+$0x808]  }
0x1cb: {  	s30 =	sadd.s32 $0x20, s6  }
0x1cc: {  	s31 =	sshll.u32 s30, $0x3  }
0x1cd: {  	s5 =	sand.u32 $0x7C00, s31;
	s0 =	sand.u32 $0x70, s30  }
0x1ce: {  	s0 =	sor.u32 s0, s5  }
0x1cf: {  	[tilespmem:s0+$0x8480] =	vst v16  }
0x1d0: {  	s0 =	sadd.s32 $0x5, s28;
	v16 =	vld [tilespmem:s1+$0x818]  }
0x1d1: {  	s5 =	sadd.s32 $0x30, s6;
	s7 =	sshra.s32 s0, $0x1F  }
0x1d2: {  	s30 =	sshll.u32 s5, $0x3;
	s31 =	sshrl.u32 s7, $0x1C  }
0x1d3: {  	s5 =	sand.u32 $0x70, s5;
	s30 =	sand.u32 $0x7C00, s30;
	s0 =	sadd.s32 s31, s0  }
0x1d4: {  	s5 =	sor.u32 s5, s30;
	s0 =	sshra.s32 s0, $0x4  }
0x1d5: {  	s0 =	sadd.s32 s7, s0;
	[tilespmem:s5+$0x8480] =	vst v16  }
0x1d6: {  	p0 =	sgt.s32 s0, $0x0;
	v16 =	vld [tilespmem:s1+$0x828]  }
0x1d7: {  	s6 =	sadd.s32 $0x40, s6;
	s0 =	simm.s32 @!p0 $0x0  }
0x1d8: {  	s7 =	sshll.u32 s6, $0x3;
	s0 =	smin.u32 s0, $0x7B  }
0x1d9: {  	s5 =	sand.u32 $0x7C00, s7;
	s1 =	sand.u32 $0x70, s6;
	s6 =	sshll.u32 s0, $0x4  }
0x1da: {  	s1 =	sor.u32 s1, s5;
	s30 =	sadd.s32 s6, s14  }
0x1db: {  	[tilespmem:s1+$0x8480] =	vst v16;
	s1 =	sadd.s32 s29, s30  }
0x1dc: {  	v16 =	vld [tilespmem:s1+$0x7E8];
	_ =	sdelay $0x1  }
0x1dd: {  	s0 =	sshll.u32 s0, $0x7  }
0x1de: {  	s31 =	sand.u32 $0x70, s6;
	s0 =	sand.u32 $0x3C00, s0  }
0x1df: {  	s0 =	sor.u32 s31, s0  }
0x1e0: {  	[tilespmem:s0+$0x8500] =	vst v16  }
0x1e1: {  	v16 =	vld [tilespmem:s1+$0x7F8]  }
0x1e2: {  	s5 =	sadd.s32 $0x10, s6  }
0x1e3: {  	s7 =	sshll.u32 s5, $0x3  }
0x1e4: {  	s0 =	sand.u32 $0x70, s5;
	s5 =	sand.u32 $0x7C00, s7  }
0x1e5: {  	s0 =	sor.u32 s0, s5  }
0x1e6: {  	[tilespmem:s0+$0x8500] =	vst v16  }
0x1e7: {  	v16 =	vld [tilespmem:s1+$0x808]  }
0x1e8: {  	s30 =	sadd.s32 $0x20, s6  }
0x1e9: {  	s31 =	sshll.u32 s30, $0x3  }
0x1ea: {  	s5 =	sand.u32 $0x7C00, s31;
	s0 =	sand.u32 $0x70, s30  }
0x1eb: {  	s0 =	sor.u32 s0, s5  }
0x1ec: {  	[tilespmem:s0+$0x8500] =	vst v16  }
0x1ed: {  	s0 =	sadd.s32 $0x6, s28;
	v16 =	vld [tilespmem:s1+$0x818]  }
0x1ee: {  	s5 =	sadd.s32 $0x30, s6;
	s7 =	sshra.s32 s0, $0x1F  }
0x1ef: {  	s30 =	sshll.u32 s5, $0x3;
	s31 =	sshrl.u32 s7, $0x1C  }
0x1f0: {  	s5 =	sand.u32 $0x70, s5;
	s30 =	sand.u32 $0x7C00, s30;
	s0 =	sadd.s32 s31, s0  }
0x1f1: {  	s5 =	sor.u32 s5, s30;
	s0 =	sshra.s32 s0, $0x4  }
0x1f2: {  	s0 =	sadd.s32 s7, s0;
	[tilespmem:s5+$0x8500] =	vst v16  }
0x1f3: {  	p0 =	sgt.s32 s0, $0x0;
	v16 =	vld [tilespmem:s1+$0x828]  }
0x1f4: {  	s6 =	sadd.s32 $0x40, s6;
	s0 =	simm.s32 @!p0 $0x0  }
0x1f5: {  	s7 =	sshll.u32 s6, $0x3;
	s0 =	smin.u32 s0, $0x7B  }
0x1f6: {  	s5 =	sand.u32 $0x7C00, s7;
	s1 =	sand.u32 $0x70, s6;
	s6 =	sshll.u32 s0, $0x4  }
0x1f7: {  	s1 =	sor.u32 s1, s5;
	s30 =	sadd.s32 s6, s15  }
0x1f8: {  	[tilespmem:s1+$0x8500] =	vst v16;
	s1 =	sadd.s32 s29, s30  }
0x1f9: {  	v16 =	vld [tilespmem:s1+$0x7E8];
	_ =	sdelay $0x1  }
0x1fa: {  	s0 =	sshll.u32 s0, $0x7  }
0x1fb: {  	s31 =	sand.u32 $0x70, s6;
	s0 =	sand.u32 $0x3C00, s0  }
0x1fc: {  	s0 =	sor.u32 s31, s0  }
0x1fd: {  	[tilespmem:s0+$0x8580] =	vst v16  }
0x1fe: {  	v16 =	vld [tilespmem:s1+$0x7F8]  }
0x1ff: {  	s5 =	sadd.s32 $0x10, s6  }
0x200: {  	s7 =	sshll.u32 s5, $0x3  }
0x201: {  	s0 =	sand.u32 $0x70, s5;
	s5 =	sand.u32 $0x7C00, s7  }
0x202: {  	s0 =	sor.u32 s0, s5  }
0x203: {  	[tilespmem:s0+$0x8580] =	vst v16  }
0x204: {  	v16 =	vld [tilespmem:s1+$0x808]  }
0x205: {  	s30 =	sadd.s32 $0x20, s6  }
0x206: {  	s31 =	sshll.u32 s30, $0x3  }
0x207: {  	s5 =	sand.u32 $0x7C00, s31;
	s0 =	sand.u32 $0x70, s30  }
0x208: {  	s0 =	sor.u32 s0, s5  }
0x209: {  	[tilespmem:s0+$0x8580] =	vst v16  }
0x20a: {  	s0 =	sadd.s32 $0x7, s28;
	v16 =	vld [tilespmem:s1+$0x818]  }
0x20b: {  	s5 =	sadd.s32 $0x30, s6;
	s7 =	sshra.s32 s0, $0x1F  }
0x20c: {  	s30 =	sshll.u32 s5, $0x3;
	s31 =	sshrl.u32 s7, $0x1C  }
0x20d: {  	s5 =	sand.u32 $0x70, s5;
	s30 =	sand.u32 $0x7C00, s30;
	s0 =	sadd.s32 s31, s0  }
0x20e: {  	s5 =	sor.u32 s5, s30;
	s0 =	sshra.s32 s0, $0x4  }
0x20f: {  	s0 =	sadd.s32 s7, s0;
	[tilespmem:s5+$0x8580] =	vst v16  }
0x210: {  	p0 =	sgt.s32 s0, $0x0;
	v16 =	vld [tilespmem:s1+$0x828]  }
0x211: {  	s6 =	sadd.s32 $0x40, s6;
	s0 =	simm.s32 @!p0 $0x0  }
0x212: {  	s7 =	sshll.u32 s6, $0x3;
	s0 =	smin.u32 s0, $0x7B  }
0x213: {  	s5 =	sand.u32 $0x7C00, s7;
	s1 =	sand.u32 $0x70, s6;
	s6 =	sshll.u32 s0, $0x4  }
0x214: {  	s1 =	sor.u32 s1, s5;
	s30 =	sadd.s32 s6, s16  }
0x215: {  	[tilespmem:s1+$0x8580] =	vst v16;
	s1 =	sadd.s32 s29, s30  }
0x216: {  	v16 =	vld [tilespmem:s1+$0x7E8];
	_ =	sdelay $0x1  }
0x217: {  	s0 =	sshll.u32 s0, $0x7;
	s31 =	sand.u32 $0x70, s6  }
0x218: {  	s0 =	sor.u32 s0, s31  }
0x219: {  	s0 =	sor.u32 $0x380, s0  }
0x21a: {  	[tilespmem:s0+$0x8280] =	vst v16  }
0x21b: {  	v16 =	vld [tilespmem:s1+$0x7F8]  }
0x21c: {  	s5 =	sadd.s32 $0x10, s6  }
0x21d: {  	s7 =	sand.u32 $0x70, s5;
	s0 =	sshll.u32 s5, $0x3  }
0x21e: {  	s0 =	sor.u32 s7, s0  }
0x21f: {  	s0 =	sor.u32 $0x380, s0  }
0x220: {  	[tilespmem:s0+$0x8280] =	vst v16  }
0x221: {  	v16 =	vld [tilespmem:s1+$0x808]  }
0x222: {  	s30 =	sadd.s32 $0x20, s6  }
0x223: {  	s31 =	sand.u32 $0x70, s30;
	s0 =	sshll.u32 s30, $0x3  }
0x224: {  	s0 =	sor.u32 s31, s0  }
0x225: {  	s0 =	sor.u32 $0x380, s0  }
0x226: {  	[tilespmem:s0+$0x8280] =	vst v16  }
0x227: {  	v16 =	vld [tilespmem:s1+$0x818]  }
0x228: {  	s5 =	sadd.s32 $0x30, s6  }
0x229: {  	s7 =	sand.u32 $0x70, s5;
	s0 =	sshll.u32 s5, $0x3  }
0x22a: {  	s0 =	sor.u32 s7, s0  }
0x22b: {  	s0 =	sor.u32 $0x380, s0  }
0x22c: {  	[tilespmem:s0+$0x8280] =	vst v16  }
0x22d: {  	v16 =	vld [tilespmem:s1+$0x828]  }
0x22e: {  	s30 =	sadd.s32 $0x40, s6  }
0x22f: {  	s31 =	sand.u32 $0x70, s30;
	s5 =	sadd.s32 $0x8, s28;
	s0 =	sshll.u32 s30, $0x3  }
0x230: {  	s6 =	sshra.s32 s5, $0x1F;
	s0 =	sor.u32 s31, s0  }
0x231: {  	s7 =	sshrl.u32 s6, $0x1C;
	s0 =	sor.u32 $0x380, s0  }
0x232: {  	[tilespmem:s0+$0x8280] =	vst v16;
	s0 =	sadd.s32 s7, s5  }
0x233: {  	[hbm4b:s25+s2] =	stream.linear.scatter [tilespmem:s20], [sflag:$0x1], $0x4000, $0x38;
	[tilespmem:$0x10280] =	vst v63  }
0x234: {  	s0 =	sshra.s32 s0, $0x4  }
0x235: {  	s0 =	sadd.s32 s6, s0  }
0x236: {  	p0 =	sgt.s32 s0, $0x0  }
0x237: {  	s0 =	simm.s32 @!p0 $0x0  }
0x238: {  	s0 =	smin.u32 s0, $0x7B  }
0x239: {  	_ =	swait.ge [sflag:s22], $0x4000;
	s1 =	sshll.u32 s0, $0x4  }
0x23a: {  	[sflag:s22] =	ssyncset.done $0x0;
	s30 =	sadd.s32 s1, s9  }
0x23b: {  	[sflag:s22] =	ssyncadd.s32 $0xFFFFC000;
	s5 =	sadd.s32 s29, s30  }
0x23c: {  	v16 =	vld [tilespmem:s5+$0x7E0];
	_ =	sdelay $0x1  }
0x23d: {  	s0 =	sshll.u32 s0, $0x7  }
0x23e: {  	s31 =	sand.u32 $0x70, s1;
	s0 =	sand.u32 $0x3C00, s0  }
0x23f: {  	s0 =	sor.u32 s31, s0  }
0x240: {  	[tilespmem:s0+$0xC280] =	vst v16  }
0x241: {  	v16 =	vld [tilespmem:s5+$0x7F0]  }
0x242: {  	s6 =	sadd.s32 $0x10, s1  }
0x243: {  	s7 =	sshll.u32 s6, $0x3  }
0x244: {  	s0 =	sand.u32 $0x70, s6;
	s6 =	sand.u32 $0x7C00, s7  }
0x245: {  	s0 =	sor.u32 s0, s6  }
0x246: {  	[tilespmem:s0+$0xC280] =	vst v16  }
0x247: {  	v16 =	vld [tilespmem:s5+$0x800]  }
0x248: {  	s30 =	sadd.s32 $0x20, s1  }
0x249: {  	s31 =	sshll.u32 s30, $0x3  }
0x24a: {  	s6 =	sand.u32 $0x7C00, s31;
	s0 =	sand.u32 $0x70, s30  }
0x24b: {  	s0 =	sor.u32 s0, s6  }
0x24c: {  	[tilespmem:s0+$0xC280] =	vst v16  }
0x24d: {  	s0 =	sadd.s32 $0x9, s28;
	v16 =	vld [tilespmem:s5+$0x810]  }
0x24e: {  	s6 =	sadd.s32 $0x30, s1;
	s7 =	sshra.s32 s0, $0x1F  }
0x24f: {  	s30 =	sshll.u32 s6, $0x3;
	s31 =	sshrl.u32 s7, $0x1C  }
0x250: {  	s6 =	sand.u32 $0x70, s6;
	s30 =	sand.u32 $0x7C00, s30;
	s0 =	sadd.s32 s31, s0  }
0x251: {  	s6 =	sor.u32 s6, s30;
	s0 =	sshra.s32 s0, $0x4  }
0x252: {  	s0 =	sadd.s32 s7, s0;
	[tilespmem:s6+$0xC280] =	vst v16  }
0x253: {  	p0 =	sgt.s32 s0, $0x0;
	v16 =	vld [tilespmem:s5+$0x820]  }
0x254: {  	s1 =	sadd.s32 $0x40, s1;
	s0 =	simm.s32 @!p0 $0x0  }
0x255: {  	s7 =	sshll.u32 s1, $0x3;
	s0 =	smin.u32 s0, $0x7B  }
0x256: {  	s1 =	sand.u32 $0x70, s1;
	s5 =	sand.u32 $0x7C00, s7;
	s6 =	sshll.u32 s0, $0x4  }
0x257: {  	s1 =	sor.u32 s1, s5;
	s30 =	sadd.s32 s6, s10  }
0x258: {  	[tilespmem:s1+$0xC280] =	vst v16;
	s1 =	sadd.s32 s29, s30  }
0x259: {  	v16 =	vld [tilespmem:s1+$0x7E0];
	_ =	sdelay $0x1  }
0x25a: {  	s0 =	sshll.u32 s0, $0x7  }
0x25b: {  	s31 =	sand.u32 $0x70, s6;
	s0 =	sand.u32 $0x3C00, s0  }
0x25c: {  	s0 =	sor.u32 s31, s0  }
0x25d: {  	[tilespmem:s0+$0xC300] =	vst v16  }
0x25e: {  	v16 =	vld [tilespmem:s1+$0x7F0]  }
0x25f: {  	s5 =	sadd.s32 $0x10, s6  }
0x260: {  	s7 =	sshll.u32 s5, $0x3  }
0x261: {  	s0 =	sand.u32 $0x70, s5;
	s5 =	sand.u32 $0x7C00, s7  }
0x262: {  	s0 =	sor.u32 s0, s5  }
0x263: {  	[tilespmem:s0+$0xC300] =	vst v16  }
0x264: {  	v16 =	vld [tilespmem:s1+$0x800]  }
0x265: {  	s30 =	sadd.s32 $0x20, s6  }
0x266: {  	s31 =	sshll.u32 s30, $0x3  }
0x267: {  	s5 =	sand.u32 $0x7C00, s31;
	s0 =	sand.u32 $0x70, s30  }
0x268: {  	s0 =	sor.u32 s0, s5  }
0x269: {  	[tilespmem:s0+$0xC300] =	vst v16  }
0x26a: {  	s0 =	sadd.s32 $0xA, s28;
	v16 =	vld [tilespmem:s1+$0x810]  }
0x26b: {  	s5 =	sadd.s32 $0x30, s6;
	s7 =	sshra.s32 s0, $0x1F  }
0x26c: {  	s30 =	sshll.u32 s5, $0x3;
	s31 =	sshrl.u32 s7, $0x1C  }
0x26d: {  	s5 =	sand.u32 $0x70, s5;
	s30 =	sand.u32 $0x7C00, s30;
	s0 =	sadd.s32 s31, s0  }
0x26e: {  	s5 =	sor.u32 s5, s30;
	s0 =	sshra.s32 s0, $0x4  }
0x26f: {  	s0 =	sadd.s32 s7, s0;
	[tilespmem:s5+$0xC300] =	vst v16  }
0x270: {  	p0 =	sgt.s32 s0, $0x0;
	v16 =	vld [tilespmem:s1+$0x820]  }
0x271: {  	s6 =	sadd.s32 $0x40, s6;
	s0 =	simm.s32 @!p0 $0x0  }
0x272: {  	s7 =	sshll.u32 s6, $0x3;
	s0 =	smin.u32 s0, $0x7B  }
0x273: {  	s5 =	sand.u32 $0x7C00, s7;
	s1 =	sand.u32 $0x70, s6;
	s6 =	sshll.u32 s0, $0x4  }
0x274: {  	s1 =	sor.u32 s1, s5;
	s30 =	sadd.s32 s6, s11  }
0x275: {  	[tilespmem:s1+$0xC300] =	vst v16;
	s1 =	sadd.s32 s29, s30  }
0x276: {  	v16 =	vld [tilespmem:s1+$0x7E0];
	_ =	sdelay $0x1  }
0x277: {  	s0 =	sshll.u32 s0, $0x7;
	s31 =	sand.u32 $0x70, s6  }
0x278: {  	s0 =	sor.u32 s31, s0  }
0x279: {  	s0 =	sor.u32 $0xC380, s0  }
0x27a: {  	[tilespmem:s0+$0x0] =	vst v16  }
0x27b: {  	v16 =	vld [tilespmem:s1+$0x7F0]  }
0x27c: {  	s5 =	sadd.s32 $0x10, s6  }
0x27d: {  	s7 =	sshll.u32 s5, $0x3  }
0x27e: {  	s0 =	sand.u32 $0x70, s5;
	s5 =	sand.u32 $0x7C00, s7  }
0x27f: {  	s0 =	sor.u32 s0, s5  }
0x280: {  	[tilespmem:s0+$0xC380] =	vst v16  }
0x281: {  	v16 =	vld [tilespmem:s1+$0x800]  }
0x282: {  	s30 =	sadd.s32 $0x20, s6  }
0x283: {  	s31 =	sshll.u32 s30, $0x3  }
0x284: {  	s5 =	sand.u32 $0x7C00, s31;
	s0 =	sand.u32 $0x70, s30  }
0x285: {  	s0 =	sor.u32 s0, s5  }
0x286: {  	[tilespmem:s0+$0xC380] =	vst v16  }
0x287: {  	s0 =	sadd.s32 $0xB, s28;
	v16 =	vld [tilespmem:s1+$0x810]  }
0x288: {  	s5 =	sadd.s32 $0x30, s6;
	s7 =	sshra.s32 s0, $0x1F  }
0x289: {  	s30 =	sshll.u32 s5, $0x3;
	s31 =	sshrl.u32 s7, $0x1C  }
0x28a: {  	s5 =	sand.u32 $0x70, s5;
	s30 =	sand.u32 $0x7C00, s30;
	s0 =	sadd.s32 s31, s0  }
0x28b: {  	s5 =	sor.u32 s5, s30;
	s0 =	sshra.s32 s0, $0x4  }
0x28c: {  	s0 =	sadd.s32 s7, s0;
	[tilespmem:s5+$0xC380] =	vst v16  }
0x28d: {  	p0 =	sgt.s32 s0, $0x0;
	v16 =	vld [tilespmem:s1+$0x820]  }
0x28e: {  	s6 =	sadd.s32 $0x40, s6;
	s0 =	simm.s32 @!p0 $0x0  }
0x28f: {  	s7 =	sshll.u32 s6, $0x3;
	s0 =	smin.u32 s0, $0x7B  }
0x290: {  	s5 =	sand.u32 $0x7C00, s7;
	s1 =	sand.u32 $0x70, s6;
	s6 =	sshll.u32 s0, $0x4  }
0x291: {  	s1 =	sor.u32 s1, s5;
	s30 =	sadd.s32 s6, s12  }
0x292: {  	[tilespmem:s1+$0xC380] =	vst v16;
	s1 =	sadd.s32 s29, s30  }
0x293: {  	v16 =	vld [tilespmem:s1+$0x7E0];
	_ =	sdelay $0x1  }
0x294: {  	s0 =	sshll.u32 s0, $0x7  }
0x295: {  	s31 =	sand.u32 $0x70, s6;
	s0 =	sand.u32 $0x3C00, s0  }
0x296: {  	s0 =	sor.u32 s31, s0  }
0x297: {  	[tilespmem:s0+$0xC400] =	vst v16  }
0x298: {  	v16 =	vld [tilespmem:s1+$0x7F0]  }
0x299: {  	s5 =	sadd.s32 $0x10, s6  }
0x29a: {  	s7 =	sshll.u32 s5, $0x3  }
0x29b: {  	s0 =	sand.u32 $0x70, s5;
	s5 =	sand.u32 $0x7C00, s7  }
0x29c: {  	s0 =	sor.u32 s0, s5  }
0x29d: {  	[tilespmem:s0+$0xC400] =	vst v16  }
0x29e: {  	v16 =	vld [tilespmem:s1+$0x800]  }
0x29f: {  	s30 =	sadd.s32 $0x20, s6  }
0x2a0: {  	s31 =	sshll.u32 s30, $0x3  }
0x2a1: {  	s5 =	sand.u32 $0x7C00, s31;
	s0 =	sand.u32 $0x70, s30  }
0x2a2: {  	s0 =	sor.u32 s0, s5  }
0x2a3: {  	[tilespmem:s0+$0xC400] =	vst v16  }
0x2a4: {  	s0 =	sadd.s32 $0xC, s28;
	v16 =	vld [tilespmem:s1+$0x810]  }
0x2a5: {  	s5 =	sadd.s32 $0x30, s6;
	s7 =	sshra.s32 s0, $0x1F  }
0x2a6: {  	s30 =	sshll.u32 s5, $0x3;
	s31 =	sshrl.u32 s7, $0x1C  }
0x2a7: {  	s5 =	sand.u32 $0x70, s5;
	s30 =	sand.u32 $0x7C00, s30;
	s0 =	sadd.s32 s31, s0  }
0x2a8: {  	s5 =	sor.u32 s5, s30;
	s0 =	sshra.s32 s0, $0x4  }
0x2a9: {  	s0 =	sadd.s32 s7, s0;
	[tilespmem:s5+$0xC400] =	vst v16  }
0x2aa: {  	p0 =	sgt.s32 s0, $0x0;
	v16 =	vld [tilespmem:s1+$0x820]  }
0x2ab: {  	s6 =	sadd.s32 $0x40, s6;
	s0 =	simm.s32 @!p0 $0x0  }
0x2ac: {  	s7 =	sshll.u32 s6, $0x3;
	s0 =	smin.u32 s0, $0x7B  }
0x2ad: {  	s5 =	sand.u32 $0x7C00, s7;
	s1 =	sand.u32 $0x70, s6;
	s6 =	sshll.u32 s0, $0x4  }
0x2ae: {  	s1 =	sor.u32 s1, s5;
	s30 =	sadd.s32 s6, s13  }
0x2af: {  	[tilespmem:s1+$0xC400] =	vst v16;
	s1 =	sadd.s32 s29, s30  }
0x2b0: {  	v16 =	vld [tilespmem:s1+$0x7E0];
	_ =	sdelay $0x1  }
0x2b1: {  	s0 =	sshll.u32 s0, $0x7  }
0x2b2: {  	s31 =	sand.u32 $0x70, s6;
	s0 =	sand.u32 $0x3C00, s0  }
0x2b3: {  	s0 =	sor.u32 s31, s0  }
0x2b4: {  	[tilespmem:s0+$0xC480] =	vst v16  }
0x2b5: {  	v16 =	vld [tilespmem:s1+$0x7F0]  }
0x2b6: {  	s5 =	sadd.s32 $0x10, s6  }
0x2b7: {  	s7 =	sshll.u32 s5, $0x3  }
0x2b8: {  	s0 =	sand.u32 $0x70, s5;
	s5 =	sand.u32 $0x7C00, s7  }
0x2b9: {  	s0 =	sor.u32 s0, s5  }
0x2ba: {  	[tilespmem:s0+$0xC480] =	vst v16  }
0x2bb: {  	v16 =	vld [tilespmem:s1+$0x800]  }
0x2bc: {  	s30 =	sadd.s32 $0x20, s6  }
0x2bd: {  	s31 =	sshll.u32 s30, $0x3  }
0x2be: {  	s5 =	sand.u32 $0x7C00, s31;
	s0 =	sand.u32 $0x70, s30  }
0x2bf: {  	s0 =	sor.u32 s0, s5  }
0x2c0: {  	[tilespmem:s0+$0xC480] =	vst v16  }
0x2c1: {  	s0 =	sadd.s32 $0xD, s28;
	v16 =	vld [tilespmem:s1+$0x810]  }
0x2c2: {  	s5 =	sadd.s32 $0x30, s6;
	s7 =	sshra.s32 s0, $0x1F  }
0x2c3: {  	s30 =	sshll.u32 s5, $0x3;
	s31 =	sshrl.u32 s7, $0x1C  }
0x2c4: {  	s5 =	sand.u32 $0x70, s5;
	s30 =	sand.u32 $0x7C00, s30;
	s0 =	sadd.s32 s31, s0  }
0x2c5: {  	s5 =	sor.u32 s5, s30;
	s0 =	sshra.s32 s0, $0x4  }
0x2c6: {  	s0 =	sadd.s32 s7, s0;
	[tilespmem:s5+$0xC480] =	vst v16  }
0x2c7: {  	p0 =	sgt.s32 s0, $0x0;
	v16 =	vld [tilespmem:s1+$0x820]  }
0x2c8: {  	s6 =	sadd.s32 $0x40, s6;
	s0 =	simm.s32 @!p0 $0x0  }
0x2c9: {  	s7 =	sshll.u32 s6, $0x3;
	s0 =	smin.u32 s0, $0x7B  }
0x2ca: {  	s5 =	sand.u32 $0x7C00, s7;
	s1 =	sand.u32 $0x70, s6;
	s6 =	sshll.u32 s0, $0x4  }
0x2cb: {  	s1 =	sor.u32 s1, s5;
	s30 =	sadd.s32 s6, s14  }
0x2cc: {  	[tilespmem:s1+$0xC480] =	vst v16;
	s1 =	sadd.s32 s29, s30  }
0x2cd: {  	v16 =	vld [tilespmem:s1+$0x7E0];
	_ =	sdelay $0x1  }
0x2ce: {  	s0 =	sshll.u32 s0, $0x7  }
0x2cf: {  	s31 =	sand.u32 $0x70, s6;
	s0 =	sand.u32 $0x3C00, s0  }
0x2d0: {  	s0 =	sor.u32 s31, s0  }
0x2d1: {  	[tilespmem:s0+$0xC500] =	vst v16  }
0x2d2: {  	v16 =	vld [tilespmem:s1+$0x7F0]  }
0x2d3: {  	s5 =	sadd.s32 $0x10, s6  }
0x2d4: {  	s7 =	sshll.u32 s5, $0x3  }
0x2d5: {  	s0 =	sand.u32 $0x70, s5;
	s5 =	sand.u32 $0x7C00, s7  }
0x2d6: {  	s0 =	sor.u32 s0, s5  }
0x2d7: {  	[tilespmem:s0+$0xC500] =	vst v16  }
0x2d8: {  	v16 =	vld [tilespmem:s1+$0x800]  }
0x2d9: {  	s30 =	sadd.s32 $0x20, s6  }
0x2da: {  	s31 =	sshll.u32 s30, $0x3  }
0x2db: {  	s5 =	sand.u32 $0x7C00, s31;
	s0 =	sand.u32 $0x70, s30  }
0x2dc: {  	s0 =	sor.u32 s0, s5  }
0x2dd: {  	[tilespmem:s0+$0xC500] =	vst v16  }
0x2de: {  	s0 =	sadd.s32 $0xE, s28;
	v16 =	vld [tilespmem:s1+$0x810]  }
0x2df: {  	s5 =	sadd.s32 $0x30, s6;
	s7 =	sshra.s32 s0, $0x1F  }
0x2e0: {  	s30 =	sshll.u32 s5, $0x3;
	s31 =	sshrl.u32 s7, $0x1C  }
0x2e1: {  	s5 =	sand.u32 $0x70, s5;
	s30 =	sand.u32 $0x7C00, s30;
	s0 =	sadd.s32 s31, s0  }
0x2e2: {  	s5 =	sor.u32 s5, s30;
	s0 =	sshra.s32 s0, $0x4  }
0x2e3: {  	s0 =	sadd.s32 s7, s0;
	[tilespmem:s5+$0xC500] =	vst v16  }
0x2e4: {  	p0 =	sgt.s32 s0, $0x0;
	v16 =	vld [tilespmem:s1+$0x820]  }
0x2e5: {  	s6 =	sadd.s32 $0x40, s6;
	s0 =	simm.s32 @!p0 $0x0  }
0x2e6: {  	s7 =	sshll.u32 s6, $0x3;
	s0 =	smin.u32 s0, $0x7B  }
0x2e7: {  	s5 =	sand.u32 $0x7C00, s7;
	s1 =	sand.u32 $0x70, s6;
	s6 =	sshll.u32 s0, $0x4  }
0x2e8: {  	s1 =	sor.u32 s1, s5;
	s30 =	sadd.s32 s6, s15  }
0x2e9: {  	[tilespmem:s1+$0xC500] =	vst v16;
	s1 =	sadd.s32 s29, s30  }
0x2ea: {  	v16 =	vld [tilespmem:s1+$0x7E0];
	_ =	sdelay $0x1  }
0x2eb: {  	s0 =	sshll.u32 s0, $0x7  }
0x2ec: {  	s31 =	sand.u32 $0x70, s6;
	s0 =	sand.u32 $0x3C00, s0  }
0x2ed: {  	s0 =	sor.u32 s31, s0  }
0x2ee: {  	[tilespmem:s0+$0xC580] =	vst v16  }
0x2ef: {  	v16 =	vld [tilespmem:s1+$0x7F0]  }
0x2f0: {  	s5 =	sadd.s32 $0x10, s6  }
0x2f1: {  	s7 =	sshll.u32 s5, $0x3  }
0x2f2: {  	s0 =	sand.u32 $0x70, s5;
	s5 =	sand.u32 $0x7C00, s7  }
0x2f3: {  	s0 =	sor.u32 s0, s5  }
0x2f4: {  	[tilespmem:s0+$0xC580] =	vst v16  }
0x2f5: {  	v16 =	vld [tilespmem:s1+$0x800]  }
0x2f6: {  	s30 =	sadd.s32 $0x20, s6  }
0x2f7: {  	s31 =	sshll.u32 s30, $0x3  }
0x2f8: {  	s5 =	sand.u32 $0x7C00, s31;
	s0 =	sand.u32 $0x70, s30  }
0x2f9: {  	s0 =	sor.u32 s0, s5  }
0x2fa: {  	[tilespmem:s0+$0xC580] =	vst v16  }
0x2fb: {  	s0 =	sadd.s32 $0xF, s28;
	v16 =	vld [tilespmem:s1+$0x810]  }
0x2fc: {  	s5 =	sadd.s32 $0x30, s6;
	s7 =	sshra.s32 s0, $0x1F  }
0x2fd: {  	s30 =	sshll.u32 s5, $0x3;
	s31 =	sshrl.u32 s7, $0x1C  }
0x2fe: {  	s5 =	sand.u32 $0x70, s5;
	s30 =	sand.u32 $0x7C00, s30;
	s0 =	sadd.s32 s31, s0  }
0x2ff: {  	s5 =	sor.u32 s5, s30;
	s0 =	sshra.s32 s0, $0x4  }
0x300: {  	s0 =	sadd.s32 s7, s0;
	[tilespmem:s5+$0xC580] =	vst v16  }
0x301: {  	p0 =	sgt.s32 s0, $0x0;
	v16 =	vld [tilespmem:s1+$0x820]  }
0x302: {  	s6 =	sadd.s32 $0x40, s6;
	s0 =	simm.s32 @!p0 $0x0  }
0x303: {  	s7 =	sshll.u32 s6, $0x3;
	s0 =	smin.u32 s0, $0x7B  }
0x304: {  	s5 =	sand.u32 $0x7C00, s7;
	s1 =	sand.u32 $0x70, s6;
	s6 =	sshll.u32 s0, $0x4  }
0x305: {  	s1 =	sor.u32 s1, s5;
	s30 =	sadd.s32 s6, s16  }
0x306: {  	[tilespmem:s1+$0xC580] =	vst v16;
	s1 =	sadd.s32 s29, s30  }
0x307: {  	v16 =	vld [tilespmem:s1+$0x7E0];
	_ =	sdelay $0x1  }
0x308: {  	s0 =	sshll.u32 s0, $0x7;
	s31 =	sand.u32 $0x70, s6  }
0x309: {  	s0 =	sor.u32 s0, s31  }
0x30a: {  	s0 =	sor.u32 $0x380, s0  }
0x30b: {  	[tilespmem:s0+$0xC280] =	vst v16  }
0x30c: {  	v16 =	vld [tilespmem:s1+$0x7F0]  }
0x30d: {  	s7 =	sadd.s32 $0x10, s6  }
0x30e: {  	s29 =	sand.u32 $0x70, s7;
	s0 =	sshll.u32 s7, $0x3  }
0x30f: {  	s0 =	sor.u32 s29, s0  }
0x310: {  	s0 =	sor.u32 $0x380, s0  }
0x311: {  	[tilespmem:s0+$0xC280] =	vst v16  }
0x312: {  	v16 =	vld [tilespmem:s1+$0x800]  }
0x313: {  	s30 =	sadd.s32 $0x20, s6  }
0x314: {  	s31 =	sand.u32 $0x70, s30;
	s0 =	sshll.u32 s30, $0x3  }
0x315: {  	s0 =	sor.u32 s31, s0  }
0x316: {  	s0 =	sor.u32 $0x380, s0  }
0x317: {  	[tilespmem:s0+$0xC280] =	vst v16  }
0x318: {  	v16 =	vld [tilespmem:s1+$0x810]  }
0x319: {  	s7 =	sadd.s32 $0x30, s6  }
0x31a: {  	s29 =	sand.u32 $0x70, s7;
	s0 =	sshll.u32 s7, $0x3  }
0x31b: {  	s0 =	sor.u32 s29, s0  }
0x31c: {  	s0 =	sor.u32 $0x380, s0  }
0x31d: {  	[tilespmem:s0+$0xC280] =	vst v16  }
0x31e: {  	v16 =	vld [tilespmem:s1+$0x820]  }
0x31f: {  	s30 =	sadd.s32 $0x40, s6  }
0x320: {  	p0 =	sne.s32 s24, $0xFFFFF080;
	s31 =	sand.u32 $0x70, s30;
	s0 =	sshll.u32 s30, $0x3  }
.Ltmp4:
0x321: {  	s0 =	sor.u32 s31, s0;
	(pc) =	sbr.rel @p0 .LBB2_10-.Ltmp4, $4  }
0x322: {  	s0 =	sor.u32 $0x380, s0  }
0x323: {  	s25 =	sadd.s32 $0x1000, s25;
	[tilespmem:s0+$0xC280] =	vst v16  }
0x324: {  	[hbm4b:s26+s2] =	stream.linear.scatter [tilespmem:s21], [sflag:$0x2], $0x4000, $0x38;
	[tilespmem:$0x10280] =	vst v63  }
0x325: {  	s28 =	sadd.s32 $0x10, s28;
	s24 =	sadd.s32 $0xFFFFFFC0, s24;
	s26 =	sadd.s32 $0x1000, s26  }
0x326: {  	_ =	swait.ge [sflag:s3], $0x4000  }
0x327: {  	[sflag:s3] =	ssyncset.done $0x0  }
0x328: {  	[sflag:s3] =	ssyncadd.s32 $0xFFFFC000  }
0x329: {  	_ =	swait.ge [sflag:s22], $0x4000  }
0x32a: {  	s23 =	sadd.s32 $0x1, s23;
	s0 =	rddreg [dreg:$0x5]  }
0x32b: {  	p0 =	sne.s32 s23, s0  }
.Ltmp5:
0x32c: {  	_ = 	snop;
	(pc) =	sbr.rel @p0 .LBB2_1-.Ltmp5, $3  }
0x32d: {  	_ =	sdelay $0x1  }
0x32e: {  	[sflag:s22] =	ssyncset.done $0x0  }
0x32f: {  	[sflag:s22] =	ssyncadd.s32 $0xFFFFC000  }
0x330: {  	_ =	sfence.sel $0x180000  }
0x331: {  	[bflag:$0x0] =	sbarrier.arrive $0xFFFF  }
0x332: {  	_ =	strace $0x90000047  }
0x333: {  	s0 =	stileid.u32;
	[bflag:$0x2] =	sbarrier.arrive $0xFFFF  }
0x334: {  	p0 =	sne.s32 s0, $0x0;
	s0 =	rddreg [dreg:$0x2]  }
0x335: {  	s0 =	sadd.s32 @!p0 $0x100000, s0  }
0x336: {  	[sflag:s0] =	ssyncadd.tile.s32 @!p0 $0x1;
	_ =	shalt  }
.Lfunc_end2:
_tile_overlayer_lowered:
.L_overlay_start_2:
0x337: {  	(tag) =	ssettag $0x2  }
0x338: {  	s0 =	rddreg [dreg:$0x0];
	s2 =	stileid.u32  }
0x339: {  	s1 =	rddreg [dreg:$0x1];
	p0 =	sne.s32 s2, $0x0  }
0x33a: {  	s3 =	rddreg [dreg:$0x2];
	[bflag:$0x3] =	sbarrier.arrive $0xFFFF;
	s2 =	simm.s32 @!p0 $0x1C03  }
0x33b: {  	[timem:s3], [sflag:s2] =	dma.local @!p0 [hbm:s0], s1  }
0x33c: {  	s0 =	simm.s32 @!p0 $0x3  }
0x33d: {  	_ =	swait.ge @!p0 [sflag:s0], s1  }
0x33e: {  	s1 =	ssub.s32 @!p0 $0x0, s1;
	[sflag:s0] =	ssyncset.done @!p0 $0x0  }
0x33f: {  	[sflag:s0] =	ssyncadd.s32 @!p0 s1  }
0x340: {  	[bflag:$0x3] =	sbarrier.arrive $0xFFFF  }
0x341: {  	_ =	shalt  }

</sc_bundles>
